<compile_context>
chip_gen: v7x
topology: tpu7x:2x2x1
jax: 0.10.2.dev20260603
libtpu: 0.0.44.dev20260713+nightly
codegen_flags: <defaults>
</compile_context>

<pallas_src>
import functools

import jax
import jax.numpy as jnp
from jax import lax
from jax.experimental import pallas as pl
from jax.experimental.pallas import tpu as pltpu
from jax.experimental.pallas import tpu_sc as plsc

N_NODES = 100000
D_STRUCT = 131
D_SPATIAL = 64
D_OUT = 256

NC, NS = 2, 16
NW = NC * NS
B_PER_W = 3200
CHUNK = 40
SLICES = D_OUT // 16

TC_BLOCK = 8192


def _sc_gather_mean(table, nb_flat):
    mesh = plsc.VectorSubcoreMesh(core_axis_name="c", subcore_axis_name="s")

    @functools.partial(
        pl.kernel,
        out_type=jax.ShapeDtypeStruct((N_NODES, D_OUT), jnp.float32),
        mesh=mesh,
        scratch_types=[
            pltpu.VMEM((B_PER_W,), jnp.int32),
            pltpu.VMEM((B_PER_W,), jnp.int32),
            pltpu.VMEM((B_PER_W,), jnp.int32),
            [pltpu.VMEM((CHUNK, D_OUT), jnp.float32) for _ in range(2)],
            [pltpu.VMEM((CHUNK, D_OUT), jnp.float32) for _ in range(2)],
            [pltpu.VMEM((CHUNK, D_OUT), jnp.float32) for _ in range(2)],
            [pltpu.VMEM((CHUNK, D_OUT), jnp.float32) for _ in range(2)],
            [pltpu.SemaphoreType.DMA for _ in range(2)],
            [pltpu.SemaphoreType.DMA for _ in range(2)],
        ],
    )
    def k(table_hbm, nb_hbm, out_hbm,
          i0_v, i1_v, i2_v, g0, g1, g2, acc, sems, osems):
        wid = lax.axis_index("s") * NC + lax.axis_index("c")
        wbase = wid * B_PER_W
        last = wid == NW - 1
        n_chunks = jnp.where(last, 800 // CHUNK, B_PER_W // CHUNK)

        @pl.when(jnp.logical_not(last))
        def _():
            for kk, iv in enumerate((i0_v, i1_v, i2_v)):
                pltpu.sync_copy(
                    nb_hbm.at[pl.ds(kk * N_NODES + wbase, B_PER_W)], iv)

        @pl.when(last)
        def _():
            for kk, iv in enumerate((i0_v, i1_v, i2_v)):
                pltpu.sync_copy(
                    nb_hbm.at[pl.ds(kk * N_NODES + wbase, 800)],
                    iv.at[pl.ds(0, 800)])

        def issue4(c, b):
            lbase = c * CHUNK
            ds = pltpu.async_copy(
                table_hbm.at[pl.ds(wbase + lbase, CHUNK)], acc[b], sems[b])
            dg = []
            for gk, iv in zip((g0, g1, g2), (i0_v, i1_v, i2_v)):
                dg.append(pltpu.async_copy(
                    table_hbm.at[iv.at[pl.ds(lbase, 24)]],
                    gk[b].at[pl.ds(0, 24)], sems[b]))
                dg.append(pltpu.async_copy(
                    table_hbm.at[iv.at[pl.ds(lbase + 24, 16)]],
                    gk[b].at[pl.ds(24, 16)], sems[b]))
            return [ds] + dg

        def compute_and_store(c, b):
            def row_body(j, c2):
                for d in range(SLICES):
                    sl = pl.ds(d * 16, 16)
                    acc[b][j, sl] = (
                        acc[b][j, sl] + g0[b][j, sl] + g1[b][j, sl]
                        + g2[b][j, sl]
                    ) * 0.25
                return c2

            lax.fori_loop(0, CHUNK, row_body, 0, unroll=2)
            pltpu.async_copy(
                acc[b], out_hbm.at[pl.ds(wbase + c * CHUNK, CHUNK)], osems[b])

        def wait_out(c, b):
            pltpu.make_async_copy(
                acc[b], out_hbm.at[pl.ds(wbase + c * CHUNK, CHUNK)],
                osems[b]).wait()

        def pair_body(i, carry):
            c0 = 2 * i

            @pl.when(c0 >= 2)
            def _():
                wait_out(c0 - 2, 0)

            da = issue4(c0, 0)

            @pl.when(c0 >= 2)
            def _():
                wait_out(c0 - 1, 1)

            db = issue4(c0 + 1, 1)
            for d in da:
                d.wait()
            compute_and_store(c0, 0)
            for d in db:
                d.wait()
            compute_and_store(c0 + 1, 1)
            return carry

        lax.fori_loop(0, n_chunks // 2, pair_body, 0)
        wait_out(n_chunks - 2, 0)
        wait_out(n_chunks - 1, 1)

    return k(table, nb_flat)


def _p_body(stt_ref, wa_ref, ba_ref, p_ref):
    p_ref[...] = (
        lax.dot_general(
            stt_ref[...], wa_ref[...],
            dimension_numbers=(((0,), (0,)), ((), ())),
            preferred_element_type=jnp.float32,
        )
        + ba_ref[...]
    )


def _tc_p(structural_t, WaT, b_agg):
    grid = (pl.cdiv(N_NODES, TC_BLOCK),)
    full = lambda i: (0, 0)
    return pl.pallas_call(
        _p_body,
        grid=grid,
        in_specs=[
            pl.BlockSpec((D_STRUCT, TC_BLOCK), lambda i: (0, i)),
            pl.BlockSpec((D_STRUCT, D_OUT), full),
            pl.BlockSpec((1, D_OUT), full),
        ],
        out_specs=pl.BlockSpec((TC_BLOCK, D_OUT), lambda i: (i, 0)),
        out_shape=jax.ShapeDtypeStruct((N_NODES, D_OUT), jnp.float32),
    )(structural_t, WaT, b_agg)


def _out1_body(spt_ref, stt_ref, wc_ref, bc_ref, o1_ref):
    dn = (((0,), (0,)), ((), ()))
    wc = wc_ref[...]
    o1_ref[...] = (
        lax.dot_general(spt_ref[...], wc[:D_SPATIAL], dimension_numbers=dn,
                        preferred_element_type=jnp.float32)
        + lax.dot_general(stt_ref[...], wc[D_SPATIAL:], dimension_numbers=dn,
                          preferred_element_type=jnp.float32)
        + bc_ref[...]
    )


def _tc_out1(spatial_t, structural_t, WcT, b_comb):
    grid = (pl.cdiv(N_NODES, TC_BLOCK),)
    full = lambda i: (0, 0)
    return pl.pallas_call(
        _out1_body,
        grid=grid,
        in_specs=[
            pl.BlockSpec((D_SPATIAL, TC_BLOCK), lambda i: (0, i)),
            pl.BlockSpec((D_STRUCT, TC_BLOCK), lambda i: (0, i)),
            pl.BlockSpec((D_SPATIAL + D_STRUCT, D_OUT), full),
            pl.BlockSpec((1, D_OUT), full),
        ],
        out_specs=pl.BlockSpec((TC_BLOCK, D_OUT), lambda i: (i, 0)),
        out_shape=jax.ShapeDtypeStruct((N_NODES, D_OUT), jnp.float32),
    )(spatial_t, structural_t, WcT, b_comb)


def kernel(spatial, structural, neighbour, W_comb, b_comb, W_agg, b_agg):
    nb_flat = neighbour.astype(jnp.int32).T.reshape(-1)

    WcT = W_comb.T
    WaT = W_agg.T
    spatial_t = spatial.T
    structural_t = structural.T

    P = _tc_p(structural_t, WaT, b_agg.reshape(1, D_OUT))
    out2 = _sc_gather_mean(P, nb_flat)
    out1 = _tc_out1(spatial_t, structural_t, WcT, b_comb.reshape(1, D_OUT))
    return (out1, out2)

# --- scband reference (transcript-rebuilt; emitter-appended) ---
"""Pipeline reference for scband-mesh1-14267881357850 (READ-ONLY COPY).

The authoritative reference and input builder live on the scoring server;
editing this copy changes nothing except your own understanding.
"""

import jax, jax.numpy as jnp
import numpy as np

N = 100000
D_STRUCT = 131
D_SPATIAL = 64
D_OUT = 256

def setup_inputs(seed: int = 0) -> dict:
    key = jax.random.key(seed)
    k1, k2, k3, k4, k5, k6, k7 = jax.random.split(key, 7)
    spatial = jax.random.normal(k1, (N, D_SPATIAL), dtype=jnp.float32)
    structural = jax.random.normal(k2, (N, D_STRUCT), dtype=jnp.float32)
    neighbour = jax.random.randint(k3, (N, 3), 0, N, dtype=jnp.int64)
    # Combination1 conv1: Conv1d(195, 256, 1) == dense [256, 195] + bias
    fan_comb = D_SPATIAL + D_STRUCT
    bound_c = 1.0 / np.sqrt(fan_comb)
    W_comb = jax.random.uniform(k4, (D_OUT, fan_comb), minval=-bound_c, maxval=bound_c, dtype=jnp.float32)
    b_comb = jax.random.uniform(k5, (D_OUT,), minval=-bound_c, maxval=bound_c, dtype=jnp.float32)
    # Aggregation1 conv1: Conv1d(131, 256, 1) == dense [256, 131] + bias
    bound_a = 1.0 / np.sqrt(D_STRUCT)
    W_agg = jax.random.uniform(k6, (D_OUT, D_STRUCT), minval=-bound_a, maxval=bound_a, dtype=jnp.float32)
    b_agg = jax.random.uniform(k7, (D_OUT,), minval=-bound_a, maxval=bound_a, dtype=jnp.float32)
    return {"spatial": spatial, "structural": structural, "neighbour": neighbour,
            "W_comb": W_comb, "b_comb": b_comb, "W_agg": W_agg, "b_agg": b_agg}

def reference(spatial, structural, neighbour, W_comb, b_comb, W_agg, b_agg):
    # Combination1: concat(spatial, structural) -> 1x1 conv (dense)
    a1 = jnp.concatenate([spatial, structural], axis=1)
    out1 = a1 @ W_comb.T + b_comb
    # Aggregation1: mean of self + 3 gathered neighbours -> 1x1 conv (dense)
    idx = neighbour.astype(jnp.int32)
    first_neigh = jnp.take(structural, idx[:, 0], axis=0)
    second_neigh = jnp.take(structural, idx[:, 1], axis=0)
    third_neigh = jnp.take(structural, idx[:, 2], axis=0)
    final_array = jnp.mean(jnp.stack([structural, first_neigh, second_neigh, third_neigh]), axis=0)
    out2 = final_array @ W_agg.T + b_agg
    return (out1, out2)

if __name__ == "__main__":
    import jax
    _d = setup_inputs()
    print(jax.jit(kernel)(*tuple(_d.values())))

</pallas_src>

<mosaic_0001>
#map = affine_map<(d0, d1) -> (0, 0)>
#map1 = affine_map<(d0, d1) -> (0)>
module attributes {stable_mosaic.version = 14 : i64} {
  func.func @k(%arg0: i32, %arg1: i32, %arg2: memref<100000x256xf32, #tpu.memory_space<hbm>>, %arg3: memref<300000xi32, #tpu.memory_space<hbm>>, %arg4: memref<100000x256xf32, #tpu.memory_space<hbm>>, %arg5: memref<3200xi32, #tpu.memory_space<vmem>>, %arg6: memref<3200xi32, #tpu.memory_space<vmem>>, %arg7: memref<3200xi32, #tpu.memory_space<vmem>>, %arg8: memref<40x256xf32, #tpu.memory_space<vmem>>, %arg9: memref<40x256xf32, #tpu.memory_space<vmem>>, %arg10: memref<40x256xf32, #tpu.memory_space<vmem>>, %arg11: memref<40x256xf32, #tpu.memory_space<vmem>>, %arg12: memref<40x256xf32, #tpu.memory_space<vmem>>, %arg13: memref<40x256xf32, #tpu.memory_space<vmem>>, %arg14: memref<40x256xf32, #tpu.memory_space<vmem>>, %arg15: memref<40x256xf32, #tpu.memory_space<vmem>>, %arg16: memref<!tpu.dma_semaphore, #tpu.memory_space<semaphore_mem>>, %arg17: memref<!tpu.dma_semaphore, #tpu.memory_space<semaphore_mem>>, %arg18: memref<!tpu.dma_semaphore, #tpu.memory_space<semaphore_mem>>, %arg19: memref<!tpu.dma_semaphore, #tpu.memory_space<semaphore_mem>>) attributes {dimension_semantics = [#tpu.dimension_semantics<core_parallel>, #tpu.dimension_semantics<subcore_parallel>], iteration_bounds = array<i64: 2, 16>, scalar_prefetch = 0 : i64, scratch_operands = 15 : i64, tpu.core_type = #tpu.core_type<sc_vector_subcore>, window_params = [{transform_indices = #map}, {transform_indices = #map1}, {transform_indices = #map}]} {
    %mul3A = arith.constant 2 : i32
    %mul3A_0 = arith.muli %arg1, %mul3A : i32
    %add3A = arith.addi %mul3A_0, %arg0 : i32
    %mul3A_1 = arith.constant 3200 : i32
    %mul3A_2 = arith.muli %add3A, %mul3A_1 : i32
    %eq3A = arith.constant 31 : i32
    %eq3A_3 = arith.cmpi eq, %add3A, %eq3A : i32
    %jit3A = arith.constant 20 : i32
    %jit3A_4 = arith.constant 80 : i32
    %select_n3A = arith.select %eq3A_3, %jit3A, %jit3A_4 : i32
    %not3A = arith.constant true
    %not3A_5 = arith.xori %eq3A_3, %not3A : i1
    %convert_element_type3A = arith.extui %not3A_5 : i1 to i32
    %cond3A = arith.constant 0 : i32
    %cond3A_6 = arith.cmpi ne, %convert_element_type3A, %cond3A : i32
    scf.if %cond3A_6 {
      %add3A_54 = arith.constant 0 : i32
      %add3A_55 = arith.addi %add3A_54, %mul3A_2 : i32
      "tpu.region"() ({
        %run_scoped3A = tpu.sem_alloc : memref<!tpu.dma_semaphore, #tpu.memory_space<semaphore_mem>>
        %dma_start3A = tpu.memref_slice %arg3[%add3A_55] : memref<300000xi32, #tpu.memory_space<hbm>> -> memref<3200xi32, #tpu.memory_space<hbm>>
        %dma_start3A_60 = tpu.memref_slice %arg3[%add3A_55] : memref<300000xi32, #tpu.memory_space<hbm>> -> memref<3200xi32, #tpu.memory_space<hbm>>
        tpu.enqueue_dma source(%dma_start3A_60 : memref<3200xi32, #tpu.memory_space<hbm>>) target(%arg5 : memref<3200xi32, #tpu.memory_space<vmem>>) target_semaphore(%run_scoped3A : memref<!tpu.dma_semaphore, #tpu.memory_space<semaphore_mem>>)
        %dma_wait3A_61 = tpu.memref_slice %arg3[%add3A_55] : memref<300000xi32, #tpu.memory_space<hbm>> -> memref<3200xi32, #tpu.memory_space<hbm>>
        %dma_wait3A_62 = tpu.memref_slice %arg3[%add3A_55] : memref<300000xi32, #tpu.memory_space<hbm>> -> memref<3200xi32, #tpu.memory_space<hbm>>
        tpu.wait_dma2 semaphore(%run_scoped3A : memref<!tpu.dma_semaphore, #tpu.memory_space<semaphore_mem>>) src(%dma_wait3A_62 : memref<3200xi32, #tpu.memory_space<hbm>>) dst(%arg5 : memref<3200xi32, #tpu.memory_space<vmem>>)
        tpu.yield
      }) : () -> ()
      %add3A_56 = arith.constant 100000 : i32
      %add3A_57 = arith.addi %add3A_56, %mul3A_2 : i32
      "tpu.region"() ({
        %run_scoped3A = tpu.sem_alloc : memref<!tpu.dma_semaphore, #tpu.memory_space<semaphore_mem>>
        %dma_start3A = tpu.memref_slice %arg3[%add3A_57] : memref<300000xi32, #tpu.memory_space<hbm>> -> memref<3200xi32, #tpu.memory_space<hbm>>
        %dma_start3A_60 = tpu.memref_slice %arg3[%add3A_57] : memref<300000xi32, #tpu.memory_space<hbm>> -> memref<3200xi32, #tpu.memory_space<hbm>>
        tpu.enqueue_dma source(%dma_start3A_60 : memref<3200xi32, #tpu.memory_space<hbm>>) target(%arg6 : memref<3200xi32, #tpu.memory_space<vmem>>) target_semaphore(%run_scoped3A : memref<!tpu.dma_semaphore, #tpu.memory_space<semaphore_mem>>)
        %dma_wait3A_61 = tpu.memref_slice %arg3[%add3A_57] : memref<300000xi32, #tpu.memory_space<hbm>> -> memref<3200xi32, #tpu.memory_space<hbm>>
        %dma_wait3A_62 = tpu.memref_slice %arg3[%add3A_57] : memref<300000xi32, #tpu.memory_space<hbm>> -> memref<3200xi32, #tpu.memory_space<hbm>>
        tpu.wait_dma2 semaphore(%run_scoped3A : memref<!tpu.dma_semaphore, #tpu.memory_space<semaphore_mem>>) src(%dma_wait3A_62 : memref<3200xi32, #tpu.memory_space<hbm>>) dst(%arg6 : memref<3200xi32, #tpu.memory_space<vmem>>)
        tpu.yield
      }) : () -> ()
      %add3A_58 = arith.constant 200000 : i32
      %add3A_59 = arith.addi %add3A_58, %mul3A_2 : i32
      "tpu.region"() ({
        %run_scoped3A = tpu.sem_alloc : memref<!tpu.dma_semaphore, #tpu.memory_space<semaphore_mem>>
        %dma_start3A = tpu.memref_slice %arg3[%add3A_59] : memref<300000xi32, #tpu.memory_space<hbm>> -> memref<3200xi32, #tpu.memory_space<hbm>>
        %dma_start3A_60 = tpu.memref_slice %arg3[%add3A_59] : memref<300000xi32, #tpu.memory_space<hbm>> -> memref<3200xi32, #tpu.memory_space<hbm>>
        tpu.enqueue_dma source(%dma_start3A_60 : memref<3200xi32, #tpu.memory_space<hbm>>) target(%arg7 : memref<3200xi32, #tpu.memory_space<vmem>>) target_semaphore(%run_scoped3A : memref<!tpu.dma_semaphore, #tpu.memory_space<semaphore_mem>>)
        %dma_wait3A_61 = tpu.memref_slice %arg3[%add3A_59] : memref<300000xi32, #tpu.memory_space<hbm>> -> memref<3200xi32, #tpu.memory_space<hbm>>
        %dma_wait3A_62 = tpu.memref_slice %arg3[%add3A_59] : memref<300000xi32, #tpu.memory_space<hbm>> -> memref<3200xi32, #tpu.memory_space<hbm>>
        tpu.wait_dma2 semaphore(%run_scoped3A : memref<!tpu.dma_semaphore, #tpu.memory_space<semaphore_mem>>) src(%dma_wait3A_62 : memref<3200xi32, #tpu.memory_space<hbm>>) dst(%arg7 : memref<3200xi32, #tpu.memory_space<vmem>>)
        tpu.yield
      }) : () -> ()
    } else {
    }
    %convert_element_type3A_7 = arith.extui %eq3A_3 : i1 to i32
    %cond3A_8 = arith.constant 0 : i32
    %cond3A_9 = arith.cmpi ne, %convert_element_type3A_7, %cond3A_8 : i32
    scf.if %cond3A_9 {
      %add3A_54 = arith.constant 0 : i32
      %add3A_55 = arith.addi %add3A_54, %mul3A_2 : i32
      "tpu.region"() ({
        %run_scoped3A = tpu.sem_alloc : memref<!tpu.dma_semaphore, #tpu.memory_space<semaphore_mem>>
        %dma_start3A = arith.constant 0 : i32
        %dma_start3A_60 = tpu.memref_slice %arg5[%dma_start3A] : memref<3200xi32, #tpu.memory_space<vmem>> -> memref<800xi32, #tpu.memory_space<vmem>>
        %dma_start3A_61 = tpu.memref_slice %arg3[%add3A_55] : memref<300000xi32, #tpu.memory_space<hbm>> -> memref<800xi32, #tpu.memory_space<hbm>>
        %dma_start3A_62 = arith.constant 0 : i32
        %dma_start3A_63 = tpu.memref_slice %arg5[%dma_start3A_62] : memref<3200xi32, #tpu.memory_space<vmem>> -> memref<800xi32, #tpu.memory_space<vmem>>
        %dma_start3A_64 = tpu.memref_slice %arg3[%add3A_55] : memref<300000xi32, #tpu.memory_space<hbm>> -> memref<800xi32, #tpu.memory_space<hbm>>
        tpu.enqueue_dma source(%dma_start3A_64 : memref<800xi32, #tpu.memory_space<hbm>>) target(%dma_start3A_63 : memref<800xi32, #tpu.memory_space<vmem>>) target_semaphore(%run_scoped3A : memref<!tpu.dma_semaphore, #tpu.memory_space<semaphore_mem>>)
        %dma_wait3A_65 = arith.constant 0 : i32
        %dma_wait3A_66 = tpu.memref_slice %arg5[%dma_wait3A_65] : memref<3200xi32, #tpu.memory_space<vmem>> -> memref<800xi32, #tpu.memory_space<vmem>>
        %dma_wait3A_67 = tpu.memref_slice %arg3[%add3A_55] : memref<300000xi32, #tpu.memory_space<hbm>> -> memref<800xi32, #tpu.memory_space<hbm>>
        %dma_wait3A_68 = arith.constant 0 : i32
        %dma_wait3A_69 = tpu.memref_slice %arg5[%dma_wait3A_68] : memref<3200xi32, #tpu.memory_space<vmem>> -> memref<800xi32, #tpu.memory_space<vmem>>
        %dma_wait3A_70 = tpu.memref_slice %arg3[%add3A_55] : memref<300000xi32, #tpu.memory_space<hbm>> -> memref<800xi32, #tpu.memory_space<hbm>>
        tpu.wait_dma2 semaphore(%run_scoped3A : memref<!tpu.dma_semaphore, #tpu.memory_space<semaphore_mem>>) src(%dma_wait3A_70 : memref<800xi32, #tpu.memory_space<hbm>>) dst(%dma_wait3A_69 : memref<800xi32, #tpu.memory_space<vmem>>)
        tpu.yield
      }) : () -> ()
      %add3A_56 = arith.constant 100000 : i32
      %add3A_57 = arith.addi %add3A_56, %mul3A_2 : i32
      "tpu.region"() ({
        %run_scoped3A = tpu.sem_alloc : memref<!tpu.dma_semaphore, #tpu.memory_space<semaphore_mem>>
        %dma_start3A = arith.constant 0 : i32
        %dma_start3A_60 = tpu.memref_slice %arg6[%dma_start3A] : memref<3200xi32, #tpu.memory_space<vmem>> -> memref<800xi32, #tpu.memory_space<vmem>>
        %dma_start3A_61 = tpu.memref_slice %arg3[%add3A_57] : memref<300000xi32, #tpu.memory_space<hbm>> -> memref<800xi32, #tpu.memory_space<hbm>>
        %dma_start3A_62 = arith.constant 0 : i32
        %dma_start3A_63 = tpu.memref_slice %arg6[%dma_start3A_62] : memref<3200xi32, #tpu.memory_space<vmem>> -> memref<800xi32, #tpu.memory_space<vmem>>
        %dma_start3A_64 = tpu.memref_slice %arg3[%add3A_57] : memref<300000xi32, #tpu.memory_space<hbm>> -> memref<800xi32, #tpu.memory_space<hbm>>
        tpu.enqueue_dma source(%dma_start3A_64 : memref<800xi32, #tpu.memory_space<hbm>>) target(%dma_start3A_63 : memref<800xi32, #tpu.memory_space<vmem>>) target_semaphore(%run_scoped3A : memref<!tpu.dma_semaphore, #tpu.memory_space<semaphore_mem>>)
        %dma_wait3A_65 = arith.constant 0 : i32
        %dma_wait3A_66 = tpu.memref_slice %arg6[%dma_wait3A_65] : memref<3200xi32, #tpu.memory_space<vmem>> -> memref<800xi32, #tpu.memory_space<vmem>>
        %dma_wait3A_67 = tpu.memref_slice %arg3[%add3A_57] : memref<300000xi32, #tpu.memory_space<hbm>> -> memref<800xi32, #tpu.memory_space<hbm>>
        %dma_wait3A_68 = arith.constant 0 : i32
        %dma_wait3A_69 = tpu.memref_slice %arg6[%dma_wait3A_68] : memref<3200xi32, #tpu.memory_space<vmem>> -> memref<800xi32, #tpu.memory_space<vmem>>
        %dma_wait3A_70 = tpu.memref_slice %arg3[%add3A_57] : memref<300000xi32, #tpu.memory_space<hbm>> -> memref<800xi32, #tpu.memory_space<hbm>>
        tpu.wait_dma2 semaphore(%run_scoped3A : memref<!tpu.dma_semaphore, #tpu.memory_space<semaphore_mem>>) src(%dma_wait3A_70 : memref<800xi32, #tpu.memory_space<hbm>>) dst(%dma_wait3A_69 : memref<800xi32, #tpu.memory_space<vmem>>)
        tpu.yield
      }) : () -> ()
      %add3A_58 = arith.constant 200000 : i32
      %add3A_59 = arith.addi %add3A_58, %mul3A_2 : i32
      "tpu.region"() ({
        %run_scoped3A = tpu.sem_alloc : memref<!tpu.dma_semaphore, #tpu.memory_space<semaphore_mem>>
        %dma_start3A = arith.constant 0 : i32
        %dma_start3A_60 = tpu.memref_slice %arg7[%dma_start3A] : memref<3200xi32, #tpu.memory_space<vmem>> -> memref<800xi32, #tpu.memory_space<vmem>>
        %dma_start3A_61 = tpu.memref_slice %arg3[%add3A_59] : memref<300000xi32, #tpu.memory_space<hbm>> -> memref<800xi32, #tpu.memory_space<hbm>>
        %dma_start3A_62 = arith.constant 0 : i32
        %dma_start3A_63 = tpu.memref_slice %arg7[%dma_start3A_62] : memref<3200xi32, #tpu.memory_space<vmem>> -> memref<800xi32, #tpu.memory_space<vmem>>
        %dma_start3A_64 = tpu.memref_slice %arg3[%add3A_59] : memref<300000xi32, #tpu.memory_space<hbm>> -> memref<800xi32, #tpu.memory_space<hbm>>
        tpu.enqueue_dma source(%dma_start3A_64 : memref<800xi32, #tpu.memory_space<hbm>>) target(%dma_start3A_63 : memref<800xi32, #tpu.memory_space<vmem>>) target_semaphore(%run_scoped3A : memref<!tpu.dma_semaphore, #tpu.memory_space<semaphore_mem>>)
        %dma_wait3A_65 = arith.constant 0 : i32
        %dma_wait3A_66 = tpu.memref_slice %arg7[%dma_wait3A_65] : memref<3200xi32, #tpu.memory_space<vmem>> -> memref<800xi32, #tpu.memory_space<vmem>>
        %dma_wait3A_67 = tpu.memref_slice %arg3[%add3A_59] : memref<300000xi32, #tpu.memory_space<hbm>> -> memref<800xi32, #tpu.memory_space<hbm>>
        %dma_wait3A_68 = arith.constant 0 : i32
        %dma_wait3A_69 = tpu.memref_slice %arg7[%dma_wait3A_68] : memref<3200xi32, #tpu.memory_space<vmem>> -> memref<800xi32, #tpu.memory_space<vmem>>
        %dma_wait3A_70 = tpu.memref_slice %arg3[%add3A_59] : memref<300000xi32, #tpu.memory_space<hbm>> -> memref<800xi32, #tpu.memory_space<hbm>>
        tpu.wait_dma2 semaphore(%run_scoped3A : memref<!tpu.dma_semaphore, #tpu.memory_space<semaphore_mem>>) src(%dma_wait3A_70 : memref<800xi32, #tpu.memory_space<hbm>>) dst(%dma_wait3A_69 : memref<800xi32, #tpu.memory_space<vmem>>)
        tpu.yield
      }) : () -> ()
    } else {
    }
    %jit3A_10 = arith.constant 2 : i32
    %div3A = arith.divsi %select_n3A, %jit3A_10 : i32
    %sign3A = arith.constant 0 : i32
    %sign3A_11 = arith.cmpi sgt, %select_n3A, %sign3A : i32
    %sign3A_12 = arith.extui %sign3A_11 : i1 to i32
    %sign3A_13 = arith.constant 0 : i32
    %sign3A_14 = arith.cmpi slt, %select_n3A, %sign3A_13 : i32
    %sign3A_15 = arith.extui %sign3A_14 : i1 to i32
    %sign3A_16 = arith.subi %sign3A_12, %sign3A_15 : i32
    %sign3A_17 = arith.constant 0 : i32
    %sign3A_18 = arith.cmpi sgt, %jit3A_10, %sign3A_17 : i32
    %sign3A_19 = arith.extui %sign3A_18 : i1 to i32
    %sign3A_20 = arith.constant 0 : i32
    %sign3A_21 = arith.cmpi slt, %jit3A_10, %sign3A_20 : i32
    %sign3A_22 = arith.extui %sign3A_21 : i1 to i32
    %sign3A_23 = arith.subi %sign3A_19, %sign3A_22 : i32
    %ne3A = arith.cmpi ne, %sign3A_16, %sign3A_23 : i32
    %rem3A = arith.remsi %select_n3A, %jit3A_10 : i32
    %ne3A_24 = arith.constant 0 : i32
    %ne3A_25 = arith.cmpi ne, %rem3A, %ne3A_24 : i32
    %and3A = arith.andi %ne3A, %ne3A_25 : i1
    %sub3A = arith.constant 1 : i32
    %sub3A_26 = arith.subi %div3A, %sub3A : i32
    %select_n3A_27 = arith.select %and3A, %sub3A_26, %div3A : i32
    %while3A = arith.constant 0 : i32
    %while3A_28 = arith.constant 0 : i32
    %while3A_29 = arith.subi %select_n3A_27, %while3A_28 : i32
    %while3A_30 = arith.addi %while3A_28, %while3A_29 : i32
    %while3A_31 = arith.constant 1 : i32
    %while3A_32 = arith.divsi %while3A_29, %while3A_31 : i32
    %while3A_33 = arith.muli %while3A_32, %while3A_31 : i32
    %while3A_34 = arith.addi %while3A_28, %while3A_33 : i32
    %while3A_35 = arith.constant 1 : i32
    scf.for %while3A_54 = %while3A_28 to %while3A_34 step %while3A_35  : i32 {
      %mul3A_55 = arith.constant 2 : i32
      %mul3A_56 = arith.muli %mul3A_55, %while3A_54 : i32
      %ge3A = arith.constant 2 : i32
      %ge3A_57 = arith.cmpi sge, %mul3A_56, %ge3A : i32
      %convert_element_type3A_58 = arith.extui %ge3A_57 : i1 to i32
      %cond3A_59 = arith.constant 0 : i32
      %cond3A_60 = arith.cmpi ne, %convert_element_type3A_58, %cond3A_59 : i32
      scf.if %cond3A_60 {
        %sub3A_296 = arith.constant 2 : i32
        %sub3A_297 = arith.subi %mul3A_56, %sub3A_296 : i32
        %mul3A_298 = arith.constant 40 : i32
        %mul3A_299 = arith.muli %sub3A_297, %mul3A_298 : i32
        %add3A_300 = arith.addi %mul3A_2, %mul3A_299 : i32
        %dma_wait3A_301 = arith.constant 0 : i32
        %dma_wait3A_302 = tpu.memref_slice %arg4[%add3A_300, %dma_wait3A_301] : memref<100000x256xf32, #tpu.memory_space<hbm>> -> memref<40x256xf32, #tpu.memory_space<hbm>>
        %dma_wait3A_303 = arith.constant 0 : i32
        %dma_wait3A_304 = tpu.memref_slice %arg4[%add3A_300, %dma_wait3A_303] : memref<100000x256xf32, #tpu.memory_space<hbm>> -> memref<40x256xf32, #tpu.memory_space<hbm>>
        tpu.wait_dma2 semaphore(%arg18 : memref<!tpu.dma_semaphore, #tpu.memory_space<semaphore_mem>>) src(%arg14 : memref<40x256xf32, #tpu.memory_space<vmem>>) dst(%dma_wait3A_304 : memref<40x256xf32, #tpu.memory_space<hbm>>)
      } else {
      }
      %mul3A_61 = arith.constant 40 : i32
      %mul3A_62 = arith.muli %mul3A_56, %mul3A_61 : i32
      %add3A_63 = arith.addi %mul3A_2, %mul3A_62 : i32
      %dma_start3A = arith.constant 0 : i32
      %dma_start3A_64 = tpu.memref_slice %arg2[%add3A_63, %dma_start3A] : memref<100000x256xf32, #tpu.memory_space<hbm>> -> memref<40x256xf32, #tpu.memory_space<hbm>>
      %dma_start3A_65 = arith.constant 0 : i32
      %dma_start3A_66 = tpu.memref_slice %arg2[%add3A_63, %dma_start3A_65] : memref<100000x256xf32, #tpu.memory_space<hbm>> -> memref<40x256xf32, #tpu.memory_space<hbm>>
      tpu.enqueue_dma source(%dma_start3A_66 : memref<40x256xf32, #tpu.memory_space<hbm>>) target(%arg14 : memref<40x256xf32, #tpu.memory_space<vmem>>) target_semaphore(%arg16 : memref<!tpu.dma_semaphore, #tpu.memory_space<semaphore_mem>>)
      %dma_start3A_67 = arith.constant 0 : i32
      %dma_start3A_68 = arith.constant 0 : i32
      %dma_start3A_69 = tpu.memref_slice %arg8[%dma_start3A_67, %dma_start3A_68] : memref<40x256xf32, #tpu.memory_space<vmem>> -> memref<24x256xf32, #tpu.memory_space<vmem>>
      %dma_start3A_70 = tpu.memref_slice %arg5[%mul3A_62] : memref<3200xi32, #tpu.memory_space<vmem>> -> memref<24xi32, #tpu.memory_space<vmem>>
      %dma_start3A_71 = arith.constant 0 : i32
      %dma_start3A_72 = arith.constant 0 : i32
      %dma_start3A_73 = tpu.memref_slice %arg2[%dma_start3A_71, %dma_start3A_72] : memref<100000x256xf32, #tpu.memory_space<hbm>> -> memref<100000x256xf32, #tpu.memory_space<hbm>>
      tpu.enqueue_indirect_dma source(%dma_start3A_73 : memref<100000x256xf32, #tpu.memory_space<hbm>>) target(%dma_start3A_69 : memref<24x256xf32, #tpu.memory_space<vmem>>) offsets(%dma_start3A_70 : memref<24xi32, #tpu.memory_space<vmem>>) semaphore(%arg16 : memref<!tpu.dma_semaphore, #tpu.memory_space<semaphore_mem>>)
      %add3A_74 = arith.constant 24 : i32
      %add3A_75 = arith.addi %mul3A_62, %add3A_74 : i32
      %dma_start3A_76 = arith.constant 24 : i32
      %dma_start3A_77 = arith.constant 0 : i32
      %dma_start3A_78 = tpu.memref_slice %arg8[%dma_start3A_76, %dma_start3A_77] : memref<40x256xf32, #tpu.memory_space<vmem>> -> memref<16x256xf32, #tpu.memory_space<vmem>>
      %dma_start3A_79 = tpu.memref_slice %arg5[%add3A_75] : memref<3200xi32, #tpu.memory_space<vmem>> -> memref<16xi32, #tpu.memory_space<vmem>>
      %dma_start3A_80 = arith.constant 0 : i32
      %dma_start3A_81 = arith.constant 0 : i32
      %dma_start3A_82 = tpu.memref_slice %arg2[%dma_start3A_80, %dma_start3A_81] : memref<100000x256xf32, #tpu.memory_space<hbm>> -> memref<100000x256xf32, #tpu.memory_space<hbm>>
      tpu.enqueue_indirect_dma source(%dma_start3A_82 : memref<100000x256xf32, #tpu.memory_space<hbm>>) target(%dma_start3A_78 : memref<16x256xf32, #tpu.memory_space<vmem>>) offsets(%dma_start3A_79 : memref<16xi32, #tpu.memory_space<vmem>>) semaphore(%arg16 : memref<!tpu.dma_semaphore, #tpu.memory_space<semaphore_mem>>)
      %dma_start3A_83 = arith.constant 0 : i32
      %dma_start3A_84 = arith.constant 0 : i32
      %dma_start3A_85 = tpu.memref_slice %arg10[%dma_start3A_83, %dma_start3A_84] : memref<40x256xf32, #tpu.memory_space<vmem>> -> memref<24x256xf32, #tpu.memory_space<vmem>>
      %dma_start3A_86 = tpu.memref_slice %arg6[%mul3A_62] : memref<3200xi32, #tpu.memory_space<vmem>> -> memref<24xi32, #tpu.memory_space<vmem>>
      %dma_start3A_87 = arith.constant 0 : i32
      %dma_start3A_88 = arith.constant 0 : i32
      %dma_start3A_89 = tpu.memref_slice %arg2[%dma_start3A_87, %dma_start3A_88] : memref<100000x256xf32, #tpu.memory_space<hbm>> -> memref<100000x256xf32, #tpu.memory_space<hbm>>
      tpu.enqueue_indirect_dma source(%dma_start3A_89 : memref<100000x256xf32, #tpu.memory_space<hbm>>) target(%dma_start3A_85 : memref<24x256xf32, #tpu.memory_space<vmem>>) offsets(%dma_start3A_86 : memref<24xi32, #tpu.memory_space<vmem>>) semaphore(%arg16 : memref<!tpu.dma_semaphore, #tpu.memory_space<semaphore_mem>>)
      %add3A_90 = arith.constant 24 : i32
      %add3A_91 = arith.addi %mul3A_62, %add3A_90 : i32
      %dma_start3A_92 = arith.constant 24 : i32
      %dma_start3A_93 = arith.constant 0 : i32
      %dma_start3A_94 = tpu.memref_slice %arg10[%dma_start3A_92, %dma_start3A_93] : memref<40x256xf32, #tpu.memory_space<vmem>> -> memref<16x256xf32, #tpu.memory_space<vmem>>
      %dma_start3A_95 = tpu.memref_slice %arg6[%add3A_91] : memref<3200xi32, #tpu.memory_space<vmem>> -> memref<16xi32, #tpu.memory_space<vmem>>
      %dma_start3A_96 = arith.constant 0 : i32
      %dma_start3A_97 = arith.constant 0 : i32
      %dma_start3A_98 = tpu.memref_slice %arg2[%dma_start3A_96, %dma_start3A_97] : memref<100000x256xf32, #tpu.memory_space<hbm>> -> memref<100000x256xf32, #tpu.memory_space<hbm>>
      tpu.enqueue_indirect_dma source(%dma_start3A_98 : memref<100000x256xf32, #tpu.memory_space<hbm>>) target(%dma_start3A_94 : memref<16x256xf32, #tpu.memory_space<vmem>>) offsets(%dma_start3A_95 : memref<16xi32, #tpu.memory_space<vmem>>) semaphore(%arg16 : memref<!tpu.dma_semaphore, #tpu.memory_space<semaphore_mem>>)
      %dma_start3A_99 = arith.constant 0 : i32
      %dma_start3A_100 = arith.constant 0 : i32
      %dma_start3A_101 = tpu.memref_slice %arg12[%dma_start3A_99, %dma_start3A_100] : memref<40x256xf32, #tpu.memory_space<vmem>> -> memref<24x256xf32, #tpu.memory_space<vmem>>
      %dma_start3A_102 = tpu.memref_slice %arg7[%mul3A_62] : memref<3200xi32, #tpu.memory_space<vmem>> -> memref<24xi32, #tpu.memory_space<vmem>>
      %dma_start3A_103 = arith.constant 0 : i32
      %dma_start3A_104 = arith.constant 0 : i32
      %dma_start3A_105 = tpu.memref_slice %arg2[%dma_start3A_103, %dma_start3A_104] : memref<100000x256xf32, #tpu.memory_space<hbm>> -> memref<100000x256xf32, #tpu.memory_space<hbm>>
      tpu.enqueue_indirect_dma source(%dma_start3A_105 : memref<100000x256xf32, #tpu.memory_space<hbm>>) target(%dma_start3A_101 : memref<24x256xf32, #tpu.memory_space<vmem>>) offsets(%dma_start3A_102 : memref<24xi32, #tpu.memory_space<vmem>>) semaphore(%arg16 : memref<!tpu.dma_semaphore, #tpu.memory_space<semaphore_mem>>)
      %add3A_106 = arith.constant 24 : i32
      %add3A_107 = arith.addi %mul3A_62, %add3A_106 : i32
      %dma_start3A_108 = arith.constant 24 : i32
      %dma_start3A_109 = arith.constant 0 : i32
      %dma_start3A_110 = tpu.memref_slice %arg12[%dma_start3A_108, %dma_start3A_109] : memref<40x256xf32, #tpu.memory_space<vmem>> -> memref<16x256xf32, #tpu.memory_space<vmem>>
      %dma_start3A_111 = tpu.memref_slice %arg7[%add3A_107] : memref<3200xi32, #tpu.memory_space<vmem>> -> memref<16xi32, #tpu.memory_space<vmem>>
      %dma_start3A_112 = arith.constant 0 : i32
      %dma_start3A_113 = arith.constant 0 : i32
      %dma_start3A_114 = tpu.memref_slice %arg2[%dma_start3A_112, %dma_start3A_113] : memref<100000x256xf32, #tpu.memory_space<hbm>> -> memref<100000x256xf32, #tpu.memory_space<hbm>>
      tpu.enqueue_indirect_dma source(%dma_start3A_114 : memref<100000x256xf32, #tpu.memory_space<hbm>>) target(%dma_start3A_110 : memref<16x256xf32, #tpu.memory_space<vmem>>) offsets(%dma_start3A_111 : memref<16xi32, #tpu.memory_space<vmem>>) semaphore(%arg16 : memref<!tpu.dma_semaphore, #tpu.memory_space<semaphore_mem>>)
      %ge3A_115 = arith.constant 2 : i32
      %ge3A_116 = arith.cmpi sge, %mul3A_56, %ge3A_115 : i32
      %convert_element_type3A_117 = arith.extui %ge3A_116 : i1 to i32
      %cond3A_118 = arith.constant 0 : i32
      %cond3A_119 = arith.cmpi ne, %convert_element_type3A_117, %cond3A_118 : i32
      scf.if %cond3A_119 {
        %sub3A_296 = arith.constant 1 : i32
        %sub3A_297 = arith.subi %mul3A_56, %sub3A_296 : i32
        %mul3A_298 = arith.constant 40 : i32
        %mul3A_299 = arith.muli %sub3A_297, %mul3A_298 : i32
        %add3A_300 = arith.addi %mul3A_2, %mul3A_299 : i32
        %dma_wait3A_301 = arith.constant 0 : i32
        %dma_wait3A_302 = tpu.memref_slice %arg4[%add3A_300, %dma_wait3A_301] : memref<100000x256xf32, #tpu.memory_space<hbm>> -> memref<40x256xf32, #tpu.memory_space<hbm>>
        %dma_wait3A_303 = arith.constant 0 : i32
        %dma_wait3A_304 = tpu.memref_slice %arg4[%add3A_300, %dma_wait3A_303] : memref<100000x256xf32, #tpu.memory_space<hbm>> -> memref<40x256xf32, #tpu.memory_space<hbm>>
        tpu.wait_dma2 semaphore(%arg19 : memref<!tpu.dma_semaphore, #tpu.memory_space<semaphore_mem>>) src(%arg15 : memref<40x256xf32, #tpu.memory_space<vmem>>) dst(%dma_wait3A_304 : memref<40x256xf32, #tpu.memory_space<hbm>>)
      } else {
      }
      %add3A_120 = arith.constant 1 : i32
      %add3A_121 = arith.addi %mul3A_56, %add3A_120 : i32
      %mul3A_122 = arith.constant 40 : i32
      %mul3A_123 = arith.muli %add3A_121, %mul3A_122 : i32
      %add3A_124 = arith.addi %mul3A_2, %mul3A_123 : i32
      %dma_start3A_125 = arith.constant 0 : i32
      %dma_start3A_126 = tpu.memref_slice %arg2[%add3A_124, %dma_start3A_125] : memref<100000x256xf32, #tpu.memory_space<hbm>> -> memref<40x256xf32, #tpu.memory_space<hbm>>
      %dma_start3A_127 = arith.constant 0 : i32
      %dma_start3A_128 = tpu.memref_slice %arg2[%add3A_124, %dma_start3A_127] : memref<100000x256xf32, #tpu.memory_space<hbm>> -> memref<40x256xf32, #tpu.memory_space<hbm>>
      tpu.enqueue_dma source(%dma_start3A_128 : memref<40x256xf32, #tpu.memory_space<hbm>>) target(%arg15 : memref<40x256xf32, #tpu.memory_space<vmem>>) target_semaphore(%arg17 : memref<!tpu.dma_semaphore, #tpu.memory_space<semaphore_mem>>)
      %dma_start3A_129 = arith.constant 0 : i32
      %dma_start3A_130 = arith.constant 0 : i32
      %dma_start3A_131 = tpu.memref_slice %arg9[%dma_start3A_129, %dma_start3A_130] : memref<40x256xf32, #tpu.memory_space<vmem>> -> memref<24x256xf32, #tpu.memory_space<vmem>>
      %dma_start3A_132 = tpu.memref_slice %arg5[%mul3A_123] : memref<3200xi32, #tpu.memory_space<vmem>> -> memref<24xi32, #tpu.memory_space<vmem>>
      %dma_start3A_133 = arith.constant 0 : i32
      %dma_start3A_134 = arith.constant 0 : i32
      %dma_start3A_135 = tpu.memref_slice %arg2[%dma_start3A_133, %dma_start3A_134] : memref<100000x256xf32, #tpu.memory_space<hbm>> -> memref<100000x256xf32, #tpu.memory_space<hbm>>
      tpu.enqueue_indirect_dma source(%dma_start3A_135 : memref<100000x256xf32, #tpu.memory_space<hbm>>) target(%dma_start3A_131 : memref<24x256xf32, #tpu.memory_space<vmem>>) offsets(%dma_start3A_132 : memref<24xi32, #tpu.memory_space<vmem>>) semaphore(%arg17 : memref<!tpu.dma_semaphore, #tpu.memory_space<semaphore_mem>>)
      %add3A_136 = arith.constant 24 : i32
      %add3A_137 = arith.addi %mul3A_123, %add3A_136 : i32
      %dma_start3A_138 = arith.constant 24 : i32
      %dma_start3A_139 = arith.constant 0 : i32
      %dma_start3A_140 = tpu.memref_slice %arg9[%dma_start3A_138, %dma_start3A_139] : memref<40x256xf32, #tpu.memory_space<vmem>> -> memref<16x256xf32, #tpu.memory_space<vmem>>
      %dma_start3A_141 = tpu.memref_slice %arg5[%add3A_137] : memref<3200xi32, #tpu.memory_space<vmem>> -> memref<16xi32, #tpu.memory_space<vmem>>
      %dma_start3A_142 = arith.constant 0 : i32
      %dma_start3A_143 = arith.constant 0 : i32
      %dma_start3A_144 = tpu.memref_slice %arg2[%dma_start3A_142, %dma_start3A_143] : memref<100000x256xf32, #tpu.memory_space<hbm>> -> memref<100000x256xf32, #tpu.memory_space<hbm>>
      tpu.enqueue_indirect_dma source(%dma_start3A_144 : memref<100000x256xf32, #tpu.memory_space<hbm>>) target(%dma_start3A_140 : memref<16x256xf32, #tpu.memory_space<vmem>>) offsets(%dma_start3A_141 : memref<16xi32, #tpu.memory_space<vmem>>) semaphore(%arg17 : memref<!tpu.dma_semaphore, #tpu.memory_space<semaphore_mem>>)
      %dma_start3A_145 = arith.constant 0 : i32
      %dma_start3A_146 = arith.constant 0 : i32
      %dma_start3A_147 = tpu.memref_slice %arg11[%dma_start3A_145, %dma_start3A_146] : memref<40x256xf32, #tpu.memory_space<vmem>> -> memref<24x256xf32, #tpu.memory_space<vmem>>
      %dma_start3A_148 = tpu.memref_slice %arg6[%mul3A_123] : memref<3200xi32, #tpu.memory_space<vmem>> -> memref<24xi32, #tpu.memory_space<vmem>>
      %dma_start3A_149 = arith.constant 0 : i32
      %dma_start3A_150 = arith.constant 0 : i32
      %dma_start3A_151 = tpu.memref_slice %arg2[%dma_start3A_149, %dma_start3A_150] : memref<100000x256xf32, #tpu.memory_space<hbm>> -> memref<100000x256xf32, #tpu.memory_space<hbm>>
      tpu.enqueue_indirect_dma source(%dma_start3A_151 : memref<100000x256xf32, #tpu.memory_space<hbm>>) target(%dma_start3A_147 : memref<24x256xf32, #tpu.memory_space<vmem>>) offsets(%dma_start3A_148 : memref<24xi32, #tpu.memory_space<vmem>>) semaphore(%arg17 : memref<!tpu.dma_semaphore, #tpu.memory_space<semaphore_mem>>)
      %add3A_152 = arith.constant 24 : i32
      %add3A_153 = arith.addi %mul3A_123, %add3A_152 : i32
      %dma_start3A_154 = arith.constant 24 : i32
      %dma_start3A_155 = arith.constant 0 : i32
      %dma_start3A_156 = tpu.memref_slice %arg11[%dma_start3A_154, %dma_start3A_155] : memref<40x256xf32, #tpu.memory_space<vmem>> -> memref<16x256xf32, #tpu.memory_space<vmem>>
      %dma_start3A_157 = tpu.memref_slice %arg6[%add3A_153] : memref<3200xi32, #tpu.memory_space<vmem>> -> memref<16xi32, #tpu.memory_space<vmem>>
      %dma_start3A_158 = arith.constant 0 : i32
      %dma_start3A_159 = arith.constant 0 : i32
      %dma_start3A_160 = tpu.memref_slice %arg2[%dma_start3A_158, %dma_start3A_159] : memref<100000x256xf32, #tpu.memory_space<hbm>> -> memref<100000x256xf32, #tpu.memory_space<hbm>>
      tpu.enqueue_indirect_dma source(%dma_start3A_160 : memref<100000x256xf32, #tpu.memory_space<hbm>>) target(%dma_start3A_156 : memref<16x256xf32, #tpu.memory_space<vmem>>) offsets(%dma_start3A_157 : memref<16xi32, #tpu.memory_space<vmem>>) semaphore(%arg17 : memref<!tpu.dma_semaphore, #tpu.memory_space<semaphore_mem>>)
      %dma_start3A_161 = arith.constant 0 : i32
      %dma_start3A_162 = arith.constant 0 : i32
      %dma_start3A_163 = tpu.memref_slice %arg13[%dma_start3A_161, %dma_start3A_162] : memref<40x256xf32, #tpu.memory_space<vmem>> -> memref<24x256xf32, #tpu.memory_space<vmem>>
      %dma_start3A_164 = tpu.memref_slice %arg7[%mul3A_123] : memref<3200xi32, #tpu.memory_space<vmem>> -> memref<24xi32, #tpu.memory_space<vmem>>
      %dma_start3A_165 = arith.constant 0 : i32
      %dma_start3A_166 = arith.constant 0 : i32
      %dma_start3A_167 = tpu.memref_slice %arg2[%dma_start3A_165, %dma_start3A_166] : memref<100000x256xf32, #tpu.memory_space<hbm>> -> memref<100000x256xf32, #tpu.memory_space<hbm>>
      tpu.enqueue_indirect_dma source(%dma_start3A_167 : memref<100000x256xf32, #tpu.memory_space<hbm>>) target(%dma_start3A_163 : memref<24x256xf32, #tpu.memory_space<vmem>>) offsets(%dma_start3A_164 : memref<24xi32, #tpu.memory_space<vmem>>) semaphore(%arg17 : memref<!tpu.dma_semaphore, #tpu.memory_space<semaphore_mem>>)
      %add3A_168 = arith.constant 24 : i32
      %add3A_169 = arith.addi %mul3A_123, %add3A_168 : i32
      %dma_start3A_170 = arith.constant 24 : i32
      %dma_start3A_171 = arith.constant 0 : i32
      %dma_start3A_172 = tpu.memref_slice %arg13[%dma_start3A_170, %dma_start3A_171] : memref<40x256xf32, #tpu.memory_space<vmem>> -> memref<16x256xf32, #tpu.memory_space<vmem>>
      %dma_start3A_173 = tpu.memref_slice %arg7[%add3A_169] : memref<3200xi32, #tpu.memory_space<vmem>> -> memref<16xi32, #tpu.memory_space<vmem>>
      %dma_start3A_174 = arith.constant 0 : i32
      %dma_start3A_175 = arith.constant 0 : i32
      %dma_start3A_176 = tpu.memref_slice %arg2[%dma_start3A_174, %dma_start3A_175] : memref<100000x256xf32, #tpu.memory_space<hbm>> -> memref<100000x256xf32, #tpu.memory_space<hbm>>
      tpu.enqueue_indirect_dma source(%dma_start3A_176 : memref<100000x256xf32, #tpu.memory_space<hbm>>) target(%dma_start3A_172 : memref<16x256xf32, #tpu.memory_space<vmem>>) offsets(%dma_start3A_173 : memref<16xi32, #tpu.memory_space<vmem>>) semaphore(%arg17 : memref<!tpu.dma_semaphore, #tpu.memory_space<semaphore_mem>>)
      %dma_wait3A_177 = arith.constant 0 : i32
      %dma_wait3A_178 = tpu.memref_slice %arg2[%add3A_63, %dma_wait3A_177] : memref<100000x256xf32, #tpu.memory_space<hbm>> -> memref<40x256xf32, #tpu.memory_space<hbm>>
      %dma_wait3A_179 = arith.constant 0 : i32
      %dma_wait3A_180 = tpu.memref_slice %arg2[%add3A_63, %dma_wait3A_179] : memref<100000x256xf32, #tpu.memory_space<hbm>> -> memref<40x256xf32, #tpu.memory_space<hbm>>
      tpu.wait_dma2 semaphore(%arg16 : memref<!tpu.dma_semaphore, #tpu.memory_space<semaphore_mem>>) src(%dma_wait3A_180 : memref<40x256xf32, #tpu.memory_space<hbm>>) dst(%arg14 : memref<40x256xf32, #tpu.memory_space<vmem>>)
      %dma_wait3A_181 = arith.constant 0 : i32
      %dma_wait3A_182 = arith.constant 0 : i32
      %dma_wait3A_183 = tpu.memref_slice %arg8[%dma_wait3A_181, %dma_wait3A_182] : memref<40x256xf32, #tpu.memory_space<vmem>> -> memref<24x256xf32, #tpu.memory_space<vmem>>
      %dma_wait3A_184 = tpu.memref_slice %arg5[%mul3A_62] : memref<3200xi32, #tpu.memory_space<vmem>> -> memref<24xi32, #tpu.memory_space<vmem>>
      %dma_wait3A_185 = arith.constant 0 : i32
      %dma_wait3A_186 = arith.constant 0 : i32
      %dma_wait3A_187 = tpu.memref_slice %arg2[%dma_wait3A_185, %dma_wait3A_186] : memref<100000x256xf32, #tpu.memory_space<hbm>> -> memref<100000x256xf32, #tpu.memory_space<hbm>>
      tpu.wait_indirect_dma semaphore(%arg16 : memref<!tpu.dma_semaphore, #tpu.memory_space<semaphore_mem>>) src(%dma_wait3A_187 : memref<100000x256xf32, #tpu.memory_space<hbm>>) dst(%dma_wait3A_183 : memref<24x256xf32, #tpu.memory_space<vmem>>)
      %dma_wait3A_188 = arith.constant 24 : i32
      %dma_wait3A_189 = arith.constant 0 : i32
      %dma_wait3A_190 = tpu.memref_slice %arg8[%dma_wait3A_188, %dma_wait3A_189] : memref<40x256xf32, #tpu.memory_space<vmem>> -> memref<16x256xf32, #tpu.memory_space<vmem>>
      %dma_wait3A_191 = tpu.memref_slice %arg5[%add3A_75] : memref<3200xi32, #tpu.memory_space<vmem>> -> memref<16xi32, #tpu.memory_space<vmem>>
      %dma_wait3A_192 = arith.constant 0 : i32
      %dma_wait3A_193 = arith.constant 0 : i32
      %dma_wait3A_194 = tpu.memref_slice %arg2[%dma_wait3A_192, %dma_wait3A_193] : memref<100000x256xf32, #tpu.memory_space<hbm>> -> memref<100000x256xf32, #tpu.memory_space<hbm>>
      tpu.wait_indirect_dma semaphore(%arg16 : memref<!tpu.dma_semaphore, #tpu.memory_space<semaphore_mem>>) src(%dma_wait3A_194 : memref<100000x256xf32, #tpu.memory_space<hbm>>) dst(%dma_wait3A_190 : memref<16x256xf32, #tpu.memory_space<vmem>>)
      %dma_wait3A_195 = arith.constant 0 : i32
      %dma_wait3A_196 = arith.constant 0 : i32
      %dma_wait3A_197 = tpu.memref_slice %arg10[%dma_wait3A_195, %dma_wait3A_196] : memref<40x256xf32, #tpu.memory_space<vmem>> -> memref<24x256xf32, #tpu.memory_space<vmem>>
      %dma_wait3A_198 = tpu.memref_slice %arg6[%mul3A_62] : memref<3200xi32, #tpu.memory_space<vmem>> -> memref<24xi32, #tpu.memory_space<vmem>>
      %dma_wait3A_199 = arith.constant 0 : i32
      %dma_wait3A_200 = arith.constant 0 : i32
      %dma_wait3A_201 = tpu.memref_slice %arg2[%dma_wait3A_199, %dma_wait3A_200] : memref<100000x256xf32, #tpu.memory_space<hbm>> -> memref<100000x256xf32, #tpu.memory_space<hbm>>
      tpu.wait_indirect_dma semaphore(%arg16 : memref<!tpu.dma_semaphore, #tpu.memory_space<semaphore_mem>>) src(%dma_wait3A_201 : memref<100000x256xf32, #tpu.memory_space<hbm>>) dst(%dma_wait3A_197 : memref<24x256xf32, #tpu.memory_space<vmem>>)
      %dma_wait3A_202 = arith.constant 24 : i32
      %dma_wait3A_203 = arith.constant 0 : i32
      %dma_wait3A_204 = tpu.memref_slice %arg10[%dma_wait3A_202, %dma_wait3A_203] : memref<40x256xf32, #tpu.memory_space<vmem>> -> memref<16x256xf32, #tpu.memory_space<vmem>>
      %dma_wait3A_205 = tpu.memref_slice %arg6[%add3A_91] : memref<3200xi32, #tpu.memory_space<vmem>> -> memref<16xi32, #tpu.memory_space<vmem>>
      %dma_wait3A_206 = arith.constant 0 : i32
      %dma_wait3A_207 = arith.constant 0 : i32
      %dma_wait3A_208 = tpu.memref_slice %arg2[%dma_wait3A_206, %dma_wait3A_207] : memref<100000x256xf32, #tpu.memory_space<hbm>> -> memref<100000x256xf32, #tpu.memory_space<hbm>>
      tpu.wait_indirect_dma semaphore(%arg16 : memref<!tpu.dma_semaphore, #tpu.memory_space<semaphore_mem>>) src(%dma_wait3A_208 : memref<100000x256xf32, #tpu.memory_space<hbm>>) dst(%dma_wait3A_204 : memref<16x256xf32, #tpu.memory_space<vmem>>)
      %dma_wait3A_209 = arith.constant 0 : i32
      %dma_wait3A_210 = arith.constant 0 : i32
      %dma_wait3A_211 = tpu.memref_slice %arg12[%dma_wait3A_209, %dma_wait3A_210] : memref<40x256xf32, #tpu.memory_space<vmem>> -> memref<24x256xf32, #tpu.memory_space<vmem>>
      %dma_wait3A_212 = tpu.memref_slice %arg7[%mul3A_62] : memref<3200xi32, #tpu.memory_space<vmem>> -> memref<24xi32, #tpu.memory_space<vmem>>
      %dma_wait3A_213 = arith.constant 0 : i32
      %dma_wait3A_214 = arith.constant 0 : i32
      %dma_wait3A_215 = tpu.memref_slice %arg2[%dma_wait3A_213, %dma_wait3A_214] : memref<100000x256xf32, #tpu.memory_space<hbm>> -> memref<100000x256xf32, #tpu.memory_space<hbm>>
      tpu.wait_indirect_dma semaphore(%arg16 : memref<!tpu.dma_semaphore, #tpu.memory_space<semaphore_mem>>) src(%dma_wait3A_215 : memref<100000x256xf32, #tpu.memory_space<hbm>>) dst(%dma_wait3A_211 : memref<24x256xf32, #tpu.memory_space<vmem>>)
      %dma_wait3A_216 = arith.constant 24 : i32
      %dma_wait3A_217 = arith.constant 0 : i32
      %dma_wait3A_218 = tpu.memref_slice %arg12[%dma_wait3A_216, %dma_wait3A_217] : memref<40x256xf32, #tpu.memory_space<vmem>> -> memref<16x256xf32, #tpu.memory_space<vmem>>
      %dma_wait3A_219 = tpu.memref_slice %arg7[%add3A_107] : memref<3200xi32, #tpu.memory_space<vmem>> -> memref<16xi32, #tpu.memory_space<vmem>>
      %dma_wait3A_220 = arith.constant 0 : i32
      %dma_wait3A_221 = arith.constant 0 : i32
      %dma_wait3A_222 = tpu.memref_slice %arg2[%dma_wait3A_220, %dma_wait3A_221] : memref<100000x256xf32, #tpu.memory_space<hbm>> -> memref<100000x256xf32, #tpu.memory_space<hbm>>
      tpu.wait_indirect_dma semaphore(%arg16 : memref<!tpu.dma_semaphore, #tpu.memory_space<semaphore_mem>>) src(%dma_wait3A_222 : memref<100000x256xf32, #tpu.memory_space<hbm>>) dst(%dma_wait3A_218 : memref<16x256xf32, #tpu.memory_space<vmem>>)
      %scan3A = arith.constant 0 : i32
      %scan3A_223 = arith.constant 0 : i32
      %scan3A_224 = arith.constant 40 : i32
      %scan3A_225 = arith.addi %scan3A_223, %scan3A_224 : i32
      %scan3A_226 = arith.constant 2 : i32
      scf.for %scan3A_296 = %scan3A_223 to %scan3A_225 step %scan3A_226  : i32 {
        %get3A = arith.index_cast %scan3A_296 : i32 to index
        %get3A_297 = arith.constant 0 : index
        %get3A_298 = tpu.vector_load %arg14[%get3A, %get3A_297] {strides = array<i32>} : memref<40x256xf32, #tpu.memory_space<vmem>>, vector<1x16xf32>,
        %get3A_299 = vector.shape_cast %get3A_298 : vector<1x16xf32> to vector<16xf32>
        %get3A_300 = arith.index_cast %scan3A_296 : i32 to index
        %get3A_301 = arith.constant 0 : index
        %get3A_302 = tpu.vector_load %arg8[%get3A_300, %get3A_301] {strides = array<i32>} : memref<40x256xf32, #tpu.memory_space<vmem>>, vector<1x16xf32>,
        %get3A_303 = vector.shape_cast %get3A_302 : vector<1x16xf32> to vector<16xf32>
        %add3A_304 = arith.addf %get3A_299, %get3A_303 : vector<16xf32>
        %get3A_305 = arith.index_cast %scan3A_296 : i32 to index
        %get3A_306 = arith.constant 0 : index
        %get3A_307 = tpu.vector_load %arg10[%get3A_305, %get3A_306] {strides = array<i32>} : memref<40x256xf32, #tpu.memory_space<vmem>>, vector<1x16xf32>,
        %get3A_308 = vector.shape_cast %get3A_307 : vector<1x16xf32> to vector<16xf32>
        %add3A_309 = arith.addf %add3A_304, %get3A_308 : vector<16xf32>
        %get3A_310 = arith.index_cast %scan3A_296 : i32 to index
        %get3A_311 = arith.constant 0 : index
        %get3A_312 = tpu.vector_load %arg12[%get3A_310, %get3A_311] {strides = array<i32>} : memref<40x256xf32, #tpu.memory_space<vmem>>, vector<1x16xf32>,
        %get3A_313 = vector.shape_cast %get3A_312 : vector<1x16xf32> to vector<16xf32>
        %add3A_314 = arith.addf %add3A_309, %get3A_313 : vector<16xf32>
        %mul3A_315 = arith.constant 2.500000e-01 : f32
        %mul3A_316 = vector.broadcast %mul3A_315 : f32 to vector<16xf32>
        %mul3A_317 = arith.mulf %add3A_314, %mul3A_316 : vector<16xf32>
        %swap3A = arith.index_cast %scan3A_296 : i32 to index
        %swap3A_318 = arith.constant 0 : index
        %swap3A_319 = tpu.vector_load %arg14[%swap3A, %swap3A_318] {strides = array<i32>} : memref<40x256xf32, #tpu.memory_space<vmem>>, vector<1x16xf32>,
        %swap3A_320 = vector.shape_cast %swap3A_319 : vector<1x16xf32> to vector<16xf32>
        %swap3A_321 = vector.shape_cast %mul3A_317 : vector<16xf32> to vector<1x16xf32>
        tpu.vector_store %arg14[%swap3A, %swap3A_318], %swap3A_321 {strides = array<i32>} : memref<40x256xf32, #tpu.memory_space<vmem>>, vector<1x16xf32>,
        %get3A_322 = arith.index_cast %scan3A_296 : i32 to index
        %get3A_323 = arith.constant 16 : index
        %get3A_324 = tpu.vector_load %arg14[%get3A_322, %get3A_323] {strides = array<i32>} : memref<40x256xf32, #tpu.memory_space<vmem>>, vector<1x16xf32>,
        %get3A_325 = vector.shape_cast %get3A_324 : vector<1x16xf32> to vector<16xf32>
        %get3A_326 = arith.index_cast %scan3A_296 : i32 to index
        %get3A_327 = arith.constant 16 : index
        %get3A_328 = tpu.vector_load %arg8[%get3A_326, %get3A_327] {strides = array<i32>} : memref<40x256xf32, #tpu.memory_space<vmem>>, vector<1x16xf32>,
        %get3A_329 = vector.shape_cast %get3A_328 : vector<1x16xf32> to vector<16xf32>
        %add3A_330 = arith.addf %get3A_325, %get3A_329 : vector<16xf32>
        %get3A_331 = arith.index_cast %scan3A_296 : i32 to index
        %get3A_332 = arith.constant 16 : index
        %get3A_333 = tpu.vector_load %arg10[%get3A_331, %get3A_332] {strides = array<i32>} : memref<40x256xf32, #tpu.memory_space<vmem>>, vector<1x16xf32>,
        %get3A_334 = vector.shape_cast %get3A_333 : vector<1x16xf32> to vector<16xf32>
        %add3A_335 = arith.addf %add3A_330, %get3A_334 : vector<16xf32>
        %get3A_336 = arith.index_cast %scan3A_296 : i32 to index
        %get3A_337 = arith.constant 16 : index
        %get3A_338 = tpu.vector_load %arg12[%get3A_336, %get3A_337] {strides = array<i32>} : memref<40x256xf32, #tpu.memory_space<vmem>>, vector<1x16xf32>,
        %get3A_339 = vector.shape_cast %get3A_338 : vector<1x16xf32> to vector<16xf32>
        %add3A_340 = arith.addf %add3A_335, %get3A_339 : vector<16xf32>
        %mul3A_341 = arith.constant 2.500000e-01 : f32
        %mul3A_342 = vector.broadcast %mul3A_341 : f32 to vector<16xf32>
        %mul3A_343 = arith.mulf %add3A_340, %mul3A_342 : vector<16xf32>
        %swap3A_344 = arith.index_cast %scan3A_296 : i32 to index
        %swap3A_345 = arith.constant 16 : index
        %swap3A_346 = tpu.vector_load %arg14[%swap3A_344, %swap3A_345] {strides = array<i32>} : memref<40x256xf32, #tpu.memory_space<vmem>>, vector<1x16xf32>,
        %swap3A_347 = vector.shape_cast %swap3A_346 : vector<1x16xf32> to vector<16xf32>
        %swap3A_348 = vector.shape_cast %mul3A_343 : vector<16xf32> to vector<1x16xf32>
        tpu.vector_store %arg14[%swap3A_344, %swap3A_345], %swap3A_348 {strides = array<i32>} : memref<40x256xf32, #tpu.memory_space<vmem>>, vector<1x16xf32>,
        %get3A_349 = arith.index_cast %scan3A_296 : i32 to index
        %get3A_350 = arith.constant 32 : index
        %get3A_351 = tpu.vector_load %arg14[%get3A_349, %get3A_350] {strides = array<i32>} : memref<40x256xf32, #tpu.memory_space<vmem>>, vector<1x16xf32>,
        %get3A_352 = vector.shape_cast %get3A_351 : vector<1x16xf32> to vector<16xf32>
        %get3A_353 = arith.index_cast %scan3A_296 : i32 to index
        %get3A_354 = arith.constant 32 : index
        %get3A_355 = tpu.vector_load %arg8[%get3A_353, %get3A_354] {strides = array<i32>} : memref<40x256xf32, #tpu.memory_space<vmem>>, vector<1x16xf32>,
        %get3A_356 = vector.shape_cast %get3A_355 : vector<1x16xf32> to vector<16xf32>
        %add3A_357 = arith.addf %get3A_352, %get3A_356 : vector<16xf32>
        %get3A_358 = arith.index_cast %scan3A_296 : i32 to index
        %get3A_359 = arith.constant 32 : index
        %get3A_360 = tpu.vector_load %arg10[%get3A_358, %get3A_359] {strides = array<i32>} : memref<40x256xf32, #tpu.memory_space<vmem>>, vector<1x16xf32>,
        %get3A_361 = vector.shape_cast %get3A_360 : vector<1x16xf32> to vector<16xf32>
        %add3A_362 = arith.addf %add3A_357, %get3A_361 : vector<16xf32>
        %get3A_363 = arith.index_cast %scan3A_296 : i32 to index
        %get3A_364 = arith.constant 32 : index
        %get3A_365 = tpu.vector_load %arg12[%get3A_363, %get3A_364] {strides = array<i32>} : memref<40x256xf32, #tpu.memory_space<vmem>>, vector<1x16xf32>,
        %get3A_366 = vector.shape_cast %get3A_365 : vector<1x16xf32> to vector<16xf32>
        %add3A_367 = arith.addf %add3A_362, %get3A_366 : vector<16xf32>
        %mul3A_368 = arith.constant 2.500000e-01 : f32
        %mul3A_369 = vector.broadcast %mul3A_368 : f32 to vector<16xf32>
        %mul3A_370 = arith.mulf %add3A_367, %mul3A_369 : vector<16xf32>
        %swap3A_371 = arith.index_cast %scan3A_296 : i32 to index
        %swap3A_372 = arith.constant 32 : index
        %swap3A_373 = tpu.vector_load %arg14[%swap3A_371, %swap3A_372] {strides = array<i32>} : memref<40x256xf32, #tpu.memory_space<vmem>>, vector<1x16xf32>,
        %swap3A_374 = vector.shape_cast %swap3A_373 : vector<1x16xf32> to vector<16xf32>
        %swap3A_375 = vector.shape_cast %mul3A_370 : vector<16xf32> to vector<1x16xf32>
        tpu.vector_store %arg14[%swap3A_371, %swap3A_372], %swap3A_375 {strides = array<i32>} : memref<40x256xf32, #tpu.memory_space<vmem>>, vector<1x16xf32>,
        %get3A_376 = arith.index_cast %scan3A_296 : i32 to index
        %get3A_377 = arith.constant 48 : index
        %get3A_378 = tpu.vector_load %arg14[%get3A_376, %get3A_377] {strides = array<i32>} : memref<40x256xf32, #tpu.memory_space<vmem>>, vector<1x16xf32>,
        %get3A_379 = vector.shape_cast %get3A_378 : vector<1x16xf32> to vector<16xf32>
        %get3A_380 = arith.index_cast %scan3A_296 : i32 to index
        %get3A_381 = arith.constant 48 : index
        %get3A_382 = tpu.vector_load %arg8[%get3A_380, %get3A_381] {strides = array<i32>} : memref<40x256xf32, #tpu.memory_space<vmem>>, vector<1x16xf32>,
        %get3A_383 = vector.shape_cast %get3A_382 : vector<1x16xf32> to vector<16xf32>
        %add3A_384 = arith.addf %get3A_379, %get3A_383 : vector<16xf32>
        %get3A_385 = arith.index_cast %scan3A_296 : i32 to index
        %get3A_386 = arith.constant 48 : index
        %get3A_387 = tpu.vector_load %arg10[%get3A_385, %get3A_386] {strides = array<i32>} : memref<40x256xf32, #tpu.memory_space<vmem>>, vector<1x16xf32>,
        %get3A_388 = vector.shape_cast %get3A_387 : vector<1x16xf32> to vector<16xf32>
        %add3A_389 = arith.addf %add3A_384, %get3A_388 : vector<16xf32>
        %get3A_390 = arith.index_cast %scan3A_296 : i32 to index
        %get3A_391 = arith.constant 48 : index
        %get3A_392 = tpu.vector_load %arg12[%get3A_390, %get3A_391] {strides = array<i32>} : memref<40x256xf32, #tpu.memory_space<vmem>>, vector<1x16xf32>,
        %get3A_393 = vector.shape_cast %get3A_392 : vector<1x16xf32> to vector<16xf32>
        %add3A_394 = arith.addf %add3A_389, %get3A_393 : vector<16xf32>
        %mul3A_395 = arith.constant 2.500000e-01 : f32
        %mul3A_396 = vector.broadcast %mul3A_395 : f32 to vector<16xf32>
        %mul3A_397 = arith.mulf %add3A_394, %mul3A_396 : vector<16xf32>
        %swap3A_398 = arith.index_cast %scan3A_296 : i32 to index
        %swap3A_399 = arith.constant 48 : index
        %swap3A_400 = tpu.vector_load %arg14[%swap3A_398, %swap3A_399] {strides = array<i32>} : memref<40x256xf32, #tpu.memory_space<vmem>>, vector<1x16xf32>,
        %swap3A_401 = vector.shape_cast %swap3A_400 : vector<1x16xf32> to vector<16xf32>
        %swap3A_402 = vector.shape_cast %mul3A_397 : vector<16xf32> to vector<1x16xf32>
        tpu.vector_store %arg14[%swap3A_398, %swap3A_399], %swap3A_402 {strides = array<i32>} : memref<40x256xf32, #tpu.memory_space<vmem>>, vector<1x16xf32>,
        %get3A_403 = arith.index_cast %scan3A_296 : i32 to index
        %get3A_404 = arith.constant 64 : index
        %get3A_405 = tpu.vector_load %arg14[%get3A_403, %get3A_404] {strides = array<i32>} : memref<40x256xf32, #tpu.memory_space<vmem>>, vector<1x16xf32>,
        %get3A_406 = vector.shape_cast %get3A_405 : vector<1x16xf32> to vector<16xf32>
        %get3A_407 = arith.index_cast %scan3A_296 : i32 to index
        %get3A_408 = arith.constant 64 : index
        %get3A_409 = tpu.vector_load %arg8[%get3A_407, %get3A_408] {strides = array<i32>} : memref<40x256xf32, #tpu.memory_space<vmem>>, vector<1x16xf32>,
        %get3A_410 = vector.shape_cast %get3A_409 : vector<1x16xf32> to vector<16xf32>
        %add3A_411 = arith.addf %get3A_406, %get3A_410 : vector<16xf32>
        %get3A_412 = arith.index_cast %scan3A_296 : i32 to index
        %get3A_413 = arith.constant 64 : index
        %get3A_414 = tpu.vector_load %arg10[%get3A_412, %get3A_413] {strides = array<i32>} : memref<40x256xf32, #tpu.memory_space<vmem>>, vector<1x16xf32>,
        %get3A_415 = vector.shape_cast %get3A_414 : vector<1x16xf32> to vector<16xf32>
        %add3A_416 = arith.addf %add3A_411, %get3A_415 : vector<16xf32>
        %get3A_417 = arith.index_cast %scan3A_296 : i32 to index
        %get3A_418 = arith.constant 64 : index
        %get3A_419 = tpu.vector_load %arg12[%get3A_417, %get3A_418] {strides = array<i32>} : memref<40x256xf32, #tpu.memory_space<vmem>>, vector<1x16xf32>,
        %get3A_420 = vector.shape_cast %get3A_419 : vector<1x16xf32> to vector<16xf32>
        %add3A_421 = arith.addf %add3A_416, %get3A_420 : vector<16xf32>
        %mul3A_422 = arith.constant 2.500000e-01 : f32
        %mul3A_423 = vector.broadcast %mul3A_422 : f32 to vector<16xf32>
        %mul3A_424 = arith.mulf %add3A_421, %mul3A_423 : vector<16xf32>
        %swap3A_425 = arith.index_cast %scan3A_296 : i32 to index
        %swap3A_426 = arith.constant 64 : index
        %swap3A_427 = tpu.vector_load %arg14[%swap3A_425, %swap3A_426] {strides = array<i32>} : memref<40x256xf32, #tpu.memory_space<vmem>>, vector<1x16xf32>,
        %swap3A_428 = vector.shape_cast %swap3A_427 : vector<1x16xf32> to vector<16xf32>
        %swap3A_429 = vector.shape_cast %mul3A_424 : vector<16xf32> to vector<1x16xf32>
        tpu.vector_store %arg14[%swap3A_425, %swap3A_426], %swap3A_429 {strides = array<i32>} : memref<40x256xf32, #tpu.memory_space<vmem>>, vector<1x16xf32>,
        %get3A_430 = arith.index_cast %scan3A_296 : i32 to index
        %get3A_431 = arith.constant 80 : index
        %get3A_432 = tpu.vector_load %arg14[%get3A_430, %get3A_431] {strides = array<i32>} : memref<40x256xf32, #tpu.memory_space<vmem>>, vector<1x16xf32>,
        %get3A_433 = vector.shape_cast %get3A_432 : vector<1x16xf32> to vector<16xf32>
        %get3A_434 = arith.index_cast %scan3A_296 : i32 to index
        %get3A_435 = arith.constant 80 : index
        %get3A_436 = tpu.vector_load %arg8[%get3A_434, %get3A_435] {strides = array<i32>} : memref<40x256xf32, #tpu.memory_space<vmem>>, vector<1x16xf32>,
        %get3A_437 = vector.shape_cast %get3A_436 : vector<1x16xf32> to vector<16xf32>
        %add3A_438 = arith.addf %get3A_433, %get3A_437 : vector<16xf32>
        %get3A_439 = arith.index_cast %scan3A_296 : i32 to index
        %get3A_440 = arith.constant 80 : index
        %get3A_441 = tpu.vector_load %arg10[%get3A_439, %get3A_440] {strides = array<i32>} : memref<40x256xf32, #tpu.memory_space<vmem>>, vector<1x16xf32>,
        %get3A_442 = vector.shape_cast %get3A_441 : vector<1x16xf32> to vector<16xf32>
        %add3A_443 = arith.addf %add3A_438, %get3A_442 : vector<16xf32>
        %get3A_444 = arith.index_cast %scan3A_296 : i32 to index
        %get3A_445 = arith.constant 80 : index
        %get3A_446 = tpu.vector_load %arg12[%get3A_444, %get3A_445] {strides = array<i32>} : memref<40x256xf32, #tpu.memory_space<vmem>>, vector<1x16xf32>,
        %get3A_447 = vector.shape_cast %get3A_446 : vector<1x16xf32> to vector<16xf32>
        %add3A_448 = arith.addf %add3A_443, %get3A_447 : vector<16xf32>
        %mul3A_449 = arith.constant 2.500000e-01 : f32
        %mul3A_450 = vector.broadcast %mul3A_449 : f32 to vector<16xf32>
        %mul3A_451 = arith.mulf %add3A_448, %mul3A_450 : vector<16xf32>
        %swap3A_452 = arith.index_cast %scan3A_296 : i32 to index
        %swap3A_453 = arith.constant 80 : index
        %swap3A_454 = tpu.vector_load %arg14[%swap3A_452, %swap3A_453] {strides = array<i32>} : memref<40x256xf32, #tpu.memory_space<vmem>>, vector<1x16xf32>,
        %swap3A_455 = vector.shape_cast %swap3A_454 : vector<1x16xf32> to vector<16xf32>
        %swap3A_456 = vector.shape_cast %mul3A_451 : vector<16xf32> to vector<1x16xf32>
        tpu.vector_store %arg14[%swap3A_452, %swap3A_453], %swap3A_456 {strides = array<i32>} : memref<40x256xf32, #tpu.memory_space<vmem>>, vector<1x16xf32>,
        %get3A_457 = arith.index_cast %scan3A_296 : i32 to index
        %get3A_458 = arith.constant 96 : index
        %get3A_459 = tpu.vector_load %arg14[%get3A_457, %get3A_458] {strides = array<i32>} : memref<40x256xf32, #tpu.memory_space<vmem>>, vector<1x16xf32>,
        %get3A_460 = vector.shape_cast %get3A_459 : vector<1x16xf32> to vector<16xf32>
        %get3A_461 = arith.index_cast %scan3A_296 : i32 to index
        %get3A_462 = arith.constant 96 : index
        %get3A_463 = tpu.vector_load %arg8[%get3A_461, %get3A_462] {strides = array<i32>} : memref<40x256xf32, #tpu.memory_space<vmem>>, vector<1x16xf32>,
        %get3A_464 = vector.shape_cast %get3A_463 : vector<1x16xf32> to vector<16xf32>
        %add3A_465 = arith.addf %get3A_460, %get3A_464 : vector<16xf32>
        %get3A_466 = arith.index_cast %scan3A_296 : i32 to index
        %get3A_467 = arith.constant 96 : index
        %get3A_468 = tpu.vector_load %arg10[%get3A_466, %get3A_467] {strides = array<i32>} : memref<40x256xf32, #tpu.memory_space<vmem>>, vector<1x16xf32>,
        %get3A_469 = vector.shape_cast %get3A_468 : vector<1x16xf32> to vector<16xf32>
        %add3A_470 = arith.addf %add3A_465, %get3A_469 : vector<16xf32>
        %get3A_471 = arith.index_cast %scan3A_296 : i32 to index
        %get3A_472 = arith.constant 96 : index
        %get3A_473 = tpu.vector_load %arg12[%get3A_471, %get3A_472] {strides = array<i32>} : memref<40x256xf32, #tpu.memory_space<vmem>>, vector<1x16xf32>,
        %get3A_474 = vector.shape_cast %get3A_473 : vector<1x16xf32> to vector<16xf32>
        %add3A_475 = arith.addf %add3A_470, %get3A_474 : vector<16xf32>
        %mul3A_476 = arith.constant 2.500000e-01 : f32
        %mul3A_477 = vector.broadcast %mul3A_476 : f32 to vector<16xf32>
        %mul3A_478 = arith.mulf %add3A_475, %mul3A_477 : vector<16xf32>
        %swap3A_479 = arith.index_cast %scan3A_296 : i32 to index
        %swap3A_480 = arith.constant 96 : index
        %swap3A_481 = tpu.vector_load %arg14[%swap3A_479, %swap3A_480] {strides = array<i32>} : memref<40x256xf32, #tpu.memory_space<vmem>>, vector<1x16xf32>,
        %swap3A_482 = vector.shape_cast %swap3A_481 : vector<1x16xf32> to vector<16xf32>
        %swap3A_483 = vector.shape_cast %mul3A_478 : vector<16xf32> to vector<1x16xf32>
        tpu.vector_store %arg14[%swap3A_479, %swap3A_480], %swap3A_483 {strides = array<i32>} : memref<40x256xf32, #tpu.memory_space<vmem>>, vector<1x16xf32>,
        %get3A_484 = arith.index_cast %scan3A_296 : i32 to index
        %get3A_485 = arith.constant 112 : index
        %get3A_486 = tpu.vector_load %arg14[%get3A_484, %get3A_485] {strides = array<i32>} : memref<40x256xf32, #tpu.memory_space<vmem>>, vector<1x16xf32>,
        %get3A_487 = vector.shape_cast %get3A_486 : vector<1x16xf32> to vector<16xf32>
        %get3A_488 = arith.index_cast %scan3A_296 : i32 to index
        %get3A_489 = arith.constant 112 : index
        %get3A_490 = tpu.vector_load %arg8[%get3A_488, %get3A_489] {strides = array<i32>} : memref<40x256xf32, #tpu.memory_space<vmem>>, vector<1x16xf32>,
        %get3A_491 = vector.shape_cast %get3A_490 : vector<1x16xf32> to vector<16xf32>
        %add3A_492 = arith.addf %get3A_487, %get3A_491 : vector<16xf32>
        %get3A_493 = arith.index_cast %scan3A_296 : i32 to index
        %get3A_494 = arith.constant 112 : index
        %get3A_495 = tpu.vector_load %arg10[%get3A_493, %get3A_494] {strides = array<i32>} : memref<40x256xf32, #tpu.memory_space<vmem>>, vector<1x16xf32>,
        %get3A_496 = vector.shape_cast %get3A_495 : vector<1x16xf32> to vector<16xf32>
        %add3A_497 = arith.addf %add3A_492, %get3A_496 : vector<16xf32>
        %get3A_498 = arith.index_cast %scan3A_296 : i32 to index
        %get3A_499 = arith.constant 112 : index
        %get3A_500 = tpu.vector_load %arg12[%get3A_498, %get3A_499] {strides = array<i32>} : memref<40x256xf32, #tpu.memory_space<vmem>>, vector<1x16xf32>,
        %get3A_501 = vector.shape_cast %get3A_500 : vector<1x16xf32> to vector<16xf32>
        %add3A_502 = arith.addf %add3A_497, %get3A_501 : vector<16xf32>
        %mul3A_503 = arith.constant 2.500000e-01 : f32
        %mul3A_504 = vector.broadcast %mul3A_503 : f32 to vector<16xf32>
        %mul3A_505 = arith.mulf %add3A_502, %mul3A_504 : vector<16xf32>
        %swap3A_506 = arith.index_cast %scan3A_296 : i32 to index
        %swap3A_507 = arith.constant 112 : index
        %swap3A_508 = tpu.vector_load %arg14[%swap3A_506, %swap3A_507] {strides = array<i32>} : memref<40x256xf32, #tpu.memory_space<vmem>>, vector<1x16xf32>,
        %swap3A_509 = vector.shape_cast %swap3A_508 : vector<1x16xf32> to vector<16xf32>
        %swap3A_510 = vector.shape_cast %mul3A_505 : vector<16xf32> to vector<1x16xf32>
        tpu.vector_store %arg14[%swap3A_506, %swap3A_507], %swap3A_510 {strides = array<i32>} : memref<40x256xf32, #tpu.memory_space<vmem>>, vector<1x16xf32>,
        %get3A_511 = arith.index_cast %scan3A_296 : i32 to index
        %get3A_512 = arith.constant 128 : index
        %get3A_513 = tpu.vector_load %arg14[%get3A_511, %get3A_512] {strides = array<i32>} : memref<40x256xf32, #tpu.memory_space<vmem>>, vector<1x16xf32>,
        %get3A_514 = vector.shape_cast %get3A_513 : vector<1x16xf32> to vector<16xf32>
        %get3A_515 = arith.index_cast %scan3A_296 : i32 to index
        %get3A_516 = arith.constant 128 : index
        %get3A_517 = tpu.vector_load %arg8[%get3A_515, %get3A_516] {strides = array<i32>} : memref<40x256xf32, #tpu.memory_space<vmem>>, vector<1x16xf32>,
        %get3A_518 = vector.shape_cast %get3A_517 : vector<1x16xf32> to vector<16xf32>
        %add3A_519 = arith.addf %get3A_514, %get3A_518 : vector<16xf32>
        %get3A_520 = arith.index_cast %scan3A_296 : i32 to index
        %get3A_521 = arith.constant 128 : index
        %get3A_522 = tpu.vector_load %arg10[%get3A_520, %get3A_521] {strides = array<i32>} : memref<40x256xf32, #tpu.memory_space<vmem>>, vector<1x16xf32>,
        %get3A_523 = vector.shape_cast %get3A_522 : vector<1x16xf32> to vector<16xf32>
        %add3A_524 = arith.addf %add3A_519, %get3A_523 : vector<16xf32>
        %get3A_525 = arith.index_cast %scan3A_296 : i32 to index
        %get3A_526 = arith.constant 128 : index
        %get3A_527 = tpu.vector_load %arg12[%get3A_525, %get3A_526] {strides = array<i32>} : memref<40x256xf32, #tpu.memory_space<vmem>>, vector<1x16xf32>,
        %get3A_528 = vector.shape_cast %get3A_527 : vector<1x16xf32> to vector<16xf32>
        %add3A_529 = arith.addf %add3A_524, %get3A_528 : vector<16xf32>
        %mul3A_530 = arith.constant 2.500000e-01 : f32
        %mul3A_531 = vector.broadcast %mul3A_530 : f32 to vector<16xf32>
        %mul3A_532 = arith.mulf %add3A_529, %mul3A_531 : vector<16xf32>
        %swap3A_533 = arith.index_cast %scan3A_296 : i32 to index
        %swap3A_534 = arith.constant 128 : index
        %swap3A_535 = tpu.vector_load %arg14[%swap3A_533, %swap3A_534] {strides = array<i32>} : memref<40x256xf32, #tpu.memory_space<vmem>>, vector<1x16xf32>,
        %swap3A_536 = vector.shape_cast %swap3A_535 : vector<1x16xf32> to vector<16xf32>
        %swap3A_537 = vector.shape_cast %mul3A_532 : vector<16xf32> to vector<1x16xf32>
        tpu.vector_store %arg14[%swap3A_533, %swap3A_534], %swap3A_537 {strides = array<i32>} : memref<40x256xf32, #tpu.memory_space<vmem>>, vector<1x16xf32>,
        %get3A_538 = arith.index_cast %scan3A_296 : i32 to index
        %get3A_539 = arith.constant 144 : index
        %get3A_540 = tpu.vector_load %arg14[%get3A_538, %get3A_539] {strides = array<i32>} : memref<40x256xf32, #tpu.memory_space<vmem>>, vector<1x16xf32>,
        %get3A_541 = vector.shape_cast %get3A_540 : vector<1x16xf32> to vector<16xf32>
        %get3A_542 = arith.index_cast %scan3A_296 : i32 to index
        %get3A_543 = arith.constant 144 : index
        %get3A_544 = tpu.vector_load %arg8[%get3A_542, %get3A_543] {strides = array<i32>} : memref<40x256xf32, #tpu.memory_space<vmem>>, vector<1x16xf32>,
        %get3A_545 = vector.shape_cast %get3A_544 : vector<1x16xf32> to vector<16xf32>
        %add3A_546 = arith.addf %get3A_541, %get3A_545 : vector<16xf32>
        %get3A_547 = arith.index_cast %scan3A_296 : i32 to index
        %get3A_548 = arith.constant 144 : index
        %get3A_549 = tpu.vector_load %arg10[%get3A_547, %get3A_548] {strides = array<i32>} : memref<40x256xf32, #tpu.memory_space<vmem>>, vector<1x16xf32>,
        %get3A_550 = vector.shape_cast %get3A_549 : vector<1x16xf32> to vector<16xf32>
        %add3A_551 = arith.addf %add3A_546, %get3A_550 : vector<16xf32>
        %get3A_552 = arith.index_cast %scan3A_296 : i32 to index
        %get3A_553 = arith.constant 144 : index
        %get3A_554 = tpu.vector_load %arg12[%get3A_552, %get3A_553] {strides = array<i32>} : memref<40x256xf32, #tpu.memory_space<vmem>>, vector<1x16xf32>,
        %get3A_555 = vector.shape_cast %get3A_554 : vector<1x16xf32> to vector<16xf32>
        %add3A_556 = arith.addf %add3A_551, %get3A_555 : vector<16xf32>
        %mul3A_557 = arith.constant 2.500000e-01 : f32
        %mul3A_558 = vector.broadcast %mul3A_557 : f32 to vector<16xf32>
        %mul3A_559 = arith.mulf %add3A_556, %mul3A_558 : vector<16xf32>
        %swap3A_560 = arith.index_cast %scan3A_296 : i32 to index
        %swap3A_561 = arith.constant 144 : index
        %swap3A_562 = tpu.vector_load %arg14[%swap3A_560, %swap3A_561] {strides = array<i32>} : memref<40x256xf32, #tpu.memory_space<vmem>>, vector<1x16xf32>,
        %swap3A_563 = vector.shape_cast %swap3A_562 : vector<1x16xf32> to vector<16xf32>
        %swap3A_564 = vector.shape_cast %mul3A_559 : vector<16xf32> to vector<1x16xf32>
        tpu.vector_store %arg14[%swap3A_560, %swap3A_561], %swap3A_564 {strides = array<i32>} : memref<40x256xf32, #tpu.memory_space<vmem>>, vector<1x16xf32>,
        %get3A_565 = arith.index_cast %scan3A_296 : i32 to index
        %get3A_566 = arith.constant 160 : index
        %get3A_567 = tpu.vector_load %arg14[%get3A_565, %get3A_566] {strides = array<i32>} : memref<40x256xf32, #tpu.memory_space<vmem>>, vector<1x16xf32>,
        %get3A_568 = vector.shape_cast %get3A_567 : vector<1x16xf32> to vector<16xf32>
        %get3A_569 = arith.index_cast %scan3A_296 : i32 to index
        %get3A_570 = arith.constant 160 : index
        %get3A_571 = tpu.vector_load %arg8[%get3A_569, %get3A_570] {strides = array<i32>} : memref<40x256xf32, #tpu.memory_space<vmem>>, vector<1x16xf32>,
        %get3A_572 = vector.shape_cast %get3A_571 : vector<1x16xf32> to vector<16xf32>
        %add3A_573 = arith.addf %get3A_568, %get3A_572 : vector<16xf32>
        %get3A_574 = arith.index_cast %scan3A_296 : i32 to index
        %get3A_575 = arith.constant 160 : index
        %get3A_576 = tpu.vector_load %arg10[%get3A_574, %get3A_575] {strides = array<i32>} : memref<40x256xf32, #tpu.memory_space<vmem>>, vector<1x16xf32>,
        %get3A_577 = vector.shape_cast %get3A_576 : vector<1x16xf32> to vector<16xf32>
        %add3A_578 = arith.addf %add3A_573, %get3A_577 : vector<16xf32>
        %get3A_579 = arith.index_cast %scan3A_296 : i32 to index
        %get3A_580 = arith.constant 160 : index
        %get3A_581 = tpu.vector_load %arg12[%get3A_579, %get3A_580] {strides = array<i32>} : memref<40x256xf32, #tpu.memory_space<vmem>>, vector<1x16xf32>,
        %get3A_582 = vector.shape_cast %get3A_581 : vector<1x16xf32> to vector<16xf32>
        %add3A_583 = arith.addf %add3A_578, %get3A_582 : vector<16xf32>
        %mul3A_584 = arith.constant 2.500000e-01 : f32
        %mul3A_585 = vector.broadcast %mul3A_584 : f32 to vector<16xf32>
        %mul3A_586 = arith.mulf %add3A_583, %mul3A_585 : vector<16xf32>
        %swap3A_587 = arith.index_cast %scan3A_296 : i32 to index
        %swap3A_588 = arith.constant 160 : index
        %swap3A_589 = tpu.vector_load %arg14[%swap3A_587, %swap3A_588] {strides = array<i32>} : memref<40x256xf32, #tpu.memory_space<vmem>>, vector<1x16xf32>,
        %swap3A_590 = vector.shape_cast %swap3A_589 : vector<1x16xf32> to vector<16xf32>
        %swap3A_591 = vector.shape_cast %mul3A_586 : vector<16xf32> to vector<1x16xf32>
        tpu.vector_store %arg14[%swap3A_587, %swap3A_588], %swap3A_591 {strides = array<i32>} : memref<40x256xf32, #tpu.memory_space<vmem>>, vector<1x16xf32>,
        %get3A_592 = arith.index_cast %scan3A_296 : i32 to index
        %get3A_593 = arith.constant 176 : index
        %get3A_594 = tpu.vector_load %arg14[%get3A_592, %get3A_593] {strides = array<i32>} : memref<40x256xf32, #tpu.memory_space<vmem>>, vector<1x16xf32>,
        %get3A_595 = vector.shape_cast %get3A_594 : vector<1x16xf32> to vector<16xf32>
        %get3A_596 = arith.index_cast %scan3A_296 : i32 to index
        %get3A_597 = arith.constant 176 : index
        %get3A_598 = tpu.vector_load %arg8[%get3A_596, %get3A_597] {strides = array<i32>} : memref<40x256xf32, #tpu.memory_space<vmem>>, vector<1x16xf32>,
        %get3A_599 = vector.shape_cast %get3A_598 : vector<1x16xf32> to vector<16xf32>
        %add3A_600 = arith.addf %get3A_595, %get3A_599 : vector<16xf32>
        %get3A_601 = arith.index_cast %scan3A_296 : i32 to index
        %get3A_602 = arith.constant 176 : index
        %get3A_603 = tpu.vector_load %arg10[%get3A_601, %get3A_602] {strides = array<i32>} : memref<40x256xf32, #tpu.memory_space<vmem>>, vector<1x16xf32>,
        %get3A_604 = vector.shape_cast %get3A_603 : vector<1x16xf32> to vector<16xf32>
        %add3A_605 = arith.addf %add3A_600, %get3A_604 : vector<16xf32>
        %get3A_606 = arith.index_cast %scan3A_296 : i32 to index
        %get3A_607 = arith.constant 176 : index
        %get3A_608 = tpu.vector_load %arg12[%get3A_606, %get3A_607] {strides = array<i32>} : memref<40x256xf32, #tpu.memory_space<vmem>>, vector<1x16xf32>,
        %get3A_609 = vector.shape_cast %get3A_608 : vector<1x16xf32> to vector<16xf32>
        %add3A_610 = arith.addf %add3A_605, %get3A_609 : vector<16xf32>
        %mul3A_611 = arith.constant 2.500000e-01 : f32
        %mul3A_612 = vector.broadcast %mul3A_611 : f32 to vector<16xf32>
        %mul3A_613 = arith.mulf %add3A_610, %mul3A_612 : vector<16xf32>
        %swap3A_614 = arith.index_cast %scan3A_296 : i32 to index
        %swap3A_615 = arith.constant 176 : index
        %swap3A_616 = tpu.vector_load %arg14[%swap3A_614, %swap3A_615] {strides = array<i32>} : memref<40x256xf32, #tpu.memory_space<vmem>>, vector<1x16xf32>,
        %swap3A_617 = vector.shape_cast %swap3A_616 : vector<1x16xf32> to vector<16xf32>
        %swap3A_618 = vector.shape_cast %mul3A_613 : vector<16xf32> to vector<1x16xf32>
        tpu.vector_store %arg14[%swap3A_614, %swap3A_615], %swap3A_618 {strides = array<i32>} : memref<40x256xf32, #tpu.memory_space<vmem>>, vector<1x16xf32>,
        %get3A_619 = arith.index_cast %scan3A_296 : i32 to index
        %get3A_620 = arith.constant 192 : index
        %get3A_621 = tpu.vector_load %arg14[%get3A_619, %get3A_620] {strides = array<i32>} : memref<40x256xf32, #tpu.memory_space<vmem>>, vector<1x16xf32>,
        %get3A_622 = vector.shape_cast %get3A_621 : vector<1x16xf32> to vector<16xf32>
        %get3A_623 = arith.index_cast %scan3A_296 : i32 to index
        %get3A_624 = arith.constant 192 : index
        %get3A_625 = tpu.vector_load %arg8[%get3A_623, %get3A_624] {strides = array<i32>} : memref<40x256xf32, #tpu.memory_space<vmem>>, vector<1x16xf32>,
        %get3A_626 = vector.shape_cast %get3A_625 : vector<1x16xf32> to vector<16xf32>
        %add3A_627 = arith.addf %get3A_622, %get3A_626 : vector<16xf32>
        %get3A_628 = arith.index_cast %scan3A_296 : i32 to index
        %get3A_629 = arith.constant 192 : index
        %get3A_630 = tpu.vector_load %arg10[%get3A_628, %get3A_629] {strides = array<i32>} : memref<40x256xf32, #tpu.memory_space<vmem>>, vector<1x16xf32>,
        %get3A_631 = vector.shape_cast %get3A_630 : vector<1x16xf32> to vector<16xf32>
        %add3A_632 = arith.addf %add3A_627, %get3A_631 : vector<16xf32>
        %get3A_633 = arith.index_cast %scan3A_296 : i32 to index
        %get3A_634 = arith.constant 192 : index
        %get3A_635 = tpu.vector_load %arg12[%get3A_633, %get3A_634] {strides = array<i32>} : memref<40x256xf32, #tpu.memory_space<vmem>>, vector<1x16xf32>,
        %get3A_636 = vector.shape_cast %get3A_635 : vector<1x16xf32> to vector<16xf32>
        %add3A_637 = arith.addf %add3A_632, %get3A_636 : vector<16xf32>
        %mul3A_638 = arith.constant 2.500000e-01 : f32
        %mul3A_639 = vector.broadcast %mul3A_638 : f32 to vector<16xf32>
        %mul3A_640 = arith.mulf %add3A_637, %mul3A_639 : vector<16xf32>
        %swap3A_641 = arith.index_cast %scan3A_296 : i32 to index
        %swap3A_642 = arith.constant 192 : index
        %swap3A_643 = tpu.vector_load %arg14[%swap3A_641, %swap3A_642] {strides = array<i32>} : memref<40x256xf32, #tpu.memory_space<vmem>>, vector<1x16xf32>,
        %swap3A_644 = vector.shape_cast %swap3A_643 : vector<1x16xf32> to vector<16xf32>
        %swap3A_645 = vector.shape_cast %mul3A_640 : vector<16xf32> to vector<1x16xf32>
        tpu.vector_store %arg14[%swap3A_641, %swap3A_642], %swap3A_645 {strides = array<i32>} : memref<40x256xf32, #tpu.memory_space<vmem>>, vector<1x16xf32>,
        %get3A_646 = arith.index_cast %scan3A_296 : i32 to index
        %get3A_647 = arith.constant 208 : index
        %get3A_648 = tpu.vector_load %arg14[%get3A_646, %get3A_647] {strides = array<i32>} : memref<40x256xf32, #tpu.memory_space<vmem>>, vector<1x16xf32>,
        %get3A_649 = vector.shape_cast %get3A_648 : vector<1x16xf32> to vector<16xf32>
        %get3A_650 = arith.index_cast %scan3A_296 : i32 to index
        %get3A_651 = arith.constant 208 : index
        %get3A_652 = tpu.vector_load %arg8[%get3A_650, %get3A_651] {strides = array<i32>} : memref<40x256xf32, #tpu.memory_space<vmem>>, vector<1x16xf32>,
        %get3A_653 = vector.shape_cast %get3A_652 : vector<1x16xf32> to vector<16xf32>
        %add3A_654 = arith.addf %get3A_649, %get3A_653 : vector<16xf32>
        %get3A_655 = arith.index_cast %scan3A_296 : i32 to index
        %get3A_656 = arith.constant 208 : index
        %get3A_657 = tpu.vector_load %arg10[%get3A_655, %get3A_656] {strides = array<i32>} : memref<40x256xf32, #tpu.memory_space<vmem>>, vector<1x16xf32>,
        %get3A_658 = vector.shape_cast %get3A_657 : vector<1x16xf32> to vector<16xf32>
        %add3A_659 = arith.addf %add3A_654, %get3A_658 : vector<16xf32>
        %get3A_660 = arith.index_cast %scan3A_296 : i32 to index
        %get3A_661 = arith.constant 208 : index
        %get3A_662 = tpu.vector_load %arg12[%get3A_660, %get3A_661] {strides = array<i32>} : memref<40x256xf32, #tpu.memory_space<vmem>>, vector<1x16xf32>,
        %get3A_663 = vector.shape_cast %get3A_662 : vector<1x16xf32> to vector<16xf32>
        %add3A_664 = arith.addf %add3A_659, %get3A_663 : vector<16xf32>
        %mul3A_665 = arith.constant 2.500000e-01 : f32
        %mul3A_666 = vector.broadcast %mul3A_665 : f32 to vector<16xf32>
        %mul3A_667 = arith.mulf %add3A_664, %mul3A_666 : vector<16xf32>
        %swap3A_668 = arith.index_cast %scan3A_296 : i32 to index
        %swap3A_669 = arith.constant 208 : index
        %swap3A_670 = tpu.vector_load %arg14[%swap3A_668, %swap3A_669] {strides = array<i32>} : memref<40x256xf32, #tpu.memory_space<vmem>>, vector<1x16xf32>,
        %swap3A_671 = vector.shape_cast %swap3A_670 : vector<1x16xf32> to vector<16xf32>
        %swap3A_672 = vector.shape_cast %mul3A_667 : vector<16xf32> to vector<1x16xf32>
        tpu.vector_store %arg14[%swap3A_668, %swap3A_669], %swap3A_672 {strides = array<i32>} : memref<40x256xf32, #tpu.memory_space<vmem>>, vector<1x16xf32>,
        %get3A_673 = arith.index_cast %scan3A_296 : i32 to index
        %get3A_674 = arith.constant 224 : index
        %get3A_675 = tpu.vector_load %arg14[%get3A_673, %get3A_674] {strides = array<i32>} : memref<40x256xf32, #tpu.memory_space<vmem>>, vector<1x16xf32>,
        %get3A_676 = vector.shape_cast %get3A_675 : vector<1x16xf32> to vector<16xf32>
        %get3A_677 = arith.index_cast %scan3A_296 : i32 to index
        %get3A_678 = arith.constant 224 : index
        %get3A_679 = tpu.vector_load %arg8[%get3A_677, %get3A_678] {strides = array<i32>} : memref<40x256xf32, #tpu.memory_space<vmem>>, vector<1x16xf32>,
        %get3A_680 = vector.shape_cast %get3A_679 : vector<1x16xf32> to vector<16xf32>
        %add3A_681 = arith.addf %get3A_676, %get3A_680 : vector<16xf32>
        %get3A_682 = arith.index_cast %scan3A_296 : i32 to index
        %get3A_683 = arith.constant 224 : index
        %get3A_684 = tpu.vector_load %arg10[%get3A_682, %get3A_683] {strides = array<i32>} : memref<40x256xf32, #tpu.memory_space<vmem>>, vector<1x16xf32>,
        %get3A_685 = vector.shape_cast %get3A_684 : vector<1x16xf32> to vector<16xf32>
        %add3A_686 = arith.addf %add3A_681, %get3A_685 : vector<16xf32>
        %get3A_687 = arith.index_cast %scan3A_296 : i32 to index
        %get3A_688 = arith.constant 224 : index
        %get3A_689 = tpu.vector_load %arg12[%get3A_687, %get3A_688] {strides = array<i32>} : memref<40x256xf32, #tpu.memory_space<vmem>>, vector<1x16xf32>,
        %get3A_690 = vector.shape_cast %get3A_689 : vector<1x16xf32> to vector<16xf32>
        %add3A_691 = arith.addf %add3A_686, %get3A_690 : vector<16xf32>
        %mul3A_692 = arith.constant 2.500000e-01 : f32
        %mul3A_693 = vector.broadcast %mul3A_692 : f32 to vector<16xf32>
        %mul3A_694 = arith.mulf %add3A_691, %mul3A_693 : vector<16xf32>
        %swap3A_695 = arith.index_cast %scan3A_296 : i32 to index
        %swap3A_696 = arith.constant 224 : index
        %swap3A_697 = tpu.vector_load %arg14[%swap3A_695, %swap3A_696] {strides = array<i32>} : memref<40x256xf32, #tpu.memory_space<vmem>>, vector<1x16xf32>,
        %swap3A_698 = vector.shape_cast %swap3A_697 : vector<1x16xf32> to vector<16xf32>
        %swap3A_699 = vector.shape_cast %mul3A_694 : vector<16xf32> to vector<1x16xf32>
        tpu.vector_store %arg14[%swap3A_695, %swap3A_696], %swap3A_699 {strides = array<i32>} : memref<40x256xf32, #tpu.memory_space<vmem>>, vector<1x16xf32>,
        %get3A_700 = arith.index_cast %scan3A_296 : i32 to index
        %get3A_701 = arith.constant 240 : index
        %get3A_702 = tpu.vector_load %arg14[%get3A_700, %get3A_701] {strides = array<i32>} : memref<40x256xf32, #tpu.memory_space<vmem>>, vector<1x16xf32>,
        %get3A_703 = vector.shape_cast %get3A_702 : vector<1x16xf32> to vector<16xf32>
        %get3A_704 = arith.index_cast %scan3A_296 : i32 to index
        %get3A_705 = arith.constant 240 : index
        %get3A_706 = tpu.vector_load %arg8[%get3A_704, %get3A_705] {strides = array<i32>} : memref<40x256xf32, #tpu.memory_space<vmem>>, vector<1x16xf32>,
        %get3A_707 = vector.shape_cast %get3A_706 : vector<1x16xf32> to vector<16xf32>
        %add3A_708 = arith.addf %get3A_703, %get3A_707 : vector<16xf32>
        %get3A_709 = arith.index_cast %scan3A_296 : i32 to index
        %get3A_710 = arith.constant 240 : index
        %get3A_711 = tpu.vector_load %arg10[%get3A_709, %get3A_710] {strides = array<i32>} : memref<40x256xf32, #tpu.memory_space<vmem>>, vector<1x16xf32>,
        %get3A_712 = vector.shape_cast %get3A_711 : vector<1x16xf32> to vector<16xf32>
        %add3A_713 = arith.addf %add3A_708, %get3A_712 : vector<16xf32>
        %get3A_714 = arith.index_cast %scan3A_296 : i32 to index
        %get3A_715 = arith.constant 240 : index
        %get3A_716 = tpu.vector_load %arg12[%get3A_714, %get3A_715] {strides = array<i32>} : memref<40x256xf32, #tpu.memory_space<vmem>>, vector<1x16xf32>,
        %get3A_717 = vector.shape_cast %get3A_716 : vector<1x16xf32> to vector<16xf32>
        %add3A_718 = arith.addf %add3A_713, %get3A_717 : vector<16xf32>
        %mul3A_719 = arith.constant 2.500000e-01 : f32
        %mul3A_720 = vector.broadcast %mul3A_719 : f32 to vector<16xf32>
        %mul3A_721 = arith.mulf %add3A_718, %mul3A_720 : vector<16xf32>
        %swap3A_722 = arith.index_cast %scan3A_296 : i32 to index
        %swap3A_723 = arith.constant 240 : index
        %swap3A_724 = tpu.vector_load %arg14[%swap3A_722, %swap3A_723] {strides = array<i32>} : memref<40x256xf32, #tpu.memory_space<vmem>>, vector<1x16xf32>,
        %swap3A_725 = vector.shape_cast %swap3A_724 : vector<1x16xf32> to vector<16xf32>
        %swap3A_726 = vector.shape_cast %mul3A_721 : vector<16xf32> to vector<1x16xf32>
        tpu.vector_store %arg14[%swap3A_722, %swap3A_723], %swap3A_726 {strides = array<i32>} : memref<40x256xf32, #tpu.memory_space<vmem>>, vector<1x16xf32>,
        %scan3A_727 = arith.constant 1 : i32
        %scan3A_728 = arith.addi %scan3A_296, %scan3A_727 : i32
        %get3A_729 = arith.index_cast %scan3A_728 : i32 to index
        %get3A_730 = arith.constant 0 : index
        %get3A_731 = tpu.vector_load %arg14[%get3A_729, %get3A_730] {strides = array<i32>} : memref<40x256xf32, #tpu.memory_space<vmem>>, vector<1x16xf32>,
        %get3A_732 = vector.shape_cast %get3A_731 : vector<1x16xf32> to vector<16xf32>
        %get3A_733 = arith.index_cast %scan3A_728 : i32 to index
        %get3A_734 = arith.constant 0 : index
        %get3A_735 = tpu.vector_load %arg8[%get3A_733, %get3A_734] {strides = array<i32>} : memref<40x256xf32, #tpu.memory_space<vmem>>, vector<1x16xf32>,
        %get3A_736 = vector.shape_cast %get3A_735 : vector<1x16xf32> to vector<16xf32>
        %add3A_737 = arith.addf %get3A_732, %get3A_736 : vector<16xf32>
        %get3A_738 = arith.index_cast %scan3A_728 : i32 to index
        %get3A_739 = arith.constant 0 : index
        %get3A_740 = tpu.vector_load %arg10[%get3A_738, %get3A_739] {strides = array<i32>} : memref<40x256xf32, #tpu.memory_space<vmem>>, vector<1x16xf32>,
        %get3A_741 = vector.shape_cast %get3A_740 : vector<1x16xf32> to vector<16xf32>
        %add3A_742 = arith.addf %add3A_737, %get3A_741 : vector<16xf32>
        %get3A_743 = arith.index_cast %scan3A_728 : i32 to index
        %get3A_744 = arith.constant 0 : index
        %get3A_745 = tpu.vector_load %arg12[%get3A_743, %get3A_744] {strides = array<i32>} : memref<40x256xf32, #tpu.memory_space<vmem>>, vector<1x16xf32>,
        %get3A_746 = vector.shape_cast %get3A_745 : vector<1x16xf32> to vector<16xf32>
        %add3A_747 = arith.addf %add3A_742, %get3A_746 : vector<16xf32>
        %mul3A_748 = arith.constant 2.500000e-01 : f32
        %mul3A_749 = vector.broadcast %mul3A_748 : f32 to vector<16xf32>
        %mul3A_750 = arith.mulf %add3A_747, %mul3A_749 : vector<16xf32>
        %swap3A_751 = arith.index_cast %scan3A_728 : i32 to index
        %swap3A_752 = arith.constant 0 : index
        %swap3A_753 = tpu.vector_load %arg14[%swap3A_751, %swap3A_752] {strides = array<i32>} : memref<40x256xf32, #tpu.memory_space<vmem>>, vector<1x16xf32>,
        %swap3A_754 = vector.shape_cast %swap3A_753 : vector<1x16xf32> to vector<16xf32>
        %swap3A_755 = vector.shape_cast %mul3A_750 : vector<16xf32> to vector<1x16xf32>
        tpu.vector_store %arg14[%swap3A_751, %swap3A_752], %swap3A_755 {strides = array<i32>} : memref<40x256xf32, #tpu.memory_space<vmem>>, vector<1x16xf32>,
        %get3A_756 = arith.index_cast %scan3A_728 : i32 to index
        %get3A_757 = arith.constant 16 : index
        %get3A_758 = tpu.vector_load %arg14[%get3A_756, %get3A_757] {strides = array<i32>} : memref<40x256xf32, #tpu.memory_space<vmem>>, vector<1x16xf32>,
        %get3A_759 = vector.shape_cast %get3A_758 : vector<1x16xf32> to vector<16xf32>
        %get3A_760 = arith.index_cast %scan3A_728 : i32 to index
        %get3A_761 = arith.constant 16 : index
        %get3A_762 = tpu.vector_load %arg8[%get3A_760, %get3A_761] {strides = array<i32>} : memref<40x256xf32, #tpu.memory_space<vmem>>, vector<1x16xf32>,
        %get3A_763 = vector.shape_cast %get3A_762 : vector<1x16xf32> to vector<16xf32>
        %add3A_764 = arith.addf %get3A_759, %get3A_763 : vector<16xf32>
        %get3A_765 = arith.index_cast %scan3A_728 : i32 to index
        %get3A_766 = arith.constant 16 : index
        %get3A_767 = tpu.vector_load %arg10[%get3A_765, %get3A_766] {strides = array<i32>} : memref<40x256xf32, #tpu.memory_space<vmem>>, vector<1x16xf32>,
        %get3A_768 = vector.shape_cast %get3A_767 : vector<1x16xf32> to vector<16xf32>
        %add3A_769 = arith.addf %add3A_764, %get3A_768 : vector<16xf32>
        %get3A_770 = arith.index_cast %scan3A_728 : i32 to index
        %get3A_771 = arith.constant 16 : index
        %get3A_772 = tpu.vector_load %arg12[%get3A_770, %get3A_771] {strides = array<i32>} : memref<40x256xf32, #tpu.memory_space<vmem>>, vector<1x16xf32>,
        %get3A_773 = vector.shape_cast %get3A_772 : vector<1x16xf32> to vector<16xf32>
        %add3A_774 = arith.addf %add3A_769, %get3A_773 : vector<16xf32>
        %mul3A_775 = arith.constant 2.500000e-01 : f32
        %mul3A_776 = vector.broadcast %mul3A_775 : f32 to vector<16xf32>
        %mul3A_777 = arith.mulf %add3A_774, %mul3A_776 : vector<16xf32>
        %swap3A_778 = arith.index_cast %scan3A_728 : i32 to index
        %swap3A_779 = arith.constant 16 : index
        %swap3A_780 = tpu.vector_load %arg14[%swap3A_778, %swap3A_779] {strides = array<i32>} : memref<40x256xf32, #tpu.memory_space<vmem>>, vector<1x16xf32>,
        %swap3A_781 = vector.shape_cast %swap3A_780 : vector<1x16xf32> to vector<16xf32>
        %swap3A_782 = vector.shape_cast %mul3A_777 : vector<16xf32> to vector<1x16xf32>
        tpu.vector_store %arg14[%swap3A_778, %swap3A_779], %swap3A_782 {strides = array<i32>} : memref<40x256xf32, #tpu.memory_space<vmem>>, vector<1x16xf32>,
        %get3A_783 = arith.index_cast %scan3A_728 : i32 to index
        %get3A_784 = arith.constant 32 : index
        %get3A_785 = tpu.vector_load %arg14[%get3A_783, %get3A_784] {strides = array<i32>} : memref<40x256xf32, #tpu.memory_space<vmem>>, vector<1x16xf32>,
        %get3A_786 = vector.shape_cast %get3A_785 : vector<1x16xf32> to vector<16xf32>
        %get3A_787 = arith.index_cast %scan3A_728 : i32 to index
        %get3A_788 = arith.constant 32 : index
        %get3A_789 = tpu.vector_load %arg8[%get3A_787, %get3A_788] {strides = array<i32>} : memref<40x256xf32, #tpu.memory_space<vmem>>, vector<1x16xf32>,
        %get3A_790 = vector.shape_cast %get3A_789 : vector<1x16xf32> to vector<16xf32>
        %add3A_791 = arith.addf %get3A_786, %get3A_790 : vector<16xf32>
        %get3A_792 = arith.index_cast %scan3A_728 : i32 to index
        %get3A_793 = arith.constant 32 : index
        %get3A_794 = tpu.vector_load %arg10[%get3A_792, %get3A_793] {strides = array<i32>} : memref<40x256xf32, #tpu.memory_space<vmem>>, vector<1x16xf32>,
        %get3A_795 = vector.shape_cast %get3A_794 : vector<1x16xf32> to vector<16xf32>
        %add3A_796 = arith.addf %add3A_791, %get3A_795 : vector<16xf32>
        %get3A_797 = arith.index_cast %scan3A_728 : i32 to index
        %get3A_798 = arith.constant 32 : index
        %get3A_799 = tpu.vector_load %arg12[%get3A_797, %get3A_798] {strides = array<i32>} : memref<40x256xf32, #tpu.memory_space<vmem>>, vector<1x16xf32>,
        %get3A_800 = vector.shape_cast %get3A_799 : vector<1x16xf32> to vector<16xf32>
        %add3A_801 = arith.addf %add3A_796, %get3A_800 : vector<16xf32>
        %mul3A_802 = arith.constant 2.500000e-01 : f32
        %mul3A_803 = vector.broadcast %mul3A_802 : f32 to vector<16xf32>
        %mul3A_804 = arith.mulf %add3A_801, %mul3A_803 : vector<16xf32>
        %swap3A_805 = arith.index_cast %scan3A_728 : i32 to index
        %swap3A_806 = arith.constant 32 : index
        %swap3A_807 = tpu.vector_load %arg14[%swap3A_805, %swap3A_806] {strides = array<i32>} : memref<40x256xf32, #tpu.memory_space<vmem>>, vector<1x16xf32>,
        %swap3A_808 = vector.shape_cast %swap3A_807 : vector<1x16xf32> to vector<16xf32>
        %swap3A_809 = vector.shape_cast %mul3A_804 : vector<16xf32> to vector<1x16xf32>
        tpu.vector_store %arg14[%swap3A_805, %swap3A_806], %swap3A_809 {strides = array<i32>} : memref<40x256xf32, #tpu.memory_space<vmem>>, vector<1x16xf32>,
        %get3A_810 = arith.index_cast %scan3A_728 : i32 to index
        %get3A_811 = arith.constant 48 : index
        %get3A_812 = tpu.vector_load %arg14[%get3A_810, %get3A_811] {strides = array<i32>} : memref<40x256xf32, #tpu.memory_space<vmem>>, vector<1x16xf32>,
        %get3A_813 = vector.shape_cast %get3A_812 : vector<1x16xf32> to vector<16xf32>
        %get3A_814 = arith.index_cast %scan3A_728 : i32 to index
        %get3A_815 = arith.constant 48 : index
        %get3A_816 = tpu.vector_load %arg8[%get3A_814, %get3A_815] {strides = array<i32>} : memref<40x256xf32, #tpu.memory_space<vmem>>, vector<1x16xf32>,
        %get3A_817 = vector.shape_cast %get3A_816 : vector<1x16xf32> to vector<16xf32>
        %add3A_818 = arith.addf %get3A_813, %get3A_817 : vector<16xf32>
        %get3A_819 = arith.index_cast %scan3A_728 : i32 to index
        %get3A_820 = arith.constant 48 : index
        %get3A_821 = tpu.vector_load %arg10[%get3A_819, %get3A_820] {strides = array<i32>} : memref<40x256xf32, #tpu.memory_space<vmem>>, vector<1x16xf32>,
        %get3A_822 = vector.shape_cast %get3A_821 : vector<1x16xf32> to vector<16xf32>
        %add3A_823 = arith.addf %add3A_818, %get3A_822 : vector<16xf32>
        %get3A_824 = arith.index_cast %scan3A_728 : i32 to index
        %get3A_825 = arith.constant 48 : index
        %get3A_826 = tpu.vector_load %arg12[%get3A_824, %get3A_825] {strides = array<i32>} : memref<40x256xf32, #tpu.memory_space<vmem>>, vector<1x16xf32>,
        %get3A_827 = vector.shape_cast %get3A_826 : vector<1x16xf32> to vector<16xf32>
        %add3A_828 = arith.addf %add3A_823, %get3A_827 : vector<16xf32>
        %mul3A_829 = arith.constant 2.500000e-01 : f32
        %mul3A_830 = vector.broadcast %mul3A_829 : f32 to vector<16xf32>
        %mul3A_831 = arith.mulf %add3A_828, %mul3A_830 : vector<16xf32>
        %swap3A_832 = arith.index_cast %scan3A_728 : i32 to index
        %swap3A_833 = arith.constant 48 : index
        %swap3A_834 = tpu.vector_load %arg14[%swap3A_832, %swap3A_833] {strides = array<i32>} : memref<40x256xf32, #tpu.memory_space<vmem>>, vector<1x16xf32>,
        %swap3A_835 = vector.shape_cast %swap3A_834 : vector<1x16xf32> to vector<16xf32>
        %swap3A_836 = vector.shape_cast %mul3A_831 : vector<16xf32> to vector<1x16xf32>
        tpu.vector_store %arg14[%swap3A_832, %swap3A_833], %swap3A_836 {strides = array<i32>} : memref<40x256xf32, #tpu.memory_space<vmem>>, vector<1x16xf32>,
        %get3A_837 = arith.index_cast %scan3A_728 : i32 to index
        %get3A_838 = arith.constant 64 : index
        %get3A_839 = tpu.vector_load %arg14[%get3A_837, %get3A_838] {strides = array<i32>} : memref<40x256xf32, #tpu.memory_space<vmem>>, vector<1x16xf32>,
        %get3A_840 = vector.shape_cast %get3A_839 : vector<1x16xf32> to vector<16xf32>
        %get3A_841 = arith.index_cast %scan3A_728 : i32 to index
        %get3A_842 = arith.constant 64 : index
        %get3A_843 = tpu.vector_load %arg8[%get3A_841, %get3A_842] {strides = array<i32>} : memref<40x256xf32, #tpu.memory_space<vmem>>, vector<1x16xf32>,
        %get3A_844 = vector.shape_cast %get3A_843 : vector<1x16xf32> to vector<16xf32>
        %add3A_845 = arith.addf %get3A_840, %get3A_844 : vector<16xf32>
        %get3A_846 = arith.index_cast %scan3A_728 : i32 to index
        %get3A_847 = arith.constant 64 : index
        %get3A_848 = tpu.vector_load %arg10[%get3A_846, %get3A_847] {strides = array<i32>} : memref<40x256xf32, #tpu.memory_space<vmem>>, vector<1x16xf32>,
        %get3A_849 = vector.shape_cast %get3A_848 : vector<1x16xf32> to vector<16xf32>
        %add3A_850 = arith.addf %add3A_845, %get3A_849 : vector<16xf32>
        %get3A_851 = arith.index_cast %scan3A_728 : i32 to index
        %get3A_852 = arith.constant 64 : index
        %get3A_853 = tpu.vector_load %arg12[%get3A_851, %get3A_852] {strides = array<i32>} : memref<40x256xf32, #tpu.memory_space<vmem>>, vector<1x16xf32>,
        %get3A_854 = vector.shape_cast %get3A_853 : vector<1x16xf32> to vector<16xf32>
        %add3A_855 = arith.addf %add3A_850, %get3A_854 : vector<16xf32>
        %mul3A_856 = arith.constant 2.500000e-01 : f32
        %mul3A_857 = vector.broadcast %mul3A_856 : f32 to vector<16xf32>
        %mul3A_858 = arith.mulf %add3A_855, %mul3A_857 : vector<16xf32>
        %swap3A_859 = arith.index_cast %scan3A_728 : i32 to index
        %swap3A_860 = arith.constant 64 : index
        %swap3A_861 = tpu.vector_load %arg14[%swap3A_859, %swap3A_860] {strides = array<i32>} : memref<40x256xf32, #tpu.memory_space<vmem>>, vector<1x16xf32>,
        %swap3A_862 = vector.shape_cast %swap3A_861 : vector<1x16xf32> to vector<16xf32>
        %swap3A_863 = vector.shape_cast %mul3A_858 : vector<16xf32> to vector<1x16xf32>
        tpu.vector_store %arg14[%swap3A_859, %swap3A_860], %swap3A_863 {strides = array<i32>} : memref<40x256xf32, #tpu.memory_space<vmem>>, vector<1x16xf32>,
        %get3A_864 = arith.index_cast %scan3A_728 : i32 to index
        %get3A_865 = arith.constant 80 : index
        %get3A_866 = tpu.vector_load %arg14[%get3A_864, %get3A_865] {strides = array<i32>} : memref<40x256xf32, #tpu.memory_space<vmem>>, vector<1x16xf32>,
        %get3A_867 = vector.shape_cast %get3A_866 : vector<1x16xf32> to vector<16xf32>
        %get3A_868 = arith.index_cast %scan3A_728 : i32 to index
        %get3A_869 = arith.constant 80 : index
        %get3A_870 = tpu.vector_load %arg8[%get3A_868, %get3A_869] {strides = array<i32>} : memref<40x256xf32, #tpu.memory_space<vmem>>, vector<1x16xf32>,
        %get3A_871 = vector.shape_cast %get3A_870 : vector<1x16xf32> to vector<16xf32>
        %add3A_872 = arith.addf %get3A_867, %get3A_871 : vector<16xf32>
        %get3A_873 = arith.index_cast %scan3A_728 : i32 to index
        %get3A_874 = arith.constant 80 : index
        %get3A_875 = tpu.vector_load %arg10[%get3A_873, %get3A_874] {strides = array<i32>} : memref<40x256xf32, #tpu.memory_space<vmem>>, vector<1x16xf32>,
        %get3A_876 = vector.shape_cast %get3A_875 : vector<1x16xf32> to vector<16xf32>
        %add3A_877 = arith.addf %add3A_872, %get3A_876 : vector<16xf32>
        %get3A_878 = arith.index_cast %scan3A_728 : i32 to index
        %get3A_879 = arith.constant 80 : index
        %get3A_880 = tpu.vector_load %arg12[%get3A_878, %get3A_879] {strides = array<i32>} : memref<40x256xf32, #tpu.memory_space<vmem>>, vector<1x16xf32>,
        %get3A_881 = vector.shape_cast %get3A_880 : vector<1x16xf32> to vector<16xf32>
        %add3A_882 = arith.addf %add3A_877, %get3A_881 : vector<16xf32>
        %mul3A_883 = arith.constant 2.500000e-01 : f32
        %mul3A_884 = vector.broadcast %mul3A_883 : f32 to vector<16xf32>
        %mul3A_885 = arith.mulf %add3A_882, %mul3A_884 : vector<16xf32>
        %swap3A_886 = arith.index_cast %scan3A_728 : i32 to index
        %swap3A_887 = arith.constant 80 : index
        %swap3A_888 = tpu.vector_load %arg14[%swap3A_886, %swap3A_887] {strides = array<i32>} : memref<40x256xf32, #tpu.memory_space<vmem>>, vector<1x16xf32>,
        %swap3A_889 = vector.shape_cast %swap3A_888 : vector<1x16xf32> to vector<16xf32>
        %swap3A_890 = vector.shape_cast %mul3A_885 : vector<16xf32> to vector<1x16xf32>
        tpu.vector_store %arg14[%swap3A_886, %swap3A_887], %swap3A_890 {strides = array<i32>} : memref<40x256xf32, #tpu.memory_space<vmem>>, vector<1x16xf32>,
        %get3A_891 = arith.index_cast %scan3A_728 : i32 to index
        %get3A_892 = arith.constant 96 : index
        %get3A_893 = tpu.vector_load %arg14[%get3A_891, %get3A_892] {strides = array<i32>} : memref<40x256xf32, #tpu.memory_space<vmem>>, vector<1x16xf32>,
        %get3A_894 = vector.shape_cast %get3A_893 : vector<1x16xf32> to vector<16xf32>
        %get3A_895 = arith.index_cast %scan3A_728 : i32 to index
        %get3A_896 = arith.constant 96 : index
        %get3A_897 = tpu.vector_load %arg8[%get3A_895, %get3A_896] {strides = array<i32>} : memref<40x256xf32, #tpu.memory_space<vmem>>, vector<1x16xf32>,
        %get3A_898 = vector.shape_cast %get3A_897 : vector<1x16xf32> to vector<16xf32>
        %add3A_899 = arith.addf %get3A_894, %get3A_898 : vector<16xf32>
        %get3A_900 = arith.index_cast %scan3A_728 : i32 to index
        %get3A_901 = arith.constant 96 : index
        %get3A_902 = tpu.vector_load %arg10[%get3A_900, %get3A_901] {strides = array<i32>} : memref<40x256xf32, #tpu.memory_space<vmem>>, vector<1x16xf32>,
        %get3A_903 = vector.shape_cast %get3A_902 : vector<1x16xf32> to vector<16xf32>
        %add3A_904 = arith.addf %add3A_899, %get3A_903 : vector<16xf32>
        %get3A_905 = arith.index_cast %scan3A_728 : i32 to index
        %get3A_906 = arith.constant 96 : index
        %get3A_907 = tpu.vector_load %arg12[%get3A_905, %get3A_906] {strides = array<i32>} : memref<40x256xf32, #tpu.memory_space<vmem>>, vector<1x16xf32>,
        %get3A_908 = vector.shape_cast %get3A_907 : vector<1x16xf32> to vector<16xf32>
        %add3A_909 = arith.addf %add3A_904, %get3A_908 : vector<16xf32>
        %mul3A_910 = arith.constant 2.500000e-01 : f32
        %mul3A_911 = vector.broadcast %mul3A_910 : f32 to vector<16xf32>
        %mul3A_912 = arith.mulf %add3A_909, %mul3A_911 : vector<16xf32>
        %swap3A_913 = arith.index_cast %scan3A_728 : i32 to index
        %swap3A_914 = arith.constant 96 : index
        %swap3A_915 = tpu.vector_load %arg14[%swap3A_913, %swap3A_914] {strides = array<i32>} : memref<40x256xf32, #tpu.memory_space<vmem>>, vector<1x16xf32>,
        %swap3A_916 = vector.shape_cast %swap3A_915 : vector<1x16xf32> to vector<16xf32>
        %swap3A_917 = vector.shape_cast %mul3A_912 : vector<16xf32> to vector<1x16xf32>
        tpu.vector_store %arg14[%swap3A_913, %swap3A_914], %swap3A_917 {strides = array<i32>} : memref<40x256xf32, #tpu.memory_space<vmem>>, vector<1x16xf32>,
        %get3A_918 = arith.index_cast %scan3A_728 : i32 to index
        %get3A_919 = arith.constant 112 : index
        %get3A_920 = tpu.vector_load %arg14[%get3A_918, %get3A_919] {strides = array<i32>} : memref<40x256xf32, #tpu.memory_space<vmem>>, vector<1x16xf32>,
        %get3A_921 = vector.shape_cast %get3A_920 : vector<1x16xf32> to vector<16xf32>
        %get3A_922 = arith.index_cast %scan3A_728 : i32 to index
        %get3A_923 = arith.constant 112 : index
        %get3A_924 = tpu.vector_load %arg8[%get3A_922, %get3A_923] {strides = array<i32>} : memref<40x256xf32, #tpu.memory_space<vmem>>, vector<1x16xf32>,
        %get3A_925 = vector.shape_cast %get3A_924 : vector<1x16xf32> to vector<16xf32>
        %add3A_926 = arith.addf %get3A_921, %get3A_925 : vector<16xf32>
        %get3A_927 = arith.index_cast %scan3A_728 : i32 to index
        %get3A_928 = arith.constant 112 : index
        %get3A_929 = tpu.vector_load %arg10[%get3A_927, %get3A_928] {strides = array<i32>} : memref<40x256xf32, #tpu.memory_space<vmem>>, vector<1x16xf32>,
        %get3A_930 = vector.shape_cast %get3A_929 : vector<1x16xf32> to vector<16xf32>
        %add3A_931 = arith.addf %add3A_926, %get3A_930 : vector<16xf32>
        %get3A_932 = arith.index_cast %scan3A_728 : i32 to index
        %get3A_933 = arith.constant 112 : index
        %get3A_934 = tpu.vector_load %arg12[%get3A_932, %get3A_933] {strides = array<i32>} : memref<40x256xf32, #tpu.memory_space<vmem>>, vector<1x16xf32>,
        %get3A_935 = vector.shape_cast %get3A_934 : vector<1x16xf32> to vector<16xf32>
        %add3A_936 = arith.addf %add3A_931, %get3A_935 : vector<16xf32>
        %mul3A_937 = arith.constant 2.500000e-01 : f32
        %mul3A_938 = vector.broadcast %mul3A_937 : f32 to vector<16xf32>
        %mul3A_939 = arith.mulf %add3A_936, %mul3A_938 : vector<16xf32>
        %swap3A_940 = arith.index_cast %scan3A_728 : i32 to index
        %swap3A_941 = arith.constant 112 : index
        %swap3A_942 = tpu.vector_load %arg14[%swap3A_940, %swap3A_941] {strides = array<i32>} : memref<40x256xf32, #tpu.memory_space<vmem>>, vector<1x16xf32>,
        %swap3A_943 = vector.shape_cast %swap3A_942 : vector<1x16xf32> to vector<16xf32>
        %swap3A_944 = vector.shape_cast %mul3A_939 : vector<16xf32> to vector<1x16xf32>
        tpu.vector_store %arg14[%swap3A_940, %swap3A_941], %swap3A_944 {strides = array<i32>} : memref<40x256xf32, #tpu.memory_space<vmem>>, vector<1x16xf32>,
        %get3A_945 = arith.index_cast %scan3A_728 : i32 to index
        %get3A_946 = arith.constant 128 : index
        %get3A_947 = tpu.vector_load %arg14[%get3A_945, %get3A_946] {strides = array<i32>} : memref<40x256xf32, #tpu.memory_space<vmem>>, vector<1x16xf32>,
        %get3A_948 = vector.shape_cast %get3A_947 : vector<1x16xf32> to vector<16xf32>
        %get3A_949 = arith.index_cast %scan3A_728 : i32 to index
        %get3A_950 = arith.constant 128 : index
        %get3A_951 = tpu.vector_load %arg8[%get3A_949, %get3A_950] {strides = array<i32>} : memref<40x256xf32, #tpu.memory_space<vmem>>, vector<1x16xf32>,
        %get3A_952 = vector.shape_cast %get3A_951 : vector<1x16xf32> to vector<16xf32>
        %add3A_953 = arith.addf %get3A_948, %get3A_952 : vector<16xf32>
        %get3A_954 = arith.index_cast %scan3A_728 : i32 to index
        %get3A_955 = arith.constant 128 : index
        %get3A_956 = tpu.vector_load %arg10[%get3A_954, %get3A_955] {strides = array<i32>} : memref<40x256xf32, #tpu.memory_space<vmem>>, vector<1x16xf32>,
        %get3A_957 = vector.shape_cast %get3A_956 : vector<1x16xf32> to vector<16xf32>
        %add3A_958 = arith.addf %add3A_953, %get3A_957 : vector<16xf32>
        %get3A_959 = arith.index_cast %scan3A_728 : i32 to index
        %get3A_960 = arith.constant 128 : index
        %get3A_961 = tpu.vector_load %arg12[%get3A_959, %get3A_960] {strides = array<i32>} : memref<40x256xf32, #tpu.memory_space<vmem>>, vector<1x16xf32>,
        %get3A_962 = vector.shape_cast %get3A_961 : vector<1x16xf32> to vector<16xf32>
        %add3A_963 = arith.addf %add3A_958, %get3A_962 : vector<16xf32>
        %mul3A_964 = arith.constant 2.500000e-01 : f32
        %mul3A_965 = vector.broadcast %mul3A_964 : f32 to vector<16xf32>
        %mul3A_966 = arith.mulf %add3A_963, %mul3A_965 : vector<16xf32>
        %swap3A_967 = arith.index_cast %scan3A_728 : i32 to index
        %swap3A_968 = arith.constant 128 : index
        %swap3A_969 = tpu.vector_load %arg14[%swap3A_967, %swap3A_968] {strides = array<i32>} : memref<40x256xf32, #tpu.memory_space<vmem>>, vector<1x16xf32>,
        %swap3A_970 = vector.shape_cast %swap3A_969 : vector<1x16xf32> to vector<16xf32>
        %swap3A_971 = vector.shape_cast %mul3A_966 : vector<16xf32> to vector<1x16xf32>
        tpu.vector_store %arg14[%swap3A_967, %swap3A_968], %swap3A_971 {strides = array<i32>} : memref<40x256xf32, #tpu.memory_space<vmem>>, vector<1x16xf32>,
        %get3A_972 = arith.index_cast %scan3A_728 : i32 to index
        %get3A_973 = arith.constant 144 : index
        %get3A_974 = tpu.vector_load %arg14[%get3A_972, %get3A_973] {strides = array<i32>} : memref<40x256xf32, #tpu.memory_space<vmem>>, vector<1x16xf32>,
        %get3A_975 = vector.shape_cast %get3A_974 : vector<1x16xf32> to vector<16xf32>
        %get3A_976 = arith.index_cast %scan3A_728 : i32 to index
        %get3A_977 = arith.constant 144 : index
        %get3A_978 = tpu.vector_load %arg8[%get3A_976, %get3A_977] {strides = array<i32>} : memref<40x256xf32, #tpu.memory_space<vmem>>, vector<1x16xf32>,
        %get3A_979 = vector.shape_cast %get3A_978 : vector<1x16xf32> to vector<16xf32>
        %add3A_980 = arith.addf %get3A_975, %get3A_979 : vector<16xf32>
        %get3A_981 = arith.index_cast %scan3A_728 : i32 to index
        %get3A_982 = arith.constant 144 : index
        %get3A_983 = tpu.vector_load %arg10[%get3A_981, %get3A_982] {strides = array<i32>} : memref<40x256xf32, #tpu.memory_space<vmem>>, vector<1x16xf32>,
        %get3A_984 = vector.shape_cast %get3A_983 : vector<1x16xf32> to vector<16xf32>
        %add3A_985 = arith.addf %add3A_980, %get3A_984 : vector<16xf32>
        %get3A_986 = arith.index_cast %scan3A_728 : i32 to index
        %get3A_987 = arith.constant 144 : index
        %get3A_988 = tpu.vector_load %arg12[%get3A_986, %get3A_987] {strides = array<i32>} : memref<40x256xf32, #tpu.memory_space<vmem>>, vector<1x16xf32>,
        %get3A_989 = vector.shape_cast %get3A_988 : vector<1x16xf32> to vector<16xf32>
        %add3A_990 = arith.addf %add3A_985, %get3A_989 : vector<16xf32>
        %mul3A_991 = arith.constant 2.500000e-01 : f32
        %mul3A_992 = vector.broadcast %mul3A_991 : f32 to vector<16xf32>
        %mul3A_993 = arith.mulf %add3A_990, %mul3A_992 : vector<16xf32>
        %swap3A_994 = arith.index_cast %scan3A_728 : i32 to index
        %swap3A_995 = arith.constant 144 : index
        %swap3A_996 = tpu.vector_load %arg14[%swap3A_994, %swap3A_995] {strides = array<i32>} : memref<40x256xf32, #tpu.memory_space<vmem>>, vector<1x16xf32>,
        %swap3A_997 = vector.shape_cast %swap3A_996 : vector<1x16xf32> to vector<16xf32>
        %swap3A_998 = vector.shape_cast %mul3A_993 : vector<16xf32> to vector<1x16xf32>
        tpu.vector_store %arg14[%swap3A_994, %swap3A_995], %swap3A_998 {strides = array<i32>} : memref<40x256xf32, #tpu.memory_space<vmem>>, vector<1x16xf32>,
        %get3A_999 = arith.index_cast %scan3A_728 : i32 to index
        %get3A_1000 = arith.constant 160 : index
        %get3A_1001 = tpu.vector_load %arg14[%get3A_999, %get3A_1000] {strides = array<i32>} : memref<40x256xf32, #tpu.memory_space<vmem>>, vector<1x16xf32>,
        %get3A_1002 = vector.shape_cast %get3A_1001 : vector<1x16xf32> to vector<16xf32>
        %get3A_1003 = arith.index_cast %scan3A_728 : i32 to index
        %get3A_1004 = arith.constant 160 : index
        %get3A_1005 = tpu.vector_load %arg8[%get3A_1003, %get3A_1004] {strides = array<i32>} : memref<40x256xf32, #tpu.memory_space<vmem>>, vector<1x16xf32>,
        %get3A_1006 = vector.shape_cast %get3A_1005 : vector<1x16xf32> to vector<16xf32>
        %add3A_1007 = arith.addf %get3A_1002, %get3A_1006 : vector<16xf32>
        %get3A_1008 = arith.index_cast %scan3A_728 : i32 to index
        %get3A_1009 = arith.constant 160 : index
        %get3A_1010 = tpu.vector_load %arg10[%get3A_1008, %get3A_1009] {strides = array<i32>} : memref<40x256xf32, #tpu.memory_space<vmem>>, vector<1x16xf32>,
        %get3A_1011 = vector.shape_cast %get3A_1010 : vector<1x16xf32> to vector<16xf32>
        %add3A_1012 = arith.addf %add3A_1007, %get3A_1011 : vector<16xf32>
        %get3A_1013 = arith.index_cast %scan3A_728 : i32 to index
        %get3A_1014 = arith.constant 160 : index
        %get3A_1015 = tpu.vector_load %arg12[%get3A_1013, %get3A_1014] {strides = array<i32>} : memref<40x256xf32, #tpu.memory_space<vmem>>, vector<1x16xf32>,
        %get3A_1016 = vector.shape_cast %get3A_1015 : vector<1x16xf32> to vector<16xf32>
        %add3A_1017 = arith.addf %add3A_1012, %get3A_1016 : vector<16xf32>
        %mul3A_1018 = arith.constant 2.500000e-01 : f32
        %mul3A_1019 = vector.broadcast %mul3A_1018 : f32 to vector<16xf32>
        %mul3A_1020 = arith.mulf %add3A_1017, %mul3A_1019 : vector<16xf32>
        %swap3A_1021 = arith.index_cast %scan3A_728 : i32 to index
        %swap3A_1022 = arith.constant 160 : index
        %swap3A_1023 = tpu.vector_load %arg14[%swap3A_1021, %swap3A_1022] {strides = array<i32>} : memref<40x256xf32, #tpu.memory_space<vmem>>, vector<1x16xf32>,
        %swap3A_1024 = vector.shape_cast %swap3A_1023 : vector<1x16xf32> to vector<16xf32>
        %swap3A_1025 = vector.shape_cast %mul3A_1020 : vector<16xf32> to vector<1x16xf32>
        tpu.vector_store %arg14[%swap3A_1021, %swap3A_1022], %swap3A_1025 {strides = array<i32>} : memref<40x256xf32, #tpu.memory_space<vmem>>, vector<1x16xf32>,
        %get3A_1026 = arith.index_cast %scan3A_728 : i32 to index
        %get3A_1027 = arith.constant 176 : index
        %get3A_1028 = tpu.vector_load %arg14[%get3A_1026, %get3A_1027] {strides = array<i32>} : memref<40x256xf32, #tpu.memory_space<vmem>>, vector<1x16xf32>,
        %get3A_1029 = vector.shape_cast %get3A_1028 : vector<1x16xf32> to vector<16xf32>
        %get3A_1030 = arith.index_cast %scan3A_728 : i32 to index
        %get3A_1031 = arith.constant 176 : index
        %get3A_1032 = tpu.vector_load %arg8[%get3A_1030, %get3A_1031] {strides = array<i32>} : memref<40x256xf32, #tpu.memory_space<vmem>>, vector<1x16xf32>,
        %get3A_1033 = vector.shape_cast %get3A_1032 : vector<1x16xf32> to vector<16xf32>
        %add3A_1034 = arith.addf %get3A_1029, %get3A_1033 : vector<16xf32>
        %get3A_1035 = arith.index_cast %scan3A_728 : i32 to index
        %get3A_1036 = arith.constant 176 : index
        %get3A_1037 = tpu.vector_load %arg10[%get3A_1035, %get3A_1036] {strides = array<i32>} : memref<40x256xf32, #tpu.memory_space<vmem>>, vector<1x16xf32>,
        %get3A_1038 = vector.shape_cast %get3A_1037 : vector<1x16xf32> to vector<16xf32>
        %add3A_1039 = arith.addf %add3A_1034, %get3A_1038 : vector<16xf32>
        %get3A_1040 = arith.index_cast %scan3A_728 : i32 to index
        %get3A_1041 = arith.constant 176 : index
        %get3A_1042 = tpu.vector_load %arg12[%get3A_1040, %get3A_1041] {strides = array<i32>} : memref<40x256xf32, #tpu.memory_space<vmem>>, vector<1x16xf32>,
        %get3A_1043 = vector.shape_cast %get3A_1042 : vector<1x16xf32> to vector<16xf32>
        %add3A_1044 = arith.addf %add3A_1039, %get3A_1043 : vector<16xf32>
        %mul3A_1045 = arith.constant 2.500000e-01 : f32
        %mul3A_1046 = vector.broadcast %mul3A_1045 : f32 to vector<16xf32>
        %mul3A_1047 = arith.mulf %add3A_1044, %mul3A_1046 : vector<16xf32>
        %swap3A_1048 = arith.index_cast %scan3A_728 : i32 to index
        %swap3A_1049 = arith.constant 176 : index
        %swap3A_1050 = tpu.vector_load %arg14[%swap3A_1048, %swap3A_1049] {strides = array<i32>} : memref<40x256xf32, #tpu.memory_space<vmem>>, vector<1x16xf32>,
        %swap3A_1051 = vector.shape_cast %swap3A_1050 : vector<1x16xf32> to vector<16xf32>
        %swap3A_1052 = vector.shape_cast %mul3A_1047 : vector<16xf32> to vector<1x16xf32>
        tpu.vector_store %arg14[%swap3A_1048, %swap3A_1049], %swap3A_1052 {strides = array<i32>} : memref<40x256xf32, #tpu.memory_space<vmem>>, vector<1x16xf32>,
        %get3A_1053 = arith.index_cast %scan3A_728 : i32 to index
        %get3A_1054 = arith.constant 192 : index
        %get3A_1055 = tpu.vector_load %arg14[%get3A_1053, %get3A_1054] {strides = array<i32>} : memref<40x256xf32, #tpu.memory_space<vmem>>, vector<1x16xf32>,
        %get3A_1056 = vector.shape_cast %get3A_1055 : vector<1x16xf32> to vector<16xf32>
        %get3A_1057 = arith.index_cast %scan3A_728 : i32 to index
        %get3A_1058 = arith.constant 192 : index
        %get3A_1059 = tpu.vector_load %arg8[%get3A_1057, %get3A_1058] {strides = array<i32>} : memref<40x256xf32, #tpu.memory_space<vmem>>, vector<1x16xf32>,
        %get3A_1060 = vector.shape_cast %get3A_1059 : vector<1x16xf32> to vector<16xf32>
        %add3A_1061 = arith.addf %get3A_1056, %get3A_1060 : vector<16xf32>
        %get3A_1062 = arith.index_cast %scan3A_728 : i32 to index
        %get3A_1063 = arith.constant 192 : index
        %get3A_1064 = tpu.vector_load %arg10[%get3A_1062, %get3A_1063] {strides = array<i32>} : memref<40x256xf32, #tpu.memory_space<vmem>>, vector<1x16xf32>,
        %get3A_1065 = vector.shape_cast %get3A_1064 : vector<1x16xf32> to vector<16xf32>
        %add3A_1066 = arith.addf %add3A_1061, %get3A_1065 : vector<16xf32>
        %get3A_1067 = arith.index_cast %scan3A_728 : i32 to index
        %get3A_1068 = arith.constant 192 : index
        %get3A_1069 = tpu.vector_load %arg12[%get3A_1067, %get3A_1068] {strides = array<i32>} : memref<40x256xf32, #tpu.memory_space<vmem>>, vector<1x16xf32>,
        %get3A_1070 = vector.shape_cast %get3A_1069 : vector<1x16xf32> to vector<16xf32>
        %add3A_1071 = arith.addf %add3A_1066, %get3A_1070 : vector<16xf32>
        %mul3A_1072 = arith.constant 2.500000e-01 : f32
        %mul3A_1073 = vector.broadcast %mul3A_1072 : f32 to vector<16xf32>
        %mul3A_1074 = arith.mulf %add3A_1071, %mul3A_1073 : vector<16xf32>
        %swap3A_1075 = arith.index_cast %scan3A_728 : i32 to index
        %swap3A_1076 = arith.constant 192 : index
        %swap3A_1077 = tpu.vector_load %arg14[%swap3A_1075, %swap3A_1076] {strides = array<i32>} : memref<40x256xf32, #tpu.memory_space<vmem>>, vector<1x16xf32>,
        %swap3A_1078 = vector.shape_cast %swap3A_1077 : vector<1x16xf32> to vector<16xf32>
        %swap3A_1079 = vector.shape_cast %mul3A_1074 : vector<16xf32> to vector<1x16xf32>
        tpu.vector_store %arg14[%swap3A_1075, %swap3A_1076], %swap3A_1079 {strides = array<i32>} : memref<40x256xf32, #tpu.memory_space<vmem>>, vector<1x16xf32>,
        %get3A_1080 = arith.index_cast %scan3A_728 : i32 to index
        %get3A_1081 = arith.constant 208 : index
        %get3A_1082 = tpu.vector_load %arg14[%get3A_1080, %get3A_1081] {strides = array<i32>} : memref<40x256xf32, #tpu.memory_space<vmem>>, vector<1x16xf32>,
        %get3A_1083 = vector.shape_cast %get3A_1082 : vector<1x16xf32> to vector<16xf32>
        %get3A_1084 = arith.index_cast %scan3A_728 : i32 to index
        %get3A_1085 = arith.constant 208 : index
        %get3A_1086 = tpu.vector_load %arg8[%get3A_1084, %get3A_1085] {strides = array<i32>} : memref<40x256xf32, #tpu.memory_space<vmem>>, vector<1x16xf32>,
        %get3A_1087 = vector.shape_cast %get3A_1086 : vector<1x16xf32> to vector<16xf32>
        %add3A_1088 = arith.addf %get3A_1083, %get3A_1087 : vector<16xf32>
        %get3A_1089 = arith.index_cast %scan3A_728 : i32 to index
        %get3A_1090 = arith.constant 208 : index
        %get3A_1091 = tpu.vector_load %arg10[%get3A_1089, %get3A_1090] {strides = array<i32>} : memref<40x256xf32, #tpu.memory_space<vmem>>, vector<1x16xf32>,
        %get3A_1092 = vector.shape_cast %get3A_1091 : vector<1x16xf32> to vector<16xf32>
        %add3A_1093 = arith.addf %add3A_1088, %get3A_1092 : vector<16xf32>
        %get3A_1094 = arith.index_cast %scan3A_728 : i32 to index
        %get3A_1095 = arith.constant 208 : index
        %get3A_1096 = tpu.vector_load %arg12[%get3A_1094, %get3A_1095] {strides = array<i32>} : memref<40x256xf32, #tpu.memory_space<vmem>>, vector<1x16xf32>,
        %get3A_1097 = vector.shape_cast %get3A_1096 : vector<1x16xf32> to vector<16xf32>
        %add3A_1098 = arith.addf %add3A_1093, %get3A_1097 : vector<16xf32>
        %mul3A_1099 = arith.constant 2.500000e-01 : f32
        %mul3A_1100 = vector.broadcast %mul3A_1099 : f32 to vector<16xf32>
        %mul3A_1101 = arith.mulf %add3A_1098, %mul3A_1100 : vector<16xf32>
        %swap3A_1102 = arith.index_cast %scan3A_728 : i32 to index
        %swap3A_1103 = arith.constant 208 : index
        %swap3A_1104 = tpu.vector_load %arg14[%swap3A_1102, %swap3A_1103] {strides = array<i32>} : memref<40x256xf32, #tpu.memory_space<vmem>>, vector<1x16xf32>,
        %swap3A_1105 = vector.shape_cast %swap3A_1104 : vector<1x16xf32> to vector<16xf32>
        %swap3A_1106 = vector.shape_cast %mul3A_1101 : vector<16xf32> to vector<1x16xf32>
        tpu.vector_store %arg14[%swap3A_1102, %swap3A_1103], %swap3A_1106 {strides = array<i32>} : memref<40x256xf32, #tpu.memory_space<vmem>>, vector<1x16xf32>,
        %get3A_1107 = arith.index_cast %scan3A_728 : i32 to index
        %get3A_1108 = arith.constant 224 : index
        %get3A_1109 = tpu.vector_load %arg14[%get3A_1107, %get3A_1108] {strides = array<i32>} : memref<40x256xf32, #tpu.memory_space<vmem>>, vector<1x16xf32>,
        %get3A_1110 = vector.shape_cast %get3A_1109 : vector<1x16xf32> to vector<16xf32>
        %get3A_1111 = arith.index_cast %scan3A_728 : i32 to index
        %get3A_1112 = arith.constant 224 : index
        %get3A_1113 = tpu.vector_load %arg8[%get3A_1111, %get3A_1112] {strides = array<i32>} : memref<40x256xf32, #tpu.memory_space<vmem>>, vector<1x16xf32>,
        %get3A_1114 = vector.shape_cast %get3A_1113 : vector<1x16xf32> to vector<16xf32>
        %add3A_1115 = arith.addf %get3A_1110, %get3A_1114 : vector<16xf32>
        %get3A_1116 = arith.index_cast %scan3A_728 : i32 to index
        %get3A_1117 = arith.constant 224 : index
        %get3A_1118 = tpu.vector_load %arg10[%get3A_1116, %get3A_1117] {strides = array<i32>} : memref<40x256xf32, #tpu.memory_space<vmem>>, vector<1x16xf32>,
        %get3A_1119 = vector.shape_cast %get3A_1118 : vector<1x16xf32> to vector<16xf32>
        %add3A_1120 = arith.addf %add3A_1115, %get3A_1119 : vector<16xf32>
        %get3A_1121 = arith.index_cast %scan3A_728 : i32 to index
        %get3A_1122 = arith.constant 224 : index
        %get3A_1123 = tpu.vector_load %arg12[%get3A_1121, %get3A_1122] {strides = array<i32>} : memref<40x256xf32, #tpu.memory_space<vmem>>, vector<1x16xf32>,
        %get3A_1124 = vector.shape_cast %get3A_1123 : vector<1x16xf32> to vector<16xf32>
        %add3A_1125 = arith.addf %add3A_1120, %get3A_1124 : vector<16xf32>
        %mul3A_1126 = arith.constant 2.500000e-01 : f32
        %mul3A_1127 = vector.broadcast %mul3A_1126 : f32 to vector<16xf32>
        %mul3A_1128 = arith.mulf %add3A_1125, %mul3A_1127 : vector<16xf32>
        %swap3A_1129 = arith.index_cast %scan3A_728 : i32 to index
        %swap3A_1130 = arith.constant 224 : index
        %swap3A_1131 = tpu.vector_load %arg14[%swap3A_1129, %swap3A_1130] {strides = array<i32>} : memref<40x256xf32, #tpu.memory_space<vmem>>, vector<1x16xf32>,
        %swap3A_1132 = vector.shape_cast %swap3A_1131 : vector<1x16xf32> to vector<16xf32>
        %swap3A_1133 = vector.shape_cast %mul3A_1128 : vector<16xf32> to vector<1x16xf32>
        tpu.vector_store %arg14[%swap3A_1129, %swap3A_1130], %swap3A_1133 {strides = array<i32>} : memref<40x256xf32, #tpu.memory_space<vmem>>, vector<1x16xf32>,
        %get3A_1134 = arith.index_cast %scan3A_728 : i32 to index
        %get3A_1135 = arith.constant 240 : index
        %get3A_1136 = tpu.vector_load %arg14[%get3A_1134, %get3A_1135] {strides = array<i32>} : memref<40x256xf32, #tpu.memory_space<vmem>>, vector<1x16xf32>,
        %get3A_1137 = vector.shape_cast %get3A_1136 : vector<1x16xf32> to vector<16xf32>
        %get3A_1138 = arith.index_cast %scan3A_728 : i32 to index
        %get3A_1139 = arith.constant 240 : index
        %get3A_1140 = tpu.vector_load %arg8[%get3A_1138, %get3A_1139] {strides = array<i32>} : memref<40x256xf32, #tpu.memory_space<vmem>>, vector<1x16xf32>,
        %get3A_1141 = vector.shape_cast %get3A_1140 : vector<1x16xf32> to vector<16xf32>
        %add3A_1142 = arith.addf %get3A_1137, %get3A_1141 : vector<16xf32>
        %get3A_1143 = arith.index_cast %scan3A_728 : i32 to index
        %get3A_1144 = arith.constant 240 : index
        %get3A_1145 = tpu.vector_load %arg10[%get3A_1143, %get3A_1144] {strides = array<i32>} : memref<40x256xf32, #tpu.memory_space<vmem>>, vector<1x16xf32>,
        %get3A_1146 = vector.shape_cast %get3A_1145 : vector<1x16xf32> to vector<16xf32>
        %add3A_1147 = arith.addf %add3A_1142, %get3A_1146 : vector<16xf32>
        %get3A_1148 = arith.index_cast %scan3A_728 : i32 to index
        %get3A_1149 = arith.constant 240 : index
        %get3A_1150 = tpu.vector_load %arg12[%get3A_1148, %get3A_1149] {strides = array<i32>} : memref<40x256xf32, #tpu.memory_space<vmem>>, vector<1x16xf32>,
        %get3A_1151 = vector.shape_cast %get3A_1150 : vector<1x16xf32> to vector<16xf32>
        %add3A_1152 = arith.addf %add3A_1147, %get3A_1151 : vector<16xf32>
        %mul3A_1153 = arith.constant 2.500000e-01 : f32
        %mul3A_1154 = vector.broadcast %mul3A_1153 : f32 to vector<16xf32>
        %mul3A_1155 = arith.mulf %add3A_1152, %mul3A_1154 : vector<16xf32>
        %swap3A_1156 = arith.index_cast %scan3A_728 : i32 to index
        %swap3A_1157 = arith.constant 240 : index
        %swap3A_1158 = tpu.vector_load %arg14[%swap3A_1156, %swap3A_1157] {strides = array<i32>} : memref<40x256xf32, #tpu.memory_space<vmem>>, vector<1x16xf32>,
        %swap3A_1159 = vector.shape_cast %swap3A_1158 : vector<1x16xf32> to vector<16xf32>
        %swap3A_1160 = vector.shape_cast %mul3A_1155 : vector<16xf32> to vector<1x16xf32>
        tpu.vector_store %arg14[%swap3A_1156, %swap3A_1157], %swap3A_1160 {strides = array<i32>} : memref<40x256xf32, #tpu.memory_space<vmem>>, vector<1x16xf32>,
      }
      %scan3A_227 = arith.constant 40 : i32
      %mul3A_228 = arith.constant 40 : i32
      %mul3A_229 = arith.muli %mul3A_56, %mul3A_228 : i32
      %add3A_230 = arith.addi %mul3A_2, %mul3A_229 : i32
      %dma_start3A_231 = arith.constant 0 : i32
      %dma_start3A_232 = tpu.memref_slice %arg4[%add3A_230, %dma_start3A_231] : memref<100000x256xf32, #tpu.memory_space<hbm>> -> memref<40x256xf32, #tpu.memory_space<hbm>>
      %dma_start3A_233 = arith.constant 0 : i32
      %dma_start3A_234 = tpu.memref_slice %arg4[%add3A_230, %dma_start3A_233] : memref<100000x256xf32, #tpu.memory_space<hbm>> -> memref<40x256xf32, #tpu.memory_space<hbm>>
      tpu.enqueue_dma source(%arg14 : memref<40x256xf32, #tpu.memory_space<vmem>>) target(%dma_start3A_234 : memref<40x256xf32, #tpu.memory_space<hbm>>) target_semaphore(%arg18 : memref<!tpu.dma_semaphore, #tpu.memory_space<semaphore_mem>>)
      %dma_wait3A_235 = arith.constant 0 : i32
      %dma_wait3A_236 = tpu.memref_slice %arg2[%add3A_124, %dma_wait3A_235] : memref<100000x256xf32, #tpu.memory_space<hbm>> -> memref<40x256xf32, #tpu.memory_space<hbm>>
      %dma_wait3A_237 = arith.constant 0 : i32
      %dma_wait3A_238 = tpu.memref_slice %arg2[%add3A_124, %dma_wait3A_237] : memref<100000x256xf32, #tpu.memory_space<hbm>> -> memref<40x256xf32, #tpu.memory_space<hbm>>
      tpu.wait_dma2 semaphore(%arg17 : memref<!tpu.dma_semaphore, #tpu.memory_space<semaphore_mem>>) src(%dma_wait3A_238 : memref<40x256xf32, #tpu.memory_space<hbm>>) dst(%arg15 : memref<40x256xf32, #tpu.memory_space<vmem>>)
      %dma_wait3A_239 = arith.constant 0 : i32
      %dma_wait3A_240 = arith.constant 0 : i32
      %dma_wait3A_241 = tpu.memref_slice %arg9[%dma_wait3A_239, %dma_wait3A_240] : memref<40x256xf32, #tpu.memory_space<vmem>> -> memref<24x256xf32, #tpu.memory_space<vmem>>
      %dma_wait3A_242 = tpu.memref_slice %arg5[%mul3A_123] : memref<3200xi32, #tpu.memory_space<vmem>> -> memref<24xi32, #tpu.memory_space<vmem>>
      %dma_wait3A_243 = arith.constant 0 : i32
      %dma_wait3A_244 = arith.constant 0 : i32
      %dma_wait3A_245 = tpu.memref_slice %arg2[%dma_wait3A_243, %dma_wait3A_244] : memref<100000x256xf32, #tpu.memory_space<hbm>> -> memref<100000x256xf32, #tpu.memory_space<hbm>>
      tpu.wait_indirect_dma semaphore(%arg17 : memref<!tpu.dma_semaphore, #tpu.memory_space<semaphore_mem>>) src(%dma_wait3A_245 : memref<100000x256xf32, #tpu.memory_space<hbm>>) dst(%dma_wait3A_241 : memref<24x256xf32, #tpu.memory_space<vmem>>)
      %dma_wait3A_246 = arith.constant 24 : i32
      %dma_wait3A_247 = arith.constant 0 : i32
      %dma_wait3A_248 = tpu.memref_slice %arg9[%dma_wait3A_246, %dma_wait3A_247] : memref<40x256xf32, #tpu.memory_space<vmem>> -> memref<16x256xf32, #tpu.memory_space<vmem>>
      %dma_wait3A_249 = tpu.memref_slice %arg5[%add3A_137] : memref<3200xi32, #tpu.memory_space<vmem>> -> memref<16xi32, #tpu.memory_space<vmem>>
      %dma_wait3A_250 = arith.constant 0 : i32
      %dma_wait3A_251 = arith.constant 0 : i32
      %dma_wait3A_252 = tpu.memref_slice %arg2[%dma_wait3A_250, %dma_wait3A_251] : memref<100000x256xf32, #tpu.memory_space<hbm>> -> memref<100000x256xf32, #tpu.memory_space<hbm>>
      tpu.wait_indirect_dma semaphore(%arg17 : memref<!tpu.dma_semaphore, #tpu.memory_space<semaphore_mem>>) src(%dma_wait3A_252 : memref<100000x256xf32, #tpu.memory_space<hbm>>) dst(%dma_wait3A_248 : memref<16x256xf32, #tpu.memory_space<vmem>>)
      %dma_wait3A_253 = arith.constant 0 : i32
      %dma_wait3A_254 = arith.constant 0 : i32
      %dma_wait3A_255 = tpu.memref_slice %arg11[%dma_wait3A_253, %dma_wait3A_254] : memref<40x256xf32, #tpu.memory_space<vmem>> -> memref<24x256xf32, #tpu.memory_space<vmem>>
      %dma_wait3A_256 = tpu.memref_slice %arg6[%mul3A_123] : memref<3200xi32, #tpu.memory_space<vmem>> -> memref<24xi32, #tpu.memory_space<vmem>>
      %dma_wait3A_257 = arith.constant 0 : i32
      %dma_wait3A_258 = arith.constant 0 : i32
      %dma_wait3A_259 = tpu.memref_slice %arg2[%dma_wait3A_257, %dma_wait3A_258] : memref<100000x256xf32, #tpu.memory_space<hbm>> -> memref<100000x256xf32, #tpu.memory_space<hbm>>
      tpu.wait_indirect_dma semaphore(%arg17 : memref<!tpu.dma_semaphore, #tpu.memory_space<semaphore_mem>>) src(%dma_wait3A_259 : memref<100000x256xf32, #tpu.memory_space<hbm>>) dst(%dma_wait3A_255 : memref<24x256xf32, #tpu.memory_space<vmem>>)
      %dma_wait3A_260 = arith.constant 24 : i32
      %dma_wait3A_261 = arith.constant 0 : i32
      %dma_wait3A_262 = tpu.memref_slice %arg11[%dma_wait3A_260, %dma_wait3A_261] : memref<40x256xf32, #tpu.memory_space<vmem>> -> memref<16x256xf32, #tpu.memory_space<vmem>>
      %dma_wait3A_263 = tpu.memref_slice %arg6[%add3A_153] : memref<3200xi32, #tpu.memory_space<vmem>> -> memref<16xi32, #tpu.memory_space<vmem>>
      %dma_wait3A_264 = arith.constant 0 : i32
      %dma_wait3A_265 = arith.constant 0 : i32
      %dma_wait3A_266 = tpu.memref_slice %arg2[%dma_wait3A_264, %dma_wait3A_265] : memref<100000x256xf32, #tpu.memory_space<hbm>> -> memref<100000x256xf32, #tpu.memory_space<hbm>>
      tpu.wait_indirect_dma semaphore(%arg17 : memref<!tpu.dma_semaphore, #tpu.memory_space<semaphore_mem>>) src(%dma_wait3A_266 : memref<100000x256xf32, #tpu.memory_space<hbm>>) dst(%dma_wait3A_262 : memref<16x256xf32, #tpu.memory_space<vmem>>)
      %dma_wait3A_267 = arith.constant 0 : i32
      %dma_wait3A_268 = arith.constant 0 : i32
      %dma_wait3A_269 = tpu.memref_slice %arg13[%dma_wait3A_267, %dma_wait3A_268] : memref<40x256xf32, #tpu.memory_space<vmem>> -> memref<24x256xf32, #tpu.memory_space<vmem>>
      %dma_wait3A_270 = tpu.memref_slice %arg7[%mul3A_123] : memref<3200xi32, #tpu.memory_space<vmem>> -> memref<24xi32, #tpu.memory_space<vmem>>
      %dma_wait3A_271 = arith.constant 0 : i32
      %dma_wait3A_272 = arith.constant 0 : i32
      %dma_wait3A_273 = tpu.memref_slice %arg2[%dma_wait3A_271, %dma_wait3A_272] : memref<100000x256xf32, #tpu.memory_space<hbm>> -> memref<100000x256xf32, #tpu.memory_space<hbm>>
      tpu.wait_indirect_dma semaphore(%arg17 : memref<!tpu.dma_semaphore, #tpu.memory_space<semaphore_mem>>) src(%dma_wait3A_273 : memref<100000x256xf32, #tpu.memory_space<hbm>>) dst(%dma_wait3A_269 : memref<24x256xf32, #tpu.memory_space<vmem>>)
      %dma_wait3A_274 = arith.constant 24 : i32
      %dma_wait3A_275 = arith.constant 0 : i32
      %dma_wait3A_276 = tpu.memref_slice %arg13[%dma_wait3A_274, %dma_wait3A_275] : memref<40x256xf32, #tpu.memory_space<vmem>> -> memref<16x256xf32, #tpu.memory_space<vmem>>
      %dma_wait3A_277 = tpu.memref_slice %arg7[%add3A_169] : memref<3200xi32, #tpu.memory_space<vmem>> -> memref<16xi32, #tpu.memory_space<vmem>>
      %dma_wait3A_278 = arith.constant 0 : i32
      %dma_wait3A_279 = arith.constant 0 : i32
      %dma_wait3A_280 = tpu.memref_slice %arg2[%dma_wait3A_278, %dma_wait3A_279] : memref<100000x256xf32, #tpu.memory_space<hbm>> -> memref<100000x256xf32, #tpu.memory_space<hbm>>
      tpu.wait_indirect_dma semaphore(%arg17 : memref<!tpu.dma_semaphore, #tpu.memory_space<semaphore_mem>>) src(%dma_wait3A_280 : memref<100000x256xf32, #tpu.memory_space<hbm>>) dst(%dma_wait3A_276 : memref<16x256xf32, #tpu.memory_space<vmem>>)
      %add3A_281 = arith.constant 1 : i32
      %add3A_282 = arith.addi %mul3A_56, %add3A_281 : i32
      %scan3A_283 = arith.constant 0 : i32
      %scan3A_284 = arith.constant 0 : i32
      %scan3A_285 = arith.constant 40 : i32
      %scan3A_286 = arith.addi %scan3A_284, %scan3A_285 : i32
      %scan3A_287 = arith.constant 2 : i32
      scf.for %scan3A_296 = %scan3A_284 to %scan3A_286 step %scan3A_287  : i32 {
        %get3A = arith.index_cast %scan3A_296 : i32 to index
        %get3A_297 = arith.constant 0 : index
        %get3A_298 = tpu.vector_load %arg15[%get3A, %get3A_297] {strides = array<i32>} : memref<40x256xf32, #tpu.memory_space<vmem>>, vector<1x16xf32>,
        %get3A_299 = vector.shape_cast %get3A_298 : vector<1x16xf32> to vector<16xf32>
        %get3A_300 = arith.index_cast %scan3A_296 : i32 to index
        %get3A_301 = arith.constant 0 : index
        %get3A_302 = tpu.vector_load %arg9[%get3A_300, %get3A_301] {strides = array<i32>} : memref<40x256xf32, #tpu.memory_space<vmem>>, vector<1x16xf32>,
        %get3A_303 = vector.shape_cast %get3A_302 : vector<1x16xf32> to vector<16xf32>
        %add3A_304 = arith.addf %get3A_299, %get3A_303 : vector<16xf32>
        %get3A_305 = arith.index_cast %scan3A_296 : i32 to index
        %get3A_306 = arith.constant 0 : index
        %get3A_307 = tpu.vector_load %arg11[%get3A_305, %get3A_306] {strides = array<i32>} : memref<40x256xf32, #tpu.memory_space<vmem>>, vector<1x16xf32>,
        %get3A_308 = vector.shape_cast %get3A_307 : vector<1x16xf32> to vector<16xf32>
        %add3A_309 = arith.addf %add3A_304, %get3A_308 : vector<16xf32>
        %get3A_310 = arith.index_cast %scan3A_296 : i32 to index
        %get3A_311 = arith.constant 0 : index
        %get3A_312 = tpu.vector_load %arg13[%get3A_310, %get3A_311] {strides = array<i32>} : memref<40x256xf32, #tpu.memory_space<vmem>>, vector<1x16xf32>,
        %get3A_313 = vector.shape_cast %get3A_312 : vector<1x16xf32> to vector<16xf32>
        %add3A_314 = arith.addf %add3A_309, %get3A_313 : vector<16xf32>
        %mul3A_315 = arith.constant 2.500000e-01 : f32
        %mul3A_316 = vector.broadcast %mul3A_315 : f32 to vector<16xf32>
        %mul3A_317 = arith.mulf %add3A_314, %mul3A_316 : vector<16xf32>
        %swap3A = arith.index_cast %scan3A_296 : i32 to index
        %swap3A_318 = arith.constant 0 : index
        %swap3A_319 = tpu.vector_load %arg15[%swap3A, %swap3A_318] {strides = array<i32>} : memref<40x256xf32, #tpu.memory_space<vmem>>, vector<1x16xf32>,
        %swap3A_320 = vector.shape_cast %swap3A_319 : vector<1x16xf32> to vector<16xf32>
        %swap3A_321 = vector.shape_cast %mul3A_317 : vector<16xf32> to vector<1x16xf32>
        tpu.vector_store %arg15[%swap3A, %swap3A_318], %swap3A_321 {strides = array<i32>} : memref<40x256xf32, #tpu.memory_space<vmem>>, vector<1x16xf32>,
        %get3A_322 = arith.index_cast %scan3A_296 : i32 to index
        %get3A_323 = arith.constant 16 : index
        %get3A_324 = tpu.vector_load %arg15[%get3A_322, %get3A_323] {strides = array<i32>} : memref<40x256xf32, #tpu.memory_space<vmem>>, vector<1x16xf32>,
        %get3A_325 = vector.shape_cast %get3A_324 : vector<1x16xf32> to vector<16xf32>
        %get3A_326 = arith.index_cast %scan3A_296 : i32 to index
        %get3A_327 = arith.constant 16 : index
        %get3A_328 = tpu.vector_load %arg9[%get3A_326, %get3A_327] {strides = array<i32>} : memref<40x256xf32, #tpu.memory_space<vmem>>, vector<1x16xf32>,
        %get3A_329 = vector.shape_cast %get3A_328 : vector<1x16xf32> to vector<16xf32>
        %add3A_330 = arith.addf %get3A_325, %get3A_329 : vector<16xf32>
        %get3A_331 = arith.index_cast %scan3A_296 : i32 to index
        %get3A_332 = arith.constant 16 : index
        %get3A_333 = tpu.vector_load %arg11[%get3A_331, %get3A_332] {strides = array<i32>} : memref<40x256xf32, #tpu.memory_space<vmem>>, vector<1x16xf32>,
        %get3A_334 = vector.shape_cast %get3A_333 : vector<1x16xf32> to vector<16xf32>
        %add3A_335 = arith.addf %add3A_330, %get3A_334 : vector<16xf32>
        %get3A_336 = arith.index_cast %scan3A_296 : i32 to index
        %get3A_337 = arith.constant 16 : index
        %get3A_338 = tpu.vector_load %arg13[%get3A_336, %get3A_337] {strides = array<i32>} : memref<40x256xf32, #tpu.memory_space<vmem>>, vector<1x16xf32>,
        %get3A_339 = vector.shape_cast %get3A_338 : vector<1x16xf32> to vector<16xf32>
        %add3A_340 = arith.addf %add3A_335, %get3A_339 : vector<16xf32>
        %mul3A_341 = arith.constant 2.500000e-01 : f32
        %mul3A_342 = vector.broadcast %mul3A_341 : f32 to vector<16xf32>
        %mul3A_343 = arith.mulf %add3A_340, %mul3A_342 : vector<16xf32>
        %swap3A_344 = arith.index_cast %scan3A_296 : i32 to index
        %swap3A_345 = arith.constant 16 : index
        %swap3A_346 = tpu.vector_load %arg15[%swap3A_344, %swap3A_345] {strides = array<i32>} : memref<40x256xf32, #tpu.memory_space<vmem>>, vector<1x16xf32>,
        %swap3A_347 = vector.shape_cast %swap3A_346 : vector<1x16xf32> to vector<16xf32>
        %swap3A_348 = vector.shape_cast %mul3A_343 : vector<16xf32> to vector<1x16xf32>
        tpu.vector_store %arg15[%swap3A_344, %swap3A_345], %swap3A_348 {strides = array<i32>} : memref<40x256xf32, #tpu.memory_space<vmem>>, vector<1x16xf32>,
        %get3A_349 = arith.index_cast %scan3A_296 : i32 to index
        %get3A_350 = arith.constant 32 : index
        %get3A_351 = tpu.vector_load %arg15[%get3A_349, %get3A_350] {strides = array<i32>} : memref<40x256xf32, #tpu.memory_space<vmem>>, vector<1x16xf32>,
        %get3A_352 = vector.shape_cast %get3A_351 : vector<1x16xf32> to vector<16xf32>
        %get3A_353 = arith.index_cast %scan3A_296 : i32 to index
        %get3A_354 = arith.constant 32 : index
        %get3A_355 = tpu.vector_load %arg9[%get3A_353, %get3A_354] {strides = array<i32>} : memref<40x256xf32, #tpu.memory_space<vmem>>, vector<1x16xf32>,
        %get3A_356 = vector.shape_cast %get3A_355 : vector<1x16xf32> to vector<16xf32>
        %add3A_357 = arith.addf %get3A_352, %get3A_356 : vector<16xf32>
        %get3A_358 = arith.index_cast %scan3A_296 : i32 to index
        %get3A_359 = arith.constant 32 : index
        %get3A_360 = tpu.vector_load %arg11[%get3A_358, %get3A_359] {strides = array<i32>} : memref<40x256xf32, #tpu.memory_space<vmem>>, vector<1x16xf32>,
        %get3A_361 = vector.shape_cast %get3A_360 : vector<1x16xf32> to vector<16xf32>
        %add3A_362 = arith.addf %add3A_357, %get3A_361 : vector<16xf32>
        %get3A_363 = arith.index_cast %scan3A_296 : i32 to index
        %get3A_364 = arith.constant 32 : index
        %get3A_365 = tpu.vector_load %arg13[%get3A_363, %get3A_364] {strides = array<i32>} : memref<40x256xf32, #tpu.memory_space<vmem>>, vector<1x16xf32>,
        %get3A_366 = vector.shape_cast %get3A_365 : vector<1x16xf32> to vector<16xf32>
        %add3A_367 = arith.addf %add3A_362, %get3A_366 : vector<16xf32>
        %mul3A_368 = arith.constant 2.500000e-01 : f32
        %mul3A_369 = vector.broadcast %mul3A_368 : f32 to vector<16xf32>
        %mul3A_370 = arith.mulf %add3A_367, %mul3A_369 : vector<16xf32>
        %swap3A_371 = arith.index_cast %scan3A_296 : i32 to index
        %swap3A_372 = arith.constant 32 : index
        %swap3A_373 = tpu.vector_load %arg15[%swap3A_371, %swap3A_372] {strides = array<i32>} : memref<40x256xf32, #tpu.memory_space<vmem>>, vector<1x16xf32>,
        %swap3A_374 = vector.shape_cast %swap3A_373 : vector<1x16xf32> to vector<16xf32>
        %swap3A_375 = vector.shape_cast %mul3A_370 : vector<16xf32> to vector<1x16xf32>
        tpu.vector_store %arg15[%swap3A_371, %swap3A_372], %swap3A_375 {strides = array<i32>} : memref<40x256xf32, #tpu.memory_space<vmem>>, vector<1x16xf32>,
        %get3A_376 = arith.index_cast %scan3A_296 : i32 to index
        %get3A_377 = arith.constant 48 : index
        %get3A_378 = tpu.vector_load %arg15[%get3A_376, %get3A_377] {strides = array<i32>} : memref<40x256xf32, #tpu.memory_space<vmem>>, vector<1x16xf32>,
        %get3A_379 = vector.shape_cast %get3A_378 : vector<1x16xf32> to vector<16xf32>
        %get3A_380 = arith.index_cast %scan3A_296 : i32 to index
        %get3A_381 = arith.constant 48 : index
        %get3A_382 = tpu.vector_load %arg9[%get3A_380, %get3A_381] {strides = array<i32>} : memref<40x256xf32, #tpu.memory_space<vmem>>, vector<1x16xf32>,
        %get3A_383 = vector.shape_cast %get3A_382 : vector<1x16xf32> to vector<16xf32>
        %add3A_384 = arith.addf %get3A_379, %get3A_383 : vector<16xf32>
        %get3A_385 = arith.index_cast %scan3A_296 : i32 to index
        %get3A_386 = arith.constant 48 : index
        %get3A_387 = tpu.vector_load %arg11[%get3A_385, %get3A_386] {strides = array<i32>} : memref<40x256xf32, #tpu.memory_space<vmem>>, vector<1x16xf32>,
        %get3A_388 = vector.shape_cast %get3A_387 : vector<1x16xf32> to vector<16xf32>
        %add3A_389 = arith.addf %add3A_384, %get3A_388 : vector<16xf32>
        %get3A_390 = arith.index_cast %scan3A_296 : i32 to index
        %get3A_391 = arith.constant 48 : index
        %get3A_392 = tpu.vector_load %arg13[%get3A_390, %get3A_391] {strides = array<i32>} : memref<40x256xf32, #tpu.memory_space<vmem>>, vector<1x16xf32>,
        %get3A_393 = vector.shape_cast %get3A_392 : vector<1x16xf32> to vector<16xf32>
        %add3A_394 = arith.addf %add3A_389, %get3A_393 : vector<16xf32>
        %mul3A_395 = arith.constant 2.500000e-01 : f32
        %mul3A_396 = vector.broadcast %mul3A_395 : f32 to vector<16xf32>
        %mul3A_397 = arith.mulf %add3A_394, %mul3A_396 : vector<16xf32>
        %swap3A_398 = arith.index_cast %scan3A_296 : i32 to index
        %swap3A_399 = arith.constant 48 : index
        %swap3A_400 = tpu.vector_load %arg15[%swap3A_398, %swap3A_399] {strides = array<i32>} : memref<40x256xf32, #tpu.memory_space<vmem>>, vector<1x16xf32>,
        %swap3A_401 = vector.shape_cast %swap3A_400 : vector<1x16xf32> to vector<16xf32>
        %swap3A_402 = vector.shape_cast %mul3A_397 : vector<16xf32> to vector<1x16xf32>
        tpu.vector_store %arg15[%swap3A_398, %swap3A_399], %swap3A_402 {strides = array<i32>} : memref<40x256xf32, #tpu.memory_space<vmem>>, vector<1x16xf32>,
        %get3A_403 = arith.index_cast %scan3A_296 : i32 to index
        %get3A_404 = arith.constant 64 : index
        %get3A_405 = tpu.vector_load %arg15[%get3A_403, %get3A_404] {strides = array<i32>} : memref<40x256xf32, #tpu.memory_space<vmem>>, vector<1x16xf32>,
        %get3A_406 = vector.shape_cast %get3A_405 : vector<1x16xf32> to vector<16xf32>
        %get3A_407 = arith.index_cast %scan3A_296 : i32 to index
        %get3A_408 = arith.constant 64 : index
        %get3A_409 = tpu.vector_load %arg9[%get3A_407, %get3A_408] {strides = array<i32>} : memref<40x256xf32, #tpu.memory_space<vmem>>, vector<1x16xf32>,
        %get3A_410 = vector.shape_cast %get3A_409 : vector<1x16xf32> to vector<16xf32>
        %add3A_411 = arith.addf %get3A_406, %get3A_410 : vector<16xf32>
        %get3A_412 = arith.index_cast %scan3A_296 : i32 to index
        %get3A_413 = arith.constant 64 : index
        %get3A_414 = tpu.vector_load %arg11[%get3A_412, %get3A_413] {strides = array<i32>} : memref<40x256xf32, #tpu.memory_space<vmem>>, vector<1x16xf32>,
        %get3A_415 = vector.shape_cast %get3A_414 : vector<1x16xf32> to vector<16xf32>
        %add3A_416 = arith.addf %add3A_411, %get3A_415 : vector<16xf32>
        %get3A_417 = arith.index_cast %scan3A_296 : i32 to index
        %get3A_418 = arith.constant 64 : index
        %get3A_419 = tpu.vector_load %arg13[%get3A_417, %get3A_418] {strides = array<i32>} : memref<40x256xf32, #tpu.memory_space<vmem>>, vector<1x16xf32>,
        %get3A_420 = vector.shape_cast %get3A_419 : vector<1x16xf32> to vector<16xf32>
        %add3A_421 = arith.addf %add3A_416, %get3A_420 : vector<16xf32>
        %mul3A_422 = arith.constant 2.500000e-01 : f32
        %mul3A_423 = vector.broadcast %mul3A_422 : f32 to vector<16xf32>
        %mul3A_424 = arith.mulf %add3A_421, %mul3A_423 : vector<16xf32>
        %swap3A_425 = arith.index_cast %scan3A_296 : i32 to index
        %swap3A_426 = arith.constant 64 : index
        %swap3A_427 = tpu.vector_load %arg15[%swap3A_425, %swap3A_426] {strides = array<i32>} : memref<40x256xf32, #tpu.memory_space<vmem>>, vector<1x16xf32>,
        %swap3A_428 = vector.shape_cast %swap3A_427 : vector<1x16xf32> to vector<16xf32>
        %swap3A_429 = vector.shape_cast %mul3A_424 : vector<16xf32> to vector<1x16xf32>
        tpu.vector_store %arg15[%swap3A_425, %swap3A_426], %swap3A_429 {strides = array<i32>} : memref<40x256xf32, #tpu.memory_space<vmem>>, vector<1x16xf32>,
        %get3A_430 = arith.index_cast %scan3A_296 : i32 to index
        %get3A_431 = arith.constant 80 : index
        %get3A_432 = tpu.vector_load %arg15[%get3A_430, %get3A_431] {strides = array<i32>} : memref<40x256xf32, #tpu.memory_space<vmem>>, vector<1x16xf32>,
        %get3A_433 = vector.shape_cast %get3A_432 : vector<1x16xf32> to vector<16xf32>
        %get3A_434 = arith.index_cast %scan3A_296 : i32 to index
        %get3A_435 = arith.constant 80 : index
        %get3A_436 = tpu.vector_load %arg9[%get3A_434, %get3A_435] {strides = array<i32>} : memref<40x256xf32, #tpu.memory_space<vmem>>, vector<1x16xf32>,
        %get3A_437 = vector.shape_cast %get3A_436 : vector<1x16xf32> to vector<16xf32>
        %add3A_438 = arith.addf %get3A_433, %get3A_437 : vector<16xf32>
        %get3A_439 = arith.index_cast %scan3A_296 : i32 to index
        %get3A_440 = arith.constant 80 : index
        %get3A_441 = tpu.vector_load %arg11[%get3A_439, %get3A_440] {strides = array<i32>} : memref<40x256xf32, #tpu.memory_space<vmem>>, vector<1x16xf32>,
        %get3A_442 = vector.shape_cast %get3A_441 : vector<1x16xf32> to vector<16xf32>
        %add3A_443 = arith.addf %add3A_438, %get3A_442 : vector<16xf32>
        %get3A_444 = arith.index_cast %scan3A_296 : i32 to index
        %get3A_445 = arith.constant 80 : index
        %get3A_446 = tpu.vector_load %arg13[%get3A_444, %get3A_445] {strides = array<i32>} : memref<40x256xf32, #tpu.memory_space<vmem>>, vector<1x16xf32>,
        %get3A_447 = vector.shape_cast %get3A_446 : vector<1x16xf32> to vector<16xf32>
        %add3A_448 = arith.addf %add3A_443, %get3A_447 : vector<16xf32>
        %mul3A_449 = arith.constant 2.500000e-01 : f32
        %mul3A_450 = vector.broadcast %mul3A_449 : f32 to vector<16xf32>
        %mul3A_451 = arith.mulf %add3A_448, %mul3A_450 : vector<16xf32>
        %swap3A_452 = arith.index_cast %scan3A_296 : i32 to index
        %swap3A_453 = arith.constant 80 : index
        %swap3A_454 = tpu.vector_load %arg15[%swap3A_452, %swap3A_453] {strides = array<i32>} : memref<40x256xf32, #tpu.memory_space<vmem>>, vector<1x16xf32>,
        %swap3A_455 = vector.shape_cast %swap3A_454 : vector<1x16xf32> to vector<16xf32>
        %swap3A_456 = vector.shape_cast %mul3A_451 : vector<16xf32> to vector<1x16xf32>
        tpu.vector_store %arg15[%swap3A_452, %swap3A_453], %swap3A_456 {strides = array<i32>} : memref<40x256xf32, #tpu.memory_space<vmem>>, vector<1x16xf32>,
        %get3A_457 = arith.index_cast %scan3A_296 : i32 to index
        %get3A_458 = arith.constant 96 : index
        %get3A_459 = tpu.vector_load %arg15[%get3A_457, %get3A_458] {strides = array<i32>} : memref<40x256xf32, #tpu.memory_space<vmem>>, vector<1x16xf32>,
        %get3A_460 = vector.shape_cast %get3A_459 : vector<1x16xf32> to vector<16xf32>
        %get3A_461 = arith.index_cast %scan3A_296 : i32 to index
        %get3A_462 = arith.constant 96 : index
        %get3A_463 = tpu.vector_load %arg9[%get3A_461, %get3A_462] {strides = array<i32>} : memref<40x256xf32, #tpu.memory_space<vmem>>, vector<1x16xf32>,
        %get3A_464 = vector.shape_cast %get3A_463 : vector<1x16xf32> to vector<16xf32>
        %add3A_465 = arith.addf %get3A_460, %get3A_464 : vector<16xf32>
        %get3A_466 = arith.index_cast %scan3A_296 : i32 to index
        %get3A_467 = arith.constant 96 : index
        %get3A_468 = tpu.vector_load %arg11[%get3A_466, %get3A_467] {strides = array<i32>} : memref<40x256xf32, #tpu.memory_space<vmem>>, vector<1x16xf32>,
        %get3A_469 = vector.shape_cast %get3A_468 : vector<1x16xf32> to vector<16xf32>
        %add3A_470 = arith.addf %add3A_465, %get3A_469 : vector<16xf32>
        %get3A_471 = arith.index_cast %scan3A_296 : i32 to index
        %get3A_472 = arith.constant 96 : index
        %get3A_473 = tpu.vector_load %arg13[%get3A_471, %get3A_472] {strides = array<i32>} : memref<40x256xf32, #tpu.memory_space<vmem>>, vector<1x16xf32>,
        %get3A_474 = vector.shape_cast %get3A_473 : vector<1x16xf32> to vector<16xf32>
        %add3A_475 = arith.addf %add3A_470, %get3A_474 : vector<16xf32>
        %mul3A_476 = arith.constant 2.500000e-01 : f32
        %mul3A_477 = vector.broadcast %mul3A_476 : f32 to vector<16xf32>
        %mul3A_478 = arith.mulf %add3A_475, %mul3A_477 : vector<16xf32>
        %swap3A_479 = arith.index_cast %scan3A_296 : i32 to index
        %swap3A_480 = arith.constant 96 : index
        %swap3A_481 = tpu.vector_load %arg15[%swap3A_479, %swap3A_480] {strides = array<i32>} : memref<40x256xf32, #tpu.memory_space<vmem>>, vector<1x16xf32>,
        %swap3A_482 = vector.shape_cast %swap3A_481 : vector<1x16xf32> to vector<16xf32>
        %swap3A_483 = vector.shape_cast %mul3A_478 : vector<16xf32> to vector<1x16xf32>
        tpu.vector_store %arg15[%swap3A_479, %swap3A_480], %swap3A_483 {strides = array<i32>} : memref<40x256xf32, #tpu.memory_space<vmem>>, vector<1x16xf32>,
        %get3A_484 = arith.index_cast %scan3A_296 : i32 to index
        %get3A_485 = arith.constant 112 : index
        %get3A_486 = tpu.vector_load %arg15[%get3A_484, %get3A_485] {strides = array<i32>} : memref<40x256xf32, #tpu.memory_space<vmem>>, vector<1x16xf32>,
        %get3A_487 = vector.shape_cast %get3A_486 : vector<1x16xf32> to vector<16xf32>
        %get3A_488 = arith.index_cast %scan3A_296 : i32 to index
        %get3A_489 = arith.constant 112 : index
        %get3A_490 = tpu.vector_load %arg9[%get3A_488, %get3A_489] {strides = array<i32>} : memref<40x256xf32, #tpu.memory_space<vmem>>, vector<1x16xf32>,
        %get3A_491 = vector.shape_cast %get3A_490 : vector<1x16xf32> to vector<16xf32>
        %add3A_492 = arith.addf %get3A_487, %get3A_491 : vector<16xf32>
        %get3A_493 = arith.index_cast %scan3A_296 : i32 to index
        %get3A_494 = arith.constant 112 : index
        %get3A_495 = tpu.vector_load %arg11[%get3A_493, %get3A_494] {strides = array<i32>} : memref<40x256xf32, #tpu.memory_space<vmem>>, vector<1x16xf32>,
        %get3A_496 = vector.shape_cast %get3A_495 : vector<1x16xf32> to vector<16xf32>
        %add3A_497 = arith.addf %add3A_492, %get3A_496 : vector<16xf32>
        %get3A_498 = arith.index_cast %scan3A_296 : i32 to index
        %get3A_499 = arith.constant 112 : index
        %get3A_500 = tpu.vector_load %arg13[%get3A_498, %get3A_499] {strides = array<i32>} : memref<40x256xf32, #tpu.memory_space<vmem>>, vector<1x16xf32>,
        %get3A_501 = vector.shape_cast %get3A_500 : vector<1x16xf32> to vector<16xf32>
        %add3A_502 = arith.addf %add3A_497, %get3A_501 : vector<16xf32>
        %mul3A_503 = arith.constant 2.500000e-01 : f32
        %mul3A_504 = vector.broadcast %mul3A_503 : f32 to vector<16xf32>
        %mul3A_505 = arith.mulf %add3A_502, %mul3A_504 : vector<16xf32>
        %swap3A_506 = arith.index_cast %scan3A_296 : i32 to index
        %swap3A_507 = arith.constant 112 : index
        %swap3A_508 = tpu.vector_load %arg15[%swap3A_506, %swap3A_507] {strides = array<i32>} : memref<40x256xf32, #tpu.memory_space<vmem>>, vector<1x16xf32>,
        %swap3A_509 = vector.shape_cast %swap3A_508 : vector<1x16xf32> to vector<16xf32>
        %swap3A_510 = vector.shape_cast %mul3A_505 : vector<16xf32> to vector<1x16xf32>
        tpu.vector_store %arg15[%swap3A_506, %swap3A_507], %swap3A_510 {strides = array<i32>} : memref<40x256xf32, #tpu.memory_space<vmem>>, vector<1x16xf32>,
        %get3A_511 = arith.index_cast %scan3A_296 : i32 to index
        %get3A_512 = arith.constant 128 : index
        %get3A_513 = tpu.vector_load %arg15[%get3A_511, %get3A_512] {strides = array<i32>} : memref<40x256xf32, #tpu.memory_space<vmem>>, vector<1x16xf32>,
        %get3A_514 = vector.shape_cast %get3A_513 : vector<1x16xf32> to vector<16xf32>
        %get3A_515 = arith.index_cast %scan3A_296 : i32 to index
        %get3A_516 = arith.constant 128 : index
        %get3A_517 = tpu.vector_load %arg9[%get3A_515, %get3A_516] {strides = array<i32>} : memref<40x256xf32, #tpu.memory_space<vmem>>, vector<1x16xf32>,
        %get3A_518 = vector.shape_cast %get3A_517 : vector<1x16xf32> to vector<16xf32>
        %add3A_519 = arith.addf %get3A_514, %get3A_518 : vector<16xf32>
        %get3A_520 = arith.index_cast %scan3A_296 : i32 to index
        %get3A_521 = arith.constant 128 : index
        %get3A_522 = tpu.vector_load %arg11[%get3A_520, %get3A_521] {strides = array<i32>} : memref<40x256xf32, #tpu.memory_space<vmem>>, vector<1x16xf32>,
        %get3A_523 = vector.shape_cast %get3A_522 : vector<1x16xf32> to vector<16xf32>
        %add3A_524 = arith.addf %add3A_519, %get3A_523 : vector<16xf32>
        %get3A_525 = arith.index_cast %scan3A_296 : i32 to index
        %get3A_526 = arith.constant 128 : index
        %get3A_527 = tpu.vector_load %arg13[%get3A_525, %get3A_526] {strides = array<i32>} : memref<40x256xf32, #tpu.memory_space<vmem>>, vector<1x16xf32>,
        %get3A_528 = vector.shape_cast %get3A_527 : vector<1x16xf32> to vector<16xf32>
        %add3A_529 = arith.addf %add3A_524, %get3A_528 : vector<16xf32>
        %mul3A_530 = arith.constant 2.500000e-01 : f32
        %mul3A_531 = vector.broadcast %mul3A_530 : f32 to vector<16xf32>
        %mul3A_532 = arith.mulf %add3A_529, %mul3A_531 : vector<16xf32>
        %swap3A_533 = arith.index_cast %scan3A_296 : i32 to index
        %swap3A_534 = arith.constant 128 : index
        %swap3A_535 = tpu.vector_load %arg15[%swap3A_533, %swap3A_534] {strides = array<i32>} : memref<40x256xf32, #tpu.memory_space<vmem>>, vector<1x16xf32>,
        %swap3A_536 = vector.shape_cast %swap3A_535 : vector<1x16xf32> to vector<16xf32>
        %swap3A_537 = vector.shape_cast %mul3A_532 : vector<16xf32> to vector<1x16xf32>
        tpu.vector_store %arg15[%swap3A_533, %swap3A_534], %swap3A_537 {strides = array<i32>} : memref<40x256xf32, #tpu.memory_space<vmem>>, vector<1x16xf32>,
        %get3A_538 = arith.index_cast %scan3A_296 : i32 to index
        %get3A_539 = arith.constant 144 : index
        %get3A_540 = tpu.vector_load %arg15[%get3A_538, %get3A_539] {strides = array<i32>} : memref<40x256xf32, #tpu.memory_space<vmem>>, vector<1x16xf32>,
        %get3A_541 = vector.shape_cast %get3A_540 : vector<1x16xf32> to vector<16xf32>
        %get3A_542 = arith.index_cast %scan3A_296 : i32 to index
        %get3A_543 = arith.constant 144 : index
        %get3A_544 = tpu.vector_load %arg9[%get3A_542, %get3A_543] {strides = array<i32>} : memref<40x256xf32, #tpu.memory_space<vmem>>, vector<1x16xf32>,
        %get3A_545 = vector.shape_cast %get3A_544 : vector<1x16xf32> to vector<16xf32>
        %add3A_546 = arith.addf %get3A_541, %get3A_545 : vector<16xf32>
        %get3A_547 = arith.index_cast %scan3A_296 : i32 to index
        %get3A_548 = arith.constant 144 : index
        %get3A_549 = tpu.vector_load %arg11[%get3A_547, %get3A_548] {strides = array<i32>} : memref<40x256xf32, #tpu.memory_space<vmem>>, vector<1x16xf32>,
        %get3A_550 = vector.shape_cast %get3A_549 : vector<1x16xf32> to vector<16xf32>
        %add3A_551 = arith.addf %add3A_546, %get3A_550 : vector<16xf32>
        %get3A_552 = arith.index_cast %scan3A_296 : i32 to index
        %get3A_553 = arith.constant 144 : index
        %get3A_554 = tpu.vector_load %arg13[%get3A_552, %get3A_553] {strides = array<i32>} : memref<40x256xf32, #tpu.memory_space<vmem>>, vector<1x16xf32>,
        %get3A_555 = vector.shape_cast %get3A_554 : vector<1x16xf32> to vector<16xf32>
        %add3A_556 = arith.addf %add3A_551, %get3A_555 : vector<16xf32>
        %mul3A_557 = arith.constant 2.500000e-01 : f32
        %mul3A_558 = vector.broadcast %mul3A_557 : f32 to vector<16xf32>
        %mul3A_559 = arith.mulf %add3A_556, %mul3A_558 : vector<16xf32>
        %swap3A_560 = arith.index_cast %scan3A_296 : i32 to index
        %swap3A_561 = arith.constant 144 : index
        %swap3A_562 = tpu.vector_load %arg15[%swap3A_560, %swap3A_561] {strides = array<i32>} : memref<40x256xf32, #tpu.memory_space<vmem>>, vector<1x16xf32>,
        %swap3A_563 = vector.shape_cast %swap3A_562 : vector<1x16xf32> to vector<16xf32>
        %swap3A_564 = vector.shape_cast %mul3A_559 : vector<16xf32> to vector<1x16xf32>
        tpu.vector_store %arg15[%swap3A_560, %swap3A_561], %swap3A_564 {strides = array<i32>} : memref<40x256xf32, #tpu.memory_space<vmem>>, vector<1x16xf32>,
        %get3A_565 = arith.index_cast %scan3A_296 : i32 to index
        %get3A_566 = arith.constant 160 : index
        %get3A_567 = tpu.vector_load %arg15[%get3A_565, %get3A_566] {strides = array<i32>} : memref<40x256xf32, #tpu.memory_space<vmem>>, vector<1x16xf32>,
        %get3A_568 = vector.shape_cast %get3A_567 : vector<1x16xf32> to vector<16xf32>
        %get3A_569 = arith.index_cast %scan3A_296 : i32 to index
        %get3A_570 = arith.constant 160 : index
        %get3A_571 = tpu.vector_load %arg9[%get3A_569, %get3A_570] {strides = array<i32>} : memref<40x256xf32, #tpu.memory_space<vmem>>, vector<1x16xf32>,
        %get3A_572 = vector.shape_cast %get3A_571 : vector<1x16xf32> to vector<16xf32>
        %add3A_573 = arith.addf %get3A_568, %get3A_572 : vector<16xf32>
        %get3A_574 = arith.index_cast %scan3A_296 : i32 to index
        %get3A_575 = arith.constant 160 : index
        %get3A_576 = tpu.vector_load %arg11[%get3A_574, %get3A_575] {strides = array<i32>} : memref<40x256xf32, #tpu.memory_space<vmem>>, vector<1x16xf32>,
        %get3A_577 = vector.shape_cast %get3A_576 : vector<1x16xf32> to vector<16xf32>
        %add3A_578 = arith.addf %add3A_573, %get3A_577 : vector<16xf32>
        %get3A_579 = arith.index_cast %scan3A_296 : i32 to index
        %get3A_580 = arith.constant 160 : index
        %get3A_581 = tpu.vector_load %arg13[%get3A_579, %get3A_580] {strides = array<i32>} : memref<40x256xf32, #tpu.memory_space<vmem>>, vector<1x16xf32>,
        %get3A_582 = vector.shape_cast %get3A_581 : vector<1x16xf32> to vector<16xf32>
        %add3A_583 = arith.addf %add3A_578, %get3A_582 : vector<16xf32>
        %mul3A_584 = arith.constant 2.500000e-01 : f32
        %mul3A_585 = vector.broadcast %mul3A_584 : f32 to vector<16xf32>
        %mul3A_586 = arith.mulf %add3A_583, %mul3A_585 : vector<16xf32>
        %swap3A_587 = arith.index_cast %scan3A_296 : i32 to index
        %swap3A_588 = arith.constant 160 : index
        %swap3A_589 = tpu.vector_load %arg15[%swap3A_587, %swap3A_588] {strides = array<i32>} : memref<40x256xf32, #tpu.memory_space<vmem>>, vector<1x16xf32>,
        %swap3A_590 = vector.shape_cast %swap3A_589 : vector<1x16xf32> to vector<16xf32>
        %swap3A_591 = vector.shape_cast %mul3A_586 : vector<16xf32> to vector<1x16xf32>
        tpu.vector_store %arg15[%swap3A_587, %swap3A_588], %swap3A_591 {strides = array<i32>} : memref<40x256xf32, #tpu.memory_space<vmem>>, vector<1x16xf32>,
        %get3A_592 = arith.index_cast %scan3A_296 : i32 to index
        %get3A_593 = arith.constant 176 : index
        %get3A_594 = tpu.vector_load %arg15[%get3A_592, %get3A_593] {strides = array<i32>} : memref<40x256xf32, #tpu.memory_space<vmem>>, vector<1x16xf32>,
        %get3A_595 = vector.shape_cast %get3A_594 : vector<1x16xf32> to vector<16xf32>
        %get3A_596 = arith.index_cast %scan3A_296 : i32 to index
        %get3A_597 = arith.constant 176 : index
        %get3A_598 = tpu.vector_load %arg9[%get3A_596, %get3A_597] {strides = array<i32>} : memref<40x256xf32, #tpu.memory_space<vmem>>, vector<1x16xf32>,
        %get3A_599 = vector.shape_cast %get3A_598 : vector<1x16xf32> to vector<16xf32>
        %add3A_600 = arith.addf %get3A_595, %get3A_599 : vector<16xf32>
        %get3A_601 = arith.index_cast %scan3A_296 : i32 to index
        %get3A_602 = arith.constant 176 : index
        %get3A_603 = tpu.vector_load %arg11[%get3A_601, %get3A_602] {strides = array<i32>} : memref<40x256xf32, #tpu.memory_space<vmem>>, vector<1x16xf32>,
        %get3A_604 = vector.shape_cast %get3A_603 : vector<1x16xf32> to vector<16xf32>
        %add3A_605 = arith.addf %add3A_600, %get3A_604 : vector<16xf32>
        %get3A_606 = arith.index_cast %scan3A_296 : i32 to index
        %get3A_607 = arith.constant 176 : index
        %get3A_608 = tpu.vector_load %arg13[%get3A_606, %get3A_607] {strides = array<i32>} : memref<40x256xf32, #tpu.memory_space<vmem>>, vector<1x16xf32>,
        %get3A_609 = vector.shape_cast %get3A_608 : vector<1x16xf32> to vector<16xf32>
        %add3A_610 = arith.addf %add3A_605, %get3A_609 : vector<16xf32>
        %mul3A_611 = arith.constant 2.500000e-01 : f32
        %mul3A_612 = vector.broadcast %mul3A_611 : f32 to vector<16xf32>
        %mul3A_613 = arith.mulf %add3A_610, %mul3A_612 : vector<16xf32>
        %swap3A_614 = arith.index_cast %scan3A_296 : i32 to index
        %swap3A_615 = arith.constant 176 : index
        %swap3A_616 = tpu.vector_load %arg15[%swap3A_614, %swap3A_615] {strides = array<i32>} : memref<40x256xf32, #tpu.memory_space<vmem>>, vector<1x16xf32>,
        %swap3A_617 = vector.shape_cast %swap3A_616 : vector<1x16xf32> to vector<16xf32>
        %swap3A_618 = vector.shape_cast %mul3A_613 : vector<16xf32> to vector<1x16xf32>
        tpu.vector_store %arg15[%swap3A_614, %swap3A_615], %swap3A_618 {strides = array<i32>} : memref<40x256xf32, #tpu.memory_space<vmem>>, vector<1x16xf32>,
        %get3A_619 = arith.index_cast %scan3A_296 : i32 to index
        %get3A_620 = arith.constant 192 : index
        %get3A_621 = tpu.vector_load %arg15[%get3A_619, %get3A_620] {strides = array<i32>} : memref<40x256xf32, #tpu.memory_space<vmem>>, vector<1x16xf32>,
        %get3A_622 = vector.shape_cast %get3A_621 : vector<1x16xf32> to vector<16xf32>
        %get3A_623 = arith.index_cast %scan3A_296 : i32 to index
        %get3A_624 = arith.constant 192 : index
        %get3A_625 = tpu.vector_load %arg9[%get3A_623, %get3A_624] {strides = array<i32>} : memref<40x256xf32, #tpu.memory_space<vmem>>, vector<1x16xf32>,
        %get3A_626 = vector.shape_cast %get3A_625 : vector<1x16xf32> to vector<16xf32>
        %add3A_627 = arith.addf %get3A_622, %get3A_626 : vector<16xf32>
        %get3A_628 = arith.index_cast %scan3A_296 : i32 to index
        %get3A_629 = arith.constant 192 : index
        %get3A_630 = tpu.vector_load %arg11[%get3A_628, %get3A_629] {strides = array<i32>} : memref<40x256xf32, #tpu.memory_space<vmem>>, vector<1x16xf32>,
        %get3A_631 = vector.shape_cast %get3A_630 : vector<1x16xf32> to vector<16xf32>
        %add3A_632 = arith.addf %add3A_627, %get3A_631 : vector<16xf32>
        %get3A_633 = arith.index_cast %scan3A_296 : i32 to index
        %get3A_634 = arith.constant 192 : index
        %get3A_635 = tpu.vector_load %arg13[%get3A_633, %get3A_634] {strides = array<i32>} : memref<40x256xf32, #tpu.memory_space<vmem>>, vector<1x16xf32>,
        %get3A_636 = vector.shape_cast %get3A_635 : vector<1x16xf32> to vector<16xf32>
        %add3A_637 = arith.addf %add3A_632, %get3A_636 : vector<16xf32>
        %mul3A_638 = arith.constant 2.500000e-01 : f32
        %mul3A_639 = vector.broadcast %mul3A_638 : f32 to vector<16xf32>
        %mul3A_640 = arith.mulf %add3A_637, %mul3A_639 : vector<16xf32>
        %swap3A_641 = arith.index_cast %scan3A_296 : i32 to index
        %swap3A_642 = arith.constant 192 : index
        %swap3A_643 = tpu.vector_load %arg15[%swap3A_641, %swap3A_642] {strides = array<i32>} : memref<40x256xf32, #tpu.memory_space<vmem>>, vector<1x16xf32>,
        %swap3A_644 = vector.shape_cast %swap3A_643 : vector<1x16xf32> to vector<16xf32>
        %swap3A_645 = vector.shape_cast %mul3A_640 : vector<16xf32> to vector<1x16xf32>
        tpu.vector_store %arg15[%swap3A_641, %swap3A_642], %swap3A_645 {strides = array<i32>} : memref<40x256xf32, #tpu.memory_space<vmem>>, vector<1x16xf32>,
        %get3A_646 = arith.index_cast %scan3A_296 : i32 to index
        %get3A_647 = arith.constant 208 : index
        %get3A_648 = tpu.vector_load %arg15[%get3A_646, %get3A_647] {strides = array<i32>} : memref<40x256xf32, #tpu.memory_space<vmem>>, vector<1x16xf32>,
        %get3A_649 = vector.shape_cast %get3A_648 : vector<1x16xf32> to vector<16xf32>
        %get3A_650 = arith.index_cast %scan3A_296 : i32 to index
        %get3A_651 = arith.constant 208 : index
        %get3A_652 = tpu.vector_load %arg9[%get3A_650, %get3A_651] {strides = array<i32>} : memref<40x256xf32, #tpu.memory_space<vmem>>, vector<1x16xf32>,
        %get3A_653 = vector.shape_cast %get3A_652 : vector<1x16xf32> to vector<16xf32>
        %add3A_654 = arith.addf %get3A_649, %get3A_653 : vector<16xf32>
        %get3A_655 = arith.index_cast %scan3A_296 : i32 to index
        %get3A_656 = arith.constant 208 : index
        %get3A_657 = tpu.vector_load %arg11[%get3A_655, %get3A_656] {strides = array<i32>} : memref<40x256xf32, #tpu.memory_space<vmem>>, vector<1x16xf32>,
        %get3A_658 = vector.shape_cast %get3A_657 : vector<1x16xf32> to vector<16xf32>
        %add3A_659 = arith.addf %add3A_654, %get3A_658 : vector<16xf32>
        %get3A_660 = arith.index_cast %scan3A_296 : i32 to index
        %get3A_661 = arith.constant 208 : index
        %get3A_662 = tpu.vector_load %arg13[%get3A_660, %get3A_661] {strides = array<i32>} : memref<40x256xf32, #tpu.memory_space<vmem>>, vector<1x16xf32>,
        %get3A_663 = vector.shape_cast %get3A_662 : vector<1x16xf32> to vector<16xf32>
        %add3A_664 = arith.addf %add3A_659, %get3A_663 : vector<16xf32>
        %mul3A_665 = arith.constant 2.500000e-01 : f32
        %mul3A_666 = vector.broadcast %mul3A_665 : f32 to vector<16xf32>
        %mul3A_667 = arith.mulf %add3A_664, %mul3A_666 : vector<16xf32>
        %swap3A_668 = arith.index_cast %scan3A_296 : i32 to index
        %swap3A_669 = arith.constant 208 : index
        %swap3A_670 = tpu.vector_load %arg15[%swap3A_668, %swap3A_669] {strides = array<i32>} : memref<40x256xf32, #tpu.memory_space<vmem>>, vector<1x16xf32>,
        %swap3A_671 = vector.shape_cast %swap3A_670 : vector<1x16xf32> to vector<16xf32>
        %swap3A_672 = vector.shape_cast %mul3A_667 : vector<16xf32> to vector<1x16xf32>
        tpu.vector_store %arg15[%swap3A_668, %swap3A_669], %swap3A_672 {strides = array<i32>} : memref<40x256xf32, #tpu.memory_space<vmem>>, vector<1x16xf32>,
        %get3A_673 = arith.index_cast %scan3A_296 : i32 to index
        %get3A_674 = arith.constant 224 : index
        %get3A_675 = tpu.vector_load %arg15[%get3A_673, %get3A_674] {strides = array<i32>} : memref<40x256xf32, #tpu.memory_space<vmem>>, vector<1x16xf32>,
        %get3A_676 = vector.shape_cast %get3A_675 : vector<1x16xf32> to vector<16xf32>
        %get3A_677 = arith.index_cast %scan3A_296 : i32 to index
        %get3A_678 = arith.constant 224 : index
        %get3A_679 = tpu.vector_load %arg9[%get3A_677, %get3A_678] {strides = array<i32>} : memref<40x256xf32, #tpu.memory_space<vmem>>, vector<1x16xf32>,
        %get3A_680 = vector.shape_cast %get3A_679 : vector<1x16xf32> to vector<16xf32>
        %add3A_681 = arith.addf %get3A_676, %get3A_680 : vector<16xf32>
        %get3A_682 = arith.index_cast %scan3A_296 : i32 to index
        %get3A_683 = arith.constant 224 : index
        %get3A_684 = tpu.vector_load %arg11[%get3A_682, %get3A_683] {strides = array<i32>} : memref<40x256xf32, #tpu.memory_space<vmem>>, vector<1x16xf32>,
        %get3A_685 = vector.shape_cast %get3A_684 : vector<1x16xf32> to vector<16xf32>
        %add3A_686 = arith.addf %add3A_681, %get3A_685 : vector<16xf32>
        %get3A_687 = arith.index_cast %scan3A_296 : i32 to index
        %get3A_688 = arith.constant 224 : index
        %get3A_689 = tpu.vector_load %arg13[%get3A_687, %get3A_688] {strides = array<i32>} : memref<40x256xf32, #tpu.memory_space<vmem>>, vector<1x16xf32>,
        %get3A_690 = vector.shape_cast %get3A_689 : vector<1x16xf32> to vector<16xf32>
        %add3A_691 = arith.addf %add3A_686, %get3A_690 : vector<16xf32>
        %mul3A_692 = arith.constant 2.500000e-01 : f32
        %mul3A_693 = vector.broadcast %mul3A_692 : f32 to vector<16xf32>
        %mul3A_694 = arith.mulf %add3A_691, %mul3A_693 : vector<16xf32>
        %swap3A_695 = arith.index_cast %scan3A_296 : i32 to index
        %swap3A_696 = arith.constant 224 : index
        %swap3A_697 = tpu.vector_load %arg15[%swap3A_695, %swap3A_696] {strides = array<i32>} : memref<40x256xf32, #tpu.memory_space<vmem>>, vector<1x16xf32>,
        %swap3A_698 = vector.shape_cast %swap3A_697 : vector<1x16xf32> to vector<16xf32>
        %swap3A_699 = vector.shape_cast %mul3A_694 : vector<16xf32> to vector<1x16xf32>
        tpu.vector_store %arg15[%swap3A_695, %swap3A_696], %swap3A_699 {strides = array<i32>} : memref<40x256xf32, #tpu.memory_space<vmem>>, vector<1x16xf32>,
        %get3A_700 = arith.index_cast %scan3A_296 : i32 to index
        %get3A_701 = arith.constant 240 : index
        %get3A_702 = tpu.vector_load %arg15[%get3A_700, %get3A_701] {strides = array<i32>} : memref<40x256xf32, #tpu.memory_space<vmem>>, vector<1x16xf32>,
        %get3A_703 = vector.shape_cast %get3A_702 : vector<1x16xf32> to vector<16xf32>
        %get3A_704 = arith.index_cast %scan3A_296 : i32 to index
        %get3A_705 = arith.constant 240 : index
        %get3A_706 = tpu.vector_load %arg9[%get3A_704, %get3A_705] {strides = array<i32>} : memref<40x256xf32, #tpu.memory_space<vmem>>, vector<1x16xf32>,
        %get3A_707 = vector.shape_cast %get3A_706 : vector<1x16xf32> to vector<16xf32>
        %add3A_708 = arith.addf %get3A_703, %get3A_707 : vector<16xf32>
        %get3A_709 = arith.index_cast %scan3A_296 : i32 to index
        %get3A_710 = arith.constant 240 : index
        %get3A_711 = tpu.vector_load %arg11[%get3A_709, %get3A_710] {strides = array<i32>} : memref<40x256xf32, #tpu.memory_space<vmem>>, vector<1x16xf32>,
        %get3A_712 = vector.shape_cast %get3A_711 : vector<1x16xf32> to vector<16xf32>
        %add3A_713 = arith.addf %add3A_708, %get3A_712 : vector<16xf32>
        %get3A_714 = arith.index_cast %scan3A_296 : i32 to index
        %get3A_715 = arith.constant 240 : index
        %get3A_716 = tpu.vector_load %arg13[%get3A_714, %get3A_715] {strides = array<i32>} : memref<40x256xf32, #tpu.memory_space<vmem>>, vector<1x16xf32>,
        %get3A_717 = vector.shape_cast %get3A_716 : vector<1x16xf32> to vector<16xf32>
        %add3A_718 = arith.addf %add3A_713, %get3A_717 : vector<16xf32>
        %mul3A_719 = arith.constant 2.500000e-01 : f32
        %mul3A_720 = vector.broadcast %mul3A_719 : f32 to vector<16xf32>
        %mul3A_721 = arith.mulf %add3A_718, %mul3A_720 : vector<16xf32>
        %swap3A_722 = arith.index_cast %scan3A_296 : i32 to index
        %swap3A_723 = arith.constant 240 : index
        %swap3A_724 = tpu.vector_load %arg15[%swap3A_722, %swap3A_723] {strides = array<i32>} : memref<40x256xf32, #tpu.memory_space<vmem>>, vector<1x16xf32>,
        %swap3A_725 = vector.shape_cast %swap3A_724 : vector<1x16xf32> to vector<16xf32>
        %swap3A_726 = vector.shape_cast %mul3A_721 : vector<16xf32> to vector<1x16xf32>
        tpu.vector_store %arg15[%swap3A_722, %swap3A_723], %swap3A_726 {strides = array<i32>} : memref<40x256xf32, #tpu.memory_space<vmem>>, vector<1x16xf32>,
        %scan3A_727 = arith.constant 1 : i32
        %scan3A_728 = arith.addi %scan3A_296, %scan3A_727 : i32
        %get3A_729 = arith.index_cast %scan3A_728 : i32 to index
        %get3A_730 = arith.constant 0 : index
        %get3A_731 = tpu.vector_load %arg15[%get3A_729, %get3A_730] {strides = array<i32>} : memref<40x256xf32, #tpu.memory_space<vmem>>, vector<1x16xf32>,
        %get3A_732 = vector.shape_cast %get3A_731 : vector<1x16xf32> to vector<16xf32>
        %get3A_733 = arith.index_cast %scan3A_728 : i32 to index
        %get3A_734 = arith.constant 0 : index
        %get3A_735 = tpu.vector_load %arg9[%get3A_733, %get3A_734] {strides = array<i32>} : memref<40x256xf32, #tpu.memory_space<vmem>>, vector<1x16xf32>,
        %get3A_736 = vector.shape_cast %get3A_735 : vector<1x16xf32> to vector<16xf32>
        %add3A_737 = arith.addf %get3A_732, %get3A_736 : vector<16xf32>
        %get3A_738 = arith.index_cast %scan3A_728 : i32 to index
        %get3A_739 = arith.constant 0 : index
        %get3A_740 = tpu.vector_load %arg11[%get3A_738, %get3A_739] {strides = array<i32>} : memref<40x256xf32, #tpu.memory_space<vmem>>, vector<1x16xf32>,
        %get3A_741 = vector.shape_cast %get3A_740 : vector<1x16xf32> to vector<16xf32>
        %add3A_742 = arith.addf %add3A_737, %get3A_741 : vector<16xf32>
        %get3A_743 = arith.index_cast %scan3A_728 : i32 to index
        %get3A_744 = arith.constant 0 : index
        %get3A_745 = tpu.vector_load %arg13[%get3A_743, %get3A_744] {strides = array<i32>} : memref<40x256xf32, #tpu.memory_space<vmem>>, vector<1x16xf32>,
        %get3A_746 = vector.shape_cast %get3A_745 : vector<1x16xf32> to vector<16xf32>
        %add3A_747 = arith.addf %add3A_742, %get3A_746 : vector<16xf32>
        %mul3A_748 = arith.constant 2.500000e-01 : f32
        %mul3A_749 = vector.broadcast %mul3A_748 : f32 to vector<16xf32>
        %mul3A_750 = arith.mulf %add3A_747, %mul3A_749 : vector<16xf32>
        %swap3A_751 = arith.index_cast %scan3A_728 : i32 to index
        %swap3A_752 = arith.constant 0 : index
        %swap3A_753 = tpu.vector_load %arg15[%swap3A_751, %swap3A_752] {strides = array<i32>} : memref<40x256xf32, #tpu.memory_space<vmem>>, vector<1x16xf32>,
        %swap3A_754 = vector.shape_cast %swap3A_753 : vector<1x16xf32> to vector<16xf32>
        %swap3A_755 = vector.shape_cast %mul3A_750 : vector<16xf32> to vector<1x16xf32>
        tpu.vector_store %arg15[%swap3A_751, %swap3A_752], %swap3A_755 {strides = array<i32>} : memref<40x256xf32, #tpu.memory_space<vmem>>, vector<1x16xf32>,
        %get3A_756 = arith.index_cast %scan3A_728 : i32 to index
        %get3A_757 = arith.constant 16 : index
        %get3A_758 = tpu.vector_load %arg15[%get3A_756, %get3A_757] {strides = array<i32>} : memref<40x256xf32, #tpu.memory_space<vmem>>, vector<1x16xf32>,
        %get3A_759 = vector.shape_cast %get3A_758 : vector<1x16xf32> to vector<16xf32>
        %get3A_760 = arith.index_cast %scan3A_728 : i32 to index
        %get3A_761 = arith.constant 16 : index
        %get3A_762 = tpu.vector_load %arg9[%get3A_760, %get3A_761] {strides = array<i32>} : memref<40x256xf32, #tpu.memory_space<vmem>>, vector<1x16xf32>,
        %get3A_763 = vector.shape_cast %get3A_762 : vector<1x16xf32> to vector<16xf32>
        %add3A_764 = arith.addf %get3A_759, %get3A_763 : vector<16xf32>
        %get3A_765 = arith.index_cast %scan3A_728 : i32 to index
        %get3A_766 = arith.constant 16 : index
        %get3A_767 = tpu.vector_load %arg11[%get3A_765, %get3A_766] {strides = array<i32>} : memref<40x256xf32, #tpu.memory_space<vmem>>, vector<1x16xf32>,
        %get3A_768 = vector.shape_cast %get3A_767 : vector<1x16xf32> to vector<16xf32>
        %add3A_769 = arith.addf %add3A_764, %get3A_768 : vector<16xf32>
        %get3A_770 = arith.index_cast %scan3A_728 : i32 to index
        %get3A_771 = arith.constant 16 : index
        %get3A_772 = tpu.vector_load %arg13[%get3A_770, %get3A_771] {strides = array<i32>} : memref<40x256xf32, #tpu.memory_space<vmem>>, vector<1x16xf32>,
        %get3A_773 = vector.shape_cast %get3A_772 : vector<1x16xf32> to vector<16xf32>
        %add3A_774 = arith.addf %add3A_769, %get3A_773 : vector<16xf32>
        %mul3A_775 = arith.constant 2.500000e-01 : f32
        %mul3A_776 = vector.broadcast %mul3A_775 : f32 to vector<16xf32>
        %mul3A_777 = arith.mulf %add3A_774, %mul3A_776 : vector<16xf32>
        %swap3A_778 = arith.index_cast %scan3A_728 : i32 to index
        %swap3A_779 = arith.constant 16 : index
        %swap3A_780 = tpu.vector_load %arg15[%swap3A_778, %swap3A_779] {strides = array<i32>} : memref<40x256xf32, #tpu.memory_space<vmem>>, vector<1x16xf32>,
        %swap3A_781 = vector.shape_cast %swap3A_780 : vector<1x16xf32> to vector<16xf32>
        %swap3A_782 = vector.shape_cast %mul3A_777 : vector<16xf32> to vector<1x16xf32>
        tpu.vector_store %arg15[%swap3A_778, %swap3A_779], %swap3A_782 {strides = array<i32>} : memref<40x256xf32, #tpu.memory_space<vmem>>, vector<1x16xf32>,
        %get3A_783 = arith.index_cast %scan3A_728 : i32 to index
        %get3A_784 = arith.constant 32 : index
        %get3A_785 = tpu.vector_load %arg15[%get3A_783, %get3A_784] {strides = array<i32>} : memref<40x256xf32, #tpu.memory_space<vmem>>, vector<1x16xf32>,
        %get3A_786 = vector.shape_cast %get3A_785 : vector<1x16xf32> to vector<16xf32>
        %get3A_787 = arith.index_cast %scan3A_728 : i32 to index
        %get3A_788 = arith.constant 32 : index
        %get3A_789 = tpu.vector_load %arg9[%get3A_787, %get3A_788] {strides = array<i32>} : memref<40x256xf32, #tpu.memory_space<vmem>>, vector<1x16xf32>,
        %get3A_790 = vector.shape_cast %get3A_789 : vector<1x16xf32> to vector<16xf32>
        %add3A_791 = arith.addf %get3A_786, %get3A_790 : vector<16xf32>
        %get3A_792 = arith.index_cast %scan3A_728 : i32 to index
        %get3A_793 = arith.constant 32 : index
        %get3A_794 = tpu.vector_load %arg11[%get3A_792, %get3A_793] {strides = array<i32>} : memref<40x256xf32, #tpu.memory_space<vmem>>, vector<1x16xf32>,
        %get3A_795 = vector.shape_cast %get3A_794 : vector<1x16xf32> to vector<16xf32>
        %add3A_796 = arith.addf %add3A_791, %get3A_795 : vector<16xf32>
        %get3A_797 = arith.index_cast %scan3A_728 : i32 to index
        %get3A_798 = arith.constant 32 : index
        %get3A_799 = tpu.vector_load %arg13[%get3A_797, %get3A_798] {strides = array<i32>} : memref<40x256xf32, #tpu.memory_space<vmem>>, vector<1x16xf32>,
        %get3A_800 = vector.shape_cast %get3A_799 : vector<1x16xf32> to vector<16xf32>
        %add3A_801 = arith.addf %add3A_796, %get3A_800 : vector<16xf32>
        %mul3A_802 = arith.constant 2.500000e-01 : f32
        %mul3A_803 = vector.broadcast %mul3A_802 : f32 to vector<16xf32>
        %mul3A_804 = arith.mulf %add3A_801, %mul3A_803 : vector<16xf32>
        %swap3A_805 = arith.index_cast %scan3A_728 : i32 to index
        %swap3A_806 = arith.constant 32 : index
        %swap3A_807 = tpu.vector_load %arg15[%swap3A_805, %swap3A_806] {strides = array<i32>} : memref<40x256xf32, #tpu.memory_space<vmem>>, vector<1x16xf32>,
        %swap3A_808 = vector.shape_cast %swap3A_807 : vector<1x16xf32> to vector<16xf32>
        %swap3A_809 = vector.shape_cast %mul3A_804 : vector<16xf32> to vector<1x16xf32>
        tpu.vector_store %arg15[%swap3A_805, %swap3A_806], %swap3A_809 {strides = array<i32>} : memref<40x256xf32, #tpu.memory_space<vmem>>, vector<1x16xf32>,
        %get3A_810 = arith.index_cast %scan3A_728 : i32 to index
        %get3A_811 = arith.constant 48 : index
        %get3A_812 = tpu.vector_load %arg15[%get3A_810, %get3A_811] {strides = array<i32>} : memref<40x256xf32, #tpu.memory_space<vmem>>, vector<1x16xf32>,
        %get3A_813 = vector.shape_cast %get3A_812 : vector<1x16xf32> to vector<16xf32>
        %get3A_814 = arith.index_cast %scan3A_728 : i32 to index
        %get3A_815 = arith.constant 48 : index
        %get3A_816 = tpu.vector_load %arg9[%get3A_814, %get3A_815] {strides = array<i32>} : memref<40x256xf32, #tpu.memory_space<vmem>>, vector<1x16xf32>,
        %get3A_817 = vector.shape_cast %get3A_816 : vector<1x16xf32> to vector<16xf32>
        %add3A_818 = arith.addf %get3A_813, %get3A_817 : vector<16xf32>
        %get3A_819 = arith.index_cast %scan3A_728 : i32 to index
        %get3A_820 = arith.constant 48 : index
        %get3A_821 = tpu.vector_load %arg11[%get3A_819, %get3A_820] {strides = array<i32>} : memref<40x256xf32, #tpu.memory_space<vmem>>, vector<1x16xf32>,
        %get3A_822 = vector.shape_cast %get3A_821 : vector<1x16xf32> to vector<16xf32>
        %add3A_823 = arith.addf %add3A_818, %get3A_822 : vector<16xf32>
        %get3A_824 = arith.index_cast %scan3A_728 : i32 to index
        %get3A_825 = arith.constant 48 : index
        %get3A_826 = tpu.vector_load %arg13[%get3A_824, %get3A_825] {strides = array<i32>} : memref<40x256xf32, #tpu.memory_space<vmem>>, vector<1x16xf32>,
        %get3A_827 = vector.shape_cast %get3A_826 : vector<1x16xf32> to vector<16xf32>
        %add3A_828 = arith.addf %add3A_823, %get3A_827 : vector<16xf32>
        %mul3A_829 = arith.constant 2.500000e-01 : f32
        %mul3A_830 = vector.broadcast %mul3A_829 : f32 to vector<16xf32>
        %mul3A_831 = arith.mulf %add3A_828, %mul3A_830 : vector<16xf32>
        %swap3A_832 = arith.index_cast %scan3A_728 : i32 to index
        %swap3A_833 = arith.constant 48 : index
        %swap3A_834 = tpu.vector_load %arg15[%swap3A_832, %swap3A_833] {strides = array<i32>} : memref<40x256xf32, #tpu.memory_space<vmem>>, vector<1x16xf32>,
        %swap3A_835 = vector.shape_cast %swap3A_834 : vector<1x16xf32> to vector<16xf32>
        %swap3A_836 = vector.shape_cast %mul3A_831 : vector<16xf32> to vector<1x16xf32>
        tpu.vector_store %arg15[%swap3A_832, %swap3A_833], %swap3A_836 {strides = array<i32>} : memref<40x256xf32, #tpu.memory_space<vmem>>, vector<1x16xf32>,
        %get3A_837 = arith.index_cast %scan3A_728 : i32 to index
        %get3A_838 = arith.constant 64 : index
        %get3A_839 = tpu.vector_load %arg15[%get3A_837, %get3A_838] {strides = array<i32>} : memref<40x256xf32, #tpu.memory_space<vmem>>, vector<1x16xf32>,
        %get3A_840 = vector.shape_cast %get3A_839 : vector<1x16xf32> to vector<16xf32>
        %get3A_841 = arith.index_cast %scan3A_728 : i32 to index
        %get3A_842 = arith.constant 64 : index
        %get3A_843 = tpu.vector_load %arg9[%get3A_841, %get3A_842] {strides = array<i32>} : memref<40x256xf32, #tpu.memory_space<vmem>>, vector<1x16xf32>,
        %get3A_844 = vector.shape_cast %get3A_843 : vector<1x16xf32> to vector<16xf32>
        %add3A_845 = arith.addf %get3A_840, %get3A_844 : vector<16xf32>
        %get3A_846 = arith.index_cast %scan3A_728 : i32 to index
        %get3A_847 = arith.constant 64 : index
        %get3A_848 = tpu.vector_load %arg11[%get3A_846, %get3A_847] {strides = array<i32>} : memref<40x256xf32, #tpu.memory_space<vmem>>, vector<1x16xf32>,
        %get3A_849 = vector.shape_cast %get3A_848 : vector<1x16xf32> to vector<16xf32>
        %add3A_850 = arith.addf %add3A_845, %get3A_849 : vector<16xf32>
        %get3A_851 = arith.index_cast %scan3A_728 : i32 to index
        %get3A_852 = arith.constant 64 : index
        %get3A_853 = tpu.vector_load %arg13[%get3A_851, %get3A_852] {strides = array<i32>} : memref<40x256xf32, #tpu.memory_space<vmem>>, vector<1x16xf32>,
        %get3A_854 = vector.shape_cast %get3A_853 : vector<1x16xf32> to vector<16xf32>
        %add3A_855 = arith.addf %add3A_850, %get3A_854 : vector<16xf32>
        %mul3A_856 = arith.constant 2.500000e-01 : f32
        %mul3A_857 = vector.broadcast %mul3A_856 : f32 to vector<16xf32>
        %mul3A_858 = arith.mulf %add3A_855, %mul3A_857 : vector<16xf32>
        %swap3A_859 = arith.index_cast %scan3A_728 : i32 to index
        %swap3A_860 = arith.constant 64 : index
        %swap3A_861 = tpu.vector_load %arg15[%swap3A_859, %swap3A_860] {strides = array<i32>} : memref<40x256xf32, #tpu.memory_space<vmem>>, vector<1x16xf32>,
        %swap3A_862 = vector.shape_cast %swap3A_861 : vector<1x16xf32> to vector<16xf32>
        %swap3A_863 = vector.shape_cast %mul3A_858 : vector<16xf32> to vector<1x16xf32>
        tpu.vector_store %arg15[%swap3A_859, %swap3A_860], %swap3A_863 {strides = array<i32>} : memref<40x256xf32, #tpu.memory_space<vmem>>, vector<1x16xf32>,
        %get3A_864 = arith.index_cast %scan3A_728 : i32 to index
        %get3A_865 = arith.constant 80 : index
        %get3A_866 = tpu.vector_load %arg15[%get3A_864, %get3A_865] {strides = array<i32>} : memref<40x256xf32, #tpu.memory_space<vmem>>, vector<1x16xf32>,
        %get3A_867 = vector.shape_cast %get3A_866 : vector<1x16xf32> to vector<16xf32>
        %get3A_868 = arith.index_cast %scan3A_728 : i32 to index
        %get3A_869 = arith.constant 80 : index
        %get3A_870 = tpu.vector_load %arg9[%get3A_868, %get3A_869] {strides = array<i32>} : memref<40x256xf32, #tpu.memory_space<vmem>>, vector<1x16xf32>,
        %get3A_871 = vector.shape_cast %get3A_870 : vector<1x16xf32> to vector<16xf32>
        %add3A_872 = arith.addf %get3A_867, %get3A_871 : vector<16xf32>
        %get3A_873 = arith.index_cast %scan3A_728 : i32 to index
        %get3A_874 = arith.constant 80 : index
        %get3A_875 = tpu.vector_load %arg11[%get3A_873, %get3A_874] {strides = array<i32>} : memref<40x256xf32, #tpu.memory_space<vmem>>, vector<1x16xf32>,
        %get3A_876 = vector.shape_cast %get3A_875 : vector<1x16xf32> to vector<16xf32>
        %add3A_877 = arith.addf %add3A_872, %get3A_876 : vector<16xf32>
        %get3A_878 = arith.index_cast %scan3A_728 : i32 to index
        %get3A_879 = arith.constant 80 : index
        %get3A_880 = tpu.vector_load %arg13[%get3A_878, %get3A_879] {strides = array<i32>} : memref<40x256xf32, #tpu.memory_space<vmem>>, vector<1x16xf32>,
        %get3A_881 = vector.shape_cast %get3A_880 : vector<1x16xf32> to vector<16xf32>
        %add3A_882 = arith.addf %add3A_877, %get3A_881 : vector<16xf32>
        %mul3A_883 = arith.constant 2.500000e-01 : f32
        %mul3A_884 = vector.broadcast %mul3A_883 : f32 to vector<16xf32>
        %mul3A_885 = arith.mulf %add3A_882, %mul3A_884 : vector<16xf32>
        %swap3A_886 = arith.index_cast %scan3A_728 : i32 to index
        %swap3A_887 = arith.constant 80 : index
        %swap3A_888 = tpu.vector_load %arg15[%swap3A_886, %swap3A_887] {strides = array<i32>} : memref<40x256xf32, #tpu.memory_space<vmem>>, vector<1x16xf32>,
        %swap3A_889 = vector.shape_cast %swap3A_888 : vector<1x16xf32> to vector<16xf32>
        %swap3A_890 = vector.shape_cast %mul3A_885 : vector<16xf32> to vector<1x16xf32>
        tpu.vector_store %arg15[%swap3A_886, %swap3A_887], %swap3A_890 {strides = array<i32>} : memref<40x256xf32, #tpu.memory_space<vmem>>, vector<1x16xf32>,
        %get3A_891 = arith.index_cast %scan3A_728 : i32 to index
        %get3A_892 = arith.constant 96 : index
        %get3A_893 = tpu.vector_load %arg15[%get3A_891, %get3A_892] {strides = array<i32>} : memref<40x256xf32, #tpu.memory_space<vmem>>, vector<1x16xf32>,
        %get3A_894 = vector.shape_cast %get3A_893 : vector<1x16xf32> to vector<16xf32>
        %get3A_895 = arith.index_cast %scan3A_728 : i32 to index
        %get3A_896 = arith.constant 96 : index
        %get3A_897 = tpu.vector_load %arg9[%get3A_895, %get3A_896] {strides = array<i32>} : memref<40x256xf32, #tpu.memory_space<vmem>>, vector<1x16xf32>,
        %get3A_898 = vector.shape_cast %get3A_897 : vector<1x16xf32> to vector<16xf32>
        %add3A_899 = arith.addf %get3A_894, %get3A_898 : vector<16xf32>
        %get3A_900 = arith.index_cast %scan3A_728 : i32 to index
        %get3A_901 = arith.constant 96 : index
        %get3A_902 = tpu.vector_load %arg11[%get3A_900, %get3A_901] {strides = array<i32>} : memref<40x256xf32, #tpu.memory_space<vmem>>, vector<1x16xf32>,
        %get3A_903 = vector.shape_cast %get3A_902 : vector<1x16xf32> to vector<16xf32>
        %add3A_904 = arith.addf %add3A_899, %get3A_903 : vector<16xf32>
        %get3A_905 = arith.index_cast %scan3A_728 : i32 to index
        %get3A_906 = arith.constant 96 : index
        %get3A_907 = tpu.vector_load %arg13[%get3A_905, %get3A_906] {strides = array<i32>} : memref<40x256xf32, #tpu.memory_space<vmem>>, vector<1x16xf32>,
        %get3A_908 = vector.shape_cast %get3A_907 : vector<1x16xf32> to vector<16xf32>
        %add3A_909 = arith.addf %add3A_904, %get3A_908 : vector<16xf32>
        %mul3A_910 = arith.constant 2.500000e-01 : f32
        %mul3A_911 = vector.broadcast %mul3A_910 : f32 to vector<16xf32>
        %mul3A_912 = arith.mulf %add3A_909, %mul3A_911 : vector<16xf32>
        %swap3A_913 = arith.index_cast %scan3A_728 : i32 to index
        %swap3A_914 = arith.constant 96 : index
        %swap3A_915 = tpu.vector_load %arg15[%swap3A_913, %swap3A_914] {strides = array<i32>} : memref<40x256xf32, #tpu.memory_space<vmem>>, vector<1x16xf32>,
        %swap3A_916 = vector.shape_cast %swap3A_915 : vector<1x16xf32> to vector<16xf32>
        %swap3A_917 = vector.shape_cast %mul3A_912 : vector<16xf32> to vector<1x16xf32>
        tpu.vector_store %arg15[%swap3A_913, %swap3A_914], %swap3A_917 {strides = array<i32>} : memref<40x256xf32, #tpu.memory_space<vmem>>, vector<1x16xf32>,
        %get3A_918 = arith.index_cast %scan3A_728 : i32 to index
        %get3A_919 = arith.constant 112 : index
        %get3A_920 = tpu.vector_load %arg15[%get3A_918, %get3A_919] {strides = array<i32>} : memref<40x256xf32, #tpu.memory_space<vmem>>, vector<1x16xf32>,
        %get3A_921 = vector.shape_cast %get3A_920 : vector<1x16xf32> to vector<16xf32>
        %get3A_922 = arith.index_cast %scan3A_728 : i32 to index
        %get3A_923 = arith.constant 112 : index
        %get3A_924 = tpu.vector_load %arg9[%get3A_922, %get3A_923] {strides = array<i32>} : memref<40x256xf32, #tpu.memory_space<vmem>>, vector<1x16xf32>,
        %get3A_925 = vector.shape_cast %get3A_924 : vector<1x16xf32> to vector<16xf32>
        %add3A_926 = arith.addf %get3A_921, %get3A_925 : vector<16xf32>
        %get3A_927 = arith.index_cast %scan3A_728 : i32 to index
        %get3A_928 = arith.constant 112 : index
        %get3A_929 = tpu.vector_load %arg11[%get3A_927, %get3A_928] {strides = array<i32>} : memref<40x256xf32, #tpu.memory_space<vmem>>, vector<1x16xf32>,
        %get3A_930 = vector.shape_cast %get3A_929 : vector<1x16xf32> to vector<16xf32>
        %add3A_931 = arith.addf %add3A_926, %get3A_930 : vector<16xf32>
        %get3A_932 = arith.index_cast %scan3A_728 : i32 to index
        %get3A_933 = arith.constant 112 : index
        %get3A_934 = tpu.vector_load %arg13[%get3A_932, %get3A_933] {strides = array<i32>} : memref<40x256xf32, #tpu.memory_space<vmem>>, vector<1x16xf32>,
        %get3A_935 = vector.shape_cast %get3A_934 : vector<1x16xf32> to vector<16xf32>
        %add3A_936 = arith.addf %add3A_931, %get3A_935 : vector<16xf32>
        %mul3A_937 = arith.constant 2.500000e-01 : f32
        %mul3A_938 = vector.broadcast %mul3A_937 : f32 to vector<16xf32>
        %mul3A_939 = arith.mulf %add3A_936, %mul3A_938 : vector<16xf32>
        %swap3A_940 = arith.index_cast %scan3A_728 : i32 to index
        %swap3A_941 = arith.constant 112 : index
        %swap3A_942 = tpu.vector_load %arg15[%swap3A_940, %swap3A_941] {strides = array<i32>} : memref<40x256xf32, #tpu.memory_space<vmem>>, vector<1x16xf32>,
        %swap3A_943 = vector.shape_cast %swap3A_942 : vector<1x16xf32> to vector<16xf32>
        %swap3A_944 = vector.shape_cast %mul3A_939 : vector<16xf32> to vector<1x16xf32>
        tpu.vector_store %arg15[%swap3A_940, %swap3A_941], %swap3A_944 {strides = array<i32>} : memref<40x256xf32, #tpu.memory_space<vmem>>, vector<1x16xf32>,
        %get3A_945 = arith.index_cast %scan3A_728 : i32 to index
        %get3A_946 = arith.constant 128 : index
        %get3A_947 = tpu.vector_load %arg15[%get3A_945, %get3A_946] {strides = array<i32>} : memref<40x256xf32, #tpu.memory_space<vmem>>, vector<1x16xf32>,
        %get3A_948 = vector.shape_cast %get3A_947 : vector<1x16xf32> to vector<16xf32>
        %get3A_949 = arith.index_cast %scan3A_728 : i32 to index
        %get3A_950 = arith.constant 128 : index
        %get3A_951 = tpu.vector_load %arg9[%get3A_949, %get3A_950] {strides = array<i32>} : memref<40x256xf32, #tpu.memory_space<vmem>>, vector<1x16xf32>,
        %get3A_952 = vector.shape_cast %get3A_951 : vector<1x16xf32> to vector<16xf32>
        %add3A_953 = arith.addf %get3A_948, %get3A_952 : vector<16xf32>
        %get3A_954 = arith.index_cast %scan3A_728 : i32 to index
        %get3A_955 = arith.constant 128 : index
        %get3A_956 = tpu.vector_load %arg11[%get3A_954, %get3A_955] {strides = array<i32>} : memref<40x256xf32, #tpu.memory_space<vmem>>, vector<1x16xf32>,
        %get3A_957 = vector.shape_cast %get3A_956 : vector<1x16xf32> to vector<16xf32>
        %add3A_958 = arith.addf %add3A_953, %get3A_957 : vector<16xf32>
        %get3A_959 = arith.index_cast %scan3A_728 : i32 to index
        %get3A_960 = arith.constant 128 : index
        %get3A_961 = tpu.vector_load %arg13[%get3A_959, %get3A_960] {strides = array<i32>} : memref<40x256xf32, #tpu.memory_space<vmem>>, vector<1x16xf32>,
        %get3A_962 = vector.shape_cast %get3A_961 : vector<1x16xf32> to vector<16xf32>
        %add3A_963 = arith.addf %add3A_958, %get3A_962 : vector<16xf32>
        %mul3A_964 = arith.constant 2.500000e-01 : f32
        %mul3A_965 = vector.broadcast %mul3A_964 : f32 to vector<16xf32>
        %mul3A_966 = arith.mulf %add3A_963, %mul3A_965 : vector<16xf32>
        %swap3A_967 = arith.index_cast %scan3A_728 : i32 to index
        %swap3A_968 = arith.constant 128 : index
        %swap3A_969 = tpu.vector_load %arg15[%swap3A_967, %swap3A_968] {strides = array<i32>} : memref<40x256xf32, #tpu.memory_space<vmem>>, vector<1x16xf32>,
        %swap3A_970 = vector.shape_cast %swap3A_969 : vector<1x16xf32> to vector<16xf32>
        %swap3A_971 = vector.shape_cast %mul3A_966 : vector<16xf32> to vector<1x16xf32>
        tpu.vector_store %arg15[%swap3A_967, %swap3A_968], %swap3A_971 {strides = array<i32>} : memref<40x256xf32, #tpu.memory_space<vmem>>, vector<1x16xf32>,
        %get3A_972 = arith.index_cast %scan3A_728 : i32 to index
        %get3A_973 = arith.constant 144 : index
        %get3A_974 = tpu.vector_load %arg15[%get3A_972, %get3A_973] {strides = array<i32>} : memref<40x256xf32, #tpu.memory_space<vmem>>, vector<1x16xf32>,
        %get3A_975 = vector.shape_cast %get3A_974 : vector<1x16xf32> to vector<16xf32>
        %get3A_976 = arith.index_cast %scan3A_728 : i32 to index
        %get3A_977 = arith.constant 144 : index
        %get3A_978 = tpu.vector_load %arg9[%get3A_976, %get3A_977] {strides = array<i32>} : memref<40x256xf32, #tpu.memory_space<vmem>>, vector<1x16xf32>,
        %get3A_979 = vector.shape_cast %get3A_978 : vector<1x16xf32> to vector<16xf32>
        %add3A_980 = arith.addf %get3A_975, %get3A_979 : vector<16xf32>
        %get3A_981 = arith.index_cast %scan3A_728 : i32 to index
        %get3A_982 = arith.constant 144 : index
        %get3A_983 = tpu.vector_load %arg11[%get3A_981, %get3A_982] {strides = array<i32>} : memref<40x256xf32, #tpu.memory_space<vmem>>, vector<1x16xf32>,
        %get3A_984 = vector.shape_cast %get3A_983 : vector<1x16xf32> to vector<16xf32>
        %add3A_985 = arith.addf %add3A_980, %get3A_984 : vector<16xf32>
        %get3A_986 = arith.index_cast %scan3A_728 : i32 to index
        %get3A_987 = arith.constant 144 : index
        %get3A_988 = tpu.vector_load %arg13[%get3A_986, %get3A_987] {strides = array<i32>} : memref<40x256xf32, #tpu.memory_space<vmem>>, vector<1x16xf32>,
        %get3A_989 = vector.shape_cast %get3A_988 : vector<1x16xf32> to vector<16xf32>
        %add3A_990 = arith.addf %add3A_985, %get3A_989 : vector<16xf32>
        %mul3A_991 = arith.constant 2.500000e-01 : f32
        %mul3A_992 = vector.broadcast %mul3A_991 : f32 to vector<16xf32>
        %mul3A_993 = arith.mulf %add3A_990, %mul3A_992 : vector<16xf32>
        %swap3A_994 = arith.index_cast %scan3A_728 : i32 to index
        %swap3A_995 = arith.constant 144 : index
        %swap3A_996 = tpu.vector_load %arg15[%swap3A_994, %swap3A_995] {strides = array<i32>} : memref<40x256xf32, #tpu.memory_space<vmem>>, vector<1x16xf32>,
        %swap3A_997 = vector.shape_cast %swap3A_996 : vector<1x16xf32> to vector<16xf32>
        %swap3A_998 = vector.shape_cast %mul3A_993 : vector<16xf32> to vector<1x16xf32>
        tpu.vector_store %arg15[%swap3A_994, %swap3A_995], %swap3A_998 {strides = array<i32>} : memref<40x256xf32, #tpu.memory_space<vmem>>, vector<1x16xf32>,
        %get3A_999 = arith.index_cast %scan3A_728 : i32 to index
        %get3A_1000 = arith.constant 160 : index
        %get3A_1001 = tpu.vector_load %arg15[%get3A_999, %get3A_1000] {strides = array<i32>} : memref<40x256xf32, #tpu.memory_space<vmem>>, vector<1x16xf32>,
        %get3A_1002 = vector.shape_cast %get3A_1001 : vector<1x16xf32> to vector<16xf32>
        %get3A_1003 = arith.index_cast %scan3A_728 : i32 to index
        %get3A_1004 = arith.constant 160 : index
        %get3A_1005 = tpu.vector_load %arg9[%get3A_1003, %get3A_1004] {strides = array<i32>} : memref<40x256xf32, #tpu.memory_space<vmem>>, vector<1x16xf32>,
        %get3A_1006 = vector.shape_cast %get3A_1005 : vector<1x16xf32> to vector<16xf32>
        %add3A_1007 = arith.addf %get3A_1002, %get3A_1006 : vector<16xf32>
        %get3A_1008 = arith.index_cast %scan3A_728 : i32 to index
        %get3A_1009 = arith.constant 160 : index
        %get3A_1010 = tpu.vector_load %arg11[%get3A_1008, %get3A_1009] {strides = array<i32>} : memref<40x256xf32, #tpu.memory_space<vmem>>, vector<1x16xf32>,
        %get3A_1011 = vector.shape_cast %get3A_1010 : vector<1x16xf32> to vector<16xf32>
        %add3A_1012 = arith.addf %add3A_1007, %get3A_1011 : vector<16xf32>
        %get3A_1013 = arith.index_cast %scan3A_728 : i32 to index
        %get3A_1014 = arith.constant 160 : index
        %get3A_1015 = tpu.vector_load %arg13[%get3A_1013, %get3A_1014] {strides = array<i32>} : memref<40x256xf32, #tpu.memory_space<vmem>>, vector<1x16xf32>,
        %get3A_1016 = vector.shape_cast %get3A_1015 : vector<1x16xf32> to vector<16xf32>
        %add3A_1017 = arith.addf %add3A_1012, %get3A_1016 : vector<16xf32>
        %mul3A_1018 = arith.constant 2.500000e-01 : f32
        %mul3A_1019 = vector.broadcast %mul3A_1018 : f32 to vector<16xf32>
        %mul3A_1020 = arith.mulf %add3A_1017, %mul3A_1019 : vector<16xf32>
        %swap3A_1021 = arith.index_cast %scan3A_728 : i32 to index
        %swap3A_1022 = arith.constant 160 : index
        %swap3A_1023 = tpu.vector_load %arg15[%swap3A_1021, %swap3A_1022] {strides = array<i32>} : memref<40x256xf32, #tpu.memory_space<vmem>>, vector<1x16xf32>,
        %swap3A_1024 = vector.shape_cast %swap3A_1023 : vector<1x16xf32> to vector<16xf32>
        %swap3A_1025 = vector.shape_cast %mul3A_1020 : vector<16xf32> to vector<1x16xf32>
        tpu.vector_store %arg15[%swap3A_1021, %swap3A_1022], %swap3A_1025 {strides = array<i32>} : memref<40x256xf32, #tpu.memory_space<vmem>>, vector<1x16xf32>,
        %get3A_1026 = arith.index_cast %scan3A_728 : i32 to index
        %get3A_1027 = arith.constant 176 : index
        %get3A_1028 = tpu.vector_load %arg15[%get3A_1026, %get3A_1027] {strides = array<i32>} : memref<40x256xf32, #tpu.memory_space<vmem>>, vector<1x16xf32>,
        %get3A_1029 = vector.shape_cast %get3A_1028 : vector<1x16xf32> to vector<16xf32>
        %get3A_1030 = arith.index_cast %scan3A_728 : i32 to index
        %get3A_1031 = arith.constant 176 : index
        %get3A_1032 = tpu.vector_load %arg9[%get3A_1030, %get3A_1031] {strides = array<i32>} : memref<40x256xf32, #tpu.memory_space<vmem>>, vector<1x16xf32>,
        %get3A_1033 = vector.shape_cast %get3A_1032 : vector<1x16xf32> to vector<16xf32>
        %add3A_1034 = arith.addf %get3A_1029, %get3A_1033 : vector<16xf32>
        %get3A_1035 = arith.index_cast %scan3A_728 : i32 to index
        %get3A_1036 = arith.constant 176 : index
        %get3A_1037 = tpu.vector_load %arg11[%get3A_1035, %get3A_1036] {strides = array<i32>} : memref<40x256xf32, #tpu.memory_space<vmem>>, vector<1x16xf32>,
        %get3A_1038 = vector.shape_cast %get3A_1037 : vector<1x16xf32> to vector<16xf32>
        %add3A_1039 = arith.addf %add3A_1034, %get3A_1038 : vector<16xf32>
        %get3A_1040 = arith.index_cast %scan3A_728 : i32 to index
        %get3A_1041 = arith.constant 176 : index
        %get3A_1042 = tpu.vector_load %arg13[%get3A_1040, %get3A_1041] {strides = array<i32>} : memref<40x256xf32, #tpu.memory_space<vmem>>, vector<1x16xf32>,
        %get3A_1043 = vector.shape_cast %get3A_1042 : vector<1x16xf32> to vector<16xf32>
        %add3A_1044 = arith.addf %add3A_1039, %get3A_1043 : vector<16xf32>
        %mul3A_1045 = arith.constant 2.500000e-01 : f32
        %mul3A_1046 = vector.broadcast %mul3A_1045 : f32 to vector<16xf32>
        %mul3A_1047 = arith.mulf %add3A_1044, %mul3A_1046 : vector<16xf32>
        %swap3A_1048 = arith.index_cast %scan3A_728 : i32 to index
        %swap3A_1049 = arith.constant 176 : index
        %swap3A_1050 = tpu.vector_load %arg15[%swap3A_1048, %swap3A_1049] {strides = array<i32>} : memref<40x256xf32, #tpu.memory_space<vmem>>, vector<1x16xf32>,
        %swap3A_1051 = vector.shape_cast %swap3A_1050 : vector<1x16xf32> to vector<16xf32>
        %swap3A_1052 = vector.shape_cast %mul3A_1047 : vector<16xf32> to vector<1x16xf32>
        tpu.vector_store %arg15[%swap3A_1048, %swap3A_1049], %swap3A_1052 {strides = array<i32>} : memref<40x256xf32, #tpu.memory_space<vmem>>, vector<1x16xf32>,
        %get3A_1053 = arith.index_cast %scan3A_728 : i32 to index
        %get3A_1054 = arith.constant 192 : index
        %get3A_1055 = tpu.vector_load %arg15[%get3A_1053, %get3A_1054] {strides = array<i32>} : memref<40x256xf32, #tpu.memory_space<vmem>>, vector<1x16xf32>,
        %get3A_1056 = vector.shape_cast %get3A_1055 : vector<1x16xf32> to vector<16xf32>
        %get3A_1057 = arith.index_cast %scan3A_728 : i32 to index
        %get3A_1058 = arith.constant 192 : index
        %get3A_1059 = tpu.vector_load %arg9[%get3A_1057, %get3A_1058] {strides = array<i32>} : memref<40x256xf32, #tpu.memory_space<vmem>>, vector<1x16xf32>,
        %get3A_1060 = vector.shape_cast %get3A_1059 : vector<1x16xf32> to vector<16xf32>
        %add3A_1061 = arith.addf %get3A_1056, %get3A_1060 : vector<16xf32>
        %get3A_1062 = arith.index_cast %scan3A_728 : i32 to index
        %get3A_1063 = arith.constant 192 : index
        %get3A_1064 = tpu.vector_load %arg11[%get3A_1062, %get3A_1063] {strides = array<i32>} : memref<40x256xf32, #tpu.memory_space<vmem>>, vector<1x16xf32>,
        %get3A_1065 = vector.shape_cast %get3A_1064 : vector<1x16xf32> to vector<16xf32>
        %add3A_1066 = arith.addf %add3A_1061, %get3A_1065 : vector<16xf32>
        %get3A_1067 = arith.index_cast %scan3A_728 : i32 to index
        %get3A_1068 = arith.constant 192 : index
        %get3A_1069 = tpu.vector_load %arg13[%get3A_1067, %get3A_1068] {strides = array<i32>} : memref<40x256xf32, #tpu.memory_space<vmem>>, vector<1x16xf32>,
        %get3A_1070 = vector.shape_cast %get3A_1069 : vector<1x16xf32> to vector<16xf32>
        %add3A_1071 = arith.addf %add3A_1066, %get3A_1070 : vector<16xf32>
        %mul3A_1072 = arith.constant 2.500000e-01 : f32
        %mul3A_1073 = vector.broadcast %mul3A_1072 : f32 to vector<16xf32>
        %mul3A_1074 = arith.mulf %add3A_1071, %mul3A_1073 : vector<16xf32>
        %swap3A_1075 = arith.index_cast %scan3A_728 : i32 to index
        %swap3A_1076 = arith.constant 192 : index
        %swap3A_1077 = tpu.vector_load %arg15[%swap3A_1075, %swap3A_1076] {strides = array<i32>} : memref<40x256xf32, #tpu.memory_space<vmem>>, vector<1x16xf32>,
        %swap3A_1078 = vector.shape_cast %swap3A_1077 : vector<1x16xf32> to vector<16xf32>
        %swap3A_1079 = vector.shape_cast %mul3A_1074 : vector<16xf32> to vector<1x16xf32>
        tpu.vector_store %arg15[%swap3A_1075, %swap3A_1076], %swap3A_1079 {strides = array<i32>} : memref<40x256xf32, #tpu.memory_space<vmem>>, vector<1x16xf32>,
        %get3A_1080 = arith.index_cast %scan3A_728 : i32 to index
        %get3A_1081 = arith.constant 208 : index
        %get3A_1082 = tpu.vector_load %arg15[%get3A_1080, %get3A_1081] {strides = array<i32>} : memref<40x256xf32, #tpu.memory_space<vmem>>, vector<1x16xf32>,
        %get3A_1083 = vector.shape_cast %get3A_1082 : vector<1x16xf32> to vector<16xf32>
        %get3A_1084 = arith.index_cast %scan3A_728 : i32 to index
        %get3A_1085 = arith.constant 208 : index
        %get3A_1086 = tpu.vector_load %arg9[%get3A_1084, %get3A_1085] {strides = array<i32>} : memref<40x256xf32, #tpu.memory_space<vmem>>, vector<1x16xf32>,
        %get3A_1087 = vector.shape_cast %get3A_1086 : vector<1x16xf32> to vector<16xf32>
        %add3A_1088 = arith.addf %get3A_1083, %get3A_1087 : vector<16xf32>
        %get3A_1089 = arith.index_cast %scan3A_728 : i32 to index
        %get3A_1090 = arith.constant 208 : index
        %get3A_1091 = tpu.vector_load %arg11[%get3A_1089, %get3A_1090] {strides = array<i32>} : memref<40x256xf32, #tpu.memory_space<vmem>>, vector<1x16xf32>,
        %get3A_1092 = vector.shape_cast %get3A_1091 : vector<1x16xf32> to vector<16xf32>
        %add3A_1093 = arith.addf %add3A_1088, %get3A_1092 : vector<16xf32>
        %get3A_1094 = arith.index_cast %scan3A_728 : i32 to index
        %get3A_1095 = arith.constant 208 : index
        %get3A_1096 = tpu.vector_load %arg13[%get3A_1094, %get3A_1095] {strides = array<i32>} : memref<40x256xf32, #tpu.memory_space<vmem>>, vector<1x16xf32>,
        %get3A_1097 = vector.shape_cast %get3A_1096 : vector<1x16xf32> to vector<16xf32>
        %add3A_1098 = arith.addf %add3A_1093, %get3A_1097 : vector<16xf32>
        %mul3A_1099 = arith.constant 2.500000e-01 : f32
        %mul3A_1100 = vector.broadcast %mul3A_1099 : f32 to vector<16xf32>
        %mul3A_1101 = arith.mulf %add3A_1098, %mul3A_1100 : vector<16xf32>
        %swap3A_1102 = arith.index_cast %scan3A_728 : i32 to index
        %swap3A_1103 = arith.constant 208 : index
        %swap3A_1104 = tpu.vector_load %arg15[%swap3A_1102, %swap3A_1103] {strides = array<i32>} : memref<40x256xf32, #tpu.memory_space<vmem>>, vector<1x16xf32>,
        %swap3A_1105 = vector.shape_cast %swap3A_1104 : vector<1x16xf32> to vector<16xf32>
        %swap3A_1106 = vector.shape_cast %mul3A_1101 : vector<16xf32> to vector<1x16xf32>
        tpu.vector_store %arg15[%swap3A_1102, %swap3A_1103], %swap3A_1106 {strides = array<i32>} : memref<40x256xf32, #tpu.memory_space<vmem>>, vector<1x16xf32>,
        %get3A_1107 = arith.index_cast %scan3A_728 : i32 to index
        %get3A_1108 = arith.constant 224 : index
        %get3A_1109 = tpu.vector_load %arg15[%get3A_1107, %get3A_1108] {strides = array<i32>} : memref<40x256xf32, #tpu.memory_space<vmem>>, vector<1x16xf32>,
        %get3A_1110 = vector.shape_cast %get3A_1109 : vector<1x16xf32> to vector<16xf32>
        %get3A_1111 = arith.index_cast %scan3A_728 : i32 to index
        %get3A_1112 = arith.constant 224 : index
        %get3A_1113 = tpu.vector_load %arg9[%get3A_1111, %get3A_1112] {strides = array<i32>} : memref<40x256xf32, #tpu.memory_space<vmem>>, vector<1x16xf32>,
        %get3A_1114 = vector.shape_cast %get3A_1113 : vector<1x16xf32> to vector<16xf32>
        %add3A_1115 = arith.addf %get3A_1110, %get3A_1114 : vector<16xf32>
        %get3A_1116 = arith.index_cast %scan3A_728 : i32 to index
        %get3A_1117 = arith.constant 224 : index
        %get3A_1118 = tpu.vector_load %arg11[%get3A_1116, %get3A_1117] {strides = array<i32>} : memref<40x256xf32, #tpu.memory_space<vmem>>, vector<1x16xf32>,
        %get3A_1119 = vector.shape_cast %get3A_1118 : vector<1x16xf32> to vector<16xf32>
        %add3A_1120 = arith.addf %add3A_1115, %get3A_1119 : vector<16xf32>
        %get3A_1121 = arith.index_cast %scan3A_728 : i32 to index
        %get3A_1122 = arith.constant 224 : index
        %get3A_1123 = tpu.vector_load %arg13[%get3A_1121, %get3A_1122] {strides = array<i32>} : memref<40x256xf32, #tpu.memory_space<vmem>>, vector<1x16xf32>,
        %get3A_1124 = vector.shape_cast %get3A_1123 : vector<1x16xf32> to vector<16xf32>
        %add3A_1125 = arith.addf %add3A_1120, %get3A_1124 : vector<16xf32>
        %mul3A_1126 = arith.constant 2.500000e-01 : f32
        %mul3A_1127 = vector.broadcast %mul3A_1126 : f32 to vector<16xf32>
        %mul3A_1128 = arith.mulf %add3A_1125, %mul3A_1127 : vector<16xf32>
        %swap3A_1129 = arith.index_cast %scan3A_728 : i32 to index
        %swap3A_1130 = arith.constant 224 : index
        %swap3A_1131 = tpu.vector_load %arg15[%swap3A_1129, %swap3A_1130] {strides = array<i32>} : memref<40x256xf32, #tpu.memory_space<vmem>>, vector<1x16xf32>,
        %swap3A_1132 = vector.shape_cast %swap3A_1131 : vector<1x16xf32> to vector<16xf32>
        %swap3A_1133 = vector.shape_cast %mul3A_1128 : vector<16xf32> to vector<1x16xf32>
        tpu.vector_store %arg15[%swap3A_1129, %swap3A_1130], %swap3A_1133 {strides = array<i32>} : memref<40x256xf32, #tpu.memory_space<vmem>>, vector<1x16xf32>,
        %get3A_1134 = arith.index_cast %scan3A_728 : i32 to index
        %get3A_1135 = arith.constant 240 : index
        %get3A_1136 = tpu.vector_load %arg15[%get3A_1134, %get3A_1135] {strides = array<i32>} : memref<40x256xf32, #tpu.memory_space<vmem>>, vector<1x16xf32>,
        %get3A_1137 = vector.shape_cast %get3A_1136 : vector<1x16xf32> to vector<16xf32>
        %get3A_1138 = arith.index_cast %scan3A_728 : i32 to index
        %get3A_1139 = arith.constant 240 : index
        %get3A_1140 = tpu.vector_load %arg9[%get3A_1138, %get3A_1139] {strides = array<i32>} : memref<40x256xf32, #tpu.memory_space<vmem>>, vector<1x16xf32>,
        %get3A_1141 = vector.shape_cast %get3A_1140 : vector<1x16xf32> to vector<16xf32>
        %add3A_1142 = arith.addf %get3A_1137, %get3A_1141 : vector<16xf32>
        %get3A_1143 = arith.index_cast %scan3A_728 : i32 to index
        %get3A_1144 = arith.constant 240 : index
        %get3A_1145 = tpu.vector_load %arg11[%get3A_1143, %get3A_1144] {strides = array<i32>} : memref<40x256xf32, #tpu.memory_space<vmem>>, vector<1x16xf32>,
        %get3A_1146 = vector.shape_cast %get3A_1145 : vector<1x16xf32> to vector<16xf32>
        %add3A_1147 = arith.addf %add3A_1142, %get3A_1146 : vector<16xf32>
        %get3A_1148 = arith.index_cast %scan3A_728 : i32 to index
        %get3A_1149 = arith.constant 240 : index
        %get3A_1150 = tpu.vector_load %arg13[%get3A_1148, %get3A_1149] {strides = array<i32>} : memref<40x256xf32, #tpu.memory_space<vmem>>, vector<1x16xf32>,
        %get3A_1151 = vector.shape_cast %get3A_1150 : vector<1x16xf32> to vector<16xf32>
        %add3A_1152 = arith.addf %add3A_1147, %get3A_1151 : vector<16xf32>
        %mul3A_1153 = arith.constant 2.500000e-01 : f32
        %mul3A_1154 = vector.broadcast %mul3A_1153 : f32 to vector<16xf32>
        %mul3A_1155 = arith.mulf %add3A_1152, %mul3A_1154 : vector<16xf32>
        %swap3A_1156 = arith.index_cast %scan3A_728 : i32 to index
        %swap3A_1157 = arith.constant 240 : index
        %swap3A_1158 = tpu.vector_load %arg15[%swap3A_1156, %swap3A_1157] {strides = array<i32>} : memref<40x256xf32, #tpu.memory_space<vmem>>, vector<1x16xf32>,
        %swap3A_1159 = vector.shape_cast %swap3A_1158 : vector<1x16xf32> to vector<16xf32>
        %swap3A_1160 = vector.shape_cast %mul3A_1155 : vector<16xf32> to vector<1x16xf32>
        tpu.vector_store %arg15[%swap3A_1156, %swap3A_1157], %swap3A_1160 {strides = array<i32>} : memref<40x256xf32, #tpu.memory_space<vmem>>, vector<1x16xf32>,
      }
      %scan3A_288 = arith.constant 40 : i32
      %mul3A_289 = arith.constant 40 : i32
      %mul3A_290 = arith.muli %add3A_282, %mul3A_289 : i32
      %add3A_291 = arith.addi %mul3A_2, %mul3A_290 : i32
      %dma_start3A_292 = arith.constant 0 : i32
      %dma_start3A_293 = tpu.memref_slice %arg4[%add3A_291, %dma_start3A_292] : memref<100000x256xf32, #tpu.memory_space<hbm>> -> memref<40x256xf32, #tpu.memory_space<hbm>>
      %dma_start3A_294 = arith.constant 0 : i32
      %dma_start3A_295 = tpu.memref_slice %arg4[%add3A_291, %dma_start3A_294] : memref<100000x256xf32, #tpu.memory_space<hbm>> -> memref<40x256xf32, #tpu.memory_space<hbm>>
      tpu.enqueue_dma source(%arg15 : memref<40x256xf32, #tpu.memory_space<vmem>>) target(%dma_start3A_295 : memref<40x256xf32, #tpu.memory_space<hbm>>) target_semaphore(%arg19 : memref<!tpu.dma_semaphore, #tpu.memory_space<semaphore_mem>>)
    }
    %while3A_36 = arith.constant 1 : i32
    scf.for %while3A_54 = %while3A_34 to %while3A_30 step %while3A_36  : i32 {
      %mul3A_55 = arith.constant 2 : i32
      %mul3A_56 = arith.muli %mul3A_55, %while3A_54 : i32
      %ge3A = arith.constant 2 : i32
      %ge3A_57 = arith.cmpi sge, %mul3A_56, %ge3A : i32
      %convert_element_type3A_58 = arith.extui %ge3A_57 : i1 to i32
      %cond3A_59 = arith.constant 0 : i32
      %cond3A_60 = arith.cmpi ne, %convert_element_type3A_58, %cond3A_59 : i32
      scf.if %cond3A_60 {
        %sub3A_296 = arith.constant 2 : i32
        %sub3A_297 = arith.subi %mul3A_56, %sub3A_296 : i32
        %mul3A_298 = arith.constant 40 : i32
        %mul3A_299 = arith.muli %sub3A_297, %mul3A_298 : i32
        %add3A_300 = arith.addi %mul3A_2, %mul3A_299 : i32
        %dma_wait3A_301 = arith.constant 0 : i32
        %dma_wait3A_302 = tpu.memref_slice %arg4[%add3A_300, %dma_wait3A_301] : memref<100000x256xf32, #tpu.memory_space<hbm>> -> memref<40x256xf32, #tpu.memory_space<hbm>>
        %dma_wait3A_303 = arith.constant 0 : i32
        %dma_wait3A_304 = tpu.memref_slice %arg4[%add3A_300, %dma_wait3A_303] : memref<100000x256xf32, #tpu.memory_space<hbm>> -> memref<40x256xf32, #tpu.memory_space<hbm>>
        tpu.wait_dma2 semaphore(%arg18 : memref<!tpu.dma_semaphore, #tpu.memory_space<semaphore_mem>>) src(%arg14 : memref<40x256xf32, #tpu.memory_space<vmem>>) dst(%dma_wait3A_304 : memref<40x256xf32, #tpu.memory_space<hbm>>)
      } else {
      }
      %mul3A_61 = arith.constant 40 : i32
      %mul3A_62 = arith.muli %mul3A_56, %mul3A_61 : i32
      %add3A_63 = arith.addi %mul3A_2, %mul3A_62 : i32
      %dma_start3A = arith.constant 0 : i32
      %dma_start3A_64 = tpu.memref_slice %arg2[%add3A_63, %dma_start3A] : memref<100000x256xf32, #tpu.memory_space<hbm>> -> memref<40x256xf32, #tpu.memory_space<hbm>>
      %dma_start3A_65 = arith.constant 0 : i32
      %dma_start3A_66 = tpu.memref_slice %arg2[%add3A_63, %dma_start3A_65] : memref<100000x256xf32, #tpu.memory_space<hbm>> -> memref<40x256xf32, #tpu.memory_space<hbm>>
      tpu.enqueue_dma source(%dma_start3A_66 : memref<40x256xf32, #tpu.memory_space<hbm>>) target(%arg14 : memref<40x256xf32, #tpu.memory_space<vmem>>) target_semaphore(%arg16 : memref<!tpu.dma_semaphore, #tpu.memory_space<semaphore_mem>>)
      %dma_start3A_67 = arith.constant 0 : i32
      %dma_start3A_68 = arith.constant 0 : i32
      %dma_start3A_69 = tpu.memref_slice %arg8[%dma_start3A_67, %dma_start3A_68] : memref<40x256xf32, #tpu.memory_space<vmem>> -> memref<24x256xf32, #tpu.memory_space<vmem>>
      %dma_start3A_70 = tpu.memref_slice %arg5[%mul3A_62] : memref<3200xi32, #tpu.memory_space<vmem>> -> memref<24xi32, #tpu.memory_space<vmem>>
      %dma_start3A_71 = arith.constant 0 : i32
      %dma_start3A_72 = arith.constant 0 : i32
      %dma_start3A_73 = tpu.memref_slice %arg2[%dma_start3A_71, %dma_start3A_72] : memref<100000x256xf32, #tpu.memory_space<hbm>> -> memref<100000x256xf32, #tpu.memory_space<hbm>>
      tpu.enqueue_indirect_dma source(%dma_start3A_73 : memref<100000x256xf32, #tpu.memory_space<hbm>>) target(%dma_start3A_69 : memref<24x256xf32, #tpu.memory_space<vmem>>) offsets(%dma_start3A_70 : memref<24xi32, #tpu.memory_space<vmem>>) semaphore(%arg16 : memref<!tpu.dma_semaphore, #tpu.memory_space<semaphore_mem>>)
      %add3A_74 = arith.constant 24 : i32
      %add3A_75 = arith.addi %mul3A_62, %add3A_74 : i32
      %dma_start3A_76 = arith.constant 24 : i32
      %dma_start3A_77 = arith.constant 0 : i32
      %dma_start3A_78 = tpu.memref_slice %arg8[%dma_start3A_76, %dma_start3A_77] : memref<40x256xf32, #tpu.memory_space<vmem>> -> memref<16x256xf32, #tpu.memory_space<vmem>>
      %dma_start3A_79 = tpu.memref_slice %arg5[%add3A_75] : memref<3200xi32, #tpu.memory_space<vmem>> -> memref<16xi32, #tpu.memory_space<vmem>>
      %dma_start3A_80 = arith.constant 0 : i32
      %dma_start3A_81 = arith.constant 0 : i32
      %dma_start3A_82 = tpu.memref_slice %arg2[%dma_start3A_80, %dma_start3A_81] : memref<100000x256xf32, #tpu.memory_space<hbm>> -> memref<100000x256xf32, #tpu.memory_space<hbm>>
      tpu.enqueue_indirect_dma source(%dma_start3A_82 : memref<100000x256xf32, #tpu.memory_space<hbm>>) target(%dma_start3A_78 : memref<16x256xf32, #tpu.memory_space<vmem>>) offsets(%dma_start3A_79 : memref<16xi32, #tpu.memory_space<vmem>>) semaphore(%arg16 : memref<!tpu.dma_semaphore, #tpu.memory_space<semaphore_mem>>)
      %dma_start3A_83 = arith.constant 0 : i32
      %dma_start3A_84 = arith.constant 0 : i32
      %dma_start3A_85 = tpu.memref_slice %arg10[%dma_start3A_83, %dma_start3A_84] : memref<40x256xf32, #tpu.memory_space<vmem>> -> memref<24x256xf32, #tpu.memory_space<vmem>>
      %dma_start3A_86 = tpu.memref_slice %arg6[%mul3A_62] : memref<3200xi32, #tpu.memory_space<vmem>> -> memref<24xi32, #tpu.memory_space<vmem>>
      %dma_start3A_87 = arith.constant 0 : i32
      %dma_start3A_88 = arith.constant 0 : i32
      %dma_start3A_89 = tpu.memref_slice %arg2[%dma_start3A_87, %dma_start3A_88] : memref<100000x256xf32, #tpu.memory_space<hbm>> -> memref<100000x256xf32, #tpu.memory_space<hbm>>
      tpu.enqueue_indirect_dma source(%dma_start3A_89 : memref<100000x256xf32, #tpu.memory_space<hbm>>) target(%dma_start3A_85 : memref<24x256xf32, #tpu.memory_space<vmem>>) offsets(%dma_start3A_86 : memref<24xi32, #tpu.memory_space<vmem>>) semaphore(%arg16 : memref<!tpu.dma_semaphore, #tpu.memory_space<semaphore_mem>>)
      %add3A_90 = arith.constant 24 : i32
      %add3A_91 = arith.addi %mul3A_62, %add3A_90 : i32
      %dma_start3A_92 = arith.constant 24 : i32
      %dma_start3A_93 = arith.constant 0 : i32
      %dma_start3A_94 = tpu.memref_slice %arg10[%dma_start3A_92, %dma_start3A_93] : memref<40x256xf32, #tpu.memory_space<vmem>> -> memref<16x256xf32, #tpu.memory_space<vmem>>
      %dma_start3A_95 = tpu.memref_slice %arg6[%add3A_91] : memref<3200xi32, #tpu.memory_space<vmem>> -> memref<16xi32, #tpu.memory_space<vmem>>
      %dma_start3A_96 = arith.constant 0 : i32
      %dma_start3A_97 = arith.constant 0 : i32
      %dma_start3A_98 = tpu.memref_slice %arg2[%dma_start3A_96, %dma_start3A_97] : memref<100000x256xf32, #tpu.memory_space<hbm>> -> memref<100000x256xf32, #tpu.memory_space<hbm>>
      tpu.enqueue_indirect_dma source(%dma_start3A_98 : memref<100000x256xf32, #tpu.memory_space<hbm>>) target(%dma_start3A_94 : memref<16x256xf32, #tpu.memory_space<vmem>>) offsets(%dma_start3A_95 : memref<16xi32, #tpu.memory_space<vmem>>) semaphore(%arg16 : memref<!tpu.dma_semaphore, #tpu.memory_space<semaphore_mem>>)
      %dma_start3A_99 = arith.constant 0 : i32
      %dma_start3A_100 = arith.constant 0 : i32
      %dma_start3A_101 = tpu.memref_slice %arg12[%dma_start3A_99, %dma_start3A_100] : memref<40x256xf32, #tpu.memory_space<vmem>> -> memref<24x256xf32, #tpu.memory_space<vmem>>
      %dma_start3A_102 = tpu.memref_slice %arg7[%mul3A_62] : memref<3200xi32, #tpu.memory_space<vmem>> -> memref<24xi32, #tpu.memory_space<vmem>>
      %dma_start3A_103 = arith.constant 0 : i32
      %dma_start3A_104 = arith.constant 0 : i32
      %dma_start3A_105 = tpu.memref_slice %arg2[%dma_start3A_103, %dma_start3A_104] : memref<100000x256xf32, #tpu.memory_space<hbm>> -> memref<100000x256xf32, #tpu.memory_space<hbm>>
      tpu.enqueue_indirect_dma source(%dma_start3A_105 : memref<100000x256xf32, #tpu.memory_space<hbm>>) target(%dma_start3A_101 : memref<24x256xf32, #tpu.memory_space<vmem>>) offsets(%dma_start3A_102 : memref<24xi32, #tpu.memory_space<vmem>>) semaphore(%arg16 : memref<!tpu.dma_semaphore, #tpu.memory_space<semaphore_mem>>)
      %add3A_106 = arith.constant 24 : i32
      %add3A_107 = arith.addi %mul3A_62, %add3A_106 : i32
      %dma_start3A_108 = arith.constant 24 : i32
      %dma_start3A_109 = arith.constant 0 : i32
      %dma_start3A_110 = tpu.memref_slice %arg12[%dma_start3A_108, %dma_start3A_109] : memref<40x256xf32, #tpu.memory_space<vmem>> -> memref<16x256xf32, #tpu.memory_space<vmem>>
      %dma_start3A_111 = tpu.memref_slice %arg7[%add3A_107] : memref<3200xi32, #tpu.memory_space<vmem>> -> memref<16xi32, #tpu.memory_space<vmem>>
      %dma_start3A_112 = arith.constant 0 : i32
      %dma_start3A_113 = arith.constant 0 : i32
      %dma_start3A_114 = tpu.memref_slice %arg2[%dma_start3A_112, %dma_start3A_113] : memref<100000x256xf32, #tpu.memory_space<hbm>> -> memref<100000x256xf32, #tpu.memory_space<hbm>>
      tpu.enqueue_indirect_dma source(%dma_start3A_114 : memref<100000x256xf32, #tpu.memory_space<hbm>>) target(%dma_start3A_110 : memref<16x256xf32, #tpu.memory_space<vmem>>) offsets(%dma_start3A_111 : memref<16xi32, #tpu.memory_space<vmem>>) semaphore(%arg16 : memref<!tpu.dma_semaphore, #tpu.memory_space<semaphore_mem>>)
      %ge3A_115 = arith.constant 2 : i32
      %ge3A_116 = arith.cmpi sge, %mul3A_56, %ge3A_115 : i32
      %convert_element_type3A_117 = arith.extui %ge3A_116 : i1 to i32
      %cond3A_118 = arith.constant 0 : i32
      %cond3A_119 = arith.cmpi ne, %convert_element_type3A_117, %cond3A_118 : i32
      scf.if %cond3A_119 {
        %sub3A_296 = arith.constant 1 : i32
        %sub3A_297 = arith.subi %mul3A_56, %sub3A_296 : i32
        %mul3A_298 = arith.constant 40 : i32
        %mul3A_299 = arith.muli %sub3A_297, %mul3A_298 : i32
        %add3A_300 = arith.addi %mul3A_2, %mul3A_299 : i32
        %dma_wait3A_301 = arith.constant 0 : i32
        %dma_wait3A_302 = tpu.memref_slice %arg4[%add3A_300, %dma_wait3A_301] : memref<100000x256xf32, #tpu.memory_space<hbm>> -> memref<40x256xf32, #tpu.memory_space<hbm>>
        %dma_wait3A_303 = arith.constant 0 : i32
        %dma_wait3A_304 = tpu.memref_slice %arg4[%add3A_300, %dma_wait3A_303] : memref<100000x256xf32, #tpu.memory_space<hbm>> -> memref<40x256xf32, #tpu.memory_space<hbm>>
        tpu.wait_dma2 semaphore(%arg19 : memref<!tpu.dma_semaphore, #tpu.memory_space<semaphore_mem>>) src(%arg15 : memref<40x256xf32, #tpu.memory_space<vmem>>) dst(%dma_wait3A_304 : memref<40x256xf32, #tpu.memory_space<hbm>>)
      } else {
      }
      %add3A_120 = arith.constant 1 : i32
      %add3A_121 = arith.addi %mul3A_56, %add3A_120 : i32
      %mul3A_122 = arith.constant 40 : i32
      %mul3A_123 = arith.muli %add3A_121, %mul3A_122 : i32
      %add3A_124 = arith.addi %mul3A_2, %mul3A_123 : i32
      %dma_start3A_125 = arith.constant 0 : i32
      %dma_start3A_126 = tpu.memref_slice %arg2[%add3A_124, %dma_start3A_125] : memref<100000x256xf32, #tpu.memory_space<hbm>> -> memref<40x256xf32, #tpu.memory_space<hbm>>
      %dma_start3A_127 = arith.constant 0 : i32
      %dma_start3A_128 = tpu.memref_slice %arg2[%add3A_124, %dma_start3A_127] : memref<100000x256xf32, #tpu.memory_space<hbm>> -> memref<40x256xf32, #tpu.memory_space<hbm>>
      tpu.enqueue_dma source(%dma_start3A_128 : memref<40x256xf32, #tpu.memory_space<hbm>>) target(%arg15 : memref<40x256xf32, #tpu.memory_space<vmem>>) target_semaphore(%arg17 : memref<!tpu.dma_semaphore, #tpu.memory_space<semaphore_mem>>)
      %dma_start3A_129 = arith.constant 0 : i32
      %dma_start3A_130 = arith.constant 0 : i32
      %dma_start3A_131 = tpu.memref_slice %arg9[%dma_start3A_129, %dma_start3A_130] : memref<40x256xf32, #tpu.memory_space<vmem>> -> memref<24x256xf32, #tpu.memory_space<vmem>>
      %dma_start3A_132 = tpu.memref_slice %arg5[%mul3A_123] : memref<3200xi32, #tpu.memory_space<vmem>> -> memref<24xi32, #tpu.memory_space<vmem>>
      %dma_start3A_133 = arith.constant 0 : i32
      %dma_start3A_134 = arith.constant 0 : i32
      %dma_start3A_135 = tpu.memref_slice %arg2[%dma_start3A_133, %dma_start3A_134] : memref<100000x256xf32, #tpu.memory_space<hbm>> -> memref<100000x256xf32, #tpu.memory_space<hbm>>
      tpu.enqueue_indirect_dma source(%dma_start3A_135 : memref<100000x256xf32, #tpu.memory_space<hbm>>) target(%dma_start3A_131 : memref<24x256xf32, #tpu.memory_space<vmem>>) offsets(%dma_start3A_132 : memref<24xi32, #tpu.memory_space<vmem>>) semaphore(%arg17 : memref<!tpu.dma_semaphore, #tpu.memory_space<semaphore_mem>>)
      %add3A_136 = arith.constant 24 : i32
      %add3A_137 = arith.addi %mul3A_123, %add3A_136 : i32
      %dma_start3A_138 = arith.constant 24 : i32
      %dma_start3A_139 = arith.constant 0 : i32
      %dma_start3A_140 = tpu.memref_slice %arg9[%dma_start3A_138, %dma_start3A_139] : memref<40x256xf32, #tpu.memory_space<vmem>> -> memref<16x256xf32, #tpu.memory_space<vmem>>
      %dma_start3A_141 = tpu.memref_slice %arg5[%add3A_137] : memref<3200xi32, #tpu.memory_space<vmem>> -> memref<16xi32, #tpu.memory_space<vmem>>
      %dma_start3A_142 = arith.constant 0 : i32
      %dma_start3A_143 = arith.constant 0 : i32
      %dma_start3A_144 = tpu.memref_slice %arg2[%dma_start3A_142, %dma_start3A_143] : memref<100000x256xf32, #tpu.memory_space<hbm>> -> memref<100000x256xf32, #tpu.memory_space<hbm>>
      tpu.enqueue_indirect_dma source(%dma_start3A_144 : memref<100000x256xf32, #tpu.memory_space<hbm>>) target(%dma_start3A_140 : memref<16x256xf32, #tpu.memory_space<vmem>>) offsets(%dma_start3A_141 : memref<16xi32, #tpu.memory_space<vmem>>) semaphore(%arg17 : memref<!tpu.dma_semaphore, #tpu.memory_space<semaphore_mem>>)
      %dma_start3A_145 = arith.constant 0 : i32
      %dma_start3A_146 = arith.constant 0 : i32
      %dma_start3A_147 = tpu.memref_slice %arg11[%dma_start3A_145, %dma_start3A_146] : memref<40x256xf32, #tpu.memory_space<vmem>> -> memref<24x256xf32, #tpu.memory_space<vmem>>
      %dma_start3A_148 = tpu.memref_slice %arg6[%mul3A_123] : memref<3200xi32, #tpu.memory_space<vmem>> -> memref<24xi32, #tpu.memory_space<vmem>>
      %dma_start3A_149 = arith.constant 0 : i32
      %dma_start3A_150 = arith.constant 0 : i32
      %dma_start3A_151 = tpu.memref_slice %arg2[%dma_start3A_149, %dma_start3A_150] : memref<100000x256xf32, #tpu.memory_space<hbm>> -> memref<100000x256xf32, #tpu.memory_space<hbm>>
      tpu.enqueue_indirect_dma source(%dma_start3A_151 : memref<100000x256xf32, #tpu.memory_space<hbm>>) target(%dma_start3A_147 : memref<24x256xf32, #tpu.memory_space<vmem>>) offsets(%dma_start3A_148 : memref<24xi32, #tpu.memory_space<vmem>>) semaphore(%arg17 : memref<!tpu.dma_semaphore, #tpu.memory_space<semaphore_mem>>)
      %add3A_152 = arith.constant 24 : i32
      %add3A_153 = arith.addi %mul3A_123, %add3A_152 : i32
      %dma_start3A_154 = arith.constant 24 : i32
      %dma_start3A_155 = arith.constant 0 : i32
      %dma_start3A_156 = tpu.memref_slice %arg11[%dma_start3A_154, %dma_start3A_155] : memref<40x256xf32, #tpu.memory_space<vmem>> -> memref<16x256xf32, #tpu.memory_space<vmem>>
      %dma_start3A_157 = tpu.memref_slice %arg6[%add3A_153] : memref<3200xi32, #tpu.memory_space<vmem>> -> memref<16xi32, #tpu.memory_space<vmem>>
      %dma_start3A_158 = arith.constant 0 : i32
      %dma_start3A_159 = arith.constant 0 : i32
      %dma_start3A_160 = tpu.memref_slice %arg2[%dma_start3A_158, %dma_start3A_159] : memref<100000x256xf32, #tpu.memory_space<hbm>> -> memref<100000x256xf32, #tpu.memory_space<hbm>>
      tpu.enqueue_indirect_dma source(%dma_start3A_160 : memref<100000x256xf32, #tpu.memory_space<hbm>>) target(%dma_start3A_156 : memref<16x256xf32, #tpu.memory_space<vmem>>) offsets(%dma_start3A_157 : memref<16xi32, #tpu.memory_space<vmem>>) semaphore(%arg17 : memref<!tpu.dma_semaphore, #tpu.memory_space<semaphore_mem>>)
      %dma_start3A_161 = arith.constant 0 : i32
      %dma_start3A_162 = arith.constant 0 : i32
      %dma_start3A_163 = tpu.memref_slice %arg13[%dma_start3A_161, %dma_start3A_162] : memref<40x256xf32, #tpu.memory_space<vmem>> -> memref<24x256xf32, #tpu.memory_space<vmem>>
      %dma_start3A_164 = tpu.memref_slice %arg7[%mul3A_123] : memref<3200xi32, #tpu.memory_space<vmem>> -> memref<24xi32, #tpu.memory_space<vmem>>
      %dma_start3A_165 = arith.constant 0 : i32
      %dma_start3A_166 = arith.constant 0 : i32
      %dma_start3A_167 = tpu.memref_slice %arg2[%dma_start3A_165, %dma_start3A_166] : memref<100000x256xf32, #tpu.memory_space<hbm>> -> memref<100000x256xf32, #tpu.memory_space<hbm>>
      tpu.enqueue_indirect_dma source(%dma_start3A_167 : memref<100000x256xf32, #tpu.memory_space<hbm>>) target(%dma_start3A_163 : memref<24x256xf32, #tpu.memory_space<vmem>>) offsets(%dma_start3A_164 : memref<24xi32, #tpu.memory_space<vmem>>) semaphore(%arg17 : memref<!tpu.dma_semaphore, #tpu.memory_space<semaphore_mem>>)
      %add3A_168 = arith.constant 24 : i32
      %add3A_169 = arith.addi %mul3A_123, %add3A_168 : i32
      %dma_start3A_170 = arith.constant 24 : i32
      %dma_start3A_171 = arith.constant 0 : i32
      %dma_start3A_172 = tpu.memref_slice %arg13[%dma_start3A_170, %dma_start3A_171] : memref<40x256xf32, #tpu.memory_space<vmem>> -> memref<16x256xf32, #tpu.memory_space<vmem>>
      %dma_start3A_173 = tpu.memref_slice %arg7[%add3A_169] : memref<3200xi32, #tpu.memory_space<vmem>> -> memref<16xi32, #tpu.memory_space<vmem>>
      %dma_start3A_174 = arith.constant 0 : i32
      %dma_start3A_175 = arith.constant 0 : i32
      %dma_start3A_176 = tpu.memref_slice %arg2[%dma_start3A_174, %dma_start3A_175] : memref<100000x256xf32, #tpu.memory_space<hbm>> -> memref<100000x256xf32, #tpu.memory_space<hbm>>
      tpu.enqueue_indirect_dma source(%dma_start3A_176 : memref<100000x256xf32, #tpu.memory_space<hbm>>) target(%dma_start3A_172 : memref<16x256xf32, #tpu.memory_space<vmem>>) offsets(%dma_start3A_173 : memref<16xi32, #tpu.memory_space<vmem>>) semaphore(%arg17 : memref<!tpu.dma_semaphore, #tpu.memory_space<semaphore_mem>>)
      %dma_wait3A_177 = arith.constant 0 : i32
      %dma_wait3A_178 = tpu.memref_slice %arg2[%add3A_63, %dma_wait3A_177] : memref<100000x256xf32, #tpu.memory_space<hbm>> -> memref<40x256xf32, #tpu.memory_space<hbm>>
      %dma_wait3A_179 = arith.constant 0 : i32
      %dma_wait3A_180 = tpu.memref_slice %arg2[%add3A_63, %dma_wait3A_179] : memref<100000x256xf32, #tpu.memory_space<hbm>> -> memref<40x256xf32, #tpu.memory_space<hbm>>
      tpu.wait_dma2 semaphore(%arg16 : memref<!tpu.dma_semaphore, #tpu.memory_space<semaphore_mem>>) src(%dma_wait3A_180 : memref<40x256xf32, #tpu.memory_space<hbm>>) dst(%arg14 : memref<40x256xf32, #tpu.memory_space<vmem>>)
      %dma_wait3A_181 = arith.constant 0 : i32
      %dma_wait3A_182 = arith.constant 0 : i32
      %dma_wait3A_183 = tpu.memref_slice %arg8[%dma_wait3A_181, %dma_wait3A_182] : memref<40x256xf32, #tpu.memory_space<vmem>> -> memref<24x256xf32, #tpu.memory_space<vmem>>
      %dma_wait3A_184 = tpu.memref_slice %arg5[%mul3A_62] : memref<3200xi32, #tpu.memory_space<vmem>> -> memref<24xi32, #tpu.memory_space<vmem>>
      %dma_wait3A_185 = arith.constant 0 : i32
      %dma_wait3A_186 = arith.constant 0 : i32
      %dma_wait3A_187 = tpu.memref_slice %arg2[%dma_wait3A_185, %dma_wait3A_186] : memref<100000x256xf32, #tpu.memory_space<hbm>> -> memref<100000x256xf32, #tpu.memory_space<hbm>>
      tpu.wait_indirect_dma semaphore(%arg16 : memref<!tpu.dma_semaphore, #tpu.memory_space<semaphore_mem>>) src(%dma_wait3A_187 : memref<100000x256xf32, #tpu.memory_space<hbm>>) dst(%dma_wait3A_183 : memref<24x256xf32, #tpu.memory_space<vmem>>)
      %dma_wait3A_188 = arith.constant 24 : i32
      %dma_wait3A_189 = arith.constant 0 : i32
      %dma_wait3A_190 = tpu.memref_slice %arg8[%dma_wait3A_188, %dma_wait3A_189] : memref<40x256xf32, #tpu.memory_space<vmem>> -> memref<16x256xf32, #tpu.memory_space<vmem>>
      %dma_wait3A_191 = tpu.memref_slice %arg5[%add3A_75] : memref<3200xi32, #tpu.memory_space<vmem>> -> memref<16xi32, #tpu.memory_space<vmem>>
      %dma_wait3A_192 = arith.constant 0 : i32
      %dma_wait3A_193 = arith.constant 0 : i32
      %dma_wait3A_194 = tpu.memref_slice %arg2[%dma_wait3A_192, %dma_wait3A_193] : memref<100000x256xf32, #tpu.memory_space<hbm>> -> memref<100000x256xf32, #tpu.memory_space<hbm>>
      tpu.wait_indirect_dma semaphore(%arg16 : memref<!tpu.dma_semaphore, #tpu.memory_space<semaphore_mem>>) src(%dma_wait3A_194 : memref<100000x256xf32, #tpu.memory_space<hbm>>) dst(%dma_wait3A_190 : memref<16x256xf32, #tpu.memory_space<vmem>>)
      %dma_wait3A_195 = arith.constant 0 : i32
      %dma_wait3A_196 = arith.constant 0 : i32
      %dma_wait3A_197 = tpu.memref_slice %arg10[%dma_wait3A_195, %dma_wait3A_196] : memref<40x256xf32, #tpu.memory_space<vmem>> -> memref<24x256xf32, #tpu.memory_space<vmem>>
      %dma_wait3A_198 = tpu.memref_slice %arg6[%mul3A_62] : memref<3200xi32, #tpu.memory_space<vmem>> -> memref<24xi32, #tpu.memory_space<vmem>>
      %dma_wait3A_199 = arith.constant 0 : i32
      %dma_wait3A_200 = arith.constant 0 : i32
      %dma_wait3A_201 = tpu.memref_slice %arg2[%dma_wait3A_199, %dma_wait3A_200] : memref<100000x256xf32, #tpu.memory_space<hbm>> -> memref<100000x256xf32, #tpu.memory_space<hbm>>
      tpu.wait_indirect_dma semaphore(%arg16 : memref<!tpu.dma_semaphore, #tpu.memory_space<semaphore_mem>>) src(%dma_wait3A_201 : memref<100000x256xf32, #tpu.memory_space<hbm>>) dst(%dma_wait3A_197 : memref<24x256xf32, #tpu.memory_space<vmem>>)
      %dma_wait3A_202 = arith.constant 24 : i32
      %dma_wait3A_203 = arith.constant 0 : i32
      %dma_wait3A_204 = tpu.memref_slice %arg10[%dma_wait3A_202, %dma_wait3A_203] : memref<40x256xf32, #tpu.memory_space<vmem>> -> memref<16x256xf32, #tpu.memory_space<vmem>>
      %dma_wait3A_205 = tpu.memref_slice %arg6[%add3A_91] : memref<3200xi32, #tpu.memory_space<vmem>> -> memref<16xi32, #tpu.memory_space<vmem>>
      %dma_wait3A_206 = arith.constant 0 : i32
      %dma_wait3A_207 = arith.constant 0 : i32
      %dma_wait3A_208 = tpu.memref_slice %arg2[%dma_wait3A_206, %dma_wait3A_207] : memref<100000x256xf32, #tpu.memory_space<hbm>> -> memref<100000x256xf32, #tpu.memory_space<hbm>>
      tpu.wait_indirect_dma semaphore(%arg16 : memref<!tpu.dma_semaphore, #tpu.memory_space<semaphore_mem>>) src(%dma_wait3A_208 : memref<100000x256xf32, #tpu.memory_space<hbm>>) dst(%dma_wait3A_204 : memref<16x256xf32, #tpu.memory_space<vmem>>)
      %dma_wait3A_209 = arith.constant 0 : i32
      %dma_wait3A_210 = arith.constant 0 : i32
      %dma_wait3A_211 = tpu.memref_slice %arg12[%dma_wait3A_209, %dma_wait3A_210] : memref<40x256xf32, #tpu.memory_space<vmem>> -> memref<24x256xf32, #tpu.memory_space<vmem>>
      %dma_wait3A_212 = tpu.memref_slice %arg7[%mul3A_62] : memref<3200xi32, #tpu.memory_space<vmem>> -> memref<24xi32, #tpu.memory_space<vmem>>
      %dma_wait3A_213 = arith.constant 0 : i32
      %dma_wait3A_214 = arith.constant 0 : i32
      %dma_wait3A_215 = tpu.memref_slice %arg2[%dma_wait3A_213, %dma_wait3A_214] : memref<100000x256xf32, #tpu.memory_space<hbm>> -> memref<100000x256xf32, #tpu.memory_space<hbm>>
      tpu.wait_indirect_dma semaphore(%arg16 : memref<!tpu.dma_semaphore, #tpu.memory_space<semaphore_mem>>) src(%dma_wait3A_215 : memref<100000x256xf32, #tpu.memory_space<hbm>>) dst(%dma_wait3A_211 : memref<24x256xf32, #tpu.memory_space<vmem>>)
      %dma_wait3A_216 = arith.constant 24 : i32
      %dma_wait3A_217 = arith.constant 0 : i32
      %dma_wait3A_218 = tpu.memref_slice %arg12[%dma_wait3A_216, %dma_wait3A_217] : memref<40x256xf32, #tpu.memory_space<vmem>> -> memref<16x256xf32, #tpu.memory_space<vmem>>
      %dma_wait3A_219 = tpu.memref_slice %arg7[%add3A_107] : memref<3200xi32, #tpu.memory_space<vmem>> -> memref<16xi32, #tpu.memory_space<vmem>>
      %dma_wait3A_220 = arith.constant 0 : i32
      %dma_wait3A_221 = arith.constant 0 : i32
      %dma_wait3A_222 = tpu.memref_slice %arg2[%dma_wait3A_220, %dma_wait3A_221] : memref<100000x256xf32, #tpu.memory_space<hbm>> -> memref<100000x256xf32, #tpu.memory_space<hbm>>
      tpu.wait_indirect_dma semaphore(%arg16 : memref<!tpu.dma_semaphore, #tpu.memory_space<semaphore_mem>>) src(%dma_wait3A_222 : memref<100000x256xf32, #tpu.memory_space<hbm>>) dst(%dma_wait3A_218 : memref<16x256xf32, #tpu.memory_space<vmem>>)
      %scan3A = arith.constant 0 : i32
      %scan3A_223 = arith.constant 0 : i32
      %scan3A_224 = arith.constant 40 : i32
      %scan3A_225 = arith.addi %scan3A_223, %scan3A_224 : i32
      %scan3A_226 = arith.constant 2 : i32
      scf.for %scan3A_296 = %scan3A_223 to %scan3A_225 step %scan3A_226  : i32 {
        %get3A = arith.index_cast %scan3A_296 : i32 to index
        %get3A_297 = arith.constant 0 : index
        %get3A_298 = tpu.vector_load %arg14[%get3A, %get3A_297] {strides = array<i32>} : memref<40x256xf32, #tpu.memory_space<vmem>>, vector<1x16xf32>,
        %get3A_299 = vector.shape_cast %get3A_298 : vector<1x16xf32> to vector<16xf32>
        %get3A_300 = arith.index_cast %scan3A_296 : i32 to index
        %get3A_301 = arith.constant 0 : index
        %get3A_302 = tpu.vector_load %arg8[%get3A_300, %get3A_301] {strides = array<i32>} : memref<40x256xf32, #tpu.memory_space<vmem>>, vector<1x16xf32>,
        %get3A_303 = vector.shape_cast %get3A_302 : vector<1x16xf32> to vector<16xf32>
        %add3A_304 = arith.addf %get3A_299, %get3A_303 : vector<16xf32>
        %get3A_305 = arith.index_cast %scan3A_296 : i32 to index
        %get3A_306 = arith.constant 0 : index
        %get3A_307 = tpu.vector_load %arg10[%get3A_305, %get3A_306] {strides = array<i32>} : memref<40x256xf32, #tpu.memory_space<vmem>>, vector<1x16xf32>,
        %get3A_308 = vector.shape_cast %get3A_307 : vector<1x16xf32> to vector<16xf32>
        %add3A_309 = arith.addf %add3A_304, %get3A_308 : vector<16xf32>
        %get3A_310 = arith.index_cast %scan3A_296 : i32 to index
        %get3A_311 = arith.constant 0 : index
        %get3A_312 = tpu.vector_load %arg12[%get3A_310, %get3A_311] {strides = array<i32>} : memref<40x256xf32, #tpu.memory_space<vmem>>, vector<1x16xf32>,
        %get3A_313 = vector.shape_cast %get3A_312 : vector<1x16xf32> to vector<16xf32>
        %add3A_314 = arith.addf %add3A_309, %get3A_313 : vector<16xf32>
        %mul3A_315 = arith.constant 2.500000e-01 : f32
        %mul3A_316 = vector.broadcast %mul3A_315 : f32 to vector<16xf32>
        %mul3A_317 = arith.mulf %add3A_314, %mul3A_316 : vector<16xf32>
        %swap3A = arith.index_cast %scan3A_296 : i32 to index
        %swap3A_318 = arith.constant 0 : index
        %swap3A_319 = tpu.vector_load %arg14[%swap3A, %swap3A_318] {strides = array<i32>} : memref<40x256xf32, #tpu.memory_space<vmem>>, vector<1x16xf32>,
        %swap3A_320 = vector.shape_cast %swap3A_319 : vector<1x16xf32> to vector<16xf32>
        %swap3A_321 = vector.shape_cast %mul3A_317 : vector<16xf32> to vector<1x16xf32>
        tpu.vector_store %arg14[%swap3A, %swap3A_318], %swap3A_321 {strides = array<i32>} : memref<40x256xf32, #tpu.memory_space<vmem>>, vector<1x16xf32>,
        %get3A_322 = arith.index_cast %scan3A_296 : i32 to index
        %get3A_323 = arith.constant 16 : index
        %get3A_324 = tpu.vector_load %arg14[%get3A_322, %get3A_323] {strides = array<i32>} : memref<40x256xf32, #tpu.memory_space<vmem>>, vector<1x16xf32>,
        %get3A_325 = vector.shape_cast %get3A_324 : vector<1x16xf32> to vector<16xf32>
        %get3A_326 = arith.index_cast %scan3A_296 : i32 to index
        %get3A_327 = arith.constant 16 : index
        %get3A_328 = tpu.vector_load %arg8[%get3A_326, %get3A_327] {strides = array<i32>} : memref<40x256xf32, #tpu.memory_space<vmem>>, vector<1x16xf32>,
        %get3A_329 = vector.shape_cast %get3A_328 : vector<1x16xf32> to vector<16xf32>
        %add3A_330 = arith.addf %get3A_325, %get3A_329 : vector<16xf32>
        %get3A_331 = arith.index_cast %scan3A_296 : i32 to index
        %get3A_332 = arith.constant 16 : index
        %get3A_333 = tpu.vector_load %arg10[%get3A_331, %get3A_332] {strides = array<i32>} : memref<40x256xf32, #tpu.memory_space<vmem>>, vector<1x16xf32>,
        %get3A_334 = vector.shape_cast %get3A_333 : vector<1x16xf32> to vector<16xf32>
        %add3A_335 = arith.addf %add3A_330, %get3A_334 : vector<16xf32>
        %get3A_336 = arith.index_cast %scan3A_296 : i32 to index
        %get3A_337 = arith.constant 16 : index
        %get3A_338 = tpu.vector_load %arg12[%get3A_336, %get3A_337] {strides = array<i32>} : memref<40x256xf32, #tpu.memory_space<vmem>>, vector<1x16xf32>,
        %get3A_339 = vector.shape_cast %get3A_338 : vector<1x16xf32> to vector<16xf32>
        %add3A_340 = arith.addf %add3A_335, %get3A_339 : vector<16xf32>
        %mul3A_341 = arith.constant 2.500000e-01 : f32
        %mul3A_342 = vector.broadcast %mul3A_341 : f32 to vector<16xf32>
        %mul3A_343 = arith.mulf %add3A_340, %mul3A_342 : vector<16xf32>
        %swap3A_344 = arith.index_cast %scan3A_296 : i32 to index
        %swap3A_345 = arith.constant 16 : index
        %swap3A_346 = tpu.vector_load %arg14[%swap3A_344, %swap3A_345] {strides = array<i32>} : memref<40x256xf32, #tpu.memory_space<vmem>>, vector<1x16xf32>,
        %swap3A_347 = vector.shape_cast %swap3A_346 : vector<1x16xf32> to vector<16xf32>
        %swap3A_348 = vector.shape_cast %mul3A_343 : vector<16xf32> to vector<1x16xf32>
        tpu.vector_store %arg14[%swap3A_344, %swap3A_345], %swap3A_348 {strides = array<i32>} : memref<40x256xf32, #tpu.memory_space<vmem>>, vector<1x16xf32>,
        %get3A_349 = arith.index_cast %scan3A_296 : i32 to index
        %get3A_350 = arith.constant 32 : index
        %get3A_351 = tpu.vector_load %arg14[%get3A_349, %get3A_350] {strides = array<i32>} : memref<40x256xf32, #tpu.memory_space<vmem>>, vector<1x16xf32>,
        %get3A_352 = vector.shape_cast %get3A_351 : vector<1x16xf32> to vector<16xf32>
        %get3A_353 = arith.index_cast %scan3A_296 : i32 to index
        %get3A_354 = arith.constant 32 : index
        %get3A_355 = tpu.vector_load %arg8[%get3A_353, %get3A_354] {strides = array<i32>} : memref<40x256xf32, #tpu.memory_space<vmem>>, vector<1x16xf32>,
        %get3A_356 = vector.shape_cast %get3A_355 : vector<1x16xf32> to vector<16xf32>
        %add3A_357 = arith.addf %get3A_352, %get3A_356 : vector<16xf32>
        %get3A_358 = arith.index_cast %scan3A_296 : i32 to index
        %get3A_359 = arith.constant 32 : index
        %get3A_360 = tpu.vector_load %arg10[%get3A_358, %get3A_359] {strides = array<i32>} : memref<40x256xf32, #tpu.memory_space<vmem>>, vector<1x16xf32>,
        %get3A_361 = vector.shape_cast %get3A_360 : vector<1x16xf32> to vector<16xf32>
        %add3A_362 = arith.addf %add3A_357, %get3A_361 : vector<16xf32>
        %get3A_363 = arith.index_cast %scan3A_296 : i32 to index
        %get3A_364 = arith.constant 32 : index
        %get3A_365 = tpu.vector_load %arg12[%get3A_363, %get3A_364] {strides = array<i32>} : memref<40x256xf32, #tpu.memory_space<vmem>>, vector<1x16xf32>,
        %get3A_366 = vector.shape_cast %get3A_365 : vector<1x16xf32> to vector<16xf32>
        %add3A_367 = arith.addf %add3A_362, %get3A_366 : vector<16xf32>
        %mul3A_368 = arith.constant 2.500000e-01 : f32
        %mul3A_369 = vector.broadcast %mul3A_368 : f32 to vector<16xf32>
        %mul3A_370 = arith.mulf %add3A_367, %mul3A_369 : vector<16xf32>
        %swap3A_371 = arith.index_cast %scan3A_296 : i32 to index
        %swap3A_372 = arith.constant 32 : index
        %swap3A_373 = tpu.vector_load %arg14[%swap3A_371, %swap3A_372] {strides = array<i32>} : memref<40x256xf32, #tpu.memory_space<vmem>>, vector<1x16xf32>,
        %swap3A_374 = vector.shape_cast %swap3A_373 : vector<1x16xf32> to vector<16xf32>
        %swap3A_375 = vector.shape_cast %mul3A_370 : vector<16xf32> to vector<1x16xf32>
        tpu.vector_store %arg14[%swap3A_371, %swap3A_372], %swap3A_375 {strides = array<i32>} : memref<40x256xf32, #tpu.memory_space<vmem>>, vector<1x16xf32>,
        %get3A_376 = arith.index_cast %scan3A_296 : i32 to index
        %get3A_377 = arith.constant 48 : index
        %get3A_378 = tpu.vector_load %arg14[%get3A_376, %get3A_377] {strides = array<i32>} : memref<40x256xf32, #tpu.memory_space<vmem>>, vector<1x16xf32>,
        %get3A_379 = vector.shape_cast %get3A_378 : vector<1x16xf32> to vector<16xf32>
        %get3A_380 = arith.index_cast %scan3A_296 : i32 to index
        %get3A_381 = arith.constant 48 : index
        %get3A_382 = tpu.vector_load %arg8[%get3A_380, %get3A_381] {strides = array<i32>} : memref<40x256xf32, #tpu.memory_space<vmem>>, vector<1x16xf32>,
        %get3A_383 = vector.shape_cast %get3A_382 : vector<1x16xf32> to vector<16xf32>
        %add3A_384 = arith.addf %get3A_379, %get3A_383 : vector<16xf32>
        %get3A_385 = arith.index_cast %scan3A_296 : i32 to index
        %get3A_386 = arith.constant 48 : index
        %get3A_387 = tpu.vector_load %arg10[%get3A_385, %get3A_386] {strides = array<i32>} : memref<40x256xf32, #tpu.memory_space<vmem>>, vector<1x16xf32>,
        %get3A_388 = vector.shape_cast %get3A_387 : vector<1x16xf32> to vector<16xf32>
        %add3A_389 = arith.addf %add3A_384, %get3A_388 : vector<16xf32>
        %get3A_390 = arith.index_cast %scan3A_296 : i32 to index
        %get3A_391 = arith.constant 48 : index
        %get3A_392 = tpu.vector_load %arg12[%get3A_390, %get3A_391] {strides = array<i32>} : memref<40x256xf32, #tpu.memory_space<vmem>>, vector<1x16xf32>,
        %get3A_393 = vector.shape_cast %get3A_392 : vector<1x16xf32> to vector<16xf32>
        %add3A_394 = arith.addf %add3A_389, %get3A_393 : vector<16xf32>
        %mul3A_395 = arith.constant 2.500000e-01 : f32
        %mul3A_396 = vector.broadcast %mul3A_395 : f32 to vector<16xf32>
        %mul3A_397 = arith.mulf %add3A_394, %mul3A_396 : vector<16xf32>
        %swap3A_398 = arith.index_cast %scan3A_296 : i32 to index
        %swap3A_399 = arith.constant 48 : index
        %swap3A_400 = tpu.vector_load %arg14[%swap3A_398, %swap3A_399] {strides = array<i32>} : memref<40x256xf32, #tpu.memory_space<vmem>>, vector<1x16xf32>,
        %swap3A_401 = vector.shape_cast %swap3A_400 : vector<1x16xf32> to vector<16xf32>
        %swap3A_402 = vector.shape_cast %mul3A_397 : vector<16xf32> to vector<1x16xf32>
        tpu.vector_store %arg14[%swap3A_398, %swap3A_399], %swap3A_402 {strides = array<i32>} : memref<40x256xf32, #tpu.memory_space<vmem>>, vector<1x16xf32>,
        %get3A_403 = arith.index_cast %scan3A_296 : i32 to index
        %get3A_404 = arith.constant 64 : index
        %get3A_405 = tpu.vector_load %arg14[%get3A_403, %get3A_404] {strides = array<i32>} : memref<40x256xf32, #tpu.memory_space<vmem>>, vector<1x16xf32>,
        %get3A_406 = vector.shape_cast %get3A_405 : vector<1x16xf32> to vector<16xf32>
        %get3A_407 = arith.index_cast %scan3A_296 : i32 to index
        %get3A_408 = arith.constant 64 : index
        %get3A_409 = tpu.vector_load %arg8[%get3A_407, %get3A_408] {strides = array<i32>} : memref<40x256xf32, #tpu.memory_space<vmem>>, vector<1x16xf32>,
        %get3A_410 = vector.shape_cast %get3A_409 : vector<1x16xf32> to vector<16xf32>
        %add3A_411 = arith.addf %get3A_406, %get3A_410 : vector<16xf32>
        %get3A_412 = arith.index_cast %scan3A_296 : i32 to index
        %get3A_413 = arith.constant 64 : index
        %get3A_414 = tpu.vector_load %arg10[%get3A_412, %get3A_413] {strides = array<i32>} : memref<40x256xf32, #tpu.memory_space<vmem>>, vector<1x16xf32>,
        %get3A_415 = vector.shape_cast %get3A_414 : vector<1x16xf32> to vector<16xf32>
        %add3A_416 = arith.addf %add3A_411, %get3A_415 : vector<16xf32>
        %get3A_417 = arith.index_cast %scan3A_296 : i32 to index
        %get3A_418 = arith.constant 64 : index
        %get3A_419 = tpu.vector_load %arg12[%get3A_417, %get3A_418] {strides = array<i32>} : memref<40x256xf32, #tpu.memory_space<vmem>>, vector<1x16xf32>,
        %get3A_420 = vector.shape_cast %get3A_419 : vector<1x16xf32> to vector<16xf32>
        %add3A_421 = arith.addf %add3A_416, %get3A_420 : vector<16xf32>
        %mul3A_422 = arith.constant 2.500000e-01 : f32
        %mul3A_423 = vector.broadcast %mul3A_422 : f32 to vector<16xf32>
        %mul3A_424 = arith.mulf %add3A_421, %mul3A_423 : vector<16xf32>
        %swap3A_425 = arith.index_cast %scan3A_296 : i32 to index
        %swap3A_426 = arith.constant 64 : index
        %swap3A_427 = tpu.vector_load %arg14[%swap3A_425, %swap3A_426] {strides = array<i32>} : memref<40x256xf32, #tpu.memory_space<vmem>>, vector<1x16xf32>,
        %swap3A_428 = vector.shape_cast %swap3A_427 : vector<1x16xf32> to vector<16xf32>
        %swap3A_429 = vector.shape_cast %mul3A_424 : vector<16xf32> to vector<1x16xf32>
        tpu.vector_store %arg14[%swap3A_425, %swap3A_426], %swap3A_429 {strides = array<i32>} : memref<40x256xf32, #tpu.memory_space<vmem>>, vector<1x16xf32>,
        %get3A_430 = arith.index_cast %scan3A_296 : i32 to index
        %get3A_431 = arith.constant 80 : index
        %get3A_432 = tpu.vector_load %arg14[%get3A_430, %get3A_431] {strides = array<i32>} : memref<40x256xf32, #tpu.memory_space<vmem>>, vector<1x16xf32>,
        %get3A_433 = vector.shape_cast %get3A_432 : vector<1x16xf32> to vector<16xf32>
        %get3A_434 = arith.index_cast %scan3A_296 : i32 to index
        %get3A_435 = arith.constant 80 : index
        %get3A_436 = tpu.vector_load %arg8[%get3A_434, %get3A_435] {strides = array<i32>} : memref<40x256xf32, #tpu.memory_space<vmem>>, vector<1x16xf32>,
        %get3A_437 = vector.shape_cast %get3A_436 : vector<1x16xf32> to vector<16xf32>
        %add3A_438 = arith.addf %get3A_433, %get3A_437 : vector<16xf32>
        %get3A_439 = arith.index_cast %scan3A_296 : i32 to index
        %get3A_440 = arith.constant 80 : index
        %get3A_441 = tpu.vector_load %arg10[%get3A_439, %get3A_440] {strides = array<i32>} : memref<40x256xf32, #tpu.memory_space<vmem>>, vector<1x16xf32>,
        %get3A_442 = vector.shape_cast %get3A_441 : vector<1x16xf32> to vector<16xf32>
        %add3A_443 = arith.addf %add3A_438, %get3A_442 : vector<16xf32>
        %get3A_444 = arith.index_cast %scan3A_296 : i32 to index
        %get3A_445 = arith.constant 80 : index
        %get3A_446 = tpu.vector_load %arg12[%get3A_444, %get3A_445] {strides = array<i32>} : memref<40x256xf32, #tpu.memory_space<vmem>>, vector<1x16xf32>,
        %get3A_447 = vector.shape_cast %get3A_446 : vector<1x16xf32> to vector<16xf32>
        %add3A_448 = arith.addf %add3A_443, %get3A_447 : vector<16xf32>
        %mul3A_449 = arith.constant 2.500000e-01 : f32
        %mul3A_450 = vector.broadcast %mul3A_449 : f32 to vector<16xf32>
        %mul3A_451 = arith.mulf %add3A_448, %mul3A_450 : vector<16xf32>
        %swap3A_452 = arith.index_cast %scan3A_296 : i32 to index
        %swap3A_453 = arith.constant 80 : index
        %swap3A_454 = tpu.vector_load %arg14[%swap3A_452, %swap3A_453] {strides = array<i32>} : memref<40x256xf32, #tpu.memory_space<vmem>>, vector<1x16xf32>,
        %swap3A_455 = vector.shape_cast %swap3A_454 : vector<1x16xf32> to vector<16xf32>
        %swap3A_456 = vector.shape_cast %mul3A_451 : vector<16xf32> to vector<1x16xf32>
        tpu.vector_store %arg14[%swap3A_452, %swap3A_453], %swap3A_456 {strides = array<i32>} : memref<40x256xf32, #tpu.memory_space<vmem>>, vector<1x16xf32>,
        %get3A_457 = arith.index_cast %scan3A_296 : i32 to index
        %get3A_458 = arith.constant 96 : index
        %get3A_459 = tpu.vector_load %arg14[%get3A_457, %get3A_458] {strides = array<i32>} : memref<40x256xf32, #tpu.memory_space<vmem>>, vector<1x16xf32>,
        %get3A_460 = vector.shape_cast %get3A_459 : vector<1x16xf32> to vector<16xf32>
        %get3A_461 = arith.index_cast %scan3A_296 : i32 to index
        %get3A_462 = arith.constant 96 : index
        %get3A_463 = tpu.vector_load %arg8[%get3A_461, %get3A_462] {strides = array<i32>} : memref<40x256xf32, #tpu.memory_space<vmem>>, vector<1x16xf32>,
        %get3A_464 = vector.shape_cast %get3A_463 : vector<1x16xf32> to vector<16xf32>
        %add3A_465 = arith.addf %get3A_460, %get3A_464 : vector<16xf32>
        %get3A_466 = arith.index_cast %scan3A_296 : i32 to index
        %get3A_467 = arith.constant 96 : index
        %get3A_468 = tpu.vector_load %arg10[%get3A_466, %get3A_467] {strides = array<i32>} : memref<40x256xf32, #tpu.memory_space<vmem>>, vector<1x16xf32>,
        %get3A_469 = vector.shape_cast %get3A_468 : vector<1x16xf32> to vector<16xf32>
        %add3A_470 = arith.addf %add3A_465, %get3A_469 : vector<16xf32>
        %get3A_471 = arith.index_cast %scan3A_296 : i32 to index
        %get3A_472 = arith.constant 96 : index
        %get3A_473 = tpu.vector_load %arg12[%get3A_471, %get3A_472] {strides = array<i32>} : memref<40x256xf32, #tpu.memory_space<vmem>>, vector<1x16xf32>,
        %get3A_474 = vector.shape_cast %get3A_473 : vector<1x16xf32> to vector<16xf32>
        %add3A_475 = arith.addf %add3A_470, %get3A_474 : vector<16xf32>
        %mul3A_476 = arith.constant 2.500000e-01 : f32
        %mul3A_477 = vector.broadcast %mul3A_476 : f32 to vector<16xf32>
        %mul3A_478 = arith.mulf %add3A_475, %mul3A_477 : vector<16xf32>
        %swap3A_479 = arith.index_cast %scan3A_296 : i32 to index
        %swap3A_480 = arith.constant 96 : index
        %swap3A_481 = tpu.vector_load %arg14[%swap3A_479, %swap3A_480] {strides = array<i32>} : memref<40x256xf32, #tpu.memory_space<vmem>>, vector<1x16xf32>,
        %swap3A_482 = vector.shape_cast %swap3A_481 : vector<1x16xf32> to vector<16xf32>
        %swap3A_483 = vector.shape_cast %mul3A_478 : vector<16xf32> to vector<1x16xf32>
        tpu.vector_store %arg14[%swap3A_479, %swap3A_480], %swap3A_483 {strides = array<i32>} : memref<40x256xf32, #tpu.memory_space<vmem>>, vector<1x16xf32>,
        %get3A_484 = arith.index_cast %scan3A_296 : i32 to index
        %get3A_485 = arith.constant 112 : index
        %get3A_486 = tpu.vector_load %arg14[%get3A_484, %get3A_485] {strides = array<i32>} : memref<40x256xf32, #tpu.memory_space<vmem>>, vector<1x16xf32>,
        %get3A_487 = vector.shape_cast %get3A_486 : vector<1x16xf32> to vector<16xf32>
        %get3A_488 = arith.index_cast %scan3A_296 : i32 to index
        %get3A_489 = arith.constant 112 : index
        %get3A_490 = tpu.vector_load %arg8[%get3A_488, %get3A_489] {strides = array<i32>} : memref<40x256xf32, #tpu.memory_space<vmem>>, vector<1x16xf32>,
        %get3A_491 = vector.shape_cast %get3A_490 : vector<1x16xf32> to vector<16xf32>
        %add3A_492 = arith.addf %get3A_487, %get3A_491 : vector<16xf32>
        %get3A_493 = arith.index_cast %scan3A_296 : i32 to index
        %get3A_494 = arith.constant 112 : index
        %get3A_495 = tpu.vector_load %arg10[%get3A_493, %get3A_494] {strides = array<i32>} : memref<40x256xf32, #tpu.memory_space<vmem>>, vector<1x16xf32>,
        %get3A_496 = vector.shape_cast %get3A_495 : vector<1x16xf32> to vector<16xf32>
        %add3A_497 = arith.addf %add3A_492, %get3A_496 : vector<16xf32>
        %get3A_498 = arith.index_cast %scan3A_296 : i32 to index
        %get3A_499 = arith.constant 112 : index
        %get3A_500 = tpu.vector_load %arg12[%get3A_498, %get3A_499] {strides = array<i32>} : memref<40x256xf32, #tpu.memory_space<vmem>>, vector<1x16xf32>,
        %get3A_501 = vector.shape_cast %get3A_500 : vector<1x16xf32> to vector<16xf32>
        %add3A_502 = arith.addf %add3A_497, %get3A_501 : vector<16xf32>
        %mul3A_503 = arith.constant 2.500000e-01 : f32
        %mul3A_504 = vector.broadcast %mul3A_503 : f32 to vector<16xf32>
        %mul3A_505 = arith.mulf %add3A_502, %mul3A_504 : vector<16xf32>
        %swap3A_506 = arith.index_cast %scan3A_296 : i32 to index
        %swap3A_507 = arith.constant 112 : index
        %swap3A_508 = tpu.vector_load %arg14[%swap3A_506, %swap3A_507] {strides = array<i32>} : memref<40x256xf32, #tpu.memory_space<vmem>>, vector<1x16xf32>,
        %swap3A_509 = vector.shape_cast %swap3A_508 : vector<1x16xf32> to vector<16xf32>
        %swap3A_510 = vector.shape_cast %mul3A_505 : vector<16xf32> to vector<1x16xf32>
        tpu.vector_store %arg14[%swap3A_506, %swap3A_507], %swap3A_510 {strides = array<i32>} : memref<40x256xf32, #tpu.memory_space<vmem>>, vector<1x16xf32>,
        %get3A_511 = arith.index_cast %scan3A_296 : i32 to index
        %get3A_512 = arith.constant 128 : index
        %get3A_513 = tpu.vector_load %arg14[%get3A_511, %get3A_512] {strides = array<i32>} : memref<40x256xf32, #tpu.memory_space<vmem>>, vector<1x16xf32>,
        %get3A_514 = vector.shape_cast %get3A_513 : vector<1x16xf32> to vector<16xf32>
        %get3A_515 = arith.index_cast %scan3A_296 : i32 to index
        %get3A_516 = arith.constant 128 : index
        %get3A_517 = tpu.vector_load %arg8[%get3A_515, %get3A_516] {strides = array<i32>} : memref<40x256xf32, #tpu.memory_space<vmem>>, vector<1x16xf32>,
        %get3A_518 = vector.shape_cast %get3A_517 : vector<1x16xf32> to vector<16xf32>
        %add3A_519 = arith.addf %get3A_514, %get3A_518 : vector<16xf32>
        %get3A_520 = arith.index_cast %scan3A_296 : i32 to index
        %get3A_521 = arith.constant 128 : index
        %get3A_522 = tpu.vector_load %arg10[%get3A_520, %get3A_521] {strides = array<i32>} : memref<40x256xf32, #tpu.memory_space<vmem>>, vector<1x16xf32>,
        %get3A_523 = vector.shape_cast %get3A_522 : vector<1x16xf32> to vector<16xf32>
        %add3A_524 = arith.addf %add3A_519, %get3A_523 : vector<16xf32>
        %get3A_525 = arith.index_cast %scan3A_296 : i32 to index
        %get3A_526 = arith.constant 128 : index
        %get3A_527 = tpu.vector_load %arg12[%get3A_525, %get3A_526] {strides = array<i32>} : memref<40x256xf32, #tpu.memory_space<vmem>>, vector<1x16xf32>,
        %get3A_528 = vector.shape_cast %get3A_527 : vector<1x16xf32> to vector<16xf32>
        %add3A_529 = arith.addf %add3A_524, %get3A_528 : vector<16xf32>
        %mul3A_530 = arith.constant 2.500000e-01 : f32
        %mul3A_531 = vector.broadcast %mul3A_530 : f32 to vector<16xf32>
        %mul3A_532 = arith.mulf %add3A_529, %mul3A_531 : vector<16xf32>
        %swap3A_533 = arith.index_cast %scan3A_296 : i32 to index
        %swap3A_534 = arith.constant 128 : index
        %swap3A_535 = tpu.vector_load %arg14[%swap3A_533, %swap3A_534] {strides = array<i32>} : memref<40x256xf32, #tpu.memory_space<vmem>>, vector<1x16xf32>,
        %swap3A_536 = vector.shape_cast %swap3A_535 : vector<1x16xf32> to vector<16xf32>
        %swap3A_537 = vector.shape_cast %mul3A_532 : vector<16xf32> to vector<1x16xf32>
        tpu.vector_store %arg14[%swap3A_533, %swap3A_534], %swap3A_537 {strides = array<i32>} : memref<40x256xf32, #tpu.memory_space<vmem>>, vector<1x16xf32>,
        %get3A_538 = arith.index_cast %scan3A_296 : i32 to index
        %get3A_539 = arith.constant 144 : index
        %get3A_540 = tpu.vector_load %arg14[%get3A_538, %get3A_539] {strides = array<i32>} : memref<40x256xf32, #tpu.memory_space<vmem>>, vector<1x16xf32>,
        %get3A_541 = vector.shape_cast %get3A_540 : vector<1x16xf32> to vector<16xf32>
        %get3A_542 = arith.index_cast %scan3A_296 : i32 to index
        %get3A_543 = arith.constant 144 : index
        %get3A_544 = tpu.vector_load %arg8[%get3A_542, %get3A_543] {strides = array<i32>} : memref<40x256xf32, #tpu.memory_space<vmem>>, vector<1x16xf32>,
        %get3A_545 = vector.shape_cast %get3A_544 : vector<1x16xf32> to vector<16xf32>
        %add3A_546 = arith.addf %get3A_541, %get3A_545 : vector<16xf32>
        %get3A_547 = arith.index_cast %scan3A_296 : i32 to index
        %get3A_548 = arith.constant 144 : index
        %get3A_549 = tpu.vector_load %arg10[%get3A_547, %get3A_548] {strides = array<i32>} : memref<40x256xf32, #tpu.memory_space<vmem>>, vector<1x16xf32>,
        %get3A_550 = vector.shape_cast %get3A_549 : vector<1x16xf32> to vector<16xf32>
        %add3A_551 = arith.addf %add3A_546, %get3A_550 : vector<16xf32>
        %get3A_552 = arith.index_cast %scan3A_296 : i32 to index
        %get3A_553 = arith.constant 144 : index
        %get3A_554 = tpu.vector_load %arg12[%get3A_552, %get3A_553] {strides = array<i32>} : memref<40x256xf32, #tpu.memory_space<vmem>>, vector<1x16xf32>,
        %get3A_555 = vector.shape_cast %get3A_554 : vector<1x16xf32> to vector<16xf32>
        %add3A_556 = arith.addf %add3A_551, %get3A_555 : vector<16xf32>
        %mul3A_557 = arith.constant 2.500000e-01 : f32
        %mul3A_558 = vector.broadcast %mul3A_557 : f32 to vector<16xf32>
        %mul3A_559 = arith.mulf %add3A_556, %mul3A_558 : vector<16xf32>
        %swap3A_560 = arith.index_cast %scan3A_296 : i32 to index
        %swap3A_561 = arith.constant 144 : index
        %swap3A_562 = tpu.vector_load %arg14[%swap3A_560, %swap3A_561] {strides = array<i32>} : memref<40x256xf32, #tpu.memory_space<vmem>>, vector<1x16xf32>,
        %swap3A_563 = vector.shape_cast %swap3A_562 : vector<1x16xf32> to vector<16xf32>
        %swap3A_564 = vector.shape_cast %mul3A_559 : vector<16xf32> to vector<1x16xf32>
        tpu.vector_store %arg14[%swap3A_560, %swap3A_561], %swap3A_564 {strides = array<i32>} : memref<40x256xf32, #tpu.memory_space<vmem>>, vector<1x16xf32>,
        %get3A_565 = arith.index_cast %scan3A_296 : i32 to index
        %get3A_566 = arith.constant 160 : index
        %get3A_567 = tpu.vector_load %arg14[%get3A_565, %get3A_566] {strides = array<i32>} : memref<40x256xf32, #tpu.memory_space<vmem>>, vector<1x16xf32>,
        %get3A_568 = vector.shape_cast %get3A_567 : vector<1x16xf32> to vector<16xf32>
        %get3A_569 = arith.index_cast %scan3A_296 : i32 to index
        %get3A_570 = arith.constant 160 : index
        %get3A_571 = tpu.vector_load %arg8[%get3A_569, %get3A_570] {strides = array<i32>} : memref<40x256xf32, #tpu.memory_space<vmem>>, vector<1x16xf32>,
        %get3A_572 = vector.shape_cast %get3A_571 : vector<1x16xf32> to vector<16xf32>
        %add3A_573 = arith.addf %get3A_568, %get3A_572 : vector<16xf32>
        %get3A_574 = arith.index_cast %scan3A_296 : i32 to index
        %get3A_575 = arith.constant 160 : index
        %get3A_576 = tpu.vector_load %arg10[%get3A_574, %get3A_575] {strides = array<i32>} : memref<40x256xf32, #tpu.memory_space<vmem>>, vector<1x16xf32>,
        %get3A_577 = vector.shape_cast %get3A_576 : vector<1x16xf32> to vector<16xf32>
        %add3A_578 = arith.addf %add3A_573, %get3A_577 : vector<16xf32>
        %get3A_579 = arith.index_cast %scan3A_296 : i32 to index
        %get3A_580 = arith.constant 160 : index
        %get3A_581 = tpu.vector_load %arg12[%get3A_579, %get3A_580] {strides = array<i32>} : memref<40x256xf32, #tpu.memory_space<vmem>>, vector<1x16xf32>,
        %get3A_582 = vector.shape_cast %get3A_581 : vector<1x16xf32> to vector<16xf32>
        %add3A_583 = arith.addf %add3A_578, %get3A_582 : vector<16xf32>
        %mul3A_584 = arith.constant 2.500000e-01 : f32
        %mul3A_585 = vector.broadcast %mul3A_584 : f32 to vector<16xf32>
        %mul3A_586 = arith.mulf %add3A_583, %mul3A_585 : vector<16xf32>
        %swap3A_587 = arith.index_cast %scan3A_296 : i32 to index
        %swap3A_588 = arith.constant 160 : index
        %swap3A_589 = tpu.vector_load %arg14[%swap3A_587, %swap3A_588] {strides = array<i32>} : memref<40x256xf32, #tpu.memory_space<vmem>>, vector<1x16xf32>,
        %swap3A_590 = vector.shape_cast %swap3A_589 : vector<1x16xf32> to vector<16xf32>
        %swap3A_591 = vector.shape_cast %mul3A_586 : vector<16xf32> to vector<1x16xf32>
        tpu.vector_store %arg14[%swap3A_587, %swap3A_588], %swap3A_591 {strides = array<i32>} : memref<40x256xf32, #tpu.memory_space<vmem>>, vector<1x16xf32>,
        %get3A_592 = arith.index_cast %scan3A_296 : i32 to index
        %get3A_593 = arith.constant 176 : index
        %get3A_594 = tpu.vector_load %arg14[%get3A_592, %get3A_593] {strides = array<i32>} : memref<40x256xf32, #tpu.memory_space<vmem>>, vector<1x16xf32>,
        %get3A_595 = vector.shape_cast %get3A_594 : vector<1x16xf32> to vector<16xf32>
        %get3A_596 = arith.index_cast %scan3A_296 : i32 to index
        %get3A_597 = arith.constant 176 : index
        %get3A_598 = tpu.vector_load %arg8[%get3A_596, %get3A_597] {strides = array<i32>} : memref<40x256xf32, #tpu.memory_space<vmem>>, vector<1x16xf32>,
        %get3A_599 = vector.shape_cast %get3A_598 : vector<1x16xf32> to vector<16xf32>
        %add3A_600 = arith.addf %get3A_595, %get3A_599 : vector<16xf32>
        %get3A_601 = arith.index_cast %scan3A_296 : i32 to index
        %get3A_602 = arith.constant 176 : index
        %get3A_603 = tpu.vector_load %arg10[%get3A_601, %get3A_602] {strides = array<i32>} : memref<40x256xf32, #tpu.memory_space<vmem>>, vector<1x16xf32>,
        %get3A_604 = vector.shape_cast %get3A_603 : vector<1x16xf32> to vector<16xf32>
        %add3A_605 = arith.addf %add3A_600, %get3A_604 : vector<16xf32>
        %get3A_606 = arith.index_cast %scan3A_296 : i32 to index
        %get3A_607 = arith.constant 176 : index
        %get3A_608 = tpu.vector_load %arg12[%get3A_606, %get3A_607] {strides = array<i32>} : memref<40x256xf32, #tpu.memory_space<vmem>>, vector<1x16xf32>,
        %get3A_609 = vector.shape_cast %get3A_608 : vector<1x16xf32> to vector<16xf32>
        %add3A_610 = arith.addf %add3A_605, %get3A_609 : vector<16xf32>
        %mul3A_611 = arith.constant 2.500000e-01 : f32
        %mul3A_612 = vector.broadcast %mul3A_611 : f32 to vector<16xf32>
        %mul3A_613 = arith.mulf %add3A_610, %mul3A_612 : vector<16xf32>
        %swap3A_614 = arith.index_cast %scan3A_296 : i32 to index
        %swap3A_615 = arith.constant 176 : index
        %swap3A_616 = tpu.vector_load %arg14[%swap3A_614, %swap3A_615] {strides = array<i32>} : memref<40x256xf32, #tpu.memory_space<vmem>>, vector<1x16xf32>,
        %swap3A_617 = vector.shape_cast %swap3A_616 : vector<1x16xf32> to vector<16xf32>
        %swap3A_618 = vector.shape_cast %mul3A_613 : vector<16xf32> to vector<1x16xf32>
        tpu.vector_store %arg14[%swap3A_614, %swap3A_615], %swap3A_618 {strides = array<i32>} : memref<40x256xf32, #tpu.memory_space<vmem>>, vector<1x16xf32>,
        %get3A_619 = arith.index_cast %scan3A_296 : i32 to index
        %get3A_620 = arith.constant 192 : index
        %get3A_621 = tpu.vector_load %arg14[%get3A_619, %get3A_620] {strides = array<i32>} : memref<40x256xf32, #tpu.memory_space<vmem>>, vector<1x16xf32>,
        %get3A_622 = vector.shape_cast %get3A_621 : vector<1x16xf32> to vector<16xf32>
        %get3A_623 = arith.index_cast %scan3A_296 : i32 to index
        %get3A_624 = arith.constant 192 : index
        %get3A_625 = tpu.vector_load %arg8[%get3A_623, %get3A_624] {strides = array<i32>} : memref<40x256xf32, #tpu.memory_space<vmem>>, vector<1x16xf32>,
        %get3A_626 = vector.shape_cast %get3A_625 : vector<1x16xf32> to vector<16xf32>
        %add3A_627 = arith.addf %get3A_622, %get3A_626 : vector<16xf32>
        %get3A_628 = arith.index_cast %scan3A_296 : i32 to index
        %get3A_629 = arith.constant 192 : index
        %get3A_630 = tpu.vector_load %arg10[%get3A_628, %get3A_629] {strides = array<i32>} : memref<40x256xf32, #tpu.memory_space<vmem>>, vector<1x16xf32>,
        %get3A_631 = vector.shape_cast %get3A_630 : vector<1x16xf32> to vector<16xf32>
        %add3A_632 = arith.addf %add3A_627, %get3A_631 : vector<16xf32>
        %get3A_633 = arith.index_cast %scan3A_296 : i32 to index
        %get3A_634 = arith.constant 192 : index
        %get3A_635 = tpu.vector_load %arg12[%get3A_633, %get3A_634] {strides = array<i32>} : memref<40x256xf32, #tpu.memory_space<vmem>>, vector<1x16xf32>,
        %get3A_636 = vector.shape_cast %get3A_635 : vector<1x16xf32> to vector<16xf32>
        %add3A_637 = arith.addf %add3A_632, %get3A_636 : vector<16xf32>
        %mul3A_638 = arith.constant 2.500000e-01 : f32
        %mul3A_639 = vector.broadcast %mul3A_638 : f32 to vector<16xf32>
        %mul3A_640 = arith.mulf %add3A_637, %mul3A_639 : vector<16xf32>
        %swap3A_641 = arith.index_cast %scan3A_296 : i32 to index
        %swap3A_642 = arith.constant 192 : index
        %swap3A_643 = tpu.vector_load %arg14[%swap3A_641, %swap3A_642] {strides = array<i32>} : memref<40x256xf32, #tpu.memory_space<vmem>>, vector<1x16xf32>,
        %swap3A_644 = vector.shape_cast %swap3A_643 : vector<1x16xf32> to vector<16xf32>
        %swap3A_645 = vector.shape_cast %mul3A_640 : vector<16xf32> to vector<1x16xf32>
        tpu.vector_store %arg14[%swap3A_641, %swap3A_642], %swap3A_645 {strides = array<i32>} : memref<40x256xf32, #tpu.memory_space<vmem>>, vector<1x16xf32>,
        %get3A_646 = arith.index_cast %scan3A_296 : i32 to index
        %get3A_647 = arith.constant 208 : index
        %get3A_648 = tpu.vector_load %arg14[%get3A_646, %get3A_647] {strides = array<i32>} : memref<40x256xf32, #tpu.memory_space<vmem>>, vector<1x16xf32>,
        %get3A_649 = vector.shape_cast %get3A_648 : vector<1x16xf32> to vector<16xf32>
        %get3A_650 = arith.index_cast %scan3A_296 : i32 to index
        %get3A_651 = arith.constant 208 : index
        %get3A_652 = tpu.vector_load %arg8[%get3A_650, %get3A_651] {strides = array<i32>} : memref<40x256xf32, #tpu.memory_space<vmem>>, vector<1x16xf32>,
        %get3A_653 = vector.shape_cast %get3A_652 : vector<1x16xf32> to vector<16xf32>
        %add3A_654 = arith.addf %get3A_649, %get3A_653 : vector<16xf32>
        %get3A_655 = arith.index_cast %scan3A_296 : i32 to index
        %get3A_656 = arith.constant 208 : index
        %get3A_657 = tpu.vector_load %arg10[%get3A_655, %get3A_656] {strides = array<i32>} : memref<40x256xf32, #tpu.memory_space<vmem>>, vector<1x16xf32>,
        %get3A_658 = vector.shape_cast %get3A_657 : vector<1x16xf32> to vector<16xf32>
        %add3A_659 = arith.addf %add3A_654, %get3A_658 : vector<16xf32>
        %get3A_660 = arith.index_cast %scan3A_296 : i32 to index
        %get3A_661 = arith.constant 208 : index
        %get3A_662 = tpu.vector_load %arg12[%get3A_660, %get3A_661] {strides = array<i32>} : memref<40x256xf32, #tpu.memory_space<vmem>>, vector<1x16xf32>,
        %get3A_663 = vector.shape_cast %get3A_662 : vector<1x16xf32> to vector<16xf32>
        %add3A_664 = arith.addf %add3A_659, %get3A_663 : vector<16xf32>
        %mul3A_665 = arith.constant 2.500000e-01 : f32
        %mul3A_666 = vector.broadcast %mul3A_665 : f32 to vector<16xf32>
        %mul3A_667 = arith.mulf %add3A_664, %mul3A_666 : vector<16xf32>
        %swap3A_668 = arith.index_cast %scan3A_296 : i32 to index
        %swap3A_669 = arith.constant 208 : index
        %swap3A_670 = tpu.vector_load %arg14[%swap3A_668, %swap3A_669] {strides = array<i32>} : memref<40x256xf32, #tpu.memory_space<vmem>>, vector<1x16xf32>,
        %swap3A_671 = vector.shape_cast %swap3A_670 : vector<1x16xf32> to vector<16xf32>
        %swap3A_672 = vector.shape_cast %mul3A_667 : vector<16xf32> to vector<1x16xf32>
        tpu.vector_store %arg14[%swap3A_668, %swap3A_669], %swap3A_672 {strides = array<i32>} : memref<40x256xf32, #tpu.memory_space<vmem>>, vector<1x16xf32>,
        %get3A_673 = arith.index_cast %scan3A_296 : i32 to index
        %get3A_674 = arith.constant 224 : index
        %get3A_675 = tpu.vector_load %arg14[%get3A_673, %get3A_674] {strides = array<i32>} : memref<40x256xf32, #tpu.memory_space<vmem>>, vector<1x16xf32>,
        %get3A_676 = vector.shape_cast %get3A_675 : vector<1x16xf32> to vector<16xf32>
        %get3A_677 = arith.index_cast %scan3A_296 : i32 to index
        %get3A_678 = arith.constant 224 : index
        %get3A_679 = tpu.vector_load %arg8[%get3A_677, %get3A_678] {strides = array<i32>} : memref<40x256xf32, #tpu.memory_space<vmem>>, vector<1x16xf32>,
        %get3A_680 = vector.shape_cast %get3A_679 : vector<1x16xf32> to vector<16xf32>
        %add3A_681 = arith.addf %get3A_676, %get3A_680 : vector<16xf32>
        %get3A_682 = arith.index_cast %scan3A_296 : i32 to index
        %get3A_683 = arith.constant 224 : index
        %get3A_684 = tpu.vector_load %arg10[%get3A_682, %get3A_683] {strides = array<i32>} : memref<40x256xf32, #tpu.memory_space<vmem>>, vector<1x16xf32>,
        %get3A_685 = vector.shape_cast %get3A_684 : vector<1x16xf32> to vector<16xf32>
        %add3A_686 = arith.addf %add3A_681, %get3A_685 : vector<16xf32>
        %get3A_687 = arith.index_cast %scan3A_296 : i32 to index
        %get3A_688 = arith.constant 224 : index
        %get3A_689 = tpu.vector_load %arg12[%get3A_687, %get3A_688] {strides = array<i32>} : memref<40x256xf32, #tpu.memory_space<vmem>>, vector<1x16xf32>,
        %get3A_690 = vector.shape_cast %get3A_689 : vector<1x16xf32> to vector<16xf32>
        %add3A_691 = arith.addf %add3A_686, %get3A_690 : vector<16xf32>
        %mul3A_692 = arith.constant 2.500000e-01 : f32
        %mul3A_693 = vector.broadcast %mul3A_692 : f32 to vector<16xf32>
        %mul3A_694 = arith.mulf %add3A_691, %mul3A_693 : vector<16xf32>
        %swap3A_695 = arith.index_cast %scan3A_296 : i32 to index
        %swap3A_696 = arith.constant 224 : index
        %swap3A_697 = tpu.vector_load %arg14[%swap3A_695, %swap3A_696] {strides = array<i32>} : memref<40x256xf32, #tpu.memory_space<vmem>>, vector<1x16xf32>,
        %swap3A_698 = vector.shape_cast %swap3A_697 : vector<1x16xf32> to vector<16xf32>
        %swap3A_699 = vector.shape_cast %mul3A_694 : vector<16xf32> to vector<1x16xf32>
        tpu.vector_store %arg14[%swap3A_695, %swap3A_696], %swap3A_699 {strides = array<i32>} : memref<40x256xf32, #tpu.memory_space<vmem>>, vector<1x16xf32>,
        %get3A_700 = arith.index_cast %scan3A_296 : i32 to index
        %get3A_701 = arith.constant 240 : index
        %get3A_702 = tpu.vector_load %arg14[%get3A_700, %get3A_701] {strides = array<i32>} : memref<40x256xf32, #tpu.memory_space<vmem>>, vector<1x16xf32>,
        %get3A_703 = vector.shape_cast %get3A_702 : vector<1x16xf32> to vector<16xf32>
        %get3A_704 = arith.index_cast %scan3A_296 : i32 to index
        %get3A_705 = arith.constant 240 : index
        %get3A_706 = tpu.vector_load %arg8[%get3A_704, %get3A_705] {strides = array<i32>} : memref<40x256xf32, #tpu.memory_space<vmem>>, vector<1x16xf32>,
        %get3A_707 = vector.shape_cast %get3A_706 : vector<1x16xf32> to vector<16xf32>
        %add3A_708 = arith.addf %get3A_703, %get3A_707 : vector<16xf32>
        %get3A_709 = arith.index_cast %scan3A_296 : i32 to index
        %get3A_710 = arith.constant 240 : index
        %get3A_711 = tpu.vector_load %arg10[%get3A_709, %get3A_710] {strides = array<i32>} : memref<40x256xf32, #tpu.memory_space<vmem>>, vector<1x16xf32>,
        %get3A_712 = vector.shape_cast %get3A_711 : vector<1x16xf32> to vector<16xf32>
        %add3A_713 = arith.addf %add3A_708, %get3A_712 : vector<16xf32>
        %get3A_714 = arith.index_cast %scan3A_296 : i32 to index
        %get3A_715 = arith.constant 240 : index
        %get3A_716 = tpu.vector_load %arg12[%get3A_714, %get3A_715] {strides = array<i32>} : memref<40x256xf32, #tpu.memory_space<vmem>>, vector<1x16xf32>,
        %get3A_717 = vector.shape_cast %get3A_716 : vector<1x16xf32> to vector<16xf32>
        %add3A_718 = arith.addf %add3A_713, %get3A_717 : vector<16xf32>
        %mul3A_719 = arith.constant 2.500000e-01 : f32
        %mul3A_720 = vector.broadcast %mul3A_719 : f32 to vector<16xf32>
        %mul3A_721 = arith.mulf %add3A_718, %mul3A_720 : vector<16xf32>
        %swap3A_722 = arith.index_cast %scan3A_296 : i32 to index
        %swap3A_723 = arith.constant 240 : index
        %swap3A_724 = tpu.vector_load %arg14[%swap3A_722, %swap3A_723] {strides = array<i32>} : memref<40x256xf32, #tpu.memory_space<vmem>>, vector<1x16xf32>,
        %swap3A_725 = vector.shape_cast %swap3A_724 : vector<1x16xf32> to vector<16xf32>
        %swap3A_726 = vector.shape_cast %mul3A_721 : vector<16xf32> to vector<1x16xf32>
        tpu.vector_store %arg14[%swap3A_722, %swap3A_723], %swap3A_726 {strides = array<i32>} : memref<40x256xf32, #tpu.memory_space<vmem>>, vector<1x16xf32>,
        %scan3A_727 = arith.constant 1 : i32
        %scan3A_728 = arith.addi %scan3A_296, %scan3A_727 : i32
        %get3A_729 = arith.index_cast %scan3A_728 : i32 to index
        %get3A_730 = arith.constant 0 : index
        %get3A_731 = tpu.vector_load %arg14[%get3A_729, %get3A_730] {strides = array<i32>} : memref<40x256xf32, #tpu.memory_space<vmem>>, vector<1x16xf32>,
        %get3A_732 = vector.shape_cast %get3A_731 : vector<1x16xf32> to vector<16xf32>
        %get3A_733 = arith.index_cast %scan3A_728 : i32 to index
        %get3A_734 = arith.constant 0 : index
        %get3A_735 = tpu.vector_load %arg8[%get3A_733, %get3A_734] {strides = array<i32>} : memref<40x256xf32, #tpu.memory_space<vmem>>, vector<1x16xf32>,
        %get3A_736 = vector.shape_cast %get3A_735 : vector<1x16xf32> to vector<16xf32>
        %add3A_737 = arith.addf %get3A_732, %get3A_736 : vector<16xf32>
        %get3A_738 = arith.index_cast %scan3A_728 : i32 to index
        %get3A_739 = arith.constant 0 : index
        %get3A_740 = tpu.vector_load %arg10[%get3A_738, %get3A_739] {strides = array<i32>} : memref<40x256xf32, #tpu.memory_space<vmem>>, vector<1x16xf32>,
        %get3A_741 = vector.shape_cast %get3A_740 : vector<1x16xf32> to vector<16xf32>
        %add3A_742 = arith.addf %add3A_737, %get3A_741 : vector<16xf32>
        %get3A_743 = arith.index_cast %scan3A_728 : i32 to index
        %get3A_744 = arith.constant 0 : index
        %get3A_745 = tpu.vector_load %arg12[%get3A_743, %get3A_744] {strides = array<i32>} : memref<40x256xf32, #tpu.memory_space<vmem>>, vector<1x16xf32>,
        %get3A_746 = vector.shape_cast %get3A_745 : vector<1x16xf32> to vector<16xf32>
        %add3A_747 = arith.addf %add3A_742, %get3A_746 : vector<16xf32>
        %mul3A_748 = arith.constant 2.500000e-01 : f32
        %mul3A_749 = vector.broadcast %mul3A_748 : f32 to vector<16xf32>
        %mul3A_750 = arith.mulf %add3A_747, %mul3A_749 : vector<16xf32>
        %swap3A_751 = arith.index_cast %scan3A_728 : i32 to index
        %swap3A_752 = arith.constant 0 : index
        %swap3A_753 = tpu.vector_load %arg14[%swap3A_751, %swap3A_752] {strides = array<i32>} : memref<40x256xf32, #tpu.memory_space<vmem>>, vector<1x16xf32>,
        %swap3A_754 = vector.shape_cast %swap3A_753 : vector<1x16xf32> to vector<16xf32>
        %swap3A_755 = vector.shape_cast %mul3A_750 : vector<16xf32> to vector<1x16xf32>
        tpu.vector_store %arg14[%swap3A_751, %swap3A_752], %swap3A_755 {strides = array<i32>} : memref<40x256xf32, #tpu.memory_space<vmem>>, vector<1x16xf32>,
        %get3A_756 = arith.index_cast %scan3A_728 : i32 to index
        %get3A_757 = arith.constant 16 : index
        %get3A_758 = tpu.vector_load %arg14[%get3A_756, %get3A_757] {strides = array<i32>} : memref<40x256xf32, #tpu.memory_space<vmem>>, vector<1x16xf32>,
        %get3A_759 = vector.shape_cast %get3A_758 : vector<1x16xf32> to vector<16xf32>
        %get3A_760 = arith.index_cast %scan3A_728 : i32 to index
        %get3A_761 = arith.constant 16 : index
        %get3A_762 = tpu.vector_load %arg8[%get3A_760, %get3A_761] {strides = array<i32>} : memref<40x256xf32, #tpu.memory_space<vmem>>, vector<1x16xf32>,
        %get3A_763 = vector.shape_cast %get3A_762 : vector<1x16xf32> to vector<16xf32>
        %add3A_764 = arith.addf %get3A_759, %get3A_763 : vector<16xf32>
        %get3A_765 = arith.index_cast %scan3A_728 : i32 to index
        %get3A_766 = arith.constant 16 : index
        %get3A_767 = tpu.vector_load %arg10[%get3A_765, %get3A_766] {strides = array<i32>} : memref<40x256xf32, #tpu.memory_space<vmem>>, vector<1x16xf32>,
        %get3A_768 = vector.shape_cast %get3A_767 : vector<1x16xf32> to vector<16xf32>
        %add3A_769 = arith.addf %add3A_764, %get3A_768 : vector<16xf32>
        %get3A_770 = arith.index_cast %scan3A_728 : i32 to index
        %get3A_771 = arith.constant 16 : index
        %get3A_772 = tpu.vector_load %arg12[%get3A_770, %get3A_771] {strides = array<i32>} : memref<40x256xf32, #tpu.memory_space<vmem>>, vector<1x16xf32>,
        %get3A_773 = vector.shape_cast %get3A_772 : vector<1x16xf32> to vector<16xf32>
        %add3A_774 = arith.addf %add3A_769, %get3A_773 : vector<16xf32>
        %mul3A_775 = arith.constant 2.500000e-01 : f32
        %mul3A_776 = vector.broadcast %mul3A_775 : f32 to vector<16xf32>
        %mul3A_777 = arith.mulf %add3A_774, %mul3A_776 : vector<16xf32>
        %swap3A_778 = arith.index_cast %scan3A_728 : i32 to index
        %swap3A_779 = arith.constant 16 : index
        %swap3A_780 = tpu.vector_load %arg14[%swap3A_778, %swap3A_779] {strides = array<i32>} : memref<40x256xf32, #tpu.memory_space<vmem>>, vector<1x16xf32>,
        %swap3A_781 = vector.shape_cast %swap3A_780 : vector<1x16xf32> to vector<16xf32>
        %swap3A_782 = vector.shape_cast %mul3A_777 : vector<16xf32> to vector<1x16xf32>
        tpu.vector_store %arg14[%swap3A_778, %swap3A_779], %swap3A_782 {strides = array<i32>} : memref<40x256xf32, #tpu.memory_space<vmem>>, vector<1x16xf32>,
        %get3A_783 = arith.index_cast %scan3A_728 : i32 to index
        %get3A_784 = arith.constant 32 : index
        %get3A_785 = tpu.vector_load %arg14[%get3A_783, %get3A_784] {strides = array<i32>} : memref<40x256xf32, #tpu.memory_space<vmem>>, vector<1x16xf32>,
        %get3A_786 = vector.shape_cast %get3A_785 : vector<1x16xf32> to vector<16xf32>
        %get3A_787 = arith.index_cast %scan3A_728 : i32 to index
        %get3A_788 = arith.constant 32 : index
        %get3A_789 = tpu.vector_load %arg8[%get3A_787, %get3A_788] {strides = array<i32>} : memref<40x256xf32, #tpu.memory_space<vmem>>, vector<1x16xf32>,
        %get3A_790 = vector.shape_cast %get3A_789 : vector<1x16xf32> to vector<16xf32>
        %add3A_791 = arith.addf %get3A_786, %get3A_790 : vector<16xf32>
        %get3A_792 = arith.index_cast %scan3A_728 : i32 to index
        %get3A_793 = arith.constant 32 : index
        %get3A_794 = tpu.vector_load %arg10[%get3A_792, %get3A_793] {strides = array<i32>} : memref<40x256xf32, #tpu.memory_space<vmem>>, vector<1x16xf32>,
        %get3A_795 = vector.shape_cast %get3A_794 : vector<1x16xf32> to vector<16xf32>
        %add3A_796 = arith.addf %add3A_791, %get3A_795 : vector<16xf32>
        %get3A_797 = arith.index_cast %scan3A_728 : i32 to index
        %get3A_798 = arith.constant 32 : index
        %get3A_799 = tpu.vector_load %arg12[%get3A_797, %get3A_798] {strides = array<i32>} : memref<40x256xf32, #tpu.memory_space<vmem>>, vector<1x16xf32>,
        %get3A_800 = vector.shape_cast %get3A_799 : vector<1x16xf32> to vector<16xf32>
        %add3A_801 = arith.addf %add3A_796, %get3A_800 : vector<16xf32>
        %mul3A_802 = arith.constant 2.500000e-01 : f32
        %mul3A_803 = vector.broadcast %mul3A_802 : f32 to vector<16xf32>
        %mul3A_804 = arith.mulf %add3A_801, %mul3A_803 : vector<16xf32>
        %swap3A_805 = arith.index_cast %scan3A_728 : i32 to index
        %swap3A_806 = arith.constant 32 : index
        %swap3A_807 = tpu.vector_load %arg14[%swap3A_805, %swap3A_806] {strides = array<i32>} : memref<40x256xf32, #tpu.memory_space<vmem>>, vector<1x16xf32>,
        %swap3A_808 = vector.shape_cast %swap3A_807 : vector<1x16xf32> to vector<16xf32>
        %swap3A_809 = vector.shape_cast %mul3A_804 : vector<16xf32> to vector<1x16xf32>
        tpu.vector_store %arg14[%swap3A_805, %swap3A_806], %swap3A_809 {strides = array<i32>} : memref<40x256xf32, #tpu.memory_space<vmem>>, vector<1x16xf32>,
        %get3A_810 = arith.index_cast %scan3A_728 : i32 to index
        %get3A_811 = arith.constant 48 : index
        %get3A_812 = tpu.vector_load %arg14[%get3A_810, %get3A_811] {strides = array<i32>} : memref<40x256xf32, #tpu.memory_space<vmem>>, vector<1x16xf32>,
        %get3A_813 = vector.shape_cast %get3A_812 : vector<1x16xf32> to vector<16xf32>
        %get3A_814 = arith.index_cast %scan3A_728 : i32 to index
        %get3A_815 = arith.constant 48 : index
        %get3A_816 = tpu.vector_load %arg8[%get3A_814, %get3A_815] {strides = array<i32>} : memref<40x256xf32, #tpu.memory_space<vmem>>, vector<1x16xf32>,
        %get3A_817 = vector.shape_cast %get3A_816 : vector<1x16xf32> to vector<16xf32>
        %add3A_818 = arith.addf %get3A_813, %get3A_817 : vector<16xf32>
        %get3A_819 = arith.index_cast %scan3A_728 : i32 to index
        %get3A_820 = arith.constant 48 : index
        %get3A_821 = tpu.vector_load %arg10[%get3A_819, %get3A_820] {strides = array<i32>} : memref<40x256xf32, #tpu.memory_space<vmem>>, vector<1x16xf32>,
        %get3A_822 = vector.shape_cast %get3A_821 : vector<1x16xf32> to vector<16xf32>
        %add3A_823 = arith.addf %add3A_818, %get3A_822 : vector<16xf32>
        %get3A_824 = arith.index_cast %scan3A_728 : i32 to index
        %get3A_825 = arith.constant 48 : index
        %get3A_826 = tpu.vector_load %arg12[%get3A_824, %get3A_825] {strides = array<i32>} : memref<40x256xf32, #tpu.memory_space<vmem>>, vector<1x16xf32>,
        %get3A_827 = vector.shape_cast %get3A_826 : vector<1x16xf32> to vector<16xf32>
        %add3A_828 = arith.addf %add3A_823, %get3A_827 : vector<16xf32>
        %mul3A_829 = arith.constant 2.500000e-01 : f32
        %mul3A_830 = vector.broadcast %mul3A_829 : f32 to vector<16xf32>
        %mul3A_831 = arith.mulf %add3A_828, %mul3A_830 : vector<16xf32>
        %swap3A_832 = arith.index_cast %scan3A_728 : i32 to index
        %swap3A_833 = arith.constant 48 : index
        %swap3A_834 = tpu.vector_load %arg14[%swap3A_832, %swap3A_833] {strides = array<i32>} : memref<40x256xf32, #tpu.memory_space<vmem>>, vector<1x16xf32>,
        %swap3A_835 = vector.shape_cast %swap3A_834 : vector<1x16xf32> to vector<16xf32>
        %swap3A_836 = vector.shape_cast %mul3A_831 : vector<16xf32> to vector<1x16xf32>
        tpu.vector_store %arg14[%swap3A_832, %swap3A_833], %swap3A_836 {strides = array<i32>} : memref<40x256xf32, #tpu.memory_space<vmem>>, vector<1x16xf32>,
        %get3A_837 = arith.index_cast %scan3A_728 : i32 to index
        %get3A_838 = arith.constant 64 : index
        %get3A_839 = tpu.vector_load %arg14[%get3A_837, %get3A_838] {strides = array<i32>} : memref<40x256xf32, #tpu.memory_space<vmem>>, vector<1x16xf32>,
        %get3A_840 = vector.shape_cast %get3A_839 : vector<1x16xf32> to vector<16xf32>
        %get3A_841 = arith.index_cast %scan3A_728 : i32 to index
        %get3A_842 = arith.constant 64 : index
        %get3A_843 = tpu.vector_load %arg8[%get3A_841, %get3A_842] {strides = array<i32>} : memref<40x256xf32, #tpu.memory_space<vmem>>, vector<1x16xf32>,
        %get3A_844 = vector.shape_cast %get3A_843 : vector<1x16xf32> to vector<16xf32>
        %add3A_845 = arith.addf %get3A_840, %get3A_844 : vector<16xf32>
        %get3A_846 = arith.index_cast %scan3A_728 : i32 to index
        %get3A_847 = arith.constant 64 : index
        %get3A_848 = tpu.vector_load %arg10[%get3A_846, %get3A_847] {strides = array<i32>} : memref<40x256xf32, #tpu.memory_space<vmem>>, vector<1x16xf32>,
        %get3A_849 = vector.shape_cast %get3A_848 : vector<1x16xf32> to vector<16xf32>
        %add3A_850 = arith.addf %add3A_845, %get3A_849 : vector<16xf32>
        %get3A_851 = arith.index_cast %scan3A_728 : i32 to index
        %get3A_852 = arith.constant 64 : index
        %get3A_853 = tpu.vector_load %arg12[%get3A_851, %get3A_852] {strides = array<i32>} : memref<40x256xf32, #tpu.memory_space<vmem>>, vector<1x16xf32>,
        %get3A_854 = vector.shape_cast %get3A_853 : vector<1x16xf32> to vector<16xf32>
        %add3A_855 = arith.addf %add3A_850, %get3A_854 : vector<16xf32>
        %mul3A_856 = arith.constant 2.500000e-01 : f32
        %mul3A_857 = vector.broadcast %mul3A_856 : f32 to vector<16xf32>
        %mul3A_858 = arith.mulf %add3A_855, %mul3A_857 : vector<16xf32>
        %swap3A_859 = arith.index_cast %scan3A_728 : i32 to index
        %swap3A_860 = arith.constant 64 : index
        %swap3A_861 = tpu.vector_load %arg14[%swap3A_859, %swap3A_860] {strides = array<i32>} : memref<40x256xf32, #tpu.memory_space<vmem>>, vector<1x16xf32>,
        %swap3A_862 = vector.shape_cast %swap3A_861 : vector<1x16xf32> to vector<16xf32>
        %swap3A_863 = vector.shape_cast %mul3A_858 : vector<16xf32> to vector<1x16xf32>
        tpu.vector_store %arg14[%swap3A_859, %swap3A_860], %swap3A_863 {strides = array<i32>} : memref<40x256xf32, #tpu.memory_space<vmem>>, vector<1x16xf32>,
        %get3A_864 = arith.index_cast %scan3A_728 : i32 to index
        %get3A_865 = arith.constant 80 : index
        %get3A_866 = tpu.vector_load %arg14[%get3A_864, %get3A_865] {strides = array<i32>} : memref<40x256xf32, #tpu.memory_space<vmem>>, vector<1x16xf32>,
        %get3A_867 = vector.shape_cast %get3A_866 : vector<1x16xf32> to vector<16xf32>
        %get3A_868 = arith.index_cast %scan3A_728 : i32 to index
        %get3A_869 = arith.constant 80 : index
        %get3A_870 = tpu.vector_load %arg8[%get3A_868, %get3A_869] {strides = array<i32>} : memref<40x256xf32, #tpu.memory_space<vmem>>, vector<1x16xf32>,
        %get3A_871 = vector.shape_cast %get3A_870 : vector<1x16xf32> to vector<16xf32>
        %add3A_872 = arith.addf %get3A_867, %get3A_871 : vector<16xf32>
        %get3A_873 = arith.index_cast %scan3A_728 : i32 to index
        %get3A_874 = arith.constant 80 : index
        %get3A_875 = tpu.vector_load %arg10[%get3A_873, %get3A_874] {strides = array<i32>} : memref<40x256xf32, #tpu.memory_space<vmem>>, vector<1x16xf32>,
        %get3A_876 = vector.shape_cast %get3A_875 : vector<1x16xf32> to vector<16xf32>
        %add3A_877 = arith.addf %add3A_872, %get3A_876 : vector<16xf32>
        %get3A_878 = arith.index_cast %scan3A_728 : i32 to index
        %get3A_879 = arith.constant 80 : index
        %get3A_880 = tpu.vector_load %arg12[%get3A_878, %get3A_879] {strides = array<i32>} : memref<40x256xf32, #tpu.memory_space<vmem>>, vector<1x16xf32>,
        %get3A_881 = vector.shape_cast %get3A_880 : vector<1x16xf32> to vector<16xf32>
        %add3A_882 = arith.addf %add3A_877, %get3A_881 : vector<16xf32>
        %mul3A_883 = arith.constant 2.500000e-01 : f32
        %mul3A_884 = vector.broadcast %mul3A_883 : f32 to vector<16xf32>
        %mul3A_885 = arith.mulf %add3A_882, %mul3A_884 : vector<16xf32>
        %swap3A_886 = arith.index_cast %scan3A_728 : i32 to index
        %swap3A_887 = arith.constant 80 : index
        %swap3A_888 = tpu.vector_load %arg14[%swap3A_886, %swap3A_887] {strides = array<i32>} : memref<40x256xf32, #tpu.memory_space<vmem>>, vector<1x16xf32>,
        %swap3A_889 = vector.shape_cast %swap3A_888 : vector<1x16xf32> to vector<16xf32>
        %swap3A_890 = vector.shape_cast %mul3A_885 : vector<16xf32> to vector<1x16xf32>
        tpu.vector_store %arg14[%swap3A_886, %swap3A_887], %swap3A_890 {strides = array<i32>} : memref<40x256xf32, #tpu.memory_space<vmem>>, vector<1x16xf32>,
        %get3A_891 = arith.index_cast %scan3A_728 : i32 to index
        %get3A_892 = arith.constant 96 : index
        %get3A_893 = tpu.vector_load %arg14[%get3A_891, %get3A_892] {strides = array<i32>} : memref<40x256xf32, #tpu.memory_space<vmem>>, vector<1x16xf32>,
        %get3A_894 = vector.shape_cast %get3A_893 : vector<1x16xf32> to vector<16xf32>
        %get3A_895 = arith.index_cast %scan3A_728 : i32 to index
        %get3A_896 = arith.constant 96 : index
        %get3A_897 = tpu.vector_load %arg8[%get3A_895, %get3A_896] {strides = array<i32>} : memref<40x256xf32, #tpu.memory_space<vmem>>, vector<1x16xf32>,
        %get3A_898 = vector.shape_cast %get3A_897 : vector<1x16xf32> to vector<16xf32>
        %add3A_899 = arith.addf %get3A_894, %get3A_898 : vector<16xf32>
        %get3A_900 = arith.index_cast %scan3A_728 : i32 to index
        %get3A_901 = arith.constant 96 : index
        %get3A_902 = tpu.vector_load %arg10[%get3A_900, %get3A_901] {strides = array<i32>} : memref<40x256xf32, #tpu.memory_space<vmem>>, vector<1x16xf32>,
        %get3A_903 = vector.shape_cast %get3A_902 : vector<1x16xf32> to vector<16xf32>
        %add3A_904 = arith.addf %add3A_899, %get3A_903 : vector<16xf32>
        %get3A_905 = arith.index_cast %scan3A_728 : i32 to index
        %get3A_906 = arith.constant 96 : index
        %get3A_907 = tpu.vector_load %arg12[%get3A_905, %get3A_906] {strides = array<i32>} : memref<40x256xf32, #tpu.memory_space<vmem>>, vector<1x16xf32>,
        %get3A_908 = vector.shape_cast %get3A_907 : vector<1x16xf32> to vector<16xf32>
        %add3A_909 = arith.addf %add3A_904, %get3A_908 : vector<16xf32>
        %mul3A_910 = arith.constant 2.500000e-01 : f32
        %mul3A_911 = vector.broadcast %mul3A_910 : f32 to vector<16xf32>
        %mul3A_912 = arith.mulf %add3A_909, %mul3A_911 : vector<16xf32>
        %swap3A_913 = arith.index_cast %scan3A_728 : i32 to index
        %swap3A_914 = arith.constant 96 : index
        %swap3A_915 = tpu.vector_load %arg14[%swap3A_913, %swap3A_914] {strides = array<i32>} : memref<40x256xf32, #tpu.memory_space<vmem>>, vector<1x16xf32>,
        %swap3A_916 = vector.shape_cast %swap3A_915 : vector<1x16xf32> to vector<16xf32>
        %swap3A_917 = vector.shape_cast %mul3A_912 : vector<16xf32> to vector<1x16xf32>
        tpu.vector_store %arg14[%swap3A_913, %swap3A_914], %swap3A_917 {strides = array<i32>} : memref<40x256xf32, #tpu.memory_space<vmem>>, vector<1x16xf32>,
        %get3A_918 = arith.index_cast %scan3A_728 : i32 to index
        %get3A_919 = arith.constant 112 : index
        %get3A_920 = tpu.vector_load %arg14[%get3A_918, %get3A_919] {strides = array<i32>} : memref<40x256xf32, #tpu.memory_space<vmem>>, vector<1x16xf32>,
        %get3A_921 = vector.shape_cast %get3A_920 : vector<1x16xf32> to vector<16xf32>
        %get3A_922 = arith.index_cast %scan3A_728 : i32 to index
        %get3A_923 = arith.constant 112 : index
        %get3A_924 = tpu.vector_load %arg8[%get3A_922, %get3A_923] {strides = array<i32>} : memref<40x256xf32, #tpu.memory_space<vmem>>, vector<1x16xf32>,
        %get3A_925 = vector.shape_cast %get3A_924 : vector<1x16xf32> to vector<16xf32>
        %add3A_926 = arith.addf %get3A_921, %get3A_925 : vector<16xf32>
        %get3A_927 = arith.index_cast %scan3A_728 : i32 to index
        %get3A_928 = arith.constant 112 : index
        %get3A_929 = tpu.vector_load %arg10[%get3A_927, %get3A_928] {strides = array<i32>} : memref<40x256xf32, #tpu.memory_space<vmem>>, vector<1x16xf32>,
        %get3A_930 = vector.shape_cast %get3A_929 : vector<1x16xf32> to vector<16xf32>
        %add3A_931 = arith.addf %add3A_926, %get3A_930 : vector<16xf32>
        %get3A_932 = arith.index_cast %scan3A_728 : i32 to index
        %get3A_933 = arith.constant 112 : index
        %get3A_934 = tpu.vector_load %arg12[%get3A_932, %get3A_933] {strides = array<i32>} : memref<40x256xf32, #tpu.memory_space<vmem>>, vector<1x16xf32>,
        %get3A_935 = vector.shape_cast %get3A_934 : vector<1x16xf32> to vector<16xf32>
        %add3A_936 = arith.addf %add3A_931, %get3A_935 : vector<16xf32>
        %mul3A_937 = arith.constant 2.500000e-01 : f32
        %mul3A_938 = vector.broadcast %mul3A_937 : f32 to vector<16xf32>
        %mul3A_939 = arith.mulf %add3A_936, %mul3A_938 : vector<16xf32>
        %swap3A_940 = arith.index_cast %scan3A_728 : i32 to index
        %swap3A_941 = arith.constant 112 : index
        %swap3A_942 = tpu.vector_load %arg14[%swap3A_940, %swap3A_941] {strides = array<i32>} : memref<40x256xf32, #tpu.memory_space<vmem>>, vector<1x16xf32>,
        %swap3A_943 = vector.shape_cast %swap3A_942 : vector<1x16xf32> to vector<16xf32>
        %swap3A_944 = vector.shape_cast %mul3A_939 : vector<16xf32> to vector<1x16xf32>
        tpu.vector_store %arg14[%swap3A_940, %swap3A_941], %swap3A_944 {strides = array<i32>} : memref<40x256xf32, #tpu.memory_space<vmem>>, vector<1x16xf32>,
        %get3A_945 = arith.index_cast %scan3A_728 : i32 to index
        %get3A_946 = arith.constant 128 : index
        %get3A_947 = tpu.vector_load %arg14[%get3A_945, %get3A_946] {strides = array<i32>} : memref<40x256xf32, #tpu.memory_space<vmem>>, vector<1x16xf32>,
        %get3A_948 = vector.shape_cast %get3A_947 : vector<1x16xf32> to vector<16xf32>
        %get3A_949 = arith.index_cast %scan3A_728 : i32 to index
        %get3A_950 = arith.constant 128 : index
        %get3A_951 = tpu.vector_load %arg8[%get3A_949, %get3A_950] {strides = array<i32>} : memref<40x256xf32, #tpu.memory_space<vmem>>, vector<1x16xf32>,
        %get3A_952 = vector.shape_cast %get3A_951 : vector<1x16xf32> to vector<16xf32>
        %add3A_953 = arith.addf %get3A_948, %get3A_952 : vector<16xf32>
        %get3A_954 = arith.index_cast %scan3A_728 : i32 to index
        %get3A_955 = arith.constant 128 : index
        %get3A_956 = tpu.vector_load %arg10[%get3A_954, %get3A_955] {strides = array<i32>} : memref<40x256xf32, #tpu.memory_space<vmem>>, vector<1x16xf32>,
        %get3A_957 = vector.shape_cast %get3A_956 : vector<1x16xf32> to vector<16xf32>
        %add3A_958 = arith.addf %add3A_953, %get3A_957 : vector<16xf32>
        %get3A_959 = arith.index_cast %scan3A_728 : i32 to index
        %get3A_960 = arith.constant 128 : index
        %get3A_961 = tpu.vector_load %arg12[%get3A_959, %get3A_960] {strides = array<i32>} : memref<40x256xf32, #tpu.memory_space<vmem>>, vector<1x16xf32>,
        %get3A_962 = vector.shape_cast %get3A_961 : vector<1x16xf32> to vector<16xf32>
        %add3A_963 = arith.addf %add3A_958, %get3A_962 : vector<16xf32>
        %mul3A_964 = arith.constant 2.500000e-01 : f32
        %mul3A_965 = vector.broadcast %mul3A_964 : f32 to vector<16xf32>
        %mul3A_966 = arith.mulf %add3A_963, %mul3A_965 : vector<16xf32>
        %swap3A_967 = arith.index_cast %scan3A_728 : i32 to index
        %swap3A_968 = arith.constant 128 : index
        %swap3A_969 = tpu.vector_load %arg14[%swap3A_967, %swap3A_968] {strides = array<i32>} : memref<40x256xf32, #tpu.memory_space<vmem>>, vector<1x16xf32>,
        %swap3A_970 = vector.shape_cast %swap3A_969 : vector<1x16xf32> to vector<16xf32>
        %swap3A_971 = vector.shape_cast %mul3A_966 : vector<16xf32> to vector<1x16xf32>
        tpu.vector_store %arg14[%swap3A_967, %swap3A_968], %swap3A_971 {strides = array<i32>} : memref<40x256xf32, #tpu.memory_space<vmem>>, vector<1x16xf32>,
        %get3A_972 = arith.index_cast %scan3A_728 : i32 to index
        %get3A_973 = arith.constant 144 : index
        %get3A_974 = tpu.vector_load %arg14[%get3A_972, %get3A_973] {strides = array<i32>} : memref<40x256xf32, #tpu.memory_space<vmem>>, vector<1x16xf32>,
        %get3A_975 = vector.shape_cast %get3A_974 : vector<1x16xf32> to vector<16xf32>
        %get3A_976 = arith.index_cast %scan3A_728 : i32 to index
        %get3A_977 = arith.constant 144 : index
        %get3A_978 = tpu.vector_load %arg8[%get3A_976, %get3A_977] {strides = array<i32>} : memref<40x256xf32, #tpu.memory_space<vmem>>, vector<1x16xf32>,
        %get3A_979 = vector.shape_cast %get3A_978 : vector<1x16xf32> to vector<16xf32>
        %add3A_980 = arith.addf %get3A_975, %get3A_979 : vector<16xf32>
        %get3A_981 = arith.index_cast %scan3A_728 : i32 to index
        %get3A_982 = arith.constant 144 : index
        %get3A_983 = tpu.vector_load %arg10[%get3A_981, %get3A_982] {strides = array<i32>} : memref<40x256xf32, #tpu.memory_space<vmem>>, vector<1x16xf32>,
        %get3A_984 = vector.shape_cast %get3A_983 : vector<1x16xf32> to vector<16xf32>
        %add3A_985 = arith.addf %add3A_980, %get3A_984 : vector<16xf32>
        %get3A_986 = arith.index_cast %scan3A_728 : i32 to index
        %get3A_987 = arith.constant 144 : index
        %get3A_988 = tpu.vector_load %arg12[%get3A_986, %get3A_987] {strides = array<i32>} : memref<40x256xf32, #tpu.memory_space<vmem>>, vector<1x16xf32>,
        %get3A_989 = vector.shape_cast %get3A_988 : vector<1x16xf32> to vector<16xf32>
        %add3A_990 = arith.addf %add3A_985, %get3A_989 : vector<16xf32>
        %mul3A_991 = arith.constant 2.500000e-01 : f32
        %mul3A_992 = vector.broadcast %mul3A_991 : f32 to vector<16xf32>
        %mul3A_993 = arith.mulf %add3A_990, %mul3A_992 : vector<16xf32>
        %swap3A_994 = arith.index_cast %scan3A_728 : i32 to index
        %swap3A_995 = arith.constant 144 : index
        %swap3A_996 = tpu.vector_load %arg14[%swap3A_994, %swap3A_995] {strides = array<i32>} : memref<40x256xf32, #tpu.memory_space<vmem>>, vector<1x16xf32>,
        %swap3A_997 = vector.shape_cast %swap3A_996 : vector<1x16xf32> to vector<16xf32>
        %swap3A_998 = vector.shape_cast %mul3A_993 : vector<16xf32> to vector<1x16xf32>
        tpu.vector_store %arg14[%swap3A_994, %swap3A_995], %swap3A_998 {strides = array<i32>} : memref<40x256xf32, #tpu.memory_space<vmem>>, vector<1x16xf32>,
        %get3A_999 = arith.index_cast %scan3A_728 : i32 to index
        %get3A_1000 = arith.constant 160 : index
        %get3A_1001 = tpu.vector_load %arg14[%get3A_999, %get3A_1000] {strides = array<i32>} : memref<40x256xf32, #tpu.memory_space<vmem>>, vector<1x16xf32>,
        %get3A_1002 = vector.shape_cast %get3A_1001 : vector<1x16xf32> to vector<16xf32>
        %get3A_1003 = arith.index_cast %scan3A_728 : i32 to index
        %get3A_1004 = arith.constant 160 : index
        %get3A_1005 = tpu.vector_load %arg8[%get3A_1003, %get3A_1004] {strides = array<i32>} : memref<40x256xf32, #tpu.memory_space<vmem>>, vector<1x16xf32>,
        %get3A_1006 = vector.shape_cast %get3A_1005 : vector<1x16xf32> to vector<16xf32>
        %add3A_1007 = arith.addf %get3A_1002, %get3A_1006 : vector<16xf32>
        %get3A_1008 = arith.index_cast %scan3A_728 : i32 to index
        %get3A_1009 = arith.constant 160 : index
        %get3A_1010 = tpu.vector_load %arg10[%get3A_1008, %get3A_1009] {strides = array<i32>} : memref<40x256xf32, #tpu.memory_space<vmem>>, vector<1x16xf32>,
        %get3A_1011 = vector.shape_cast %get3A_1010 : vector<1x16xf32> to vector<16xf32>
        %add3A_1012 = arith.addf %add3A_1007, %get3A_1011 : vector<16xf32>
        %get3A_1013 = arith.index_cast %scan3A_728 : i32 to index
        %get3A_1014 = arith.constant 160 : index
        %get3A_1015 = tpu.vector_load %arg12[%get3A_1013, %get3A_1014] {strides = array<i32>} : memref<40x256xf32, #tpu.memory_space<vmem>>, vector<1x16xf32>,
        %get3A_1016 = vector.shape_cast %get3A_1015 : vector<1x16xf32> to vector<16xf32>
        %add3A_1017 = arith.addf %add3A_1012, %get3A_1016 : vector<16xf32>
        %mul3A_1018 = arith.constant 2.500000e-01 : f32
        %mul3A_1019 = vector.broadcast %mul3A_1018 : f32 to vector<16xf32>
        %mul3A_1020 = arith.mulf %add3A_1017, %mul3A_1019 : vector<16xf32>
        %swap3A_1021 = arith.index_cast %scan3A_728 : i32 to index
        %swap3A_1022 = arith.constant 160 : index
        %swap3A_1023 = tpu.vector_load %arg14[%swap3A_1021, %swap3A_1022] {strides = array<i32>} : memref<40x256xf32, #tpu.memory_space<vmem>>, vector<1x16xf32>,
        %swap3A_1024 = vector.shape_cast %swap3A_1023 : vector<1x16xf32> to vector<16xf32>
        %swap3A_1025 = vector.shape_cast %mul3A_1020 : vector<16xf32> to vector<1x16xf32>
        tpu.vector_store %arg14[%swap3A_1021, %swap3A_1022], %swap3A_1025 {strides = array<i32>} : memref<40x256xf32, #tpu.memory_space<vmem>>, vector<1x16xf32>,
        %get3A_1026 = arith.index_cast %scan3A_728 : i32 to index
        %get3A_1027 = arith.constant 176 : index
        %get3A_1028 = tpu.vector_load %arg14[%get3A_1026, %get3A_1027] {strides = array<i32>} : memref<40x256xf32, #tpu.memory_space<vmem>>, vector<1x16xf32>,
        %get3A_1029 = vector.shape_cast %get3A_1028 : vector<1x16xf32> to vector<16xf32>
        %get3A_1030 = arith.index_cast %scan3A_728 : i32 to index
        %get3A_1031 = arith.constant 176 : index
        %get3A_1032 = tpu.vector_load %arg8[%get3A_1030, %get3A_1031] {strides = array<i32>} : memref<40x256xf32, #tpu.memory_space<vmem>>, vector<1x16xf32>,
        %get3A_1033 = vector.shape_cast %get3A_1032 : vector<1x16xf32> to vector<16xf32>
        %add3A_1034 = arith.addf %get3A_1029, %get3A_1033 : vector<16xf32>
        %get3A_1035 = arith.index_cast %scan3A_728 : i32 to index
        %get3A_1036 = arith.constant 176 : index
        %get3A_1037 = tpu.vector_load %arg10[%get3A_1035, %get3A_1036] {strides = array<i32>} : memref<40x256xf32, #tpu.memory_space<vmem>>, vector<1x16xf32>,
        %get3A_1038 = vector.shape_cast %get3A_1037 : vector<1x16xf32> to vector<16xf32>
        %add3A_1039 = arith.addf %add3A_1034, %get3A_1038 : vector<16xf32>
        %get3A_1040 = arith.index_cast %scan3A_728 : i32 to index
        %get3A_1041 = arith.constant 176 : index
        %get3A_1042 = tpu.vector_load %arg12[%get3A_1040, %get3A_1041] {strides = array<i32>} : memref<40x256xf32, #tpu.memory_space<vmem>>, vector<1x16xf32>,
        %get3A_1043 = vector.shape_cast %get3A_1042 : vector<1x16xf32> to vector<16xf32>
        %add3A_1044 = arith.addf %add3A_1039, %get3A_1043 : vector<16xf32>
        %mul3A_1045 = arith.constant 2.500000e-01 : f32
        %mul3A_1046 = vector.broadcast %mul3A_1045 : f32 to vector<16xf32>
        %mul3A_1047 = arith.mulf %add3A_1044, %mul3A_1046 : vector<16xf32>
        %swap3A_1048 = arith.index_cast %scan3A_728 : i32 to index
        %swap3A_1049 = arith.constant 176 : index
        %swap3A_1050 = tpu.vector_load %arg14[%swap3A_1048, %swap3A_1049] {strides = array<i32>} : memref<40x256xf32, #tpu.memory_space<vmem>>, vector<1x16xf32>,
        %swap3A_1051 = vector.shape_cast %swap3A_1050 : vector<1x16xf32> to vector<16xf32>
        %swap3A_1052 = vector.shape_cast %mul3A_1047 : vector<16xf32> to vector<1x16xf32>
        tpu.vector_store %arg14[%swap3A_1048, %swap3A_1049], %swap3A_1052 {strides = array<i32>} : memref<40x256xf32, #tpu.memory_space<vmem>>, vector<1x16xf32>,
        %get3A_1053 = arith.index_cast %scan3A_728 : i32 to index
        %get3A_1054 = arith.constant 192 : index
        %get3A_1055 = tpu.vector_load %arg14[%get3A_1053, %get3A_1054] {strides = array<i32>} : memref<40x256xf32, #tpu.memory_space<vmem>>, vector<1x16xf32>,
        %get3A_1056 = vector.shape_cast %get3A_1055 : vector<1x16xf32> to vector<16xf32>
        %get3A_1057 = arith.index_cast %scan3A_728 : i32 to index
        %get3A_1058 = arith.constant 192 : index
        %get3A_1059 = tpu.vector_load %arg8[%get3A_1057, %get3A_1058] {strides = array<i32>} : memref<40x256xf32, #tpu.memory_space<vmem>>, vector<1x16xf32>,
        %get3A_1060 = vector.shape_cast %get3A_1059 : vector<1x16xf32> to vector<16xf32>
        %add3A_1061 = arith.addf %get3A_1056, %get3A_1060 : vector<16xf32>
        %get3A_1062 = arith.index_cast %scan3A_728 : i32 to index
        %get3A_1063 = arith.constant 192 : index
        %get3A_1064 = tpu.vector_load %arg10[%get3A_1062, %get3A_1063] {strides = array<i32>} : memref<40x256xf32, #tpu.memory_space<vmem>>, vector<1x16xf32>,
        %get3A_1065 = vector.shape_cast %get3A_1064 : vector<1x16xf32> to vector<16xf32>
        %add3A_1066 = arith.addf %add3A_1061, %get3A_1065 : vector<16xf32>
        %get3A_1067 = arith.index_cast %scan3A_728 : i32 to index
        %get3A_1068 = arith.constant 192 : index
        %get3A_1069 = tpu.vector_load %arg12[%get3A_1067, %get3A_1068] {strides = array<i32>} : memref<40x256xf32, #tpu.memory_space<vmem>>, vector<1x16xf32>,
        %get3A_1070 = vector.shape_cast %get3A_1069 : vector<1x16xf32> to vector<16xf32>
        %add3A_1071 = arith.addf %add3A_1066, %get3A_1070 : vector<16xf32>
        %mul3A_1072 = arith.constant 2.500000e-01 : f32
        %mul3A_1073 = vector.broadcast %mul3A_1072 : f32 to vector<16xf32>
        %mul3A_1074 = arith.mulf %add3A_1071, %mul3A_1073 : vector<16xf32>
        %swap3A_1075 = arith.index_cast %scan3A_728 : i32 to index
        %swap3A_1076 = arith.constant 192 : index
        %swap3A_1077 = tpu.vector_load %arg14[%swap3A_1075, %swap3A_1076] {strides = array<i32>} : memref<40x256xf32, #tpu.memory_space<vmem>>, vector<1x16xf32>,
        %swap3A_1078 = vector.shape_cast %swap3A_1077 : vector<1x16xf32> to vector<16xf32>
        %swap3A_1079 = vector.shape_cast %mul3A_1074 : vector<16xf32> to vector<1x16xf32>
        tpu.vector_store %arg14[%swap3A_1075, %swap3A_1076], %swap3A_1079 {strides = array<i32>} : memref<40x256xf32, #tpu.memory_space<vmem>>, vector<1x16xf32>,
        %get3A_1080 = arith.index_cast %scan3A_728 : i32 to index
        %get3A_1081 = arith.constant 208 : index
        %get3A_1082 = tpu.vector_load %arg14[%get3A_1080, %get3A_1081] {strides = array<i32>} : memref<40x256xf32, #tpu.memory_space<vmem>>, vector<1x16xf32>,
        %get3A_1083 = vector.shape_cast %get3A_1082 : vector<1x16xf32> to vector<16xf32>
        %get3A_1084 = arith.index_cast %scan3A_728 : i32 to index
        %get3A_1085 = arith.constant 208 : index
        %get3A_1086 = tpu.vector_load %arg8[%get3A_1084, %get3A_1085] {strides = array<i32>} : memref<40x256xf32, #tpu.memory_space<vmem>>, vector<1x16xf32>,
        %get3A_1087 = vector.shape_cast %get3A_1086 : vector<1x16xf32> to vector<16xf32>
        %add3A_1088 = arith.addf %get3A_1083, %get3A_1087 : vector<16xf32>
        %get3A_1089 = arith.index_cast %scan3A_728 : i32 to index
        %get3A_1090 = arith.constant 208 : index
        %get3A_1091 = tpu.vector_load %arg10[%get3A_1089, %get3A_1090] {strides = array<i32>} : memref<40x256xf32, #tpu.memory_space<vmem>>, vector<1x16xf32>,
        %get3A_1092 = vector.shape_cast %get3A_1091 : vector<1x16xf32> to vector<16xf32>
        %add3A_1093 = arith.addf %add3A_1088, %get3A_1092 : vector<16xf32>
        %get3A_1094 = arith.index_cast %scan3A_728 : i32 to index
        %get3A_1095 = arith.constant 208 : index
        %get3A_1096 = tpu.vector_load %arg12[%get3A_1094, %get3A_1095] {strides = array<i32>} : memref<40x256xf32, #tpu.memory_space<vmem>>, vector<1x16xf32>,
        %get3A_1097 = vector.shape_cast %get3A_1096 : vector<1x16xf32> to vector<16xf32>
        %add3A_1098 = arith.addf %add3A_1093, %get3A_1097 : vector<16xf32>
        %mul3A_1099 = arith.constant 2.500000e-01 : f32
        %mul3A_1100 = vector.broadcast %mul3A_1099 : f32 to vector<16xf32>
        %mul3A_1101 = arith.mulf %add3A_1098, %mul3A_1100 : vector<16xf32>
        %swap3A_1102 = arith.index_cast %scan3A_728 : i32 to index
        %swap3A_1103 = arith.constant 208 : index
        %swap3A_1104 = tpu.vector_load %arg14[%swap3A_1102, %swap3A_1103] {strides = array<i32>} : memref<40x256xf32, #tpu.memory_space<vmem>>, vector<1x16xf32>,
        %swap3A_1105 = vector.shape_cast %swap3A_1104 : vector<1x16xf32> to vector<16xf32>
        %swap3A_1106 = vector.shape_cast %mul3A_1101 : vector<16xf32> to vector<1x16xf32>
        tpu.vector_store %arg14[%swap3A_1102, %swap3A_1103], %swap3A_1106 {strides = array<i32>} : memref<40x256xf32, #tpu.memory_space<vmem>>, vector<1x16xf32>,
        %get3A_1107 = arith.index_cast %scan3A_728 : i32 to index
        %get3A_1108 = arith.constant 224 : index
        %get3A_1109 = tpu.vector_load %arg14[%get3A_1107, %get3A_1108] {strides = array<i32>} : memref<40x256xf32, #tpu.memory_space<vmem>>, vector<1x16xf32>,
        %get3A_1110 = vector.shape_cast %get3A_1109 : vector<1x16xf32> to vector<16xf32>
        %get3A_1111 = arith.index_cast %scan3A_728 : i32 to index
        %get3A_1112 = arith.constant 224 : index
        %get3A_1113 = tpu.vector_load %arg8[%get3A_1111, %get3A_1112] {strides = array<i32>} : memref<40x256xf32, #tpu.memory_space<vmem>>, vector<1x16xf32>,
        %get3A_1114 = vector.shape_cast %get3A_1113 : vector<1x16xf32> to vector<16xf32>
        %add3A_1115 = arith.addf %get3A_1110, %get3A_1114 : vector<16xf32>
        %get3A_1116 = arith.index_cast %scan3A_728 : i32 to index
        %get3A_1117 = arith.constant 224 : index
        %get3A_1118 = tpu.vector_load %arg10[%get3A_1116, %get3A_1117] {strides = array<i32>} : memref<40x256xf32, #tpu.memory_space<vmem>>, vector<1x16xf32>,
        %get3A_1119 = vector.shape_cast %get3A_1118 : vector<1x16xf32> to vector<16xf32>
        %add3A_1120 = arith.addf %add3A_1115, %get3A_1119 : vector<16xf32>
        %get3A_1121 = arith.index_cast %scan3A_728 : i32 to index
        %get3A_1122 = arith.constant 224 : index
        %get3A_1123 = tpu.vector_load %arg12[%get3A_1121, %get3A_1122] {strides = array<i32>} : memref<40x256xf32, #tpu.memory_space<vmem>>, vector<1x16xf32>,
        %get3A_1124 = vector.shape_cast %get3A_1123 : vector<1x16xf32> to vector<16xf32>
        %add3A_1125 = arith.addf %add3A_1120, %get3A_1124 : vector<16xf32>
        %mul3A_1126 = arith.constant 2.500000e-01 : f32
        %mul3A_1127 = vector.broadcast %mul3A_1126 : f32 to vector<16xf32>
        %mul3A_1128 = arith.mulf %add3A_1125, %mul3A_1127 : vector<16xf32>
        %swap3A_1129 = arith.index_cast %scan3A_728 : i32 to index
        %swap3A_1130 = arith.constant 224 : index
        %swap3A_1131 = tpu.vector_load %arg14[%swap3A_1129, %swap3A_1130] {strides = array<i32>} : memref<40x256xf32, #tpu.memory_space<vmem>>, vector<1x16xf32>,
        %swap3A_1132 = vector.shape_cast %swap3A_1131 : vector<1x16xf32> to vector<16xf32>
        %swap3A_1133 = vector.shape_cast %mul3A_1128 : vector<16xf32> to vector<1x16xf32>
        tpu.vector_store %arg14[%swap3A_1129, %swap3A_1130], %swap3A_1133 {strides = array<i32>} : memref<40x256xf32, #tpu.memory_space<vmem>>, vector<1x16xf32>,
        %get3A_1134 = arith.index_cast %scan3A_728 : i32 to index
        %get3A_1135 = arith.constant 240 : index
        %get3A_1136 = tpu.vector_load %arg14[%get3A_1134, %get3A_1135] {strides = array<i32>} : memref<40x256xf32, #tpu.memory_space<vmem>>, vector<1x16xf32>,
        %get3A_1137 = vector.shape_cast %get3A_1136 : vector<1x16xf32> to vector<16xf32>
        %get3A_1138 = arith.index_cast %scan3A_728 : i32 to index
        %get3A_1139 = arith.constant 240 : index
        %get3A_1140 = tpu.vector_load %arg8[%get3A_1138, %get3A_1139] {strides = array<i32>} : memref<40x256xf32, #tpu.memory_space<vmem>>, vector<1x16xf32>,
        %get3A_1141 = vector.shape_cast %get3A_1140 : vector<1x16xf32> to vector<16xf32>
        %add3A_1142 = arith.addf %get3A_1137, %get3A_1141 : vector<16xf32>
        %get3A_1143 = arith.index_cast %scan3A_728 : i32 to index
        %get3A_1144 = arith.constant 240 : index
        %get3A_1145 = tpu.vector_load %arg10[%get3A_1143, %get3A_1144] {strides = array<i32>} : memref<40x256xf32, #tpu.memory_space<vmem>>, vector<1x16xf32>,
        %get3A_1146 = vector.shape_cast %get3A_1145 : vector<1x16xf32> to vector<16xf32>
        %add3A_1147 = arith.addf %add3A_1142, %get3A_1146 : vector<16xf32>
        %get3A_1148 = arith.index_cast %scan3A_728 : i32 to index
        %get3A_1149 = arith.constant 240 : index
        %get3A_1150 = tpu.vector_load %arg12[%get3A_1148, %get3A_1149] {strides = array<i32>} : memref<40x256xf32, #tpu.memory_space<vmem>>, vector<1x16xf32>,
        %get3A_1151 = vector.shape_cast %get3A_1150 : vector<1x16xf32> to vector<16xf32>
        %add3A_1152 = arith.addf %add3A_1147, %get3A_1151 : vector<16xf32>
        %mul3A_1153 = arith.constant 2.500000e-01 : f32
        %mul3A_1154 = vector.broadcast %mul3A_1153 : f32 to vector<16xf32>
        %mul3A_1155 = arith.mulf %add3A_1152, %mul3A_1154 : vector<16xf32>
        %swap3A_1156 = arith.index_cast %scan3A_728 : i32 to index
        %swap3A_1157 = arith.constant 240 : index
        %swap3A_1158 = tpu.vector_load %arg14[%swap3A_1156, %swap3A_1157] {strides = array<i32>} : memref<40x256xf32, #tpu.memory_space<vmem>>, vector<1x16xf32>,
        %swap3A_1159 = vector.shape_cast %swap3A_1158 : vector<1x16xf32> to vector<16xf32>
        %swap3A_1160 = vector.shape_cast %mul3A_1155 : vector<16xf32> to vector<1x16xf32>
        tpu.vector_store %arg14[%swap3A_1156, %swap3A_1157], %swap3A_1160 {strides = array<i32>} : memref<40x256xf32, #tpu.memory_space<vmem>>, vector<1x16xf32>,
      }
      %scan3A_227 = arith.constant 40 : i32
      %mul3A_228 = arith.constant 40 : i32
      %mul3A_229 = arith.muli %mul3A_56, %mul3A_228 : i32
      %add3A_230 = arith.addi %mul3A_2, %mul3A_229 : i32
      %dma_start3A_231 = arith.constant 0 : i32
      %dma_start3A_232 = tpu.memref_slice %arg4[%add3A_230, %dma_start3A_231] : memref<100000x256xf32, #tpu.memory_space<hbm>> -> memref<40x256xf32, #tpu.memory_space<hbm>>
      %dma_start3A_233 = arith.constant 0 : i32
      %dma_start3A_234 = tpu.memref_slice %arg4[%add3A_230, %dma_start3A_233] : memref<100000x256xf32, #tpu.memory_space<hbm>> -> memref<40x256xf32, #tpu.memory_space<hbm>>
      tpu.enqueue_dma source(%arg14 : memref<40x256xf32, #tpu.memory_space<vmem>>) target(%dma_start3A_234 : memref<40x256xf32, #tpu.memory_space<hbm>>) target_semaphore(%arg18 : memref<!tpu.dma_semaphore, #tpu.memory_space<semaphore_mem>>)
      %dma_wait3A_235 = arith.constant 0 : i32
      %dma_wait3A_236 = tpu.memref_slice %arg2[%add3A_124, %dma_wait3A_235] : memref<100000x256xf32, #tpu.memory_space<hbm>> -> memref<40x256xf32, #tpu.memory_space<hbm>>
      %dma_wait3A_237 = arith.constant 0 : i32
      %dma_wait3A_238 = tpu.memref_slice %arg2[%add3A_124, %dma_wait3A_237] : memref<100000x256xf32, #tpu.memory_space<hbm>> -> memref<40x256xf32, #tpu.memory_space<hbm>>
      tpu.wait_dma2 semaphore(%arg17 : memref<!tpu.dma_semaphore, #tpu.memory_space<semaphore_mem>>) src(%dma_wait3A_238 : memref<40x256xf32, #tpu.memory_space<hbm>>) dst(%arg15 : memref<40x256xf32, #tpu.memory_space<vmem>>)
      %dma_wait3A_239 = arith.constant 0 : i32
      %dma_wait3A_240 = arith.constant 0 : i32
      %dma_wait3A_241 = tpu.memref_slice %arg9[%dma_wait3A_239, %dma_wait3A_240] : memref<40x256xf32, #tpu.memory_space<vmem>> -> memref<24x256xf32, #tpu.memory_space<vmem>>
      %dma_wait3A_242 = tpu.memref_slice %arg5[%mul3A_123] : memref<3200xi32, #tpu.memory_space<vmem>> -> memref<24xi32, #tpu.memory_space<vmem>>
      %dma_wait3A_243 = arith.constant 0 : i32
      %dma_wait3A_244 = arith.constant 0 : i32
      %dma_wait3A_245 = tpu.memref_slice %arg2[%dma_wait3A_243, %dma_wait3A_244] : memref<100000x256xf32, #tpu.memory_space<hbm>> -> memref<100000x256xf32, #tpu.memory_space<hbm>>
      tpu.wait_indirect_dma semaphore(%arg17 : memref<!tpu.dma_semaphore, #tpu.memory_space<semaphore_mem>>) src(%dma_wait3A_245 : memref<100000x256xf32, #tpu.memory_space<hbm>>) dst(%dma_wait3A_241 : memref<24x256xf32, #tpu.memory_space<vmem>>)
      %dma_wait3A_246 = arith.constant 24 : i32
      %dma_wait3A_247 = arith.constant 0 : i32
      %dma_wait3A_248 = tpu.memref_slice %arg9[%dma_wait3A_246, %dma_wait3A_247] : memref<40x256xf32, #tpu.memory_space<vmem>> -> memref<16x256xf32, #tpu.memory_space<vmem>>
      %dma_wait3A_249 = tpu.memref_slice %arg5[%add3A_137] : memref<3200xi32, #tpu.memory_space<vmem>> -> memref<16xi32, #tpu.memory_space<vmem>>
      %dma_wait3A_250 = arith.constant 0 : i32
      %dma_wait3A_251 = arith.constant 0 : i32
      %dma_wait3A_252 = tpu.memref_slice %arg2[%dma_wait3A_250, %dma_wait3A_251] : memref<100000x256xf32, #tpu.memory_space<hbm>> -> memref<100000x256xf32, #tpu.memory_space<hbm>>
      tpu.wait_indirect_dma semaphore(%arg17 : memref<!tpu.dma_semaphore, #tpu.memory_space<semaphore_mem>>) src(%dma_wait3A_252 : memref<100000x256xf32, #tpu.memory_space<hbm>>) dst(%dma_wait3A_248 : memref<16x256xf32, #tpu.memory_space<vmem>>)
      %dma_wait3A_253 = arith.constant 0 : i32
      %dma_wait3A_254 = arith.constant 0 : i32
      %dma_wait3A_255 = tpu.memref_slice %arg11[%dma_wait3A_253, %dma_wait3A_254] : memref<40x256xf32, #tpu.memory_space<vmem>> -> memref<24x256xf32, #tpu.memory_space<vmem>>
      %dma_wait3A_256 = tpu.memref_slice %arg6[%mul3A_123] : memref<3200xi32, #tpu.memory_space<vmem>> -> memref<24xi32, #tpu.memory_space<vmem>>
      %dma_wait3A_257 = arith.constant 0 : i32
      %dma_wait3A_258 = arith.constant 0 : i32
      %dma_wait3A_259 = tpu.memref_slice %arg2[%dma_wait3A_257, %dma_wait3A_258] : memref<100000x256xf32, #tpu.memory_space<hbm>> -> memref<100000x256xf32, #tpu.memory_space<hbm>>
      tpu.wait_indirect_dma semaphore(%arg17 : memref<!tpu.dma_semaphore, #tpu.memory_space<semaphore_mem>>) src(%dma_wait3A_259 : memref<100000x256xf32, #tpu.memory_space<hbm>>) dst(%dma_wait3A_255 : memref<24x256xf32, #tpu.memory_space<vmem>>)
      %dma_wait3A_260 = arith.constant 24 : i32
      %dma_wait3A_261 = arith.constant 0 : i32
      %dma_wait3A_262 = tpu.memref_slice %arg11[%dma_wait3A_260, %dma_wait3A_261] : memref<40x256xf32, #tpu.memory_space<vmem>> -> memref<16x256xf32, #tpu.memory_space<vmem>>
      %dma_wait3A_263 = tpu.memref_slice %arg6[%add3A_153] : memref<3200xi32, #tpu.memory_space<vmem>> -> memref<16xi32, #tpu.memory_space<vmem>>
      %dma_wait3A_264 = arith.constant 0 : i32
      %dma_wait3A_265 = arith.constant 0 : i32
      %dma_wait3A_266 = tpu.memref_slice %arg2[%dma_wait3A_264, %dma_wait3A_265] : memref<100000x256xf32, #tpu.memory_space<hbm>> -> memref<100000x256xf32, #tpu.memory_space<hbm>>
      tpu.wait_indirect_dma semaphore(%arg17 : memref<!tpu.dma_semaphore, #tpu.memory_space<semaphore_mem>>) src(%dma_wait3A_266 : memref<100000x256xf32, #tpu.memory_space<hbm>>) dst(%dma_wait3A_262 : memref<16x256xf32, #tpu.memory_space<vmem>>)
      %dma_wait3A_267 = arith.constant 0 : i32
      %dma_wait3A_268 = arith.constant 0 : i32
      %dma_wait3A_269 = tpu.memref_slice %arg13[%dma_wait3A_267, %dma_wait3A_268] : memref<40x256xf32, #tpu.memory_space<vmem>> -> memref<24x256xf32, #tpu.memory_space<vmem>>
      %dma_wait3A_270 = tpu.memref_slice %arg7[%mul3A_123] : memref<3200xi32, #tpu.memory_space<vmem>> -> memref<24xi32, #tpu.memory_space<vmem>>
      %dma_wait3A_271 = arith.constant 0 : i32
      %dma_wait3A_272 = arith.constant 0 : i32
      %dma_wait3A_273 = tpu.memref_slice %arg2[%dma_wait3A_271, %dma_wait3A_272] : memref<100000x256xf32, #tpu.memory_space<hbm>> -> memref<100000x256xf32, #tpu.memory_space<hbm>>
      tpu.wait_indirect_dma semaphore(%arg17 : memref<!tpu.dma_semaphore, #tpu.memory_space<semaphore_mem>>) src(%dma_wait3A_273 : memref<100000x256xf32, #tpu.memory_space<hbm>>) dst(%dma_wait3A_269 : memref<24x256xf32, #tpu.memory_space<vmem>>)
      %dma_wait3A_274 = arith.constant 24 : i32
      %dma_wait3A_275 = arith.constant 0 : i32
      %dma_wait3A_276 = tpu.memref_slice %arg13[%dma_wait3A_274, %dma_wait3A_275] : memref<40x256xf32, #tpu.memory_space<vmem>> -> memref<16x256xf32, #tpu.memory_space<vmem>>
      %dma_wait3A_277 = tpu.memref_slice %arg7[%add3A_169] : memref<3200xi32, #tpu.memory_space<vmem>> -> memref<16xi32, #tpu.memory_space<vmem>>
      %dma_wait3A_278 = arith.constant 0 : i32
      %dma_wait3A_279 = arith.constant 0 : i32
      %dma_wait3A_280 = tpu.memref_slice %arg2[%dma_wait3A_278, %dma_wait3A_279] : memref<100000x256xf32, #tpu.memory_space<hbm>> -> memref<100000x256xf32, #tpu.memory_space<hbm>>
      tpu.wait_indirect_dma semaphore(%arg17 : memref<!tpu.dma_semaphore, #tpu.memory_space<semaphore_mem>>) src(%dma_wait3A_280 : memref<100000x256xf32, #tpu.memory_space<hbm>>) dst(%dma_wait3A_276 : memref<16x256xf32, #tpu.memory_space<vmem>>)
      %add3A_281 = arith.constant 1 : i32
      %add3A_282 = arith.addi %mul3A_56, %add3A_281 : i32
      %scan3A_283 = arith.constant 0 : i32
      %scan3A_284 = arith.constant 0 : i32
      %scan3A_285 = arith.constant 40 : i32
      %scan3A_286 = arith.addi %scan3A_284, %scan3A_285 : i32
      %scan3A_287 = arith.constant 2 : i32
      scf.for %scan3A_296 = %scan3A_284 to %scan3A_286 step %scan3A_287  : i32 {
        %get3A = arith.index_cast %scan3A_296 : i32 to index
        %get3A_297 = arith.constant 0 : index
        %get3A_298 = tpu.vector_load %arg15[%get3A, %get3A_297] {strides = array<i32>} : memref<40x256xf32, #tpu.memory_space<vmem>>, vector<1x16xf32>,
        %get3A_299 = vector.shape_cast %get3A_298 : vector<1x16xf32> to vector<16xf32>
        %get3A_300 = arith.index_cast %scan3A_296 : i32 to index
        %get3A_301 = arith.constant 0 : index
        %get3A_302 = tpu.vector_load %arg9[%get3A_300, %get3A_301] {strides = array<i32>} : memref<40x256xf32, #tpu.memory_space<vmem>>, vector<1x16xf32>,
        %get3A_303 = vector.shape_cast %get3A_302 : vector<1x16xf32> to vector<16xf32>
        %add3A_304 = arith.addf %get3A_299, %get3A_303 : vector<16xf32>
        %get3A_305 = arith.index_cast %scan3A_296 : i32 to index
        %get3A_306 = arith.constant 0 : index
        %get3A_307 = tpu.vector_load %arg11[%get3A_305, %get3A_306] {strides = array<i32>} : memref<40x256xf32, #tpu.memory_space<vmem>>, vector<1x16xf32>,
        %get3A_308 = vector.shape_cast %get3A_307 : vector<1x16xf32> to vector<16xf32>
        %add3A_309 = arith.addf %add3A_304, %get3A_308 : vector<16xf32>
        %get3A_310 = arith.index_cast %scan3A_296 : i32 to index
        %get3A_311 = arith.constant 0 : index
        %get3A_312 = tpu.vector_load %arg13[%get3A_310, %get3A_311] {strides = array<i32>} : memref<40x256xf32, #tpu.memory_space<vmem>>, vector<1x16xf32>,
        %get3A_313 = vector.shape_cast %get3A_312 : vector<1x16xf32> to vector<16xf32>
        %add3A_314 = arith.addf %add3A_309, %get3A_313 : vector<16xf32>
        %mul3A_315 = arith.constant 2.500000e-01 : f32
        %mul3A_316 = vector.broadcast %mul3A_315 : f32 to vector<16xf32>
        %mul3A_317 = arith.mulf %add3A_314, %mul3A_316 : vector<16xf32>
        %swap3A = arith.index_cast %scan3A_296 : i32 to index
        %swap3A_318 = arith.constant 0 : index
        %swap3A_319 = tpu.vector_load %arg15[%swap3A, %swap3A_318] {strides = array<i32>} : memref<40x256xf32, #tpu.memory_space<vmem>>, vector<1x16xf32>,
        %swap3A_320 = vector.shape_cast %swap3A_319 : vector<1x16xf32> to vector<16xf32>
        %swap3A_321 = vector.shape_cast %mul3A_317 : vector<16xf32> to vector<1x16xf32>
        tpu.vector_store %arg15[%swap3A, %swap3A_318], %swap3A_321 {strides = array<i32>} : memref<40x256xf32, #tpu.memory_space<vmem>>, vector<1x16xf32>,
        %get3A_322 = arith.index_cast %scan3A_296 : i32 to index
        %get3A_323 = arith.constant 16 : index
        %get3A_324 = tpu.vector_load %arg15[%get3A_322, %get3A_323] {strides = array<i32>} : memref<40x256xf32, #tpu.memory_space<vmem>>, vector<1x16xf32>,
        %get3A_325 = vector.shape_cast %get3A_324 : vector<1x16xf32> to vector<16xf32>
        %get3A_326 = arith.index_cast %scan3A_296 : i32 to index
        %get3A_327 = arith.constant 16 : index
        %get3A_328 = tpu.vector_load %arg9[%get3A_326, %get3A_327] {strides = array<i32>} : memref<40x256xf32, #tpu.memory_space<vmem>>, vector<1x16xf32>,
        %get3A_329 = vector.shape_cast %get3A_328 : vector<1x16xf32> to vector<16xf32>
        %add3A_330 = arith.addf %get3A_325, %get3A_329 : vector<16xf32>
        %get3A_331 = arith.index_cast %scan3A_296 : i32 to index
        %get3A_332 = arith.constant 16 : index
        %get3A_333 = tpu.vector_load %arg11[%get3A_331, %get3A_332] {strides = array<i32>} : memref<40x256xf32, #tpu.memory_space<vmem>>, vector<1x16xf32>,
        %get3A_334 = vector.shape_cast %get3A_333 : vector<1x16xf32> to vector<16xf32>
        %add3A_335 = arith.addf %add3A_330, %get3A_334 : vector<16xf32>
        %get3A_336 = arith.index_cast %scan3A_296 : i32 to index
        %get3A_337 = arith.constant 16 : index
        %get3A_338 = tpu.vector_load %arg13[%get3A_336, %get3A_337] {strides = array<i32>} : memref<40x256xf32, #tpu.memory_space<vmem>>, vector<1x16xf32>,
        %get3A_339 = vector.shape_cast %get3A_338 : vector<1x16xf32> to vector<16xf32>
        %add3A_340 = arith.addf %add3A_335, %get3A_339 : vector<16xf32>
        %mul3A_341 = arith.constant 2.500000e-01 : f32
        %mul3A_342 = vector.broadcast %mul3A_341 : f32 to vector<16xf32>
        %mul3A_343 = arith.mulf %add3A_340, %mul3A_342 : vector<16xf32>
        %swap3A_344 = arith.index_cast %scan3A_296 : i32 to index
        %swap3A_345 = arith.constant 16 : index
        %swap3A_346 = tpu.vector_load %arg15[%swap3A_344, %swap3A_345] {strides = array<i32>} : memref<40x256xf32, #tpu.memory_space<vmem>>, vector<1x16xf32>,
        %swap3A_347 = vector.shape_cast %swap3A_346 : vector<1x16xf32> to vector<16xf32>
        %swap3A_348 = vector.shape_cast %mul3A_343 : vector<16xf32> to vector<1x16xf32>
        tpu.vector_store %arg15[%swap3A_344, %swap3A_345], %swap3A_348 {strides = array<i32>} : memref<40x256xf32, #tpu.memory_space<vmem>>, vector<1x16xf32>,
        %get3A_349 = arith.index_cast %scan3A_296 : i32 to index
        %get3A_350 = arith.constant 32 : index
        %get3A_351 = tpu.vector_load %arg15[%get3A_349, %get3A_350] {strides = array<i32>} : memref<40x256xf32, #tpu.memory_space<vmem>>, vector<1x16xf32>,
        %get3A_352 = vector.shape_cast %get3A_351 : vector<1x16xf32> to vector<16xf32>
        %get3A_353 = arith.index_cast %scan3A_296 : i32 to index
        %get3A_354 = arith.constant 32 : index
        %get3A_355 = tpu.vector_load %arg9[%get3A_353, %get3A_354] {strides = array<i32>} : memref<40x256xf32, #tpu.memory_space<vmem>>, vector<1x16xf32>,
        %get3A_356 = vector.shape_cast %get3A_355 : vector<1x16xf32> to vector<16xf32>
        %add3A_357 = arith.addf %get3A_352, %get3A_356 : vector<16xf32>
        %get3A_358 = arith.index_cast %scan3A_296 : i32 to index
        %get3A_359 = arith.constant 32 : index
        %get3A_360 = tpu.vector_load %arg11[%get3A_358, %get3A_359] {strides = array<i32>} : memref<40x256xf32, #tpu.memory_space<vmem>>, vector<1x16xf32>,
        %get3A_361 = vector.shape_cast %get3A_360 : vector<1x16xf32> to vector<16xf32>
        %add3A_362 = arith.addf %add3A_357, %get3A_361 : vector<16xf32>
        %get3A_363 = arith.index_cast %scan3A_296 : i32 to index
        %get3A_364 = arith.constant 32 : index
        %get3A_365 = tpu.vector_load %arg13[%get3A_363, %get3A_364] {strides = array<i32>} : memref<40x256xf32, #tpu.memory_space<vmem>>, vector<1x16xf32>,
        %get3A_366 = vector.shape_cast %get3A_365 : vector<1x16xf32> to vector<16xf32>
        %add3A_367 = arith.addf %add3A_362, %get3A_366 : vector<16xf32>
        %mul3A_368 = arith.constant 2.500000e-01 : f32
        %mul3A_369 = vector.broadcast %mul3A_368 : f32 to vector<16xf32>
        %mul3A_370 = arith.mulf %add3A_367, %mul3A_369 : vector<16xf32>
        %swap3A_371 = arith.index_cast %scan3A_296 : i32 to index
        %swap3A_372 = arith.constant 32 : index
        %swap3A_373 = tpu.vector_load %arg15[%swap3A_371, %swap3A_372] {strides = array<i32>} : memref<40x256xf32, #tpu.memory_space<vmem>>, vector<1x16xf32>,
        %swap3A_374 = vector.shape_cast %swap3A_373 : vector<1x16xf32> to vector<16xf32>
        %swap3A_375 = vector.shape_cast %mul3A_370 : vector<16xf32> to vector<1x16xf32>
        tpu.vector_store %arg15[%swap3A_371, %swap3A_372], %swap3A_375 {strides = array<i32>} : memref<40x256xf32, #tpu.memory_space<vmem>>, vector<1x16xf32>,
        %get3A_376 = arith.index_cast %scan3A_296 : i32 to index
        %get3A_377 = arith.constant 48 : index
        %get3A_378 = tpu.vector_load %arg15[%get3A_376, %get3A_377] {strides = array<i32>} : memref<40x256xf32, #tpu.memory_space<vmem>>, vector<1x16xf32>,
        %get3A_379 = vector.shape_cast %get3A_378 : vector<1x16xf32> to vector<16xf32>
        %get3A_380 = arith.index_cast %scan3A_296 : i32 to index
        %get3A_381 = arith.constant 48 : index
        %get3A_382 = tpu.vector_load %arg9[%get3A_380, %get3A_381] {strides = array<i32>} : memref<40x256xf32, #tpu.memory_space<vmem>>, vector<1x16xf32>,
        %get3A_383 = vector.shape_cast %get3A_382 : vector<1x16xf32> to vector<16xf32>
        %add3A_384 = arith.addf %get3A_379, %get3A_383 : vector<16xf32>
        %get3A_385 = arith.index_cast %scan3A_296 : i32 to index
        %get3A_386 = arith.constant 48 : index
        %get3A_387 = tpu.vector_load %arg11[%get3A_385, %get3A_386] {strides = array<i32>} : memref<40x256xf32, #tpu.memory_space<vmem>>, vector<1x16xf32>,
        %get3A_388 = vector.shape_cast %get3A_387 : vector<1x16xf32> to vector<16xf32>
        %add3A_389 = arith.addf %add3A_384, %get3A_388 : vector<16xf32>
        %get3A_390 = arith.index_cast %scan3A_296 : i32 to index
        %get3A_391 = arith.constant 48 : index
        %get3A_392 = tpu.vector_load %arg13[%get3A_390, %get3A_391] {strides = array<i32>} : memref<40x256xf32, #tpu.memory_space<vmem>>, vector<1x16xf32>,
        %get3A_393 = vector.shape_cast %get3A_392 : vector<1x16xf32> to vector<16xf32>
        %add3A_394 = arith.addf %add3A_389, %get3A_393 : vector<16xf32>
        %mul3A_395 = arith.constant 2.500000e-01 : f32
        %mul3A_396 = vector.broadcast %mul3A_395 : f32 to vector<16xf32>
        %mul3A_397 = arith.mulf %add3A_394, %mul3A_396 : vector<16xf32>
        %swap3A_398 = arith.index_cast %scan3A_296 : i32 to index
        %swap3A_399 = arith.constant 48 : index
        %swap3A_400 = tpu.vector_load %arg15[%swap3A_398, %swap3A_399] {strides = array<i32>} : memref<40x256xf32, #tpu.memory_space<vmem>>, vector<1x16xf32>,
        %swap3A_401 = vector.shape_cast %swap3A_400 : vector<1x16xf32> to vector<16xf32>
        %swap3A_402 = vector.shape_cast %mul3A_397 : vector<16xf32> to vector<1x16xf32>
        tpu.vector_store %arg15[%swap3A_398, %swap3A_399], %swap3A_402 {strides = array<i32>} : memref<40x256xf32, #tpu.memory_space<vmem>>, vector<1x16xf32>,
        %get3A_403 = arith.index_cast %scan3A_296 : i32 to index
        %get3A_404 = arith.constant 64 : index
        %get3A_405 = tpu.vector_load %arg15[%get3A_403, %get3A_404] {strides = array<i32>} : memref<40x256xf32, #tpu.memory_space<vmem>>, vector<1x16xf32>,
        %get3A_406 = vector.shape_cast %get3A_405 : vector<1x16xf32> to vector<16xf32>
        %get3A_407 = arith.index_cast %scan3A_296 : i32 to index
        %get3A_408 = arith.constant 64 : index
        %get3A_409 = tpu.vector_load %arg9[%get3A_407, %get3A_408] {strides = array<i32>} : memref<40x256xf32, #tpu.memory_space<vmem>>, vector<1x16xf32>,
        %get3A_410 = vector.shape_cast %get3A_409 : vector<1x16xf32> to vector<16xf32>
        %add3A_411 = arith.addf %get3A_406, %get3A_410 : vector<16xf32>
        %get3A_412 = arith.index_cast %scan3A_296 : i32 to index
        %get3A_413 = arith.constant 64 : index
        %get3A_414 = tpu.vector_load %arg11[%get3A_412, %get3A_413] {strides = array<i32>} : memref<40x256xf32, #tpu.memory_space<vmem>>, vector<1x16xf32>,
        %get3A_415 = vector.shape_cast %get3A_414 : vector<1x16xf32> to vector<16xf32>
        %add3A_416 = arith.addf %add3A_411, %get3A_415 : vector<16xf32>
        %get3A_417 = arith.index_cast %scan3A_296 : i32 to index
        %get3A_418 = arith.constant 64 : index
        %get3A_419 = tpu.vector_load %arg13[%get3A_417, %get3A_418] {strides = array<i32>} : memref<40x256xf32, #tpu.memory_space<vmem>>, vector<1x16xf32>,
        %get3A_420 = vector.shape_cast %get3A_419 : vector<1x16xf32> to vector<16xf32>
        %add3A_421 = arith.addf %add3A_416, %get3A_420 : vector<16xf32>
        %mul3A_422 = arith.constant 2.500000e-01 : f32
        %mul3A_423 = vector.broadcast %mul3A_422 : f32 to vector<16xf32>
        %mul3A_424 = arith.mulf %add3A_421, %mul3A_423 : vector<16xf32>
        %swap3A_425 = arith.index_cast %scan3A_296 : i32 to index
        %swap3A_426 = arith.constant 64 : index
        %swap3A_427 = tpu.vector_load %arg15[%swap3A_425, %swap3A_426] {strides = array<i32>} : memref<40x256xf32, #tpu.memory_space<vmem>>, vector<1x16xf32>,
        %swap3A_428 = vector.shape_cast %swap3A_427 : vector<1x16xf32> to vector<16xf32>
        %swap3A_429 = vector.shape_cast %mul3A_424 : vector<16xf32> to vector<1x16xf32>
        tpu.vector_store %arg15[%swap3A_425, %swap3A_426], %swap3A_429 {strides = array<i32>} : memref<40x256xf32, #tpu.memory_space<vmem>>, vector<1x16xf32>,
        %get3A_430 = arith.index_cast %scan3A_296 : i32 to index
        %get3A_431 = arith.constant 80 : index
        %get3A_432 = tpu.vector_load %arg15[%get3A_430, %get3A_431] {strides = array<i32>} : memref<40x256xf32, #tpu.memory_space<vmem>>, vector<1x16xf32>,
        %get3A_433 = vector.shape_cast %get3A_432 : vector<1x16xf32> to vector<16xf32>
        %get3A_434 = arith.index_cast %scan3A_296 : i32 to index
        %get3A_435 = arith.constant 80 : index
        %get3A_436 = tpu.vector_load %arg9[%get3A_434, %get3A_435] {strides = array<i32>} : memref<40x256xf32, #tpu.memory_space<vmem>>, vector<1x16xf32>,
        %get3A_437 = vector.shape_cast %get3A_436 : vector<1x16xf32> to vector<16xf32>
        %add3A_438 = arith.addf %get3A_433, %get3A_437 : vector<16xf32>
        %get3A_439 = arith.index_cast %scan3A_296 : i32 to index
        %get3A_440 = arith.constant 80 : index
        %get3A_441 = tpu.vector_load %arg11[%get3A_439, %get3A_440] {strides = array<i32>} : memref<40x256xf32, #tpu.memory_space<vmem>>, vector<1x16xf32>,
        %get3A_442 = vector.shape_cast %get3A_441 : vector<1x16xf32> to vector<16xf32>
        %add3A_443 = arith.addf %add3A_438, %get3A_442 : vector<16xf32>
        %get3A_444 = arith.index_cast %scan3A_296 : i32 to index
        %get3A_445 = arith.constant 80 : index
        %get3A_446 = tpu.vector_load %arg13[%get3A_444, %get3A_445] {strides = array<i32>} : memref<40x256xf32, #tpu.memory_space<vmem>>, vector<1x16xf32>,
        %get3A_447 = vector.shape_cast %get3A_446 : vector<1x16xf32> to vector<16xf32>
        %add3A_448 = arith.addf %add3A_443, %get3A_447 : vector<16xf32>
        %mul3A_449 = arith.constant 2.500000e-01 : f32
        %mul3A_450 = vector.broadcast %mul3A_449 : f32 to vector<16xf32>
        %mul3A_451 = arith.mulf %add3A_448, %mul3A_450 : vector<16xf32>
        %swap3A_452 = arith.index_cast %scan3A_296 : i32 to index
        %swap3A_453 = arith.constant 80 : index
        %swap3A_454 = tpu.vector_load %arg15[%swap3A_452, %swap3A_453] {strides = array<i32>} : memref<40x256xf32, #tpu.memory_space<vmem>>, vector<1x16xf32>,
        %swap3A_455 = vector.shape_cast %swap3A_454 : vector<1x16xf32> to vector<16xf32>
        %swap3A_456 = vector.shape_cast %mul3A_451 : vector<16xf32> to vector<1x16xf32>
        tpu.vector_store %arg15[%swap3A_452, %swap3A_453], %swap3A_456 {strides = array<i32>} : memref<40x256xf32, #tpu.memory_space<vmem>>, vector<1x16xf32>,
        %get3A_457 = arith.index_cast %scan3A_296 : i32 to index
        %get3A_458 = arith.constant 96 : index
        %get3A_459 = tpu.vector_load %arg15[%get3A_457, %get3A_458] {strides = array<i32>} : memref<40x256xf32, #tpu.memory_space<vmem>>, vector<1x16xf32>,
        %get3A_460 = vector.shape_cast %get3A_459 : vector<1x16xf32> to vector<16xf32>
        %get3A_461 = arith.index_cast %scan3A_296 : i32 to index
        %get3A_462 = arith.constant 96 : index
        %get3A_463 = tpu.vector_load %arg9[%get3A_461, %get3A_462] {strides = array<i32>} : memref<40x256xf32, #tpu.memory_space<vmem>>, vector<1x16xf32>,
        %get3A_464 = vector.shape_cast %get3A_463 : vector<1x16xf32> to vector<16xf32>
        %add3A_465 = arith.addf %get3A_460, %get3A_464 : vector<16xf32>
        %get3A_466 = arith.index_cast %scan3A_296 : i32 to index
        %get3A_467 = arith.constant 96 : index
        %get3A_468 = tpu.vector_load %arg11[%get3A_466, %get3A_467] {strides = array<i32>} : memref<40x256xf32, #tpu.memory_space<vmem>>, vector<1x16xf32>,
        %get3A_469 = vector.shape_cast %get3A_468 : vector<1x16xf32> to vector<16xf32>
        %add3A_470 = arith.addf %add3A_465, %get3A_469 : vector<16xf32>
        %get3A_471 = arith.index_cast %scan3A_296 : i32 to index
        %get3A_472 = arith.constant 96 : index
        %get3A_473 = tpu.vector_load %arg13[%get3A_471, %get3A_472] {strides = array<i32>} : memref<40x256xf32, #tpu.memory_space<vmem>>, vector<1x16xf32>,
        %get3A_474 = vector.shape_cast %get3A_473 : vector<1x16xf32> to vector<16xf32>
        %add3A_475 = arith.addf %add3A_470, %get3A_474 : vector<16xf32>
        %mul3A_476 = arith.constant 2.500000e-01 : f32
        %mul3A_477 = vector.broadcast %mul3A_476 : f32 to vector<16xf32>
        %mul3A_478 = arith.mulf %add3A_475, %mul3A_477 : vector<16xf32>
        %swap3A_479 = arith.index_cast %scan3A_296 : i32 to index
        %swap3A_480 = arith.constant 96 : index
        %swap3A_481 = tpu.vector_load %arg15[%swap3A_479, %swap3A_480] {strides = array<i32>} : memref<40x256xf32, #tpu.memory_space<vmem>>, vector<1x16xf32>,
        %swap3A_482 = vector.shape_cast %swap3A_481 : vector<1x16xf32> to vector<16xf32>
        %swap3A_483 = vector.shape_cast %mul3A_478 : vector<16xf32> to vector<1x16xf32>
        tpu.vector_store %arg15[%swap3A_479, %swap3A_480], %swap3A_483 {strides = array<i32>} : memref<40x256xf32, #tpu.memory_space<vmem>>, vector<1x16xf32>,
        %get3A_484 = arith.index_cast %scan3A_296 : i32 to index
        %get3A_485 = arith.constant 112 : index
        %get3A_486 = tpu.vector_load %arg15[%get3A_484, %get3A_485] {strides = array<i32>} : memref<40x256xf32, #tpu.memory_space<vmem>>, vector<1x16xf32>,
        %get3A_487 = vector.shape_cast %get3A_486 : vector<1x16xf32> to vector<16xf32>
        %get3A_488 = arith.index_cast %scan3A_296 : i32 to index
        %get3A_489 = arith.constant 112 : index
        %get3A_490 = tpu.vector_load %arg9[%get3A_488, %get3A_489] {strides = array<i32>} : memref<40x256xf32, #tpu.memory_space<vmem>>, vector<1x16xf32>,
        %get3A_491 = vector.shape_cast %get3A_490 : vector<1x16xf32> to vector<16xf32>
        %add3A_492 = arith.addf %get3A_487, %get3A_491 : vector<16xf32>
        %get3A_493 = arith.index_cast %scan3A_296 : i32 to index
        %get3A_494 = arith.constant 112 : index
        %get3A_495 = tpu.vector_load %arg11[%get3A_493, %get3A_494] {strides = array<i32>} : memref<40x256xf32, #tpu.memory_space<vmem>>, vector<1x16xf32>,
        %get3A_496 = vector.shape_cast %get3A_495 : vector<1x16xf32> to vector<16xf32>
        %add3A_497 = arith.addf %add3A_492, %get3A_496 : vector<16xf32>
        %get3A_498 = arith.index_cast %scan3A_296 : i32 to index
        %get3A_499 = arith.constant 112 : index
        %get3A_500 = tpu.vector_load %arg13[%get3A_498, %get3A_499] {strides = array<i32>} : memref<40x256xf32, #tpu.memory_space<vmem>>, vector<1x16xf32>,
        %get3A_501 = vector.shape_cast %get3A_500 : vector<1x16xf32> to vector<16xf32>
        %add3A_502 = arith.addf %add3A_497, %get3A_501 : vector<16xf32>
        %mul3A_503 = arith.constant 2.500000e-01 : f32
        %mul3A_504 = vector.broadcast %mul3A_503 : f32 to vector<16xf32>
        %mul3A_505 = arith.mulf %add3A_502, %mul3A_504 : vector<16xf32>
        %swap3A_506 = arith.index_cast %scan3A_296 : i32 to index
        %swap3A_507 = arith.constant 112 : index
        %swap3A_508 = tpu.vector_load %arg15[%swap3A_506, %swap3A_507] {strides = array<i32>} : memref<40x256xf32, #tpu.memory_space<vmem>>, vector<1x16xf32>,
        %swap3A_509 = vector.shape_cast %swap3A_508 : vector<1x16xf32> to vector<16xf32>
        %swap3A_510 = vector.shape_cast %mul3A_505 : vector<16xf32> to vector<1x16xf32>
        tpu.vector_store %arg15[%swap3A_506, %swap3A_507], %swap3A_510 {strides = array<i32>} : memref<40x256xf32, #tpu.memory_space<vmem>>, vector<1x16xf32>,
        %get3A_511 = arith.index_cast %scan3A_296 : i32 to index
        %get3A_512 = arith.constant 128 : index
        %get3A_513 = tpu.vector_load %arg15[%get3A_511, %get3A_512] {strides = array<i32>} : memref<40x256xf32, #tpu.memory_space<vmem>>, vector<1x16xf32>,
        %get3A_514 = vector.shape_cast %get3A_513 : vector<1x16xf32> to vector<16xf32>
        %get3A_515 = arith.index_cast %scan3A_296 : i32 to index
        %get3A_516 = arith.constant 128 : index
        %get3A_517 = tpu.vector_load %arg9[%get3A_515, %get3A_516] {strides = array<i32>} : memref<40x256xf32, #tpu.memory_space<vmem>>, vector<1x16xf32>,
        %get3A_518 = vector.shape_cast %get3A_517 : vector<1x16xf32> to vector<16xf32>
        %add3A_519 = arith.addf %get3A_514, %get3A_518 : vector<16xf32>
        %get3A_520 = arith.index_cast %scan3A_296 : i32 to index
        %get3A_521 = arith.constant 128 : index
        %get3A_522 = tpu.vector_load %arg11[%get3A_520, %get3A_521] {strides = array<i32>} : memref<40x256xf32, #tpu.memory_space<vmem>>, vector<1x16xf32>,
        %get3A_523 = vector.shape_cast %get3A_522 : vector<1x16xf32> to vector<16xf32>
        %add3A_524 = arith.addf %add3A_519, %get3A_523 : vector<16xf32>
        %get3A_525 = arith.index_cast %scan3A_296 : i32 to index
        %get3A_526 = arith.constant 128 : index
        %get3A_527 = tpu.vector_load %arg13[%get3A_525, %get3A_526] {strides = array<i32>} : memref<40x256xf32, #tpu.memory_space<vmem>>, vector<1x16xf32>,
        %get3A_528 = vector.shape_cast %get3A_527 : vector<1x16xf32> to vector<16xf32>
        %add3A_529 = arith.addf %add3A_524, %get3A_528 : vector<16xf32>
        %mul3A_530 = arith.constant 2.500000e-01 : f32
        %mul3A_531 = vector.broadcast %mul3A_530 : f32 to vector<16xf32>
        %mul3A_532 = arith.mulf %add3A_529, %mul3A_531 : vector<16xf32>
        %swap3A_533 = arith.index_cast %scan3A_296 : i32 to index
        %swap3A_534 = arith.constant 128 : index
        %swap3A_535 = tpu.vector_load %arg15[%swap3A_533, %swap3A_534] {strides = array<i32>} : memref<40x256xf32, #tpu.memory_space<vmem>>, vector<1x16xf32>,
        %swap3A_536 = vector.shape_cast %swap3A_535 : vector<1x16xf32> to vector<16xf32>
        %swap3A_537 = vector.shape_cast %mul3A_532 : vector<16xf32> to vector<1x16xf32>
        tpu.vector_store %arg15[%swap3A_533, %swap3A_534], %swap3A_537 {strides = array<i32>} : memref<40x256xf32, #tpu.memory_space<vmem>>, vector<1x16xf32>,
        %get3A_538 = arith.index_cast %scan3A_296 : i32 to index
        %get3A_539 = arith.constant 144 : index
        %get3A_540 = tpu.vector_load %arg15[%get3A_538, %get3A_539] {strides = array<i32>} : memref<40x256xf32, #tpu.memory_space<vmem>>, vector<1x16xf32>,
        %get3A_541 = vector.shape_cast %get3A_540 : vector<1x16xf32> to vector<16xf32>
        %get3A_542 = arith.index_cast %scan3A_296 : i32 to index
        %get3A_543 = arith.constant 144 : index
        %get3A_544 = tpu.vector_load %arg9[%get3A_542, %get3A_543] {strides = array<i32>} : memref<40x256xf32, #tpu.memory_space<vmem>>, vector<1x16xf32>,
        %get3A_545 = vector.shape_cast %get3A_544 : vector<1x16xf32> to vector<16xf32>
        %add3A_546 = arith.addf %get3A_541, %get3A_545 : vector<16xf32>
        %get3A_547 = arith.index_cast %scan3A_296 : i32 to index
        %get3A_548 = arith.constant 144 : index
        %get3A_549 = tpu.vector_load %arg11[%get3A_547, %get3A_548] {strides = array<i32>} : memref<40x256xf32, #tpu.memory_space<vmem>>, vector<1x16xf32>,
        %get3A_550 = vector.shape_cast %get3A_549 : vector<1x16xf32> to vector<16xf32>
        %add3A_551 = arith.addf %add3A_546, %get3A_550 : vector<16xf32>
        %get3A_552 = arith.index_cast %scan3A_296 : i32 to index
        %get3A_553 = arith.constant 144 : index
        %get3A_554 = tpu.vector_load %arg13[%get3A_552, %get3A_553] {strides = array<i32>} : memref<40x256xf32, #tpu.memory_space<vmem>>, vector<1x16xf32>,
        %get3A_555 = vector.shape_cast %get3A_554 : vector<1x16xf32> to vector<16xf32>
        %add3A_556 = arith.addf %add3A_551, %get3A_555 : vector<16xf32>
        %mul3A_557 = arith.constant 2.500000e-01 : f32
        %mul3A_558 = vector.broadcast %mul3A_557 : f32 to vector<16xf32>
        %mul3A_559 = arith.mulf %add3A_556, %mul3A_558 : vector<16xf32>
        %swap3A_560 = arith.index_cast %scan3A_296 : i32 to index
        %swap3A_561 = arith.constant 144 : index
        %swap3A_562 = tpu.vector_load %arg15[%swap3A_560, %swap3A_561] {strides = array<i32>} : memref<40x256xf32, #tpu.memory_space<vmem>>, vector<1x16xf32>,
        %swap3A_563 = vector.shape_cast %swap3A_562 : vector<1x16xf32> to vector<16xf32>
        %swap3A_564 = vector.shape_cast %mul3A_559 : vector<16xf32> to vector<1x16xf32>
        tpu.vector_store %arg15[%swap3A_560, %swap3A_561], %swap3A_564 {strides = array<i32>} : memref<40x256xf32, #tpu.memory_space<vmem>>, vector<1x16xf32>,
        %get3A_565 = arith.index_cast %scan3A_296 : i32 to index
        %get3A_566 = arith.constant 160 : index
        %get3A_567 = tpu.vector_load %arg15[%get3A_565, %get3A_566] {strides = array<i32>} : memref<40x256xf32, #tpu.memory_space<vmem>>, vector<1x16xf32>,
        %get3A_568 = vector.shape_cast %get3A_567 : vector<1x16xf32> to vector<16xf32>
        %get3A_569 = arith.index_cast %scan3A_296 : i32 to index
        %get3A_570 = arith.constant 160 : index
        %get3A_571 = tpu.vector_load %arg9[%get3A_569, %get3A_570] {strides = array<i32>} : memref<40x256xf32, #tpu.memory_space<vmem>>, vector<1x16xf32>,
        %get3A_572 = vector.shape_cast %get3A_571 : vector<1x16xf32> to vector<16xf32>
        %add3A_573 = arith.addf %get3A_568, %get3A_572 : vector<16xf32>
        %get3A_574 = arith.index_cast %scan3A_296 : i32 to index
        %get3A_575 = arith.constant 160 : index
        %get3A_576 = tpu.vector_load %arg11[%get3A_574, %get3A_575] {strides = array<i32>} : memref<40x256xf32, #tpu.memory_space<vmem>>, vector<1x16xf32>,
        %get3A_577 = vector.shape_cast %get3A_576 : vector<1x16xf32> to vector<16xf32>
        %add3A_578 = arith.addf %add3A_573, %get3A_577 : vector<16xf32>
        %get3A_579 = arith.index_cast %scan3A_296 : i32 to index
        %get3A_580 = arith.constant 160 : index
        %get3A_581 = tpu.vector_load %arg13[%get3A_579, %get3A_580] {strides = array<i32>} : memref<40x256xf32, #tpu.memory_space<vmem>>, vector<1x16xf32>,
        %get3A_582 = vector.shape_cast %get3A_581 : vector<1x16xf32> to vector<16xf32>
        %add3A_583 = arith.addf %add3A_578, %get3A_582 : vector<16xf32>
        %mul3A_584 = arith.constant 2.500000e-01 : f32
        %mul3A_585 = vector.broadcast %mul3A_584 : f32 to vector<16xf32>
        %mul3A_586 = arith.mulf %add3A_583, %mul3A_585 : vector<16xf32>
        %swap3A_587 = arith.index_cast %scan3A_296 : i32 to index
        %swap3A_588 = arith.constant 160 : index
        %swap3A_589 = tpu.vector_load %arg15[%swap3A_587, %swap3A_588] {strides = array<i32>} : memref<40x256xf32, #tpu.memory_space<vmem>>, vector<1x16xf32>,
        %swap3A_590 = vector.shape_cast %swap3A_589 : vector<1x16xf32> to vector<16xf32>
        %swap3A_591 = vector.shape_cast %mul3A_586 : vector<16xf32> to vector<1x16xf32>
        tpu.vector_store %arg15[%swap3A_587, %swap3A_588], %swap3A_591 {strides = array<i32>} : memref<40x256xf32, #tpu.memory_space<vmem>>, vector<1x16xf32>,
        %get3A_592 = arith.index_cast %scan3A_296 : i32 to index
        %get3A_593 = arith.constant 176 : index
        %get3A_594 = tpu.vector_load %arg15[%get3A_592, %get3A_593] {strides = array<i32>} : memref<40x256xf32, #tpu.memory_space<vmem>>, vector<1x16xf32>,
        %get3A_595 = vector.shape_cast %get3A_594 : vector<1x16xf32> to vector<16xf32>
        %get3A_596 = arith.index_cast %scan3A_296 : i32 to index
        %get3A_597 = arith.constant 176 : index
        %get3A_598 = tpu.vector_load %arg9[%get3A_596, %get3A_597] {strides = array<i32>} : memref<40x256xf32, #tpu.memory_space<vmem>>, vector<1x16xf32>,
        %get3A_599 = vector.shape_cast %get3A_598 : vector<1x16xf32> to vector<16xf32>
        %add3A_600 = arith.addf %get3A_595, %get3A_599 : vector<16xf32>
        %get3A_601 = arith.index_cast %scan3A_296 : i32 to index
        %get3A_602 = arith.constant 176 : index
        %get3A_603 = tpu.vector_load %arg11[%get3A_601, %get3A_602] {strides = array<i32>} : memref<40x256xf32, #tpu.memory_space<vmem>>, vector<1x16xf32>,
        %get3A_604 = vector.shape_cast %get3A_603 : vector<1x16xf32> to vector<16xf32>
        %add3A_605 = arith.addf %add3A_600, %get3A_604 : vector<16xf32>
        %get3A_606 = arith.index_cast %scan3A_296 : i32 to index
        %get3A_607 = arith.constant 176 : index
        %get3A_608 = tpu.vector_load %arg13[%get3A_606, %get3A_607] {strides = array<i32>} : memref<40x256xf32, #tpu.memory_space<vmem>>, vector<1x16xf32>,
        %get3A_609 = vector.shape_cast %get3A_608 : vector<1x16xf32> to vector<16xf32>
        %add3A_610 = arith.addf %add3A_605, %get3A_609 : vector<16xf32>
        %mul3A_611 = arith.constant 2.500000e-01 : f32
        %mul3A_612 = vector.broadcast %mul3A_611 : f32 to vector<16xf32>
        %mul3A_613 = arith.mulf %add3A_610, %mul3A_612 : vector<16xf32>
        %swap3A_614 = arith.index_cast %scan3A_296 : i32 to index
        %swap3A_615 = arith.constant 176 : index
        %swap3A_616 = tpu.vector_load %arg15[%swap3A_614, %swap3A_615] {strides = array<i32>} : memref<40x256xf32, #tpu.memory_space<vmem>>, vector<1x16xf32>,
        %swap3A_617 = vector.shape_cast %swap3A_616 : vector<1x16xf32> to vector<16xf32>
        %swap3A_618 = vector.shape_cast %mul3A_613 : vector<16xf32> to vector<1x16xf32>
        tpu.vector_store %arg15[%swap3A_614, %swap3A_615], %swap3A_618 {strides = array<i32>} : memref<40x256xf32, #tpu.memory_space<vmem>>, vector<1x16xf32>,
        %get3A_619 = arith.index_cast %scan3A_296 : i32 to index
        %get3A_620 = arith.constant 192 : index
        %get3A_621 = tpu.vector_load %arg15[%get3A_619, %get3A_620] {strides = array<i32>} : memref<40x256xf32, #tpu.memory_space<vmem>>, vector<1x16xf32>,
        %get3A_622 = vector.shape_cast %get3A_621 : vector<1x16xf32> to vector<16xf32>
        %get3A_623 = arith.index_cast %scan3A_296 : i32 to index
        %get3A_624 = arith.constant 192 : index
        %get3A_625 = tpu.vector_load %arg9[%get3A_623, %get3A_624] {strides = array<i32>} : memref<40x256xf32, #tpu.memory_space<vmem>>, vector<1x16xf32>,
        %get3A_626 = vector.shape_cast %get3A_625 : vector<1x16xf32> to vector<16xf32>
        %add3A_627 = arith.addf %get3A_622, %get3A_626 : vector<16xf32>
        %get3A_628 = arith.index_cast %scan3A_296 : i32 to index
        %get3A_629 = arith.constant 192 : index
        %get3A_630 = tpu.vector_load %arg11[%get3A_628, %get3A_629] {strides = array<i32>} : memref<40x256xf32, #tpu.memory_space<vmem>>, vector<1x16xf32>,
        %get3A_631 = vector.shape_cast %get3A_630 : vector<1x16xf32> to vector<16xf32>
        %add3A_632 = arith.addf %add3A_627, %get3A_631 : vector<16xf32>
        %get3A_633 = arith.index_cast %scan3A_296 : i32 to index
        %get3A_634 = arith.constant 192 : index
        %get3A_635 = tpu.vector_load %arg13[%get3A_633, %get3A_634] {strides = array<i32>} : memref<40x256xf32, #tpu.memory_space<vmem>>, vector<1x16xf32>,
        %get3A_636 = vector.shape_cast %get3A_635 : vector<1x16xf32> to vector<16xf32>
        %add3A_637 = arith.addf %add3A_632, %get3A_636 : vector<16xf32>
        %mul3A_638 = arith.constant 2.500000e-01 : f32
        %mul3A_639 = vector.broadcast %mul3A_638 : f32 to vector<16xf32>
        %mul3A_640 = arith.mulf %add3A_637, %mul3A_639 : vector<16xf32>
        %swap3A_641 = arith.index_cast %scan3A_296 : i32 to index
        %swap3A_642 = arith.constant 192 : index
        %swap3A_643 = tpu.vector_load %arg15[%swap3A_641, %swap3A_642] {strides = array<i32>} : memref<40x256xf32, #tpu.memory_space<vmem>>, vector<1x16xf32>,
        %swap3A_644 = vector.shape_cast %swap3A_643 : vector<1x16xf32> to vector<16xf32>
        %swap3A_645 = vector.shape_cast %mul3A_640 : vector<16xf32> to vector<1x16xf32>
        tpu.vector_store %arg15[%swap3A_641, %swap3A_642], %swap3A_645 {strides = array<i32>} : memref<40x256xf32, #tpu.memory_space<vmem>>, vector<1x16xf32>,
        %get3A_646 = arith.index_cast %scan3A_296 : i32 to index
        %get3A_647 = arith.constant 208 : index
        %get3A_648 = tpu.vector_load %arg15[%get3A_646, %get3A_647] {strides = array<i32>} : memref<40x256xf32, #tpu.memory_space<vmem>>, vector<1x16xf32>,
        %get3A_649 = vector.shape_cast %get3A_648 : vector<1x16xf32> to vector<16xf32>
        %get3A_650 = arith.index_cast %scan3A_296 : i32 to index
        %get3A_651 = arith.constant 208 : index
        %get3A_652 = tpu.vector_load %arg9[%get3A_650, %get3A_651] {strides = array<i32>} : memref<40x256xf32, #tpu.memory_space<vmem>>, vector<1x16xf32>,
        %get3A_653 = vector.shape_cast %get3A_652 : vector<1x16xf32> to vector<16xf32>
        %add3A_654 = arith.addf %get3A_649, %get3A_653 : vector<16xf32>
        %get3A_655 = arith.index_cast %scan3A_296 : i32 to index
        %get3A_656 = arith.constant 208 : index
        %get3A_657 = tpu.vector_load %arg11[%get3A_655, %get3A_656] {strides = array<i32>} : memref<40x256xf32, #tpu.memory_space<vmem>>, vector<1x16xf32>,
        %get3A_658 = vector.shape_cast %get3A_657 : vector<1x16xf32> to vector<16xf32>
        %add3A_659 = arith.addf %add3A_654, %get3A_658 : vector<16xf32>
        %get3A_660 = arith.index_cast %scan3A_296 : i32 to index
        %get3A_661 = arith.constant 208 : index
        %get3A_662 = tpu.vector_load %arg13[%get3A_660, %get3A_661] {strides = array<i32>} : memref<40x256xf32, #tpu.memory_space<vmem>>, vector<1x16xf32>,
        %get3A_663 = vector.shape_cast %get3A_662 : vector<1x16xf32> to vector<16xf32>
        %add3A_664 = arith.addf %add3A_659, %get3A_663 : vector<16xf32>
        %mul3A_665 = arith.constant 2.500000e-01 : f32
        %mul3A_666 = vector.broadcast %mul3A_665 : f32 to vector<16xf32>
        %mul3A_667 = arith.mulf %add3A_664, %mul3A_666 : vector<16xf32>
        %swap3A_668 = arith.index_cast %scan3A_296 : i32 to index
        %swap3A_669 = arith.constant 208 : index
        %swap3A_670 = tpu.vector_load %arg15[%swap3A_668, %swap3A_669] {strides = array<i32>} : memref<40x256xf32, #tpu.memory_space<vmem>>, vector<1x16xf32>,
        %swap3A_671 = vector.shape_cast %swap3A_670 : vector<1x16xf32> to vector<16xf32>
        %swap3A_672 = vector.shape_cast %mul3A_667 : vector<16xf32> to vector<1x16xf32>
        tpu.vector_store %arg15[%swap3A_668, %swap3A_669], %swap3A_672 {strides = array<i32>} : memref<40x256xf32, #tpu.memory_space<vmem>>, vector<1x16xf32>,
        %get3A_673 = arith.index_cast %scan3A_296 : i32 to index
        %get3A_674 = arith.constant 224 : index
        %get3A_675 = tpu.vector_load %arg15[%get3A_673, %get3A_674] {strides = array<i32>} : memref<40x256xf32, #tpu.memory_space<vmem>>, vector<1x16xf32>,
        %get3A_676 = vector.shape_cast %get3A_675 : vector<1x16xf32> to vector<16xf32>
        %get3A_677 = arith.index_cast %scan3A_296 : i32 to index
        %get3A_678 = arith.constant 224 : index
        %get3A_679 = tpu.vector_load %arg9[%get3A_677, %get3A_678] {strides = array<i32>} : memref<40x256xf32, #tpu.memory_space<vmem>>, vector<1x16xf32>,
        %get3A_680 = vector.shape_cast %get3A_679 : vector<1x16xf32> to vector<16xf32>
        %add3A_681 = arith.addf %get3A_676, %get3A_680 : vector<16xf32>
        %get3A_682 = arith.index_cast %scan3A_296 : i32 to index
        %get3A_683 = arith.constant 224 : index
        %get3A_684 = tpu.vector_load %arg11[%get3A_682, %get3A_683] {strides = array<i32>} : memref<40x256xf32, #tpu.memory_space<vmem>>, vector<1x16xf32>,
        %get3A_685 = vector.shape_cast %get3A_684 : vector<1x16xf32> to vector<16xf32>
        %add3A_686 = arith.addf %add3A_681, %get3A_685 : vector<16xf32>
        %get3A_687 = arith.index_cast %scan3A_296 : i32 to index
        %get3A_688 = arith.constant 224 : index
        %get3A_689 = tpu.vector_load %arg13[%get3A_687, %get3A_688] {strides = array<i32>} : memref<40x256xf32, #tpu.memory_space<vmem>>, vector<1x16xf32>,
        %get3A_690 = vector.shape_cast %get3A_689 : vector<1x16xf32> to vector<16xf32>
        %add3A_691 = arith.addf %add3A_686, %get3A_690 : vector<16xf32>
        %mul3A_692 = arith.constant 2.500000e-01 : f32
        %mul3A_693 = vector.broadcast %mul3A_692 : f32 to vector<16xf32>
        %mul3A_694 = arith.mulf %add3A_691, %mul3A_693 : vector<16xf32>
        %swap3A_695 = arith.index_cast %scan3A_296 : i32 to index
        %swap3A_696 = arith.constant 224 : index
        %swap3A_697 = tpu.vector_load %arg15[%swap3A_695, %swap3A_696] {strides = array<i32>} : memref<40x256xf32, #tpu.memory_space<vmem>>, vector<1x16xf32>,
        %swap3A_698 = vector.shape_cast %swap3A_697 : vector<1x16xf32> to vector<16xf32>
        %swap3A_699 = vector.shape_cast %mul3A_694 : vector<16xf32> to vector<1x16xf32>
        tpu.vector_store %arg15[%swap3A_695, %swap3A_696], %swap3A_699 {strides = array<i32>} : memref<40x256xf32, #tpu.memory_space<vmem>>, vector<1x16xf32>,
        %get3A_700 = arith.index_cast %scan3A_296 : i32 to index
        %get3A_701 = arith.constant 240 : index
        %get3A_702 = tpu.vector_load %arg15[%get3A_700, %get3A_701] {strides = array<i32>} : memref<40x256xf32, #tpu.memory_space<vmem>>, vector<1x16xf32>,
        %get3A_703 = vector.shape_cast %get3A_702 : vector<1x16xf32> to vector<16xf32>
        %get3A_704 = arith.index_cast %scan3A_296 : i32 to index
        %get3A_705 = arith.constant 240 : index
        %get3A_706 = tpu.vector_load %arg9[%get3A_704, %get3A_705] {strides = array<i32>} : memref<40x256xf32, #tpu.memory_space<vmem>>, vector<1x16xf32>,
        %get3A_707 = vector.shape_cast %get3A_706 : vector<1x16xf32> to vector<16xf32>
        %add3A_708 = arith.addf %get3A_703, %get3A_707 : vector<16xf32>
        %get3A_709 = arith.index_cast %scan3A_296 : i32 to index
        %get3A_710 = arith.constant 240 : index
        %get3A_711 = tpu.vector_load %arg11[%get3A_709, %get3A_710] {strides = array<i32>} : memref<40x256xf32, #tpu.memory_space<vmem>>, vector<1x16xf32>,
        %get3A_712 = vector.shape_cast %get3A_711 : vector<1x16xf32> to vector<16xf32>
        %add3A_713 = arith.addf %add3A_708, %get3A_712 : vector<16xf32>
        %get3A_714 = arith.index_cast %scan3A_296 : i32 to index
        %get3A_715 = arith.constant 240 : index
        %get3A_716 = tpu.vector_load %arg13[%get3A_714, %get3A_715] {strides = array<i32>} : memref<40x256xf32, #tpu.memory_space<vmem>>, vector<1x16xf32>,
        %get3A_717 = vector.shape_cast %get3A_716 : vector<1x16xf32> to vector<16xf32>
        %add3A_718 = arith.addf %add3A_713, %get3A_717 : vector<16xf32>
        %mul3A_719 = arith.constant 2.500000e-01 : f32
        %mul3A_720 = vector.broadcast %mul3A_719 : f32 to vector<16xf32>
        %mul3A_721 = arith.mulf %add3A_718, %mul3A_720 : vector<16xf32>
        %swap3A_722 = arith.index_cast %scan3A_296 : i32 to index
        %swap3A_723 = arith.constant 240 : index
        %swap3A_724 = tpu.vector_load %arg15[%swap3A_722, %swap3A_723] {strides = array<i32>} : memref<40x256xf32, #tpu.memory_space<vmem>>, vector<1x16xf32>,
        %swap3A_725 = vector.shape_cast %swap3A_724 : vector<1x16xf32> to vector<16xf32>
        %swap3A_726 = vector.shape_cast %mul3A_721 : vector<16xf32> to vector<1x16xf32>
        tpu.vector_store %arg15[%swap3A_722, %swap3A_723], %swap3A_726 {strides = array<i32>} : memref<40x256xf32, #tpu.memory_space<vmem>>, vector<1x16xf32>,
        %scan3A_727 = arith.constant 1 : i32
        %scan3A_728 = arith.addi %scan3A_296, %scan3A_727 : i32
        %get3A_729 = arith.index_cast %scan3A_728 : i32 to index
        %get3A_730 = arith.constant 0 : index
        %get3A_731 = tpu.vector_load %arg15[%get3A_729, %get3A_730] {strides = array<i32>} : memref<40x256xf32, #tpu.memory_space<vmem>>, vector<1x16xf32>,
        %get3A_732 = vector.shape_cast %get3A_731 : vector<1x16xf32> to vector<16xf32>
        %get3A_733 = arith.index_cast %scan3A_728 : i32 to index
        %get3A_734 = arith.constant 0 : index
        %get3A_735 = tpu.vector_load %arg9[%get3A_733, %get3A_734] {strides = array<i32>} : memref<40x256xf32, #tpu.memory_space<vmem>>, vector<1x16xf32>,
        %get3A_736 = vector.shape_cast %get3A_735 : vector<1x16xf32> to vector<16xf32>
        %add3A_737 = arith.addf %get3A_732, %get3A_736 : vector<16xf32>
        %get3A_738 = arith.index_cast %scan3A_728 : i32 to index
        %get3A_739 = arith.constant 0 : index
        %get3A_740 = tpu.vector_load %arg11[%get3A_738, %get3A_739] {strides = array<i32>} : memref<40x256xf32, #tpu.memory_space<vmem>>, vector<1x16xf32>,
        %get3A_741 = vector.shape_cast %get3A_740 : vector<1x16xf32> to vector<16xf32>
        %add3A_742 = arith.addf %add3A_737, %get3A_741 : vector<16xf32>
        %get3A_743 = arith.index_cast %scan3A_728 : i32 to index
        %get3A_744 = arith.constant 0 : index
        %get3A_745 = tpu.vector_load %arg13[%get3A_743, %get3A_744] {strides = array<i32>} : memref<40x256xf32, #tpu.memory_space<vmem>>, vector<1x16xf32>,
        %get3A_746 = vector.shape_cast %get3A_745 : vector<1x16xf32> to vector<16xf32>
        %add3A_747 = arith.addf %add3A_742, %get3A_746 : vector<16xf32>
        %mul3A_748 = arith.constant 2.500000e-01 : f32
        %mul3A_749 = vector.broadcast %mul3A_748 : f32 to vector<16xf32>
        %mul3A_750 = arith.mulf %add3A_747, %mul3A_749 : vector<16xf32>
        %swap3A_751 = arith.index_cast %scan3A_728 : i32 to index
        %swap3A_752 = arith.constant 0 : index
        %swap3A_753 = tpu.vector_load %arg15[%swap3A_751, %swap3A_752] {strides = array<i32>} : memref<40x256xf32, #tpu.memory_space<vmem>>, vector<1x16xf32>,
        %swap3A_754 = vector.shape_cast %swap3A_753 : vector<1x16xf32> to vector<16xf32>
        %swap3A_755 = vector.shape_cast %mul3A_750 : vector<16xf32> to vector<1x16xf32>
        tpu.vector_store %arg15[%swap3A_751, %swap3A_752], %swap3A_755 {strides = array<i32>} : memref<40x256xf32, #tpu.memory_space<vmem>>, vector<1x16xf32>,
        %get3A_756 = arith.index_cast %scan3A_728 : i32 to index
        %get3A_757 = arith.constant 16 : index
        %get3A_758 = tpu.vector_load %arg15[%get3A_756, %get3A_757] {strides = array<i32>} : memref<40x256xf32, #tpu.memory_space<vmem>>, vector<1x16xf32>,
        %get3A_759 = vector.shape_cast %get3A_758 : vector<1x16xf32> to vector<16xf32>
        %get3A_760 = arith.index_cast %scan3A_728 : i32 to index
        %get3A_761 = arith.constant 16 : index
        %get3A_762 = tpu.vector_load %arg9[%get3A_760, %get3A_761] {strides = array<i32>} : memref<40x256xf32, #tpu.memory_space<vmem>>, vector<1x16xf32>,
        %get3A_763 = vector.shape_cast %get3A_762 : vector<1x16xf32> to vector<16xf32>
        %add3A_764 = arith.addf %get3A_759, %get3A_763 : vector<16xf32>
        %get3A_765 = arith.index_cast %scan3A_728 : i32 to index
        %get3A_766 = arith.constant 16 : index
        %get3A_767 = tpu.vector_load %arg11[%get3A_765, %get3A_766] {strides = array<i32>} : memref<40x256xf32, #tpu.memory_space<vmem>>, vector<1x16xf32>,
        %get3A_768 = vector.shape_cast %get3A_767 : vector<1x16xf32> to vector<16xf32>
        %add3A_769 = arith.addf %add3A_764, %get3A_768 : vector<16xf32>
        %get3A_770 = arith.index_cast %scan3A_728 : i32 to index
        %get3A_771 = arith.constant 16 : index
        %get3A_772 = tpu.vector_load %arg13[%get3A_770, %get3A_771] {strides = array<i32>} : memref<40x256xf32, #tpu.memory_space<vmem>>, vector<1x16xf32>,
        %get3A_773 = vector.shape_cast %get3A_772 : vector<1x16xf32> to vector<16xf32>
        %add3A_774 = arith.addf %add3A_769, %get3A_773 : vector<16xf32>
        %mul3A_775 = arith.constant 2.500000e-01 : f32
        %mul3A_776 = vector.broadcast %mul3A_775 : f32 to vector<16xf32>
        %mul3A_777 = arith.mulf %add3A_774, %mul3A_776 : vector<16xf32>
        %swap3A_778 = arith.index_cast %scan3A_728 : i32 to index
        %swap3A_779 = arith.constant 16 : index
        %swap3A_780 = tpu.vector_load %arg15[%swap3A_778, %swap3A_779] {strides = array<i32>} : memref<40x256xf32, #tpu.memory_space<vmem>>, vector<1x16xf32>,
        %swap3A_781 = vector.shape_cast %swap3A_780 : vector<1x16xf32> to vector<16xf32>
        %swap3A_782 = vector.shape_cast %mul3A_777 : vector<16xf32> to vector<1x16xf32>
        tpu.vector_store %arg15[%swap3A_778, %swap3A_779], %swap3A_782 {strides = array<i32>} : memref<40x256xf32, #tpu.memory_space<vmem>>, vector<1x16xf32>,
        %get3A_783 = arith.index_cast %scan3A_728 : i32 to index
        %get3A_784 = arith.constant 32 : index
        %get3A_785 = tpu.vector_load %arg15[%get3A_783, %get3A_784] {strides = array<i32>} : memref<40x256xf32, #tpu.memory_space<vmem>>, vector<1x16xf32>,
        %get3A_786 = vector.shape_cast %get3A_785 : vector<1x16xf32> to vector<16xf32>
        %get3A_787 = arith.index_cast %scan3A_728 : i32 to index
        %get3A_788 = arith.constant 32 : index
        %get3A_789 = tpu.vector_load %arg9[%get3A_787, %get3A_788] {strides = array<i32>} : memref<40x256xf32, #tpu.memory_space<vmem>>, vector<1x16xf32>,
        %get3A_790 = vector.shape_cast %get3A_789 : vector<1x16xf32> to vector<16xf32>
        %add3A_791 = arith.addf %get3A_786, %get3A_790 : vector<16xf32>
        %get3A_792 = arith.index_cast %scan3A_728 : i32 to index
        %get3A_793 = arith.constant 32 : index
        %get3A_794 = tpu.vector_load %arg11[%get3A_792, %get3A_793] {strides = array<i32>} : memref<40x256xf32, #tpu.memory_space<vmem>>, vector<1x16xf32>,
        %get3A_795 = vector.shape_cast %get3A_794 : vector<1x16xf32> to vector<16xf32>
        %add3A_796 = arith.addf %add3A_791, %get3A_795 : vector<16xf32>
        %get3A_797 = arith.index_cast %scan3A_728 : i32 to index
        %get3A_798 = arith.constant 32 : index
        %get3A_799 = tpu.vector_load %arg13[%get3A_797, %get3A_798] {strides = array<i32>} : memref<40x256xf32, #tpu.memory_space<vmem>>, vector<1x16xf32>,
        %get3A_800 = vector.shape_cast %get3A_799 : vector<1x16xf32> to vector<16xf32>
        %add3A_801 = arith.addf %add3A_796, %get3A_800 : vector<16xf32>
        %mul3A_802 = arith.constant 2.500000e-01 : f32
        %mul3A_803 = vector.broadcast %mul3A_802 : f32 to vector<16xf32>
        %mul3A_804 = arith.mulf %add3A_801, %mul3A_803 : vector<16xf32>
        %swap3A_805 = arith.index_cast %scan3A_728 : i32 to index
        %swap3A_806 = arith.constant 32 : index
        %swap3A_807 = tpu.vector_load %arg15[%swap3A_805, %swap3A_806] {strides = array<i32>} : memref<40x256xf32, #tpu.memory_space<vmem>>, vector<1x16xf32>,
        %swap3A_808 = vector.shape_cast %swap3A_807 : vector<1x16xf32> to vector<16xf32>
        %swap3A_809 = vector.shape_cast %mul3A_804 : vector<16xf32> to vector<1x16xf32>
        tpu.vector_store %arg15[%swap3A_805, %swap3A_806], %swap3A_809 {strides = array<i32>} : memref<40x256xf32, #tpu.memory_space<vmem>>, vector<1x16xf32>,
        %get3A_810 = arith.index_cast %scan3A_728 : i32 to index
        %get3A_811 = arith.constant 48 : index
        %get3A_812 = tpu.vector_load %arg15[%get3A_810, %get3A_811] {strides = array<i32>} : memref<40x256xf32, #tpu.memory_space<vmem>>, vector<1x16xf32>,
        %get3A_813 = vector.shape_cast %get3A_812 : vector<1x16xf32> to vector<16xf32>
        %get3A_814 = arith.index_cast %scan3A_728 : i32 to index
        %get3A_815 = arith.constant 48 : index
        %get3A_816 = tpu.vector_load %arg9[%get3A_814, %get3A_815] {strides = array<i32>} : memref<40x256xf32, #tpu.memory_space<vmem>>, vector<1x16xf32>,
        %get3A_817 = vector.shape_cast %get3A_816 : vector<1x16xf32> to vector<16xf32>
        %add3A_818 = arith.addf %get3A_813, %get3A_817 : vector<16xf32>
        %get3A_819 = arith.index_cast %scan3A_728 : i32 to index
        %get3A_820 = arith.constant 48 : index
        %get3A_821 = tpu.vector_load %arg11[%get3A_819, %get3A_820] {strides = array<i32>} : memref<40x256xf32, #tpu.memory_space<vmem>>, vector<1x16xf32>,
        %get3A_822 = vector.shape_cast %get3A_821 : vector<1x16xf32> to vector<16xf32>
        %add3A_823 = arith.addf %add3A_818, %get3A_822 : vector<16xf32>
        %get3A_824 = arith.index_cast %scan3A_728 : i32 to index
        %get3A_825 = arith.constant 48 : index
        %get3A_826 = tpu.vector_load %arg13[%get3A_824, %get3A_825] {strides = array<i32>} : memref<40x256xf32, #tpu.memory_space<vmem>>, vector<1x16xf32>,
        %get3A_827 = vector.shape_cast %get3A_826 : vector<1x16xf32> to vector<16xf32>
        %add3A_828 = arith.addf %add3A_823, %get3A_827 : vector<16xf32>
        %mul3A_829 = arith.constant 2.500000e-01 : f32
        %mul3A_830 = vector.broadcast %mul3A_829 : f32 to vector<16xf32>
        %mul3A_831 = arith.mulf %add3A_828, %mul3A_830 : vector<16xf32>
        %swap3A_832 = arith.index_cast %scan3A_728 : i32 to index
        %swap3A_833 = arith.constant 48 : index
        %swap3A_834 = tpu.vector_load %arg15[%swap3A_832, %swap3A_833] {strides = array<i32>} : memref<40x256xf32, #tpu.memory_space<vmem>>, vector<1x16xf32>,
        %swap3A_835 = vector.shape_cast %swap3A_834 : vector<1x16xf32> to vector<16xf32>
        %swap3A_836 = vector.shape_cast %mul3A_831 : vector<16xf32> to vector<1x16xf32>
        tpu.vector_store %arg15[%swap3A_832, %swap3A_833], %swap3A_836 {strides = array<i32>} : memref<40x256xf32, #tpu.memory_space<vmem>>, vector<1x16xf32>,
        %get3A_837 = arith.index_cast %scan3A_728 : i32 to index
        %get3A_838 = arith.constant 64 : index
        %get3A_839 = tpu.vector_load %arg15[%get3A_837, %get3A_838] {strides = array<i32>} : memref<40x256xf32, #tpu.memory_space<vmem>>, vector<1x16xf32>,
        %get3A_840 = vector.shape_cast %get3A_839 : vector<1x16xf32> to vector<16xf32>
        %get3A_841 = arith.index_cast %scan3A_728 : i32 to index
        %get3A_842 = arith.constant 64 : index
        %get3A_843 = tpu.vector_load %arg9[%get3A_841, %get3A_842] {strides = array<i32>} : memref<40x256xf32, #tpu.memory_space<vmem>>, vector<1x16xf32>,
        %get3A_844 = vector.shape_cast %get3A_843 : vector<1x16xf32> to vector<16xf32>
        %add3A_845 = arith.addf %get3A_840, %get3A_844 : vector<16xf32>
        %get3A_846 = arith.index_cast %scan3A_728 : i32 to index
        %get3A_847 = arith.constant 64 : index
        %get3A_848 = tpu.vector_load %arg11[%get3A_846, %get3A_847] {strides = array<i32>} : memref<40x256xf32, #tpu.memory_space<vmem>>, vector<1x16xf32>,
        %get3A_849 = vector.shape_cast %get3A_848 : vector<1x16xf32> to vector<16xf32>
        %add3A_850 = arith.addf %add3A_845, %get3A_849 : vector<16xf32>
        %get3A_851 = arith.index_cast %scan3A_728 : i32 to index
        %get3A_852 = arith.constant 64 : index
        %get3A_853 = tpu.vector_load %arg13[%get3A_851, %get3A_852] {strides = array<i32>} : memref<40x256xf32, #tpu.memory_space<vmem>>, vector<1x16xf32>,
        %get3A_854 = vector.shape_cast %get3A_853 : vector<1x16xf32> to vector<16xf32>
        %add3A_855 = arith.addf %add3A_850, %get3A_854 : vector<16xf32>
        %mul3A_856 = arith.constant 2.500000e-01 : f32
        %mul3A_857 = vector.broadcast %mul3A_856 : f32 to vector<16xf32>
        %mul3A_858 = arith.mulf %add3A_855, %mul3A_857 : vector<16xf32>
        %swap3A_859 = arith.index_cast %scan3A_728 : i32 to index
        %swap3A_860 = arith.constant 64 : index
        %swap3A_861 = tpu.vector_load %arg15[%swap3A_859, %swap3A_860] {strides = array<i32>} : memref<40x256xf32, #tpu.memory_space<vmem>>, vector<1x16xf32>,
        %swap3A_862 = vector.shape_cast %swap3A_861 : vector<1x16xf32> to vector<16xf32>
        %swap3A_863 = vector.shape_cast %mul3A_858 : vector<16xf32> to vector<1x16xf32>
        tpu.vector_store %arg15[%swap3A_859, %swap3A_860], %swap3A_863 {strides = array<i32>} : memref<40x256xf32, #tpu.memory_space<vmem>>, vector<1x16xf32>,
        %get3A_864 = arith.index_cast %scan3A_728 : i32 to index
        %get3A_865 = arith.constant 80 : index
        %get3A_866 = tpu.vector_load %arg15[%get3A_864, %get3A_865] {strides = array<i32>} : memref<40x256xf32, #tpu.memory_space<vmem>>, vector<1x16xf32>,
        %get3A_867 = vector.shape_cast %get3A_866 : vector<1x16xf32> to vector<16xf32>
        %get3A_868 = arith.index_cast %scan3A_728 : i32 to index
        %get3A_869 = arith.constant 80 : index
        %get3A_870 = tpu.vector_load %arg9[%get3A_868, %get3A_869] {strides = array<i32>} : memref<40x256xf32, #tpu.memory_space<vmem>>, vector<1x16xf32>,
        %get3A_871 = vector.shape_cast %get3A_870 : vector<1x16xf32> to vector<16xf32>
        %add3A_872 = arith.addf %get3A_867, %get3A_871 : vector<16xf32>
        %get3A_873 = arith.index_cast %scan3A_728 : i32 to index
        %get3A_874 = arith.constant 80 : index
        %get3A_875 = tpu.vector_load %arg11[%get3A_873, %get3A_874] {strides = array<i32>} : memref<40x256xf32, #tpu.memory_space<vmem>>, vector<1x16xf32>,
        %get3A_876 = vector.shape_cast %get3A_875 : vector<1x16xf32> to vector<16xf32>
        %add3A_877 = arith.addf %add3A_872, %get3A_876 : vector<16xf32>
        %get3A_878 = arith.index_cast %scan3A_728 : i32 to index
        %get3A_879 = arith.constant 80 : index
        %get3A_880 = tpu.vector_load %arg13[%get3A_878, %get3A_879] {strides = array<i32>} : memref<40x256xf32, #tpu.memory_space<vmem>>, vector<1x16xf32>,
        %get3A_881 = vector.shape_cast %get3A_880 : vector<1x16xf32> to vector<16xf32>
        %add3A_882 = arith.addf %add3A_877, %get3A_881 : vector<16xf32>
        %mul3A_883 = arith.constant 2.500000e-01 : f32
        %mul3A_884 = vector.broadcast %mul3A_883 : f32 to vector<16xf32>
        %mul3A_885 = arith.mulf %add3A_882, %mul3A_884 : vector<16xf32>
        %swap3A_886 = arith.index_cast %scan3A_728 : i32 to index
        %swap3A_887 = arith.constant 80 : index
        %swap3A_888 = tpu.vector_load %arg15[%swap3A_886, %swap3A_887] {strides = array<i32>} : memref<40x256xf32, #tpu.memory_space<vmem>>, vector<1x16xf32>,
        %swap3A_889 = vector.shape_cast %swap3A_888 : vector<1x16xf32> to vector<16xf32>
        %swap3A_890 = vector.shape_cast %mul3A_885 : vector<16xf32> to vector<1x16xf32>
        tpu.vector_store %arg15[%swap3A_886, %swap3A_887], %swap3A_890 {strides = array<i32>} : memref<40x256xf32, #tpu.memory_space<vmem>>, vector<1x16xf32>,
        %get3A_891 = arith.index_cast %scan3A_728 : i32 to index
        %get3A_892 = arith.constant 96 : index
        %get3A_893 = tpu.vector_load %arg15[%get3A_891, %get3A_892] {strides = array<i32>} : memref<40x256xf32, #tpu.memory_space<vmem>>, vector<1x16xf32>,
        %get3A_894 = vector.shape_cast %get3A_893 : vector<1x16xf32> to vector<16xf32>
        %get3A_895 = arith.index_cast %scan3A_728 : i32 to index
        %get3A_896 = arith.constant 96 : index
        %get3A_897 = tpu.vector_load %arg9[%get3A_895, %get3A_896] {strides = array<i32>} : memref<40x256xf32, #tpu.memory_space<vmem>>, vector<1x16xf32>,
        %get3A_898 = vector.shape_cast %get3A_897 : vector<1x16xf32> to vector<16xf32>
        %add3A_899 = arith.addf %get3A_894, %get3A_898 : vector<16xf32>
        %get3A_900 = arith.index_cast %scan3A_728 : i32 to index
        %get3A_901 = arith.constant 96 : index
        %get3A_902 = tpu.vector_load %arg11[%get3A_900, %get3A_901] {strides = array<i32>} : memref<40x256xf32, #tpu.memory_space<vmem>>, vector<1x16xf32>,
        %get3A_903 = vector.shape_cast %get3A_902 : vector<1x16xf32> to vector<16xf32>
        %add3A_904 = arith.addf %add3A_899, %get3A_903 : vector<16xf32>
        %get3A_905 = arith.index_cast %scan3A_728 : i32 to index
        %get3A_906 = arith.constant 96 : index
        %get3A_907 = tpu.vector_load %arg13[%get3A_905, %get3A_906] {strides = array<i32>} : memref<40x256xf32, #tpu.memory_space<vmem>>, vector<1x16xf32>,
        %get3A_908 = vector.shape_cast %get3A_907 : vector<1x16xf32> to vector<16xf32>
        %add3A_909 = arith.addf %add3A_904, %get3A_908 : vector<16xf32>
        %mul3A_910 = arith.constant 2.500000e-01 : f32
        %mul3A_911 = vector.broadcast %mul3A_910 : f32 to vector<16xf32>
        %mul3A_912 = arith.mulf %add3A_909, %mul3A_911 : vector<16xf32>
        %swap3A_913 = arith.index_cast %scan3A_728 : i32 to index
        %swap3A_914 = arith.constant 96 : index
        %swap3A_915 = tpu.vector_load %arg15[%swap3A_913, %swap3A_914] {strides = array<i32>} : memref<40x256xf32, #tpu.memory_space<vmem>>, vector<1x16xf32>,
        %swap3A_916 = vector.shape_cast %swap3A_915 : vector<1x16xf32> to vector<16xf32>
        %swap3A_917 = vector.shape_cast %mul3A_912 : vector<16xf32> to vector<1x16xf32>
        tpu.vector_store %arg15[%swap3A_913, %swap3A_914], %swap3A_917 {strides = array<i32>} : memref<40x256xf32, #tpu.memory_space<vmem>>, vector<1x16xf32>,
        %get3A_918 = arith.index_cast %scan3A_728 : i32 to index
        %get3A_919 = arith.constant 112 : index
        %get3A_920 = tpu.vector_load %arg15[%get3A_918, %get3A_919] {strides = array<i32>} : memref<40x256xf32, #tpu.memory_space<vmem>>, vector<1x16xf32>,
        %get3A_921 = vector.shape_cast %get3A_920 : vector<1x16xf32> to vector<16xf32>
        %get3A_922 = arith.index_cast %scan3A_728 : i32 to index
        %get3A_923 = arith.constant 112 : index
        %get3A_924 = tpu.vector_load %arg9[%get3A_922, %get3A_923] {strides = array<i32>} : memref<40x256xf32, #tpu.memory_space<vmem>>, vector<1x16xf32>,
        %get3A_925 = vector.shape_cast %get3A_924 : vector<1x16xf32> to vector<16xf32>
        %add3A_926 = arith.addf %get3A_921, %get3A_925 : vector<16xf32>
        %get3A_927 = arith.index_cast %scan3A_728 : i32 to index
        %get3A_928 = arith.constant 112 : index
        %get3A_929 = tpu.vector_load %arg11[%get3A_927, %get3A_928] {strides = array<i32>} : memref<40x256xf32, #tpu.memory_space<vmem>>, vector<1x16xf32>,
        %get3A_930 = vector.shape_cast %get3A_929 : vector<1x16xf32> to vector<16xf32>
        %add3A_931 = arith.addf %add3A_926, %get3A_930 : vector<16xf32>
        %get3A_932 = arith.index_cast %scan3A_728 : i32 to index
        %get3A_933 = arith.constant 112 : index
        %get3A_934 = tpu.vector_load %arg13[%get3A_932, %get3A_933] {strides = array<i32>} : memref<40x256xf32, #tpu.memory_space<vmem>>, vector<1x16xf32>,
        %get3A_935 = vector.shape_cast %get3A_934 : vector<1x16xf32> to vector<16xf32>
        %add3A_936 = arith.addf %add3A_931, %get3A_935 : vector<16xf32>
        %mul3A_937 = arith.constant 2.500000e-01 : f32
        %mul3A_938 = vector.broadcast %mul3A_937 : f32 to vector<16xf32>
        %mul3A_939 = arith.mulf %add3A_936, %mul3A_938 : vector<16xf32>
        %swap3A_940 = arith.index_cast %scan3A_728 : i32 to index
        %swap3A_941 = arith.constant 112 : index
        %swap3A_942 = tpu.vector_load %arg15[%swap3A_940, %swap3A_941] {strides = array<i32>} : memref<40x256xf32, #tpu.memory_space<vmem>>, vector<1x16xf32>,
        %swap3A_943 = vector.shape_cast %swap3A_942 : vector<1x16xf32> to vector<16xf32>
        %swap3A_944 = vector.shape_cast %mul3A_939 : vector<16xf32> to vector<1x16xf32>
        tpu.vector_store %arg15[%swap3A_940, %swap3A_941], %swap3A_944 {strides = array<i32>} : memref<40x256xf32, #tpu.memory_space<vmem>>, vector<1x16xf32>,
        %get3A_945 = arith.index_cast %scan3A_728 : i32 to index
        %get3A_946 = arith.constant 128 : index
        %get3A_947 = tpu.vector_load %arg15[%get3A_945, %get3A_946] {strides = array<i32>} : memref<40x256xf32, #tpu.memory_space<vmem>>, vector<1x16xf32>,
        %get3A_948 = vector.shape_cast %get3A_947 : vector<1x16xf32> to vector<16xf32>
        %get3A_949 = arith.index_cast %scan3A_728 : i32 to index
        %get3A_950 = arith.constant 128 : index
        %get3A_951 = tpu.vector_load %arg9[%get3A_949, %get3A_950] {strides = array<i32>} : memref<40x256xf32, #tpu.memory_space<vmem>>, vector<1x16xf32>,
        %get3A_952 = vector.shape_cast %get3A_951 : vector<1x16xf32> to vector<16xf32>
        %add3A_953 = arith.addf %get3A_948, %get3A_952 : vector<16xf32>
        %get3A_954 = arith.index_cast %scan3A_728 : i32 to index
        %get3A_955 = arith.constant 128 : index
        %get3A_956 = tpu.vector_load %arg11[%get3A_954, %get3A_955] {strides = array<i32>} : memref<40x256xf32, #tpu.memory_space<vmem>>, vector<1x16xf32>,
        %get3A_957 = vector.shape_cast %get3A_956 : vector<1x16xf32> to vector<16xf32>
        %add3A_958 = arith.addf %add3A_953, %get3A_957 : vector<16xf32>
        %get3A_959 = arith.index_cast %scan3A_728 : i32 to index
        %get3A_960 = arith.constant 128 : index
        %get3A_961 = tpu.vector_load %arg13[%get3A_959, %get3A_960] {strides = array<i32>} : memref<40x256xf32, #tpu.memory_space<vmem>>, vector<1x16xf32>,
        %get3A_962 = vector.shape_cast %get3A_961 : vector<1x16xf32> to vector<16xf32>
        %add3A_963 = arith.addf %add3A_958, %get3A_962 : vector<16xf32>
        %mul3A_964 = arith.constant 2.500000e-01 : f32
        %mul3A_965 = vector.broadcast %mul3A_964 : f32 to vector<16xf32>
        %mul3A_966 = arith.mulf %add3A_963, %mul3A_965 : vector<16xf32>
        %swap3A_967 = arith.index_cast %scan3A_728 : i32 to index
        %swap3A_968 = arith.constant 128 : index
        %swap3A_969 = tpu.vector_load %arg15[%swap3A_967, %swap3A_968] {strides = array<i32>} : memref<40x256xf32, #tpu.memory_space<vmem>>, vector<1x16xf32>,
        %swap3A_970 = vector.shape_cast %swap3A_969 : vector<1x16xf32> to vector<16xf32>
        %swap3A_971 = vector.shape_cast %mul3A_966 : vector<16xf32> to vector<1x16xf32>
        tpu.vector_store %arg15[%swap3A_967, %swap3A_968], %swap3A_971 {strides = array<i32>} : memref<40x256xf32, #tpu.memory_space<vmem>>, vector<1x16xf32>,
        %get3A_972 = arith.index_cast %scan3A_728 : i32 to index
        %get3A_973 = arith.constant 144 : index
        %get3A_974 = tpu.vector_load %arg15[%get3A_972, %get3A_973] {strides = array<i32>} : memref<40x256xf32, #tpu.memory_space<vmem>>, vector<1x16xf32>,
        %get3A_975 = vector.shape_cast %get3A_974 : vector<1x16xf32> to vector<16xf32>
        %get3A_976 = arith.index_cast %scan3A_728 : i32 to index
        %get3A_977 = arith.constant 144 : index
        %get3A_978 = tpu.vector_load %arg9[%get3A_976, %get3A_977] {strides = array<i32>} : memref<40x256xf32, #tpu.memory_space<vmem>>, vector<1x16xf32>,
        %get3A_979 = vector.shape_cast %get3A_978 : vector<1x16xf32> to vector<16xf32>
        %add3A_980 = arith.addf %get3A_975, %get3A_979 : vector<16xf32>
        %get3A_981 = arith.index_cast %scan3A_728 : i32 to index
        %get3A_982 = arith.constant 144 : index
        %get3A_983 = tpu.vector_load %arg11[%get3A_981, %get3A_982] {strides = array<i32>} : memref<40x256xf32, #tpu.memory_space<vmem>>, vector<1x16xf32>,
        %get3A_984 = vector.shape_cast %get3A_983 : vector<1x16xf32> to vector<16xf32>
        %add3A_985 = arith.addf %add3A_980, %get3A_984 : vector<16xf32>
        %get3A_986 = arith.index_cast %scan3A_728 : i32 to index
        %get3A_987 = arith.constant 144 : index
        %get3A_988 = tpu.vector_load %arg13[%get3A_986, %get3A_987] {strides = array<i32>} : memref<40x256xf32, #tpu.memory_space<vmem>>, vector<1x16xf32>,
        %get3A_989 = vector.shape_cast %get3A_988 : vector<1x16xf32> to vector<16xf32>
        %add3A_990 = arith.addf %add3A_985, %get3A_989 : vector<16xf32>
        %mul3A_991 = arith.constant 2.500000e-01 : f32
        %mul3A_992 = vector.broadcast %mul3A_991 : f32 to vector<16xf32>
        %mul3A_993 = arith.mulf %add3A_990, %mul3A_992 : vector<16xf32>
        %swap3A_994 = arith.index_cast %scan3A_728 : i32 to index
        %swap3A_995 = arith.constant 144 : index
        %swap3A_996 = tpu.vector_load %arg15[%swap3A_994, %swap3A_995] {strides = array<i32>} : memref<40x256xf32, #tpu.memory_space<vmem>>, vector<1x16xf32>,
        %swap3A_997 = vector.shape_cast %swap3A_996 : vector<1x16xf32> to vector<16xf32>
        %swap3A_998 = vector.shape_cast %mul3A_993 : vector<16xf32> to vector<1x16xf32>
        tpu.vector_store %arg15[%swap3A_994, %swap3A_995], %swap3A_998 {strides = array<i32>} : memref<40x256xf32, #tpu.memory_space<vmem>>, vector<1x16xf32>,
        %get3A_999 = arith.index_cast %scan3A_728 : i32 to index
        %get3A_1000 = arith.constant 160 : index
        %get3A_1001 = tpu.vector_load %arg15[%get3A_999, %get3A_1000] {strides = array<i32>} : memref<40x256xf32, #tpu.memory_space<vmem>>, vector<1x16xf32>,
        %get3A_1002 = vector.shape_cast %get3A_1001 : vector<1x16xf32> to vector<16xf32>
        %get3A_1003 = arith.index_cast %scan3A_728 : i32 to index
        %get3A_1004 = arith.constant 160 : index
        %get3A_1005 = tpu.vector_load %arg9[%get3A_1003, %get3A_1004] {strides = array<i32>} : memref<40x256xf32, #tpu.memory_space<vmem>>, vector<1x16xf32>,
        %get3A_1006 = vector.shape_cast %get3A_1005 : vector<1x16xf32> to vector<16xf32>
        %add3A_1007 = arith.addf %get3A_1002, %get3A_1006 : vector<16xf32>
        %get3A_1008 = arith.index_cast %scan3A_728 : i32 to index
        %get3A_1009 = arith.constant 160 : index
        %get3A_1010 = tpu.vector_load %arg11[%get3A_1008, %get3A_1009] {strides = array<i32>} : memref<40x256xf32, #tpu.memory_space<vmem>>, vector<1x16xf32>,
        %get3A_1011 = vector.shape_cast %get3A_1010 : vector<1x16xf32> to vector<16xf32>
        %add3A_1012 = arith.addf %add3A_1007, %get3A_1011 : vector<16xf32>
        %get3A_1013 = arith.index_cast %scan3A_728 : i32 to index
        %get3A_1014 = arith.constant 160 : index
        %get3A_1015 = tpu.vector_load %arg13[%get3A_1013, %get3A_1014] {strides = array<i32>} : memref<40x256xf32, #tpu.memory_space<vmem>>, vector<1x16xf32>,
        %get3A_1016 = vector.shape_cast %get3A_1015 : vector<1x16xf32> to vector<16xf32>
        %add3A_1017 = arith.addf %add3A_1012, %get3A_1016 : vector<16xf32>
        %mul3A_1018 = arith.constant 2.500000e-01 : f32
        %mul3A_1019 = vector.broadcast %mul3A_1018 : f32 to vector<16xf32>
        %mul3A_1020 = arith.mulf %add3A_1017, %mul3A_1019 : vector<16xf32>
        %swap3A_1021 = arith.index_cast %scan3A_728 : i32 to index
        %swap3A_1022 = arith.constant 160 : index
        %swap3A_1023 = tpu.vector_load %arg15[%swap3A_1021, %swap3A_1022] {strides = array<i32>} : memref<40x256xf32, #tpu.memory_space<vmem>>, vector<1x16xf32>,
        %swap3A_1024 = vector.shape_cast %swap3A_1023 : vector<1x16xf32> to vector<16xf32>
        %swap3A_1025 = vector.shape_cast %mul3A_1020 : vector<16xf32> to vector<1x16xf32>
        tpu.vector_store %arg15[%swap3A_1021, %swap3A_1022], %swap3A_1025 {strides = array<i32>} : memref<40x256xf32, #tpu.memory_space<vmem>>, vector<1x16xf32>,
        %get3A_1026 = arith.index_cast %scan3A_728 : i32 to index
        %get3A_1027 = arith.constant 176 : index
        %get3A_1028 = tpu.vector_load %arg15[%get3A_1026, %get3A_1027] {strides = array<i32>} : memref<40x256xf32, #tpu.memory_space<vmem>>, vector<1x16xf32>,
        %get3A_1029 = vector.shape_cast %get3A_1028 : vector<1x16xf32> to vector<16xf32>
        %get3A_1030 = arith.index_cast %scan3A_728 : i32 to index
        %get3A_1031 = arith.constant 176 : index
        %get3A_1032 = tpu.vector_load %arg9[%get3A_1030, %get3A_1031] {strides = array<i32>} : memref<40x256xf32, #tpu.memory_space<vmem>>, vector<1x16xf32>,
        %get3A_1033 = vector.shape_cast %get3A_1032 : vector<1x16xf32> to vector<16xf32>
        %add3A_1034 = arith.addf %get3A_1029, %get3A_1033 : vector<16xf32>
        %get3A_1035 = arith.index_cast %scan3A_728 : i32 to index
        %get3A_1036 = arith.constant 176 : index
        %get3A_1037 = tpu.vector_load %arg11[%get3A_1035, %get3A_1036] {strides = array<i32>} : memref<40x256xf32, #tpu.memory_space<vmem>>, vector<1x16xf32>,
        %get3A_1038 = vector.shape_cast %get3A_1037 : vector<1x16xf32> to vector<16xf32>
        %add3A_1039 = arith.addf %add3A_1034, %get3A_1038 : vector<16xf32>
        %get3A_1040 = arith.index_cast %scan3A_728 : i32 to index
        %get3A_1041 = arith.constant 176 : index
        %get3A_1042 = tpu.vector_load %arg13[%get3A_1040, %get3A_1041] {strides = array<i32>} : memref<40x256xf32, #tpu.memory_space<vmem>>, vector<1x16xf32>,
        %get3A_1043 = vector.shape_cast %get3A_1042 : vector<1x16xf32> to vector<16xf32>
        %add3A_1044 = arith.addf %add3A_1039, %get3A_1043 : vector<16xf32>
        %mul3A_1045 = arith.constant 2.500000e-01 : f32
        %mul3A_1046 = vector.broadcast %mul3A_1045 : f32 to vector<16xf32>
        %mul3A_1047 = arith.mulf %add3A_1044, %mul3A_1046 : vector<16xf32>
        %swap3A_1048 = arith.index_cast %scan3A_728 : i32 to index
        %swap3A_1049 = arith.constant 176 : index
        %swap3A_1050 = tpu.vector_load %arg15[%swap3A_1048, %swap3A_1049] {strides = array<i32>} : memref<40x256xf32, #tpu.memory_space<vmem>>, vector<1x16xf32>,
        %swap3A_1051 = vector.shape_cast %swap3A_1050 : vector<1x16xf32> to vector<16xf32>
        %swap3A_1052 = vector.shape_cast %mul3A_1047 : vector<16xf32> to vector<1x16xf32>
        tpu.vector_store %arg15[%swap3A_1048, %swap3A_1049], %swap3A_1052 {strides = array<i32>} : memref<40x256xf32, #tpu.memory_space<vmem>>, vector<1x16xf32>,
        %get3A_1053 = arith.index_cast %scan3A_728 : i32 to index
        %get3A_1054 = arith.constant 192 : index
        %get3A_1055 = tpu.vector_load %arg15[%get3A_1053, %get3A_1054] {strides = array<i32>} : memref<40x256xf32, #tpu.memory_space<vmem>>, vector<1x16xf32>,
        %get3A_1056 = vector.shape_cast %get3A_1055 : vector<1x16xf32> to vector<16xf32>
        %get3A_1057 = arith.index_cast %scan3A_728 : i32 to index
        %get3A_1058 = arith.constant 192 : index
        %get3A_1059 = tpu.vector_load %arg9[%get3A_1057, %get3A_1058] {strides = array<i32>} : memref<40x256xf32, #tpu.memory_space<vmem>>, vector<1x16xf32>,
        %get3A_1060 = vector.shape_cast %get3A_1059 : vector<1x16xf32> to vector<16xf32>
        %add3A_1061 = arith.addf %get3A_1056, %get3A_1060 : vector<16xf32>
        %get3A_1062 = arith.index_cast %scan3A_728 : i32 to index
        %get3A_1063 = arith.constant 192 : index
        %get3A_1064 = tpu.vector_load %arg11[%get3A_1062, %get3A_1063] {strides = array<i32>} : memref<40x256xf32, #tpu.memory_space<vmem>>, vector<1x16xf32>,
        %get3A_1065 = vector.shape_cast %get3A_1064 : vector<1x16xf32> to vector<16xf32>
        %add3A_1066 = arith.addf %add3A_1061, %get3A_1065 : vector<16xf32>
        %get3A_1067 = arith.index_cast %scan3A_728 : i32 to index
        %get3A_1068 = arith.constant 192 : index
        %get3A_1069 = tpu.vector_load %arg13[%get3A_1067, %get3A_1068] {strides = array<i32>} : memref<40x256xf32, #tpu.memory_space<vmem>>, vector<1x16xf32>,
        %get3A_1070 = vector.shape_cast %get3A_1069 : vector<1x16xf32> to vector<16xf32>
        %add3A_1071 = arith.addf %add3A_1066, %get3A_1070 : vector<16xf32>
        %mul3A_1072 = arith.constant 2.500000e-01 : f32
        %mul3A_1073 = vector.broadcast %mul3A_1072 : f32 to vector<16xf32>
        %mul3A_1074 = arith.mulf %add3A_1071, %mul3A_1073 : vector<16xf32>
        %swap3A_1075 = arith.index_cast %scan3A_728 : i32 to index
        %swap3A_1076 = arith.constant 192 : index
        %swap3A_1077 = tpu.vector_load %arg15[%swap3A_1075, %swap3A_1076] {strides = array<i32>} : memref<40x256xf32, #tpu.memory_space<vmem>>, vector<1x16xf32>,
        %swap3A_1078 = vector.shape_cast %swap3A_1077 : vector<1x16xf32> to vector<16xf32>
        %swap3A_1079 = vector.shape_cast %mul3A_1074 : vector<16xf32> to vector<1x16xf32>
        tpu.vector_store %arg15[%swap3A_1075, %swap3A_1076], %swap3A_1079 {strides = array<i32>} : memref<40x256xf32, #tpu.memory_space<vmem>>, vector<1x16xf32>,
        %get3A_1080 = arith.index_cast %scan3A_728 : i32 to index
        %get3A_1081 = arith.constant 208 : index
        %get3A_1082 = tpu.vector_load %arg15[%get3A_1080, %get3A_1081] {strides = array<i32>} : memref<40x256xf32, #tpu.memory_space<vmem>>, vector<1x16xf32>,
        %get3A_1083 = vector.shape_cast %get3A_1082 : vector<1x16xf32> to vector<16xf32>
        %get3A_1084 = arith.index_cast %scan3A_728 : i32 to index
        %get3A_1085 = arith.constant 208 : index
        %get3A_1086 = tpu.vector_load %arg9[%get3A_1084, %get3A_1085] {strides = array<i32>} : memref<40x256xf32, #tpu.memory_space<vmem>>, vector<1x16xf32>,
        %get3A_1087 = vector.shape_cast %get3A_1086 : vector<1x16xf32> to vector<16xf32>
        %add3A_1088 = arith.addf %get3A_1083, %get3A_1087 : vector<16xf32>
        %get3A_1089 = arith.index_cast %scan3A_728 : i32 to index
        %get3A_1090 = arith.constant 208 : index
        %get3A_1091 = tpu.vector_load %arg11[%get3A_1089, %get3A_1090] {strides = array<i32>} : memref<40x256xf32, #tpu.memory_space<vmem>>, vector<1x16xf32>,
        %get3A_1092 = vector.shape_cast %get3A_1091 : vector<1x16xf32> to vector<16xf32>
        %add3A_1093 = arith.addf %add3A_1088, %get3A_1092 : vector<16xf32>
        %get3A_1094 = arith.index_cast %scan3A_728 : i32 to index
        %get3A_1095 = arith.constant 208 : index
        %get3A_1096 = tpu.vector_load %arg13[%get3A_1094, %get3A_1095] {strides = array<i32>} : memref<40x256xf32, #tpu.memory_space<vmem>>, vector<1x16xf32>,
        %get3A_1097 = vector.shape_cast %get3A_1096 : vector<1x16xf32> to vector<16xf32>
        %add3A_1098 = arith.addf %add3A_1093, %get3A_1097 : vector<16xf32>
        %mul3A_1099 = arith.constant 2.500000e-01 : f32
        %mul3A_1100 = vector.broadcast %mul3A_1099 : f32 to vector<16xf32>
        %mul3A_1101 = arith.mulf %add3A_1098, %mul3A_1100 : vector<16xf32>
        %swap3A_1102 = arith.index_cast %scan3A_728 : i32 to index
        %swap3A_1103 = arith.constant 208 : index
        %swap3A_1104 = tpu.vector_load %arg15[%swap3A_1102, %swap3A_1103] {strides = array<i32>} : memref<40x256xf32, #tpu.memory_space<vmem>>, vector<1x16xf32>,
        %swap3A_1105 = vector.shape_cast %swap3A_1104 : vector<1x16xf32> to vector<16xf32>
        %swap3A_1106 = vector.shape_cast %mul3A_1101 : vector<16xf32> to vector<1x16xf32>
        tpu.vector_store %arg15[%swap3A_1102, %swap3A_1103], %swap3A_1106 {strides = array<i32>} : memref<40x256xf32, #tpu.memory_space<vmem>>, vector<1x16xf32>,
        %get3A_1107 = arith.index_cast %scan3A_728 : i32 to index
        %get3A_1108 = arith.constant 224 : index
        %get3A_1109 = tpu.vector_load %arg15[%get3A_1107, %get3A_1108] {strides = array<i32>} : memref<40x256xf32, #tpu.memory_space<vmem>>, vector<1x16xf32>,
        %get3A_1110 = vector.shape_cast %get3A_1109 : vector<1x16xf32> to vector<16xf32>
        %get3A_1111 = arith.index_cast %scan3A_728 : i32 to index
        %get3A_1112 = arith.constant 224 : index
        %get3A_1113 = tpu.vector_load %arg9[%get3A_1111, %get3A_1112] {strides = array<i32>} : memref<40x256xf32, #tpu.memory_space<vmem>>, vector<1x16xf32>,
        %get3A_1114 = vector.shape_cast %get3A_1113 : vector<1x16xf32> to vector<16xf32>
        %add3A_1115 = arith.addf %get3A_1110, %get3A_1114 : vector<16xf32>
        %get3A_1116 = arith.index_cast %scan3A_728 : i32 to index
        %get3A_1117 = arith.constant 224 : index
        %get3A_1118 = tpu.vector_load %arg11[%get3A_1116, %get3A_1117] {strides = array<i32>} : memref<40x256xf32, #tpu.memory_space<vmem>>, vector<1x16xf32>,
        %get3A_1119 = vector.shape_cast %get3A_1118 : vector<1x16xf32> to vector<16xf32>
        %add3A_1120 = arith.addf %add3A_1115, %get3A_1119 : vector<16xf32>
        %get3A_1121 = arith.index_cast %scan3A_728 : i32 to index
        %get3A_1122 = arith.constant 224 : index
        %get3A_1123 = tpu.vector_load %arg13[%get3A_1121, %get3A_1122] {strides = array<i32>} : memref<40x256xf32, #tpu.memory_space<vmem>>, vector<1x16xf32>,
        %get3A_1124 = vector.shape_cast %get3A_1123 : vector<1x16xf32> to vector<16xf32>
        %add3A_1125 = arith.addf %add3A_1120, %get3A_1124 : vector<16xf32>
        %mul3A_1126 = arith.constant 2.500000e-01 : f32
        %mul3A_1127 = vector.broadcast %mul3A_1126 : f32 to vector<16xf32>
        %mul3A_1128 = arith.mulf %add3A_1125, %mul3A_1127 : vector<16xf32>
        %swap3A_1129 = arith.index_cast %scan3A_728 : i32 to index
        %swap3A_1130 = arith.constant 224 : index
        %swap3A_1131 = tpu.vector_load %arg15[%swap3A_1129, %swap3A_1130] {strides = array<i32>} : memref<40x256xf32, #tpu.memory_space<vmem>>, vector<1x16xf32>,
        %swap3A_1132 = vector.shape_cast %swap3A_1131 : vector<1x16xf32> to vector<16xf32>
        %swap3A_1133 = vector.shape_cast %mul3A_1128 : vector<16xf32> to vector<1x16xf32>
        tpu.vector_store %arg15[%swap3A_1129, %swap3A_1130], %swap3A_1133 {strides = array<i32>} : memref<40x256xf32, #tpu.memory_space<vmem>>, vector<1x16xf32>,
        %get3A_1134 = arith.index_cast %scan3A_728 : i32 to index
        %get3A_1135 = arith.constant 240 : index
        %get3A_1136 = tpu.vector_load %arg15[%get3A_1134, %get3A_1135] {strides = array<i32>} : memref<40x256xf32, #tpu.memory_space<vmem>>, vector<1x16xf32>,
        %get3A_1137 = vector.shape_cast %get3A_1136 : vector<1x16xf32> to vector<16xf32>
        %get3A_1138 = arith.index_cast %scan3A_728 : i32 to index
        %get3A_1139 = arith.constant 240 : index
        %get3A_1140 = tpu.vector_load %arg9[%get3A_1138, %get3A_1139] {strides = array<i32>} : memref<40x256xf32, #tpu.memory_space<vmem>>, vector<1x16xf32>,
        %get3A_1141 = vector.shape_cast %get3A_1140 : vector<1x16xf32> to vector<16xf32>
        %add3A_1142 = arith.addf %get3A_1137, %get3A_1141 : vector<16xf32>
        %get3A_1143 = arith.index_cast %scan3A_728 : i32 to index
        %get3A_1144 = arith.constant 240 : index
        %get3A_1145 = tpu.vector_load %arg11[%get3A_1143, %get3A_1144] {strides = array<i32>} : memref<40x256xf32, #tpu.memory_space<vmem>>, vector<1x16xf32>,
        %get3A_1146 = vector.shape_cast %get3A_1145 : vector<1x16xf32> to vector<16xf32>
        %add3A_1147 = arith.addf %add3A_1142, %get3A_1146 : vector<16xf32>
        %get3A_1148 = arith.index_cast %scan3A_728 : i32 to index
        %get3A_1149 = arith.constant 240 : index
        %get3A_1150 = tpu.vector_load %arg13[%get3A_1148, %get3A_1149] {strides = array<i32>} : memref<40x256xf32, #tpu.memory_space<vmem>>, vector<1x16xf32>,
        %get3A_1151 = vector.shape_cast %get3A_1150 : vector<1x16xf32> to vector<16xf32>
        %add3A_1152 = arith.addf %add3A_1147, %get3A_1151 : vector<16xf32>
        %mul3A_1153 = arith.constant 2.500000e-01 : f32
        %mul3A_1154 = vector.broadcast %mul3A_1153 : f32 to vector<16xf32>
        %mul3A_1155 = arith.mulf %add3A_1152, %mul3A_1154 : vector<16xf32>
        %swap3A_1156 = arith.index_cast %scan3A_728 : i32 to index
        %swap3A_1157 = arith.constant 240 : index
        %swap3A_1158 = tpu.vector_load %arg15[%swap3A_1156, %swap3A_1157] {strides = array<i32>} : memref<40x256xf32, #tpu.memory_space<vmem>>, vector<1x16xf32>,
        %swap3A_1159 = vector.shape_cast %swap3A_1158 : vector<1x16xf32> to vector<16xf32>
        %swap3A_1160 = vector.shape_cast %mul3A_1155 : vector<16xf32> to vector<1x16xf32>
        tpu.vector_store %arg15[%swap3A_1156, %swap3A_1157], %swap3A_1160 {strides = array<i32>} : memref<40x256xf32, #tpu.memory_space<vmem>>, vector<1x16xf32>,
      }
      %scan3A_288 = arith.constant 40 : i32
      %mul3A_289 = arith.constant 40 : i32
      %mul3A_290 = arith.muli %add3A_282, %mul3A_289 : i32
      %add3A_291 = arith.addi %mul3A_2, %mul3A_290 : i32
      %dma_start3A_292 = arith.constant 0 : i32
      %dma_start3A_293 = tpu.memref_slice %arg4[%add3A_291, %dma_start3A_292] : memref<100000x256xf32, #tpu.memory_space<hbm>> -> memref<40x256xf32, #tpu.memory_space<hbm>>
      %dma_start3A_294 = arith.constant 0 : i32
      %dma_start3A_295 = tpu.memref_slice %arg4[%add3A_291, %dma_start3A_294] : memref<100000x256xf32, #tpu.memory_space<hbm>> -> memref<40x256xf32, #tpu.memory_space<hbm>>
      tpu.enqueue_dma source(%arg15 : memref<40x256xf32, #tpu.memory_space<vmem>>) target(%dma_start3A_295 : memref<40x256xf32, #tpu.memory_space<hbm>>) target_semaphore(%arg19 : memref<!tpu.dma_semaphore, #tpu.memory_space<semaphore_mem>>)
    }
    %sub3A_37 = arith.constant 2 : i32
    %sub3A_38 = arith.subi %select_n3A, %sub3A_37 : i32
    %mul3A_39 = arith.constant 40 : i32
    %mul3A_40 = arith.muli %sub3A_38, %mul3A_39 : i32
    %add3A_41 = arith.addi %mul3A_2, %mul3A_40 : i32
    %dma_wait3A = arith.constant 0 : i32
    %dma_wait3A_42 = tpu.memref_slice %arg4[%add3A_41, %dma_wait3A] : memref<100000x256xf32, #tpu.memory_space<hbm>> -> memref<40x256xf32, #tpu.memory_space<hbm>>
    %dma_wait3A_43 = arith.constant 0 : i32
    %dma_wait3A_44 = tpu.memref_slice %arg4[%add3A_41, %dma_wait3A_43] : memref<100000x256xf32, #tpu.memory_space<hbm>> -> memref<40x256xf32, #tpu.memory_space<hbm>>
    tpu.wait_dma2 semaphore(%arg18 : memref<!tpu.dma_semaphore, #tpu.memory_space<semaphore_mem>>) src(%arg14 : memref<40x256xf32, #tpu.memory_space<vmem>>) dst(%dma_wait3A_44 : memref<40x256xf32, #tpu.memory_space<hbm>>)
    %sub3A_45 = arith.constant 1 : i32
    %sub3A_46 = arith.subi %select_n3A, %sub3A_45 : i32
    %mul3A_47 = arith.constant 40 : i32
    %mul3A_48 = arith.muli %sub3A_46, %mul3A_47 : i32
    %add3A_49 = arith.addi %mul3A_2, %mul3A_48 : i32
    %dma_wait3A_50 = arith.constant 0 : i32
    %dma_wait3A_51 = tpu.memref_slice %arg4[%add3A_49, %dma_wait3A_50] : memref<100000x256xf32, #tpu.memory_space<hbm>> -> memref<40x256xf32, #tpu.memory_space<hbm>>
    %dma_wait3A_52 = arith.constant 0 : i32
    %dma_wait3A_53 = tpu.memref_slice %arg4[%add3A_49, %dma_wait3A_52] : memref<100000x256xf32, #tpu.memory_space<hbm>> -> memref<40x256xf32, #tpu.memory_space<hbm>>
    tpu.wait_dma2 semaphore(%arg19 : memref<!tpu.dma_semaphore, #tpu.memory_space<semaphore_mem>>) src(%arg15 : memref<40x256xf32, #tpu.memory_space<vmem>>) dst(%dma_wait3A_53 : memref<40x256xf32, #tpu.memory_space<hbm>>)
    return
  }
}

module attributes {stable_mosaic.version = 14 : i64} {
  func.func @_out1_body(%arg0: i32, %arg1: memref<64x8192xf32, #tpu.memory_space<vmem>>, %arg2: memref<131x8192xf32, #tpu.memory_space<vmem>>, %arg3: memref<195x256xf32, #tpu.memory_space<vmem>>, %arg4: memref<1x256xf32, #tpu.memory_space<vmem>>, %arg5: memref<8192x256xf32, #tpu.memory_space<vmem>>) attributes {dimension_semantics = [#tpu.dimension_semantics<arbitrary>], iteration_bounds = array<i64: 13>, scalar_prefetch = 0 : i64, scratch_operands = 0 : i64, tpu.core_type = #tpu.core_type<tc>, window_params = [{transform_indices = @transform_0, window_bounds = array<i64: 64, 8192>}, {transform_indices = @transform_1, window_bounds = array<i64: 131, 8192>}, {pipeline_mode = #tpu.pipeline_mode<synchronous>, transform_indices = @transform_2, window_bounds = array<i64: 195, 256>}, {pipeline_mode = #tpu.pipeline_mode<synchronous>, transform_indices = @transform_3, window_bounds = array<i64: 1, 256>}, {transform_indices = @transform_4, window_bounds = array<i64: 8192, 256>}]} {
    %get3A = arith.constant 0 : index
    %get3A_0 = arith.constant 0 : index
    %get3A_1 = vector.load %arg3[%get3A, %get3A_0] : memref<195x256xf32, #tpu.memory_space<vmem>>, vector<195x256xf32>
    %get3A_2 = arith.constant 0 : index
    %get3A_3 = arith.constant 0 : index
    %get3A_4 = vector.load %arg1[%get3A_2, %get3A_3] : memref<64x8192xf32, #tpu.memory_space<vmem>>, vector<64x8192xf32>
    %slice3A = vector.extract_strided_slice %get3A_1 {offsets = [0, 0], sizes = [64, 256], strides = [1, 1]} : vector<195x256xf32> to vector<64x256xf32>
    %dot_general3A = arith.constant dense<0.000000e+00> : vector<8192x256xf32>
    %dot_general3A_5 = tpu.matmul %get3A_4, %slice3A, %dot_general3A {dimension_numbers = #tpu.dot_dimension_numbers<[0], [0], [1], [1], [0, 1, 1, 1], [], []>, transpose_lhs_hint = false} : vector<64x8192xf32>, vector<64x256xf32>, vector<8192x256xf32> -> vector<8192x256xf32>
    %get3A_6 = arith.constant 0 : index
    %get3A_7 = arith.constant 0 : index
    %get3A_8 = vector.load %arg2[%get3A_6, %get3A_7] : memref<131x8192xf32, #tpu.memory_space<vmem>>, vector<131x8192xf32>
    %slice3A_9 = vector.extract_strided_slice %get3A_1 {offsets = [64, 0], sizes = [131, 256], strides = [1, 1]} : vector<195x256xf32> to vector<131x256xf32>
    %dot_general3A_10 = arith.constant dense<0.000000e+00> : vector<8192x256xf32>
    %dot_general3A_11 = tpu.matmul %get3A_8, %slice3A_9, %dot_general3A_10 {dimension_numbers = #tpu.dot_dimension_numbers<[0], [0], [1], [1], [0, 1, 1, 1], [], []>, transpose_lhs_hint = false} : vector<131x8192xf32>, vector<131x256xf32>, vector<8192x256xf32> -> vector<8192x256xf32>
    %add3A = arith.addf %dot_general3A_5, %dot_general3A_11 : vector<8192x256xf32>
    %get3A_12 = arith.constant 0 : index
    %get3A_13 = arith.constant 0 : index
    %get3A_14 = vector.load %arg4[%get3A_12, %get3A_13] : memref<1x256xf32, #tpu.memory_space<vmem>>, vector<1x256xf32>
    %add3A_15 = vector.broadcast %get3A_14 : vector<1x256xf32> to vector<8192x256xf32>
    %add3A_16 = arith.addf %add3A, %add3A_15 : vector<8192x256xf32>
    %swap3A = arith.constant 0 : index
    %swap3A_17 = arith.constant 0 : index
    %swap3A_18 = vector.load %arg5[%swap3A, %swap3A_17] : memref<8192x256xf32, #tpu.memory_space<vmem>>, vector<8192x256xf32>
    tpu.vector_store %arg5[%swap3A, %swap3A_17], %add3A_16 {strides = array<i32>} : memref<8192x256xf32, #tpu.memory_space<vmem>>, vector<8192x256xf32>,
    return
  }
  func.func @transform_0(%arg0: i32) -> (i32, i32) {
    %c0_i32 = arith.constant 0 : i32
    %c0_i32_0 = arith.constant 0 : i32
    return %c0_i32, %arg0 : i32, i32
  }
  func.func @transform_1(%arg0: i32) -> (i32, i32) {
    %c0_i32 = arith.constant 0 : i32
    %c0_i32_0 = arith.constant 0 : i32
    return %c0_i32, %arg0 : i32, i32
  }
  func.func @transform_2(%arg0: i32) -> (i32, i32) {
    %c0_i32 = arith.constant 0 : i32
    %c0_i32_0 = arith.constant 0 : i32
    %c0_i32_1 = arith.constant 0 : i32
    return %c0_i32, %c0_i32_0 : i32, i32
  }
  func.func @transform_3(%arg0: i32) -> (i32, i32) {
    %c0_i32 = arith.constant 0 : i32
    %c0_i32_0 = arith.constant 0 : i32
    %c0_i32_1 = arith.constant 0 : i32
    return %c0_i32, %c0_i32_0 : i32, i32
  }
  func.func @transform_4(%arg0: i32) -> (i32, i32) {
    %c0_i32 = arith.constant 0 : i32
    %c0_i32_0 = arith.constant 0 : i32
    return %arg0, %c0_i32 : i32, i32
  }
}

module attributes {stable_mosaic.version = 14 : i64} {
  func.func @_p_body(%arg0: i32, %arg1: memref<131x8192xf32, #tpu.memory_space<vmem>>, %arg2: memref<131x256xf32, #tpu.memory_space<vmem>>, %arg3: memref<1x256xf32, #tpu.memory_space<vmem>>, %arg4: memref<8192x256xf32, #tpu.memory_space<vmem>>) attributes {dimension_semantics = [#tpu.dimension_semantics<arbitrary>], iteration_bounds = array<i64: 13>, scalar_prefetch = 0 : i64, scratch_operands = 0 : i64, tpu.core_type = #tpu.core_type<tc>, window_params = [{transform_indices = @transform_0, window_bounds = array<i64: 131, 8192>}, {pipeline_mode = #tpu.pipeline_mode<synchronous>, transform_indices = @transform_1, window_bounds = array<i64: 131, 256>}, {pipeline_mode = #tpu.pipeline_mode<synchronous>, transform_indices = @transform_2, window_bounds = array<i64: 1, 256>}, {transform_indices = @transform_3, window_bounds = array<i64: 8192, 256>}]} {
    %get3A = arith.constant 0 : index
    %get3A_0 = arith.constant 0 : index
    %get3A_1 = vector.load %arg1[%get3A, %get3A_0] : memref<131x8192xf32, #tpu.memory_space<vmem>>, vector<131x8192xf32>
    %get3A_2 = arith.constant 0 : index
    %get3A_3 = arith.constant 0 : index
    %get3A_4 = vector.load %arg2[%get3A_2, %get3A_3] : memref<131x256xf32, #tpu.memory_space<vmem>>, vector<131x256xf32>
    %dot_general3A = arith.constant dense<0.000000e+00> : vector<8192x256xf32>
    %dot_general3A_5 = tpu.matmul %get3A_1, %get3A_4, %dot_general3A {dimension_numbers = #tpu.dot_dimension_numbers<[0], [0], [1], [1], [0, 1, 1, 1], [], []>, transpose_lhs_hint = false} : vector<131x8192xf32>, vector<131x256xf32>, vector<8192x256xf32> -> vector<8192x256xf32>
    %get3A_6 = arith.constant 0 : index
    %get3A_7 = arith.constant 0 : index
    %get3A_8 = vector.load %arg3[%get3A_6, %get3A_7] : memref<1x256xf32, #tpu.memory_space<vmem>>, vector<1x256xf32>
    %add3A = vector.broadcast %get3A_8 : vector<1x256xf32> to vector<8192x256xf32>
    %add3A_9 = arith.addf %dot_general3A_5, %add3A : vector<8192x256xf32>
    %swap3A = arith.constant 0 : index
    %swap3A_10 = arith.constant 0 : index
    %swap3A_11 = vector.load %arg4[%swap3A, %swap3A_10] : memref<8192x256xf32, #tpu.memory_space<vmem>>, vector<8192x256xf32>
    tpu.vector_store %arg4[%swap3A, %swap3A_10], %add3A_9 {strides = array<i32>} : memref<8192x256xf32, #tpu.memory_space<vmem>>, vector<8192x256xf32>,
    return
  }
  func.func @transform_0(%arg0: i32) -> (i32, i32) {
    %c0_i32 = arith.constant 0 : i32
    %c0_i32_0 = arith.constant 0 : i32
    return %c0_i32, %arg0 : i32, i32
  }
  func.func @transform_1(%arg0: i32) -> (i32, i32) {
    %c0_i32 = arith.constant 0 : i32
    %c0_i32_0 = arith.constant 0 : i32
    %c0_i32_1 = arith.constant 0 : i32
    return %c0_i32, %c0_i32_0 : i32, i32
  }
  func.func @transform_2(%arg0: i32) -> (i32, i32) {
    %c0_i32 = arith.constant 0 : i32
    %c0_i32_0 = arith.constant 0 : i32
    %c0_i32_1 = arith.constant 0 : i32
    return %c0_i32, %c0_i32_0 : i32, i32
  }
  func.func @transform_3(%arg0: i32) -> (i32, i32) {
    %c0_i32 = arith.constant 0 : i32
    %c0_i32_0 = arith.constant 0 : i32
    return %arg0, %c0_i32 : i32, i32
  }
}

</mosaic_0001>

<sc_bundles>
// kernel: kernel.5.cloned.1.call-start
scs
__scs_entry_jumppad:
0x0: {  	(pc) =	sbr.rel $0x88, $3  }
0x1: {  	(tag) =	ssettag $0x0;
	lr =	simm.s32 $0x1  }
0x2: {  	[smem:$0x3F9A] =	sst lr;
	_ =	strace $0xD0000000  }
0x3: {  	_ = 	snop  }
0x4: {  	_ = 	snop  }
0x5: {  	_ = 	snop  }
0x6: {  	_ = 	snop  }
0x7: {  	_ = 	snop  }
__scs_overlays_trampoline_lowered:
0x8: {  	[smem:$0x3FA9] =	sst s0  }
0x9: {  	[smem:$0x3FAA] =	sst s1  }
0xa: {  	[smem:$0x3FAB] =	sst s2  }
0xb: {  	[smem:$0x3FAC] =	sst s3  }
0xc: {  	[smem:$0x3FAD] =	sst s4  }
0xd: {  	[smem:$0x3FAE] =	sst s5  }
0xe: {  	[smem:$0x3FAF] =	sst s6  }
0xf: {  	[smem:$0x3FB0] =	sst s7  }
0x10: {  	[smem:$0x3FB1] =	sst s8  }
0x11: {  	[smem:$0x3FB2] =	sst s9;
	s0 =	simm.s32 @!p0 $0x0  }
0x12: {  	s1 =	sld [smem:$0x3F98];
	s0 =	simm.s32 @p0 $0x1  }
0x13: {  	[smem:$0x3FB3] =	sst s0;
	s0 =	simm.s32 @!p1 $0x0  }
0x14: {  	s2 =	sld [smem:$0x3F97];
	s0 =	simm.s32 @p1 $0x1  }
0x15: {  	[smem:$0x3FB4] =	sst s0;
	s0 =	simm.s32 @!p2 $0x0  }
0x16: {  	s3 =	sld [smem:$0x3FDB];
	s0 =	simm.s32 @p2 $0x1  }
0x17: {  	s4 =	simm.s32 $0x1BF5;
	[smem:$0x3FB6] =	sst s0  }
0x18: {  	s0 =	sld [smem:$0x3F99];
	_ =	swait.ge [sflag:s4], $0x0  }
0x19: {  	s7 =	sld [smem:$0x3F9A]  }
0x1a: {  	s8 =	sadd.s32 $0xFFFFE003, lr  }
0x1b: {  	s9 =	sadd.s32 $0xFFFFFEF7, lr;
	s5 =	simm.s32 $0xFFFFFFFF;
	p2 =	slt.u32 s8, $0xFFFFF086  }
0x1c: {  	p1 =	slt.u32 s9, $0xF7A;
	s5 =	simm.s32 @!p2 $0x0  }
0x1d: {  	s5 =	simm.s32 @p1 $0x1;
	p0 =	seq.s32 s7, s2  }
0x1e: {  	s7 =	smul.u32 @!p0 $0xF7A, s2;
	p2 =	seq.s32 @!p0 s5, $0x0  }
0x1f: {  	s9 =	smul.u32 $0xF7A, s1;
	s8 =	simm.s32 @!p0 $0x1BF5;
	p2 =	por !p2, p0  }
0x20: {  	[sflag:s8] =	ssyncset.s32 @!p0 $0xFFFFF086;
	s6 =	sadd.s32 @!p0 s3, s7;
	s7 =	simm.s32 @!p0 $0x108  }
0x21: {  	s3 =	sadd.s32 s3, s9;
	s6 =	sadd.s32 @!p0 $0x88, s6;
	s7 =	simm.s32 @p2 $0x1082  }
0x22: {  	[simem:s7], [sflag:s8] =	dma.local @!p0 [hbm:s6], $0xF7A  }
0x23: {  	s9 =	sor.u32 $0xD0000000, s2;
	s6 =	simm.s32 $0x108;
	_ =	swait.ge @!p0 [sflag:s8], $0x0  }
0x24: {  	s3 =	sadd.s32 $0x88, s3;
	s6 =	simm.s32 @!p1 $0x1082;
	[sflag:s4] =	ssyncset.s32 $0xFFFFF086  }
0x25: {  	[simem:s6], [sflag:s4] =	dma.local [hbm:s3], $0xF7A  }
0x26: {  	[smem:$0x3F9A] =	sst s1;
	(tag) =	ssettag s2;
	_ =	strace s9  }
0x27: {  	s1 =	sld [smem:$0x3FAA]  }
0x28: {  	s2 =	sld [smem:$0x3FAB]  }
0x29: {  	s4 =	sld [smem:$0x3FAD]  }
0x2a: {  	p0 =	seq.s32 s5, $0x0;
	s5 =	sld [smem:$0x3FAE]  }
0x2b: {  	s6 =	sld [smem:$0x3FAF]  }
0x2c: {  	s7 =	sld [smem:$0x3FB0]  }
0x2d: {  	s3 =	simm.s32 $0x108;
	s8 =	sld [smem:$0x3FB1]  }
0x2e: {  	s3 =	simm.s32 @!p0 $0x1082;
	s9 =	sld [smem:$0x3FB2]  }
0x2f: {  	lr =	sadd.s32 s0, s3;
	s0 =	sld [smem:$0x3FA9]  }
0x30: {  	s3 =	sld [smem:$0x3FAC]  }
0x31: {  	[smem:$0x3FB5] =	sst s10  }
0x32: {  	s10 =	sld [smem:$0x3FB3];
	_ =	sdelay $0x3  }
0x33: {  	p0 =	seq.s32 s10, $0x1;
	s10 =	sld [smem:$0x3FB5];
	_ =	sdelay $0x3  }
0x34: {  	[smem:$0x3FB5] =	sst s10  }
0x35: {  	s10 =	sld [smem:$0x3FB4];
	_ =	sdelay $0x3  }
0x36: {  	p1 =	seq.s32 s10, $0x1;
	s10 =	sld [smem:$0x3FB5];
	_ =	sdelay $0x3  }
0x37: {  	[smem:$0x3FB5] =	sst s10  }
0x38: {  	s10 =	sld [smem:$0x3FB6]  }
0x39: {  	_ = 	snop;
	(pc) =	sbr.ind lr, $3  }
0x3a: {  	_ = 	snop  }
0x3b: {  	_ = 	snop  }
0x3c: {  	p2 =	seq.s32 s10, $0x1;
	s10 =	sld [smem:$0x3FB5]  }
0x3d: {  	_ =	shalt  }
0x3e: {  	_ =	shalt  }
0x3f: {  	_ =	shalt  }
0x40: {  	_ =	shalt  }
0x41: {  	_ =	shalt  }
0x42: {  	_ =	shalt  }
0x43: {  	_ =	shalt  }
0x44: {  	_ =	shalt  }
0x45: {  	_ =	shalt  }
0x46: {  	_ =	shalt  }
0x47: {  	_ =	shalt  }
0x48: {  	_ =	shalt  }
0x49: {  	_ =	shalt  }
0x4a: {  	_ =	shalt  }
0x4b: {  	_ =	shalt  }
0x4c: {  	_ =	shalt  }
0x4d: {  	_ =	shalt  }
0x4e: {  	_ =	shalt  }
0x4f: {  	_ =	shalt  }
0x50: {  	_ =	shalt  }
0x51: {  	_ =	shalt  }
0x52: {  	_ =	shalt  }
0x53: {  	_ =	shalt  }
0x54: {  	_ =	shalt  }
0x55: {  	_ =	shalt  }
0x56: {  	_ =	shalt  }
0x57: {  	_ =	shalt  }
0x58: {  	_ =	shalt  }
0x59: {  	_ =	shalt  }
0x5a: {  	_ =	shalt  }
0x5b: {  	_ =	shalt  }
0x5c: {  	_ =	shalt  }
0x5d: {  	_ =	shalt  }
0x5e: {  	_ =	shalt  }
0x5f: {  	_ =	shalt  }
0x60: {  	_ =	shalt  }
0x61: {  	_ =	shalt  }
0x62: {  	_ =	shalt  }
0x63: {  	_ =	shalt  }
0x64: {  	_ =	shalt  }
0x65: {  	_ =	shalt  }
0x66: {  	_ =	shalt  }
0x67: {  	_ =	shalt  }
0x68: {  	_ =	shalt  }
0x69: {  	_ =	shalt  }
0x6a: {  	_ =	shalt  }
0x6b: {  	_ =	shalt  }
0x6c: {  	_ =	shalt  }
0x6d: {  	_ =	shalt  }
0x6e: {  	_ =	shalt  }
0x6f: {  	_ =	shalt  }
0x70: {  	_ =	shalt  }
0x71: {  	_ =	shalt  }
0x72: {  	_ =	shalt  }
0x73: {  	_ =	shalt  }
0x74: {  	_ =	shalt  }
0x75: {  	_ =	shalt  }
0x76: {  	_ =	shalt  }
0x77: {  	_ =	shalt  }
0x78: {  	_ =	shalt  }
0x79: {  	_ =	shalt  }
0x7a: {  	_ =	shalt  }
0x7b: {  	_ =	shalt  }
0x7c: {  	_ =	shalt  }
0x7d: {  	_ =	shalt  }
0x7e: {  	_ =	shalt  }
0x7f: {  	_ =	shalt  }
0x80: {  	_ =	shalt  }
0x81: {  	_ =	shalt  }
0x82: {  	_ =	shalt  }
0x83: {  	_ =	shalt  }
0x84: {  	_ =	shalt  }
0x85: {  	_ =	shalt  }
0x86: {  	_ =	shalt  }
0x87: {  	_ =	shalt  }
.Lfunc_end0:
.L_simem_size_0:
called_computation_lowered:
.L_overlay_start_0:
0x88: {  	s2 =	sld [smem:$0x3FD9]  }
0x89: {  	s3 =	sld [smem:$0x3FFE];
	_ =	sdelay $0x1  }
0x8a: {  	s1 =	srdreg.scid  }
0x8b: {  	s0 =	sand.u32 $0x1, s1  }
0x8c: {  	s14 =	sshll.u32 s0, $0xA;
	s2 =	sadd.s32 s3, s2  }
0x8d: {  	s2 =	sadd.s32 s2, s14  }
0x8e: {  	[smem:$0x3FC1] =	sst s2  }
0x8f: {  	_ = 	snop  }
0x90: {  	s2 =	sld [smem:$0x3FD0];
	_ =	sdelay $0x2  }
0x91: {  	s15 =	simm.s32 $0xA;
	s4 =	simm.s32 $0x10  }
0x92: {  	[smem:s4], [sflag:s15] =	dma.local [hbm:s2], $0x1  }
0x93: {  	_ =	swait.eq [sflag:s15], $0x1  }
0x94: {  	[sflag:s15] =	ssyncset.done $0x0  }
0x95: {  	[sflag:s15] =	ssyncadd.s32 $0xFFFFFFFF  }
0x96: {  	s16 =	sld [smem:$0x11];
	(tm) =	ssettm $0x1  }
0x97: {  	s17 =	sld [smem:$0x3FFB];
	_ =	sdelay $0x3  }
0x98: {  	_ =	strace s17  }
0x99: {  	s3 =	sld [smem:$0x3FFC];
	_ =	sdelay $0x3  }
0x9a: {  	_ =	strace s3  }
0x9b: {  	s3 =	sld [smem:$0x3FFD];
	_ =	sdelay $0x3  }
0x9c: {  	_ =	strace s3  }
0x9d: {  	_ =	strace $0x8FFFFFFF  }
0x9e: {  	s18 =	sld [smem:$0x3FDB];
	_ =	sdelay $0x1  }
0x9f: {  	s19 =	simm.s32 $_scs_section_size  }
0xa0: {  	s5 =	simm.s32 $_size__tile_overlayer_lowered;
	s6 =	simm.s32 $_tile_overlayer_lowered  }
0xa1: {  	s22 =	simm.s32 $0x1BFF;
	s21 =	sshll.u32 s6, $0x1;
	s3 =	sadd.s32 s19, s18  }
0xa2: {  	s7 =	simm.s32 $0x0;
	s20 =	sshll.u32 s5, $0x1;
	s5 =	sadd.s32 s21, s3  }
0xa3: {  	[timem:s7], [sflag:s22] =	dma.local [hbm:s5], s20  }
0xa4: {  	_ =	swait.ge [sflag:s22], s20  }
0xa5: {  	s4 =	ssub.s32 $0x0, s20;
	[sflag:s22] =	ssyncset.done $0x0  }
0xa6: {  	[sflag:s22] =	ssyncadd.s32 s4;
	_ =	sdelay $0x1  }
0xa7: {  	s23 =	simm.s32 $0x1B8B  }
0xa8: {  	_ =	swait.ge [sflag:s23], $0x1  }
0xa9: {  	[sflag:s23] =	ssyncset.done $0x0  }
0xaa: {  	s25 =	simm.s32 $0x1B8E;
	s24 =	sld [smem:$0x3FFE];
	[sflag:s23] =	ssyncadd.s32 $0xFFFFFFFF  }
0xab: {  	s26 =	simm.s32 $execute0_lowered;
	[smem:$0x3FD2] =	sst s25  }
0xac: {  	s5 =	sshll.u32 s26, $0x1;
	_ =	strace $0x80000046;
	[dreg:$0x1] =	wrdreg $0xFFFFFFFF  }
0xad: {  	s28 =	simm.s32 $_size_execute0_lowered;
	s3 =	sadd.s32 s3, s5;
	[dreg:$0x0] =	wrdreg $0x0  }
0xae: {  	s5 =	sshll.u32 s28, $0x1;
	[dreg:$0x2] =	wrdreg s3  }
0xaf: {  	[dreg:$0x3] =	wrdreg s5  }
0xb0: {  	[dreg:$0x4] =	wrdreg $0xC0  }
0xb1: {  	_ =	task [dreg:s7], $0x5FFFF  }
0xb2: {  	[dreg:$0x1] =	wrdreg $0xFFFFFFFF  }
0xb3: {  	[dreg:$0x0] =	wrdreg $0x60  }
0xb4: {  	[dreg:$0x2] =	wrdreg s24  }
0xb5: {  	[dreg:$0x3] =	wrdreg s16  }
0xb6: {  	[dreg:$0x4] =	wrdreg $0x9  }
0xb7: {  	_ =	task.clear_ibuf [dreg:s7], $0x5FFFF;
	_ =	strace $0x90000046  }
0xb8: {  	s29 =	simm.s32 $0x9;
	_ =	strace $0x80000048  }
0xb9: {  	_ =	swait.ge [sflag:s29], $0x1  }
0xba: {  	[sflag:s29] =	ssyncadd.s32 $0xFFFFFFFF  }
0xbb: {  	_ =	strace $0x90000048  }
0xbc: {  	_ =	sfence  }
0xbd: {  	s30 =	sld [smem:$0x0];
	_ =	sdelay $0x2  }
0xbe: {  	s31 =	sshll.u32 s1, $0xD;
	s1 =	sshrl.u32 s1, $0x2  }
0xbf: {  	s3 =	sand.u32 $0x4000, s31;
	s1 =	sadd.s32 s1, s30  }
0xc0: {  	s0 =	sor.u32 s3, s0;
	s1 =	sshll.u32 s1, $0x11  }
0xc1: {  	s0 =	sor.u32 s1, s0  }
0xc2: {  	s0 =	sadd.s32 $0x8F2B, s0  }
0xc3: {  	[sflag:s0] =	ssyncadd.remote.s32 $0x1  }
0xc4: {  	_ =	sfence.sel $0xFFFF  }
0xc5: {  	[dreg:$0x0] =	wrdreg $0xFFFFFFFF;
	(pc) =	sbr.abs _section_cstart, $3  }
0xc6: {  	[dreg:$0x1] =	wrdreg $0xFFFFFFFF  }
0xc7: {  	_ =	task.clear_ibuf [dreg:s7], $0x2FFFF;
	_ =	strace $0x9FFFFFFF  }
0xc8: {  	(tm) =	ssettm $0x7FFFFFFF  }
0xc9: {  	_ =	shalt  }
tec
execute0_lowered:
.L_overlay_start_1:
0x0: {  	(tag) =	ssettag $0x1  }
0x1: {  	s0 =	srdreg.scid;
	s2 =	stileid.u32  }
0x2: {  	s1 =	rddreg [dreg:$0x0];
	s13 =	simm.s32 $0x11580;
	s30 =	simm.s32 $0x13D80  }
0x3: {  	s9 =	simm.s32 $0xA580;
	s10 =	simm.s32 $0xAD80;
	s11 =	simm.s32 $0xB580  }
0x4: {  	s12 =	simm.s32 $0xBD80;
	s14 =	simm.s32 $0xED80;
	s15 =	simm.s32 $0xF580  }
0x5: {  	s16 =	simm.s32 $0xFD80;
	s17 =	simm.s32 $0x10580;
	s18 =	simm.s32 $0x10D80  }
0x6: {  	s19 =	simm.s32 $0x1;
	s20 =	simm.s32 $0x2;
	s22 =	simm.s32 $0x0  }
0x7: {  	s0 =	sand.u32 $0x1, s0;
	s3 =	sshll.u32 s2, $0x1;
	s2 =	rddreg [dreg:$0x1]  }
0x8: {  	s5 =	sadd.s32 $0xA000, s1;
	s29 =	sadd.s32 $0x3C70, s1;
	s31 =	sadd.s32 $0x6D44, s1  }
0x9: {  	s6 =	sor.u32 s0, s3;
	s3 =	simm.s32 $0x0;
	s0 =	ssub.s32 $0x2, s0  }
0xa: {  	s4 =	smul.u32 $0xC80, s6;
	[smem:$0x7FF] =	sst s3;
	s8 =	sshrl.u32 s0, $0x1  }
0xb: {  	_ =	strace $0x80000047;
	s0 =	ssub.s32 s0, s8;
	[dreg:$0x6] =	wrdreg s29  }
0xc: {  	v2 =	vlaneseq.u32;
	[dreg:$0x7] =	wrdreg s31;
	s7 =	sshrl.u32 s4, $0x3;
	s0 =	smax.u32 s0, $0x1  }
0xd: {  	v1 =	vshrl.u32 v2, $0x3;
	s7 =	sadd.s32 s7, s1;
	s1 =	sadd.s32 $0x9E18, s1;
	[dreg:$0x9] =	wrdreg s0  }
0xe: {  	v0 =	vand.u32 $0x7, v2;
	v62 =	vmul.u32 $0x8, v1;
	p0 =	seq.s32 s6, $0x1F;
	s26 =	sadd.s32 $0xC00, s7;
	[dreg:$0x8] =	wrdreg s1  }
0xf: {  	s6 =	simm.s32 $0x6580;
	[tilespmem:$0x1FFD0] =	vst v0;
	s28 =	sadd.s32 $0x3CD4, s7;
	[dreg:$0x3] =	wrdreg s26  }
0x10: {  	v63 =	vor.u32 $0x8, v2;
	s8 =	simm.s32 $0x9D80;
	[tilespmem:$0x1FFE0] =	vst v62;
	s7 =	sadd.s32 $0x6DA8, s7;
	[dreg:$0x4] =	wrdreg s28  }
0x11: {  	vm0 =	vmmov $0xffff;
	[tilespmem:$0x1FFF0] =	vst v63;
	s0 =	simm.s32 $0x5D80;
	[dreg:$0x5] =	wrdreg s7;
	s7 =	simm.s32 $0x6D80  }
.LBB2_1:
0x12: {  	[dreg:$0xa] =	wrdreg s22  }
0x13: {  	s21 =	simm.s32 @p0 $0x0;
	s1 =	rddreg [dreg:$0x6];
	s22 =	simm.s32 @p0 $0x5  }
0x14: {  	[tilespmem:s21], [sflag:$0x5] =	stream.linear.gather @p0 [hbm4b:s1+s21], $0x320, $0x38;
	[tilespmem:$0x16580] =	vst v63  }
0x15: {  	_ =	swait.ge @p0 [sflag:s22], $0x320  }
0x16: {  	[sflag:s22] =	ssyncset.done @p0 $0x0  }
0x17: {  	s23 =	simm.s32 @p0 $0xC80;
	s1 =	rddreg [dreg:$0x7];
	[sflag:s22] =	ssyncadd.s32 @p0 $0xFFFFFCE0  }
0x18: {  	[tilespmem:s23], [sflag:$0x5] =	stream.linear.gather @p0 [hbm4b:s1+s21], $0x320, $0x38;
	[tilespmem:$0x16580] =	vst v63  }
0x19: {  	_ =	swait.ge @p0 [sflag:s22], $0x320  }
0x1a: {  	[sflag:s22] =	ssyncset.done @p0 $0x0  }
0x1b: {  	s23 =	simm.s32 @p0 $0x1900;
	s1 =	rddreg [dreg:$0x8];
	[sflag:s22] =	ssyncadd.s32 @p0 $0xFFFFFCE0  }
0x1c: {  	[tilespmem:s23], [sflag:$0x5] =	stream.linear.gather @p0 [hbm4b:s1+s21], $0x320, $0x38;
	[tilespmem:$0x16580] =	vst v63  }
0x1d: {  	_ =	swait.ge @p0 [sflag:s22], $0x320  }
0x1e: {  	s21 =	simm.s32 @!p0 $0x0;
	[sflag:s22] =	ssyncset.done @p0 $0x0  }
0x1f: {  	s1 =	rddreg [dreg:$0x3];
	[sflag:s22] =	ssyncadd.s32 @p0 $0xFFFFFCE0;
	s22 =	simm.s32 @!p0 $0x5  }
0x20: {  	[tilespmem:s21], [sflag:$0x5] =	stream.linear.gather @!p0 [hbm4b:s1+s21], $0xC80, $0x38;
	[tilespmem:$0x16580] =	vst v63  }
0x21: {  	_ =	swait.ge @!p0 [sflag:s22], $0xC80  }
0x22: {  	[sflag:s22] =	ssyncset.done @!p0 $0x0  }
0x23: {  	s23 =	simm.s32 @!p0 $0xC80;
	s1 =	rddreg [dreg:$0x4];
	[sflag:s22] =	ssyncadd.s32 @!p0 $0xFFFFF380  }
0x24: {  	[tilespmem:s23], [sflag:$0x5] =	stream.linear.gather @!p0 [hbm4b:s1+s21], $0xC80, $0x38;
	[tilespmem:$0x16580] =	vst v63  }
0x25: {  	_ =	swait.ge @!p0 [sflag:s22], $0xC80  }
0x26: {  	[sflag:s22] =	ssyncset.done @!p0 $0x0  }
0x27: {  	s23 =	simm.s32 @!p0 $0x1900;
	s1 =	rddreg [dreg:$0x5];
	[sflag:s22] =	ssyncadd.s32 @!p0 $0xFFFFF380  }
0x28: {  	[tilespmem:s23], [sflag:$0x5] =	stream.linear.gather @!p0 [hbm4b:s1+s21], $0xC80, $0x38;
	[tilespmem:$0x16580] =	vst v63  }
0x29: {  	_ =	swait.ge @!p0 [sflag:s22], $0xC80  }
0x2a: {  	s21 =	simm.s32 @!p0 $0x28;
	[sflag:s22] =	ssyncset.done @!p0 $0x0  }
0x2b: {  	s21 =	simm.s32 @p0 $0xA;
	[sflag:s22] =	ssyncadd.s32 @!p0 $0xFFFFF380;
	s22 =	simm.s32 $0x0  }
.LBB2_2:
0x2c: {  	p1 =	seq.s32 s22, $0x0;
	s25 =	smul.u32 $0x50, s22  }
0x2d: {  	s23 =	simm.s32 @!p1 $0x3  }
0x2e: {  	_ =	swait.ge @!p1 [sflag:s23], $0x2800;
	s24 =	sadd.s32 s4, s25  }
0x2f: {  	[sflag:s23] =	ssyncset.done @!p1 $0x0;
	s24 =	sshll.u32 s24, $0x5  }
0x30: {  	[sflag:s23] =	ssyncadd.s32 @!p1 $0xFFFFD800;
	s1 =	sadd.s32 s5, s24  }
0x31: {  	[tilespmem:s13], [sflag:$0x1] =	stream.linear.gather [hbm4b:s1+s3], $0x2800, $0x38;
	[tilespmem:$0x16580] =	vst v63  }
0x32: {  	v3 =	vld [tilespmem:s25+$0x0];
	_ =	sdelay $0x2  }
0x33: {  	v0 =	vld [tilespmem:$0x1FFD0]  }
0x34: {  	v1 =	vld [tilespmem:$0x1FFE0]  }
0x35: {  	v2 =	vld [tilespmem:$0x1FFF0];
	v4 =	vshll.u32 v3, $0x1  }
0x36: {  	v3 =	vand.u32 $0x7, v3;
	v4 =	vand.u32 $0xFFFFFFF0, v4  }
0x37: {  	v3 =	vor.u32 v3, v4  }
0x38: {  	v4 =	vperm.xlane v3, v0;
	_ =	sdelay $0x1  }
0x39: {  	v3 =	vperm.xlane v3, v2;
	v4 =	vadd.s32 v1, v4;
	_ =	sdelay $0x1  }
0x3a: {  	v3 =	vadd.s32 v1, v3;
	_ =	sdelay $0x1  }
0x3b: {  	s1 =	simm.s32 $0x2580  }
0x3c: {  	[tilespmem:s1], [sflag:$0x1] =	stream.indirect_vreg.gather [hbm4b:s5+s3], $0x80, v4, vm0, $0xb8;
	[tilespmem:$0x16580] =	vst v63  }
0x3d: {  	s26 =	simm.s32 $0x2D80  }
0x3e: {  	[tilespmem:s26], [sflag:$0x1] =	stream.indirect_vreg.gather [hbm4b:s5+s3], $0x80, v3, vm0, $0xb8;
	[tilespmem:$0x16580] =	vst v63  }
0x3f: {  	v3 =	vld.msk [tilespmem:s25+$0x10], $0xff;
	_ =	sdelay $0x4  }
0x40: {  	v4 =	vshll.u32 v3, $0x1  }
0x41: {  	v3 =	vand.u32 $0x7, v3;
	v4 =	vand.u32 $0xFFFFFFF0, v4  }
0x42: {  	v3 =	vor.u32 v3, v4  }
0x43: {  	v3 =	vperm.xlane v3, v0;
	_ =	sdelay $0x1  }
0x44: {  	v3 =	vadd.s32 v1, v3;
	_ =	sdelay $0x3  }
0x45: {  	s31 =	simm.s32 $0x3580  }
0x46: {  	[tilespmem:s31], [sflag:$0x1] =	stream.indirect_vreg.gather [hbm4b:s5+s3], $0x80, v3, vm0, $0xb8;
	[tilespmem:$0x16580] =	vst v63  }
0x47: {  	v3 =	vld [tilespmem:s25+$0x18];
	_ =	sdelay $0x4  }
0x48: {  	v4 =	vshll.u32 v3, $0x1  }
0x49: {  	v3 =	vand.u32 $0x7, v3;
	v4 =	vand.u32 $0xFFFFFFF0, v4  }
0x4a: {  	v3 =	vor.u32 v3, v4  }
0x4b: {  	v4 =	vperm.xlane v3, v0;
	_ =	sdelay $0x1  }
0x4c: {  	v3 =	vperm.xlane v3, v2;
	v4 =	vadd.s32 v1, v4;
	_ =	sdelay $0x1  }
0x4d: {  	v3 =	vadd.s32 v1, v3;
	_ =	sdelay $0x1  }
0x4e: {  	s23 =	simm.s32 $0x3D80  }
0x4f: {  	[tilespmem:s23], [sflag:$0x1] =	stream.indirect_vreg.gather [hbm4b:s5+s3], $0x80, v4, vm0, $0xb8;
	[tilespmem:$0x16580] =	vst v63  }
0x50: {  	s26 =	simm.s32 $0x4580  }
0x51: {  	[tilespmem:s26], [sflag:$0x1] =	stream.indirect_vreg.gather [hbm4b:s5+s3], $0x80, v3, vm0, $0xb8;
	[tilespmem:$0x16580] =	vst v63  }
0x52: {  	v3 =	vld [tilespmem:s25+$0xC80];
	_ =	sdelay $0x4  }
0x53: {  	v4 =	vshll.u32 v3, $0x1  }
0x54: {  	v3 =	vand.u32 $0x7, v3;
	v4 =	vand.u32 $0xFFFFFFF0, v4  }
0x55: {  	v3 =	vor.u32 v3, v4  }
0x56: {  	v4 =	vperm.xlane v3, v0;
	_ =	sdelay $0x1  }
0x57: {  	v3 =	vperm.xlane v3, v2;
	v4 =	vadd.s32 v1, v4;
	_ =	sdelay $0x1  }
0x58: {  	v3 =	vadd.s32 v1, v3;
	_ =	sdelay $0x1  }
0x59: {  	s31 =	simm.s32 $0x7580  }
0x5a: {  	[tilespmem:s31], [sflag:$0x1] =	stream.indirect_vreg.gather [hbm4b:s5+s3], $0x80, v4, vm0, $0xb8;
	[tilespmem:$0x16580] =	vst v63  }
0x5b: {  	s23 =	simm.s32 $0x7D80  }
0x5c: {  	[tilespmem:s23], [sflag:$0x1] =	stream.indirect_vreg.gather [hbm4b:s5+s3], $0x80, v3, vm0, $0xb8;
	[tilespmem:$0x16580] =	vst v63  }
0x5d: {  	v3 =	vld.msk [tilespmem:s25+$0xC90], $0xff;
	_ =	sdelay $0x4  }
0x5e: {  	v4 =	vshll.u32 v3, $0x1  }
0x5f: {  	v3 =	vand.u32 $0x7, v3;
	v4 =	vand.u32 $0xFFFFFFF0, v4  }
0x60: {  	v3 =	vor.u32 v3, v4  }
0x61: {  	v3 =	vperm.xlane v3, v0;
	_ =	sdelay $0x1  }
0x62: {  	v3 =	vadd.s32 v1, v3;
	_ =	sdelay $0x3  }
0x63: {  	s26 =	simm.s32 $0x8580  }
0x64: {  	[tilespmem:s26], [sflag:$0x1] =	stream.indirect_vreg.gather [hbm4b:s5+s3], $0x80, v3, vm0, $0xb8;
	[tilespmem:$0x16580] =	vst v63  }
0x65: {  	v3 =	vld [tilespmem:s25+$0xC98];
	_ =	sdelay $0x4  }
0x66: {  	v4 =	vshll.u32 v3, $0x1  }
0x67: {  	v3 =	vand.u32 $0x7, v3;
	v4 =	vand.u32 $0xFFFFFFF0, v4  }
0x68: {  	v3 =	vor.u32 v3, v4  }
0x69: {  	v4 =	vperm.xlane v3, v0;
	_ =	sdelay $0x1  }
0x6a: {  	v3 =	vperm.xlane v3, v2;
	v4 =	vadd.s32 v1, v4;
	_ =	sdelay $0x1  }
0x6b: {  	v3 =	vadd.s32 v1, v3;
	_ =	sdelay $0x1  }
0x6c: {  	s31 =	simm.s32 $0x8D80  }
0x6d: {  	[tilespmem:s31], [sflag:$0x1] =	stream.indirect_vreg.gather [hbm4b:s5+s3], $0x80, v4, vm0, $0xb8;
	[tilespmem:$0x16580] =	vst v63  }
0x6e: {  	s23 =	simm.s32 $0x9580  }
0x6f: {  	[tilespmem:s23], [sflag:$0x1] =	stream.indirect_vreg.gather [hbm4b:s5+s3], $0x80, v3, vm0, $0xb8;
	[tilespmem:$0x16580] =	vst v63  }
0x70: {  	v3 =	vld [tilespmem:s25+$0x1900];
	_ =	sdelay $0x4  }
0x71: {  	v4 =	vshll.u32 v3, $0x1  }
0x72: {  	v3 =	vand.u32 $0x7, v3;
	v4 =	vand.u32 $0xFFFFFFF0, v4  }
0x73: {  	v3 =	vor.u32 v3, v4  }
0x74: {  	v4 =	vperm.xlane v3, v0;
	_ =	sdelay $0x1  }
0x75: {  	v3 =	vperm.xlane v3, v2;
	v4 =	vadd.s32 v1, v4;
	_ =	sdelay $0x1  }
0x76: {  	v3 =	vadd.s32 v1, v3;
	_ =	sdelay $0x1  }
0x77: {  	s26 =	simm.s32 $0xC580  }
0x78: {  	[tilespmem:s26], [sflag:$0x1] =	stream.indirect_vreg.gather [hbm4b:s5+s3], $0x80, v4, vm0, $0xb8;
	[tilespmem:$0x16580] =	vst v63  }
0x79: {  	s31 =	simm.s32 $0xCD80  }
0x7a: {  	[tilespmem:s31], [sflag:$0x1] =	stream.indirect_vreg.gather [hbm4b:s5+s3], $0x80, v3, vm0, $0xb8;
	[tilespmem:$0x16580] =	vst v63  }
0x7b: {  	v3 =	vld.msk [tilespmem:s25+$0x1910], $0xff;
	_ =	sdelay $0x4  }
0x7c: {  	v4 =	vshll.u32 v3, $0x1  }
0x7d: {  	v3 =	vand.u32 $0x7, v3;
	v4 =	vand.u32 $0xFFFFFFF0, v4  }
0x7e: {  	v3 =	vor.u32 v3, v4  }
0x7f: {  	v3 =	vperm.xlane v3, v0;
	_ =	sdelay $0x1  }
0x80: {  	v3 =	vadd.s32 v1, v3;
	_ =	sdelay $0x3  }
0x81: {  	s23 =	simm.s32 $0xD580  }
0x82: {  	[tilespmem:s23], [sflag:$0x1] =	stream.indirect_vreg.gather [hbm4b:s5+s3], $0x80, v3, vm0, $0xb8;
	[tilespmem:$0x16580] =	vst v63  }
0x83: {  	v3 =	vld [tilespmem:s25+$0x1918];
	_ =	sdelay $0x4  }
0x84: {  	v4 =	vshll.u32 v3, $0x1  }
0x85: {  	v3 =	vand.u32 $0x7, v3;
	v4 =	vand.u32 $0xFFFFFFF0, v4  }
0x86: {  	v3 =	vor.u32 v3, v4  }
0x87: {  	v4 =	vperm.xlane v3, v0;
	_ =	sdelay $0x1  }
0x88: {  	v3 =	vperm.xlane v3, v2;
	v4 =	vadd.s32 v1, v4;
	_ =	sdelay $0x1  }
0x89: {  	v3 =	vadd.s32 v1, v3;
	_ =	sdelay $0x1  }
0x8a: {  	s26 =	simm.s32 $0xDD80  }
0x8b: {  	[tilespmem:s26], [sflag:$0x1] =	stream.indirect_vreg.gather [hbm4b:s5+s3], $0x80, v4, vm0, $0xb8;
	[tilespmem:$0x16580] =	vst v63  }
0x8c: {  	s1 =	sadd.s32 $0x28, s25;
	s31 =	simm.s32 $0xE580;
	s26 =	simm.s32 @!p1 $0x4  }
0x8d: {  	[tilespmem:s31], [sflag:$0x1] =	stream.indirect_vreg.gather [hbm4b:s5+s3], $0x80, v3, vm0, $0xb8;
	[tilespmem:$0x16580] =	vst v63  }
0x8e: {  	s23 =	sadd.s32 s4, s1;
	_ =	swait.ge @!p1 [sflag:s26], $0x2800  }
0x8f: {  	s23 =	sshll.u32 s23, $0x5;
	[sflag:s26] =	ssyncset.done @!p1 $0x0  }
0x90: {  	s28 =	sadd.s32 s5, s23;
	[sflag:s26] =	ssyncadd.s32 @!p1 $0xFFFFD800;
	s26 =	simm.s32 $0x0  }
0x91: {  	[tilespmem:s30], [sflag:$0x2] =	stream.linear.gather [hbm4b:s28+s26], $0x2800, $0x38;
	[tilespmem:$0x16580] =	vst v63  }
0x92: {  	v32 =	vld [tilespmem:s25+$0x28];
	_ =	sdelay $0x4  }
0x93: {  	v4 =	vshll.u32 v32, $0x1  }
0x94: {  	v3 =	vand.u32 $0x7, v32;
	v4 =	vand.u32 $0xFFFFFFF0, v4  }
0x95: {  	v3 =	vor.u32 v3, v4  }
0x96: {  	v4 =	vperm.xlane v3, v0;
	_ =	sdelay $0x1  }
0x97: {  	v3 =	vperm.xlane v3, v2;
	v4 =	vadd.s32 v1, v4;
	_ =	sdelay $0x1  }
0x98: {  	v3 =	vadd.s32 v1, v3;
	_ =	sdelay $0x1  }
0x99: {  	s31 =	simm.s32 $0x4D80  }
0x9a: {  	[tilespmem:s31], [sflag:$0x2] =	stream.indirect_vreg.gather [hbm4b:s5+s26], $0x80, v4, vm0, $0xb8;
	[tilespmem:$0x16580] =	vst v63  }
0x9b: {  	s31 =	simm.s32 $0x5580  }
0x9c: {  	[tilespmem:s31], [sflag:$0x2] =	stream.indirect_vreg.gather [hbm4b:s5+s26], $0x80, v3, vm0, $0xb8;
	[tilespmem:$0x16580] =	vst v63  }
0x9d: {  	v3 =	vld.msk [tilespmem:s25+$0x38], $0xff;
	_ =	sdelay $0x4  }
0x9e: {  	v4 =	vshll.u32 v3, $0x1  }
0x9f: {  	v3 =	vand.u32 $0x7, v3;
	v4 =	vand.u32 $0xFFFFFFF0, v4  }
0xa0: {  	v3 =	vor.u32 v3, v4  }
0xa1: {  	v3 =	vperm.xlane v3, v0;
	_ =	sdelay $0x1  }
0xa2: {  	v3 =	vadd.s32 v1, v3;
	_ =	sdelay $0x4  }
0xa3: {  	[tilespmem:s0], [sflag:$0x2] =	stream.indirect_vreg.gather [hbm4b:s5+s26], $0x80, v3, vm0, $0xb8;
	[tilespmem:$0x16580] =	vst v63  }
0xa4: {  	v3 =	vld [tilespmem:s25+$0x40];
	_ =	sdelay $0x4  }
0xa5: {  	v4 =	vshll.u32 v3, $0x1  }
0xa6: {  	v3 =	vand.u32 $0x7, v3;
	v4 =	vand.u32 $0xFFFFFFF0, v4  }
0xa7: {  	v3 =	vor.u32 v3, v4  }
0xa8: {  	v4 =	vperm.xlane v3, v0;
	_ =	sdelay $0x1  }
0xa9: {  	v3 =	vperm.xlane v3, v2;
	v4 =	vadd.s32 v1, v4;
	_ =	sdelay $0x1  }
0xaa: {  	v3 =	vadd.s32 v1, v3;
	_ =	sdelay $0x2  }
0xab: {  	[tilespmem:s6], [sflag:$0x2] =	stream.indirect_vreg.gather [hbm4b:s5+s26], $0x80, v4, vm0, $0xb8;
	[tilespmem:$0x16580] =	vst v63  }
0xac: {  	_ = 	snop  }
0xad: {  	[tilespmem:s7], [sflag:$0x2] =	stream.indirect_vreg.gather [hbm4b:s5+s26], $0x80, v3, vm0, $0xb8;
	[tilespmem:$0x16580] =	vst v63  }
0xae: {  	v3 =	vld [tilespmem:s25+$0xCA8];
	_ =	sdelay $0x4  }
0xaf: {  	v4 =	vshll.u32 v3, $0x1  }
0xb0: {  	v3 =	vand.u32 $0x7, v3;
	v4 =	vand.u32 $0xFFFFFFF0, v4  }
0xb1: {  	v3 =	vor.u32 v3, v4  }
0xb2: {  	v4 =	vperm.xlane v3, v0;
	_ =	sdelay $0x1  }
0xb3: {  	v3 =	vperm.xlane v3, v2;
	v4 =	vadd.s32 v1, v4;
	_ =	sdelay $0x1  }
0xb4: {  	v3 =	vadd.s32 v1, v3;
	_ =	sdelay $0x2  }
0xb5: {  	[tilespmem:s8], [sflag:$0x2] =	stream.indirect_vreg.gather [hbm4b:s5+s26], $0x80, v4, vm0, $0xb8;
	[tilespmem:$0x16580] =	vst v63  }
0xb6: {  	_ = 	snop  }
0xb7: {  	[tilespmem:s9], [sflag:$0x2] =	stream.indirect_vreg.gather [hbm4b:s5+s26], $0x80, v3, vm0, $0xb8;
	[tilespmem:$0x16580] =	vst v63  }
0xb8: {  	v3 =	vld.msk [tilespmem:s25+$0xCB8], $0xff;
	_ =	sdelay $0x4  }
0xb9: {  	v4 =	vshll.u32 v3, $0x1  }
0xba: {  	v3 =	vand.u32 $0x7, v3;
	v4 =	vand.u32 $0xFFFFFFF0, v4  }
0xbb: {  	v3 =	vor.u32 v3, v4  }
0xbc: {  	v3 =	vperm.xlane v3, v0;
	_ =	sdelay $0x1  }
0xbd: {  	v3 =	vadd.s32 v1, v3;
	_ =	sdelay $0x4  }
0xbe: {  	[tilespmem:s10], [sflag:$0x2] =	stream.indirect_vreg.gather [hbm4b:s5+s26], $0x80, v3, vm0, $0xb8;
	[tilespmem:$0x16580] =	vst v63  }
0xbf: {  	v3 =	vld [tilespmem:s25+$0xCC0];
	_ =	sdelay $0x4  }
0xc0: {  	v4 =	vshll.u32 v3, $0x1  }
0xc1: {  	v3 =	vand.u32 $0x7, v3;
	v4 =	vand.u32 $0xFFFFFFF0, v4  }
0xc2: {  	v3 =	vor.u32 v3, v4  }
0xc3: {  	v4 =	vperm.xlane v3, v0;
	_ =	sdelay $0x1  }
0xc4: {  	v3 =	vperm.xlane v3, v2;
	v4 =	vadd.s32 v1, v4;
	_ =	sdelay $0x1  }
0xc5: {  	v3 =	vadd.s32 v1, v3;
	_ =	sdelay $0x2  }
0xc6: {  	[tilespmem:s11], [sflag:$0x2] =	stream.indirect_vreg.gather [hbm4b:s5+s26], $0x80, v4, vm0, $0xb8;
	[tilespmem:$0x16580] =	vst v63  }
0xc7: {  	_ = 	snop  }
0xc8: {  	[tilespmem:s12], [sflag:$0x2] =	stream.indirect_vreg.gather [hbm4b:s5+s26], $0x80, v3, vm0, $0xb8;
	[tilespmem:$0x16580] =	vst v63  }
0xc9: {  	v3 =	vld [tilespmem:s25+$0x1928];
	_ =	sdelay $0x4  }
0xca: {  	v4 =	vshll.u32 v3, $0x1  }
0xcb: {  	v3 =	vand.u32 $0x7, v3;
	v4 =	vand.u32 $0xFFFFFFF0, v4  }
0xcc: {  	v3 =	vor.u32 v3, v4  }
0xcd: {  	v4 =	vperm.xlane v3, v0;
	_ =	sdelay $0x1  }
0xce: {  	v3 =	vperm.xlane v3, v2;
	v4 =	vadd.s32 v1, v4;
	_ =	sdelay $0x1  }
0xcf: {  	v3 =	vadd.s32 v1, v3;
	_ =	sdelay $0x2  }
0xd0: {  	[tilespmem:s14], [sflag:$0x2] =	stream.indirect_vreg.gather [hbm4b:s5+s26], $0x80, v4, vm0, $0xb8;
	[tilespmem:$0x16580] =	vst v63  }
0xd1: {  	_ = 	snop  }
0xd2: {  	[tilespmem:s15], [sflag:$0x2] =	stream.indirect_vreg.gather [hbm4b:s5+s26], $0x80, v3, vm0, $0xb8;
	[tilespmem:$0x16580] =	vst v63  }
0xd3: {  	v3 =	vld.msk [tilespmem:s25+$0x1938], $0xff;
	_ =	sdelay $0x4  }
0xd4: {  	v4 =	vshll.u32 v3, $0x1  }
0xd5: {  	v3 =	vand.u32 $0x7, v3;
	v4 =	vand.u32 $0xFFFFFFF0, v4  }
0xd6: {  	v3 =	vor.u32 v3, v4  }
0xd7: {  	v3 =	vperm.xlane v3, v0;
	_ =	sdelay $0x1  }
0xd8: {  	v3 =	vadd.s32 v1, v3;
	_ =	sdelay $0x4  }
0xd9: {  	[tilespmem:s16], [sflag:$0x2] =	stream.indirect_vreg.gather [hbm4b:s5+s26], $0x80, v3, vm0, $0xb8;
	[tilespmem:$0x16580] =	vst v63  }
0xda: {  	v3 =	vld [tilespmem:s25+$0x1940];
	_ =	sdelay $0x4  }
0xdb: {  	v4 =	vshll.u32 v3, $0x1  }
0xdc: {  	v3 =	vand.u32 $0x7, v3;
	v4 =	vand.u32 $0xFFFFFFF0, v4  }
0xdd: {  	v3 =	vor.u32 v3, v4  }
0xde: {  	v4 =	vperm.xlane v3, v0;
	_ =	sdelay $0x1  }
0xdf: {  	v3 =	vperm.xlane v3, v2;
	v4 =	vadd.s32 v1, v4;
	_ =	sdelay $0x1  }
0xe0: {  	v3 =	vadd.s32 v1, v3;
	_ =	sdelay $0x2  }
0xe1: {  	[tilespmem:s17], [sflag:$0x2] =	stream.indirect_vreg.gather [hbm4b:s5+s26], $0x80, v4, vm0, $0xb8;
	[tilespmem:$0x16580] =	vst v63  }
0xe2: {  	_ = 	snop  }
0xe3: {  	[tilespmem:s18], [sflag:$0x2] =	stream.indirect_vreg.gather [hbm4b:s5+s26], $0x80, v3, vm0, $0xb8;
	[tilespmem:$0x16580] =	vst v63  }
0xe4: {  	_ =	swait.ge [sflag:s19], $0x2800  }
0xe5: {  	[sflag:s19] =	ssyncset.done $0x0  }
0xe6: {  	[sflag:s19] =	ssyncadd.s32 $0xFFFFD800  }
0xe7: {  	_ =	swait.ge [sflag:s19], $0x1800  }
0xe8: {  	[sflag:s19] =	ssyncset.done $0x0  }
0xe9: {  	[sflag:s19] =	ssyncadd.s32 $0xFFFFE800  }
0xea: {  	_ =	swait.ge [sflag:s19], $0x1000  }
0xeb: {  	[sflag:s19] =	ssyncset.done $0x0  }
0xec: {  	[sflag:s19] =	ssyncadd.s32 $0xFFFFF000  }
0xed: {  	_ =	swait.ge [sflag:s19], $0x1800  }
0xee: {  	[sflag:s19] =	ssyncset.done $0x0  }
0xef: {  	[sflag:s19] =	ssyncadd.s32 $0xFFFFE800  }
0xf0: {  	_ =	swait.ge [sflag:s19], $0x1000  }
0xf1: {  	[sflag:s19] =	ssyncset.done $0x0  }
0xf2: {  	[sflag:s19] =	ssyncadd.s32 $0xFFFFF000  }
0xf3: {  	_ =	swait.ge [sflag:s19], $0x1800  }
0xf4: {  	[sflag:s19] =	ssyncset.done $0x0  }
0xf5: {  	[sflag:s19] =	ssyncadd.s32 $0xFFFFE800  }
0xf6: {  	_ =	swait.ge [sflag:s19], $0x1000  }
0xf7: {  	s31 =	sand.u32 $0x3800, s26;
	s26 =	sand.u32 $0x300, s26;
	[sflag:s19] =	ssyncset.done $0x0  }
0xf8: {  	s25 =	sor.u32 s26, s31;
	[sflag:s19] =	ssyncadd.s32 $0xFFFFF000  }
0xf9: {  	v39 =	vld [tilespmem:s25+$0xC580]  }
0xfa: {  	v40 =	vld [tilespmem:s25+$0xC590]  }
0xfb: {  	v41 =	vld [tilespmem:s25+$0xC5A0]  }
0xfc: {  	v42 =	vld [tilespmem:s25+$0xC5B0]  }
0xfd: {  	v43 =	vld [tilespmem:s25+$0xC5C0]  }
0xfe: {  	v44 =	vld [tilespmem:s25+$0xC5D0]  }
0xff: {  	v45 =	vld [tilespmem:s25+$0xC5E0]  }
0x100: {  	v46 =	vld [tilespmem:s25+$0xC5F0]  }
0x101: {  	v37 =	vld [tilespmem:s25+$0xC980]  }
0x102: {  	v38 =	vld [tilespmem:s25+$0xC990]  }
0x103: {  	v36 =	vld [tilespmem:s25+$0xC9A0]  }
0x104: {  	v32 =	vld [tilespmem:s25+$0xC9B0]  }
0x105: {  	v33 =	vld [tilespmem:s25+$0xC9C0]  }
0x106: {  	v30 =	vld [tilespmem:s25+$0xC9D0]  }
0x107: {  	v34 =	vld [tilespmem:s25+$0xC9E0]  }
0x108: {  	v35 =	vld [tilespmem:s25+$0xC9F0]  }
0x109: {  	v47 =	vld [tilespmem:s25+$0xC600]  }
0x10a: {  	v48 =	vld [tilespmem:s25+$0xC610]  }
0x10b: {  	v49 =	vld [tilespmem:s25+$0xC620]  }
0x10c: {  	v50 =	vld [tilespmem:s25+$0xC630]  }
0x10d: {  	v51 =	vld [tilespmem:s25+$0xC640]  }
0x10e: {  	v52 =	vld [tilespmem:s25+$0xC650]  }
0x10f: {  	v53 =	vld [tilespmem:s25+$0xC660]  }
0x110: {  	v54 =	vld [tilespmem:s25+$0xC670]  }
0x111: {  	v55 =	vld [tilespmem:s25+$0xCA00]  }
0x112: {  	v56 =	vld [tilespmem:s25+$0xCA10]  }
0x113: {  	v57 =	vld [tilespmem:s25+$0xCA20]  }
0x114: {  	v6 =	vld [tilespmem:s25+$0xCA30]  }
0x115: {  	v25 =	vld [tilespmem:s25+$0xCA40]  }
0x116: {  	v23 =	vld [tilespmem:s25+$0xCA50]  }
0x117: {  	v24 =	vld [tilespmem:s25+$0x79B0]  }
0x118: {  	v27 =	vld [tilespmem:s25+$0x79C0]  }
0x119: {  	v5 =	vld [tilespmem:s25+$0x79D0]  }
0x11a: {  	v28 =	vld [tilespmem:s25+$0x79E0]  }
0x11b: {  	v29 =	vld [tilespmem:s25+$0x79F0]  }
0x11c: {  	v31 =	vld [tilespmem:s25+$0x7630]  }
0x11d: {  	v58 =	vld [tilespmem:s25+$0x7640]  }
0x11e: {  	v59 =	vld [tilespmem:s25+$0x7650]  }
0x11f: {  	v60 =	vld [tilespmem:s25+$0x7660]  }
0x120: {  	v61 =	vld [tilespmem:s25+$0x7670]  }
0x121: {  	v62 =	vld [tilespmem:s25+$0x7A00]  }
0x122: {  	v63 =	vld [tilespmem:s25+$0x7A10]  }
0x123: {  	v7 =	vld [tilespmem:s25+$0x7A40]  }
0x124: {  	v26 =	vld [tilespmem:s25+$0x7A50]  }
0x125: {  	v2 =	vld [tilespmem:s25+$0x2590]  }
0x126: {  	v1 =	vld [tilespmem:s25+$0x25A0]  }
0x127: {  	v8 =	vld [tilespmem:s25+$0x25B0]  }
0x128: {  	v10 =	vld [tilespmem:s25+$0x25C0]  }
0x129: {  	v9 =	vld [tilespmem:s25+$0x25D0]  }
0x12a: {  	v11 =	vld [tilespmem:s25+$0x25E0]  }
0x12b: {  	v12 =	vld [tilespmem:s25+$0x25F0]  }
0x12c: {  	v14 =	vld [tilespmem:s25+$0x2980]  }
0x12d: {  	v13 =	vld [tilespmem:s25+$0x2990]  }
0x12e: {  	v15 =	vld [tilespmem:s25+$0x29A0]  }
0x12f: {  	v16 =	vld [tilespmem:s25+$0x29B0]  }
0x130: {  	v18 =	vld [tilespmem:s25+$0x29C0]  }
0x131: {  	v17 =	vld [tilespmem:s25+$0x29D0]  }
0x132: {  	v19 =	vld [tilespmem:s25+$0x29E0]  }
0x133: {  	v20 =	vld [tilespmem:s25+$0x29F0]  }
0x134: {  	v22 =	vld [tilespmem:s25+$0x2600]  }
0x135: {  	v3 =	vld [tilespmem:s25+$0x2610]  }
0x136: {  	v21 =	vld [tilespmem:s25+$0x2620]  }
0x137: {  	v4 =	vld [tilespmem:s25+$0x2630]  }
0x138: {  	v0 =	vld [tilespmem:s25+$0x115D0]  }
0x139: {  	[tilespmem:$0x1FEA0] =	vst v47;
	v47 =	vld [tilespmem:s25+$0x7580]  }
0x13a: {  	[tilespmem:$0x1FEB0] =	vst v48;
	v48 =	vld [tilespmem:s25+$0x7590]  }
0x13b: {  	[tilespmem:$0x1FEC0] =	vst v49;
	v49 =	vld [tilespmem:s25+$0x75A0]  }
0x13c: {  	[tilespmem:$0x1FED0] =	vst v50;
	v50 =	vld [tilespmem:s25+$0x75B0]  }
0x13d: {  	[tilespmem:$0x1FF10] =	vst v51;
	v51 =	vld [tilespmem:s25+$0x75C0]  }
0x13e: {  	[tilespmem:$0x1FF20] =	vst v52;
	v52 =	vld [tilespmem:s25+$0x75D0]  }
0x13f: {  	[tilespmem:$0x1FF40] =	vst v53;
	v53 =	vld [tilespmem:s25+$0x75E0]  }
0x140: {  	[tilespmem:$0x1FF50] =	vst v54;
	v54 =	vld [tilespmem:s25+$0x75F0]  }
0x141: {  	[tilespmem:$0x1FF90] =	vst v55;
	v55 =	vld [tilespmem:s25+$0x7980]  }
0x142: {  	[tilespmem:$0x1FFA0] =	vst v56;
	v56 =	vld [tilespmem:s25+$0x7990]  }
0x143: {  	[tilespmem:$0x1FFC0] =	vst v57;
	v57 =	vld [tilespmem:s25+$0x79A0]  }
0x144: {  	[tilespmem:$0x1FE80] =	vst v34;
	v34 =	vld [tilespmem:s25+$0x7600]  }
0x145: {  	[tilespmem:$0x1FE90] =	vst v35;
	v35 =	vld [tilespmem:s25+$0x7610]  }
0x146: {  	[tilespmem:$0x1FE70] =	vst v33;
	v33 =	vld [tilespmem:s25+$0x7620]  }
0x147: {  	[tilespmem:$0x1FEE0] =	vst v58;
	v58 =	vld [tilespmem:s25+$0x7A20]  }
0x148: {  	[tilespmem:$0x1FEF0] =	vst v59;
	v59 =	vld [tilespmem:s25+$0x7A30]  }
0x149: {  	[tilespmem:$0x1FF70] =	vst v63;
	v63 =	vld [tilespmem:s25+$0x2580]  }
0x14a: {  	[tilespmem:$0x1FF60] =	vst v62;
	v62 =	vld [tilespmem:s25+$0x11580]  }
0x14b: {  	[tilespmem:$0x1FF30] =	vst v61;
	v61 =	vld [tilespmem:s25+$0x11590]  }
0x14c: {  	[tilespmem:$0x1FF00] =	vst v60;
	v60 =	vld [tilespmem:s25+$0x115B0]  }
0x14d: {  	v0 =	vadd.f32 v9, v0;
	v9 =	vld [tilespmem:s25+$0x119A0]  }
0x14e: {  	[tilespmem:$0x1FFB0] =	vst v59;
	v59 =	vld [tilespmem:s25+$0x115A0]  }
0x14f: {  	[tilespmem:$0x1FF80] =	vst v58;
	v58 =	vld [tilespmem:s25+$0x115C0]  }
0x150: {  	v2 =	vadd.f32 v2, v61;
	v61 =	vld [tilespmem:s25+$0x115E0]  }
0x151: {  	v8 =	vadd.f32 v8, v60;
	v60 =	vld [tilespmem:s25+$0x11980]  }
0x152: {  	v62 =	vadd.f32 v63, v62;
	v63 =	vld [tilespmem:s25+$0x119B0]  }
0x153: {  	v9 =	vadd.f32 v15, v9;
	v15 =	vld [tilespmem:s25+$0x2A10]  }
0x154: {  	v0 =	vadd.f32 v52, v0;
	v52 =	vld [tilespmem:$0x1FED0]  }
0x155: {  	v2 =	vadd.f32 v48, v2;
	v48 =	vld [tilespmem:s25+$0x2640]  }
0x156: {  	v47 =	vadd.f32 v47, v62;
	v62 =	vld [tilespmem:s25+$0x11990]  }
0x157: {  	v8 =	vadd.f32 v50, v8;
	v50 =	vld [tilespmem:s25+$0x2670]  }
0x158: {  	v0 =	vadd.f32 v44, v0;
	v44 =	vld [tilespmem:$0x1FE90]  }
0x159: {  	v9 =	vadd.f32 v57, v9;
	v57 =	vld [tilespmem:$0x1FF20]  }
0x15a: {  	v39 =	vadd.f32 v39, v47;
	v47 =	vld [tilespmem:s25+$0x2660]  }
0x15b: {  	v8 =	vadd.f32 v42, v8;
	v42 =	vld [tilespmem:s25+$0x11610]  }
0x15c: {  	v1 =	vadd.f32 v1, v59;
	v59 =	vld [tilespmem:s25+$0x115F0]  }
0x15d: {  	v10 =	vadd.f32 v10, v58;
	v58 =	vld [tilespmem:s25+$0x119D0]  }
0x15e: {  	v14 =	vadd.f32 v14, v60;
	v60 =	vld [tilespmem:s25+$0x119E0]  }
0x15f: {  	v11 =	vadd.f32 v11, v61;
	v61 =	vld [tilespmem:s25+$0x119F0]  }
0x160: {  	v16 =	vadd.f32 v16, v63;
	v63 =	vmul.f32 $2.500000000e-01, v8;
	v8 =	vld [tilespmem:s25+$0x11600]  }
0x161: {  	v1 =	vadd.f32 v49, v1;
	v49 =	vld [tilespmem:s25+$0x2650]  }
0x162: {  	v11 =	vadd.f32 v53, v11;
	v53 =	vld [tilespmem:s25+$0x119C0]  }
0x163: {  	v9 =	vadd.f32 v36, v9;
	v13 =	vadd.f32 v13, v62;
	v62 =	vld [tilespmem:s25+$0x2A20]  }
0x164: {  	v16 =	vadd.f32 v24, v16;
	v24 =	vld [tilespmem:s25+$0x2A50]  }
0x165: {  	v9 =	vmul.f32 $2.500000000e-01, v9;
	v10 =	vadd.f32 v51, v10;
	v51 =	vld [tilespmem:$0x1FEC0]  }
0x166: {  	v14 =	vadd.f32 v55, v14;
	v55 =	vld [tilespmem:$0x1FF00]  }
0x167: {  	[tilespmem:s25+$0x119A0] =	vst v9;
	v9 =	vld [tilespmem:s25+$0x11670];
	v17 =	vadd.f32 v17, v58  }
0x168: {  	[tilespmem:s25+$0x115B0] =	vst v63;
	v63 =	vld [tilespmem:$0x1FFC0]  }
0x169: {  	v17 =	vadd.f32 v5, v17;
	v5 =	vld [tilespmem:$0x1FE70]  }
0x16a: {  	v1 =	vadd.f32 v41, v1;
	v41 =	vld [tilespmem:s25+$0x2A30];
	v18 =	vadd.f32 v18, v53  }
0x16b: {  	v10 =	vadd.f32 v43, v10;
	v11 =	vadd.f32 v45, v11;
	v43 =	vld [tilespmem:s25+$0x11630]  }
0x16c: {  	v45 =	vld [tilespmem:$0x1FEA0];
	v18 =	vadd.f32 v27, v18  }
0x16d: {  	v2 =	vadd.f32 v40, v2;
	v13 =	vadd.f32 v56, v13;
	v56 =	vld [tilespmem:$0x1FF10];
	v11 =	vmul.f32 $2.500000000e-01, v11  }
0x16e: {  	v12 =	vadd.f32 v12, v59;
	v18 =	vadd.f32 v5, v18;
	v5 =	vld [tilespmem:$0x1FE80]  }
0x16f: {  	v0 =	vmul.f32 $2.500000000e-01, v0;
	v14 =	vadd.f32 v37, v14;
	v19 =	vadd.f32 v19, v60;
	[tilespmem:s25+$0x115E0] =	vst v11;
	v11 =	vld [tilespmem:s25+$0x11640]  }
0x170: {  	v2 =	vmul.f32 $2.500000000e-01, v2;
	v13 =	vadd.f32 v38, v13;
	v12 =	vadd.f32 v54, v12;
	v53 =	vld [tilespmem:$0x1FEE0]  }
0x171: {  	[tilespmem:s25+$0x115D0] =	vst v0;
	v19 =	vadd.f32 v28, v19;
	v0 =	vadd.f32 v4, v43;
	v4 =	vld [tilespmem:$0x1FF30]  }
0x172: {  	[tilespmem:s25+$0x11590] =	vst v2;
	v16 =	vadd.f32 v32, v16;
	v59 =	vld [tilespmem:s25+$0x2A00];
	v2 =	vadd.f32 v20, v61;
	v10 =	vmul.f32 $2.500000000e-01, v10  }
0x173: {  	v13 =	vmul.f32 $2.500000000e-01, v13;
	v12 =	vadd.f32 v46, v12;
	v19 =	vadd.f32 v5, v19;
	v5 =	vld [tilespmem:$0x1FF50]  }
0x174: {  	v20 =	vld [tilespmem:s25+$0x2A40];
	[tilespmem:s25+$0x115C0] =	vst v10;
	v9 =	vadd.f32 v50, v9;
	v11 =	vadd.f32 v48, v11  }
0x175: {  	v2 =	vadd.f32 v29, v2;
	v10 =	vld [tilespmem:s25+$0x11620];
	[tilespmem:s25+$0x11990] =	vst v13;
	v13 =	vmul.f32 $2.500000000e-01, v16;
	v12 =	vmul.f32 $2.500000000e-01, v12  }
0x176: {  	v16 =	vmul.f32 $2.500000000e-01, v18;
	v18 =	vld [tilespmem:s25+$0x11A00];
	v9 =	vadd.f32 v4, v9;
	v11 =	vadd.f32 v53, v11  }
0x177: {  	v8 =	vadd.f32 v22, v8;
	v2 =	vadd.f32 v44, v2;
	[tilespmem:s25+$0x115F0] =	vst v12;
	v12 =	vld [tilespmem:s25+$0x11650]  }
0x178: {  	v22 =	vadd.f32 v56, v11;
	v11 =	vadd.f32 v5, v9;
	v5 =	vld [tilespmem:$0x1FF60]  }
0x179: {  	v54 =	vld [tilespmem:$0x1FEF0];
	v17 =	vadd.f32 v30, v17  }
0x17a: {  	v61 =	vld [tilespmem:$0x1FFA0];
	v14 =	vmul.f32 $2.500000000e-01, v14;
	v2 =	vmul.f32 $2.500000000e-01, v2  }
0x17b: {  	[tilespmem:s25+$0x119B0] =	vst v13;
	v13 =	vmul.f32 $2.500000000e-01, v17;
	v17 =	vld [tilespmem:s25+$0x11A10];
	v10 =	vadd.f32 v21, v10;
	v58 =	vadd.f32 v59, v18  }
0x17c: {  	[tilespmem:s25+$0x11980] =	vst v14;
	v14 =	vld [tilespmem:s25+$0x11660];
	v8 =	vadd.f32 v34, v8;
	v12 =	vadd.f32 v49, v12  }
0x17d: {  	v1 =	vmul.f32 $2.500000000e-01, v1;
	[tilespmem:s25+$0x119F0] =	vst v2;
	v10 =	vadd.f32 v33, v10;
	v2 =	vadd.f32 v5, v58;
	v5 =	vld [tilespmem:$0x1FF70]  }
0x17e: {  	v46 =	vld [tilespmem:$0x1FEB0];
	v8 =	vadd.f32 v45, v8;
	v12 =	vadd.f32 v54, v12  }
0x17f: {  	[tilespmem:s25+$0x115A0] =	vst v1;
	v1 =	vadd.f32 v3, v42;
	v21 =	vld [tilespmem:s25+$0x11A20];
	v10 =	vadd.f32 v51, v10  }
0x180: {  	v8 =	vmul.f32 $2.500000000e-01, v8;
	v4 =	vld [tilespmem:$0x1FF40];
	v3 =	vadd.f32 v57, v12;
	v12 =	vadd.f32 v15, v17  }
0x181: {  	[tilespmem:s25+$0x119D0] =	vst v13;
	v13 =	vmul.f32 $2.500000000e-01, v19;
	v19 =	vld [tilespmem:s25+$0x11A30]  }
0x182: {  	v14 =	vadd.f32 v47, v14;
	[tilespmem:s25+$0x11600] =	vst v8;
	v8 =	vmul.f32 $2.500000000e-01, v10;
	v10 =	vadd.f32 v5, v12;
	v5 =	vld [tilespmem:$0x1FF80]  }
0x183: {  	v1 =	vadd.f32 v35, v1;
	v0 =	vadd.f32 v31, v0;
	[tilespmem:s25+$0x119C0] =	vst v16;
	v16 =	vld [tilespmem:s25+$0x2A60]  }
0x184: {  	v14 =	vadd.f32 v55, v14;
	v9 =	vadd.f32 v62, v21;
	v62 =	vld [tilespmem:$0x1FFB0]  }
0x185: {  	v0 =	vadd.f32 v52, v0;
	v59 =	vld [tilespmem:s25+$0x11A40]  }
0x186: {  	v1 =	vadd.f32 v46, v1;
	v4 =	vadd.f32 v4, v14;
	v14 =	vld [tilespmem:s25+$0x11A60]  }
0x187: {  	v39 =	vmul.f32 $2.500000000e-01, v39;
	[tilespmem:s25+$0x11620] =	vst v8;
	v8 =	vadd.f32 v41, v19;
	v15 =	vadd.f32 v5, v9;
	v5 =	vld [tilespmem:$0x1FF90]  }
0x188: {  	v0 =	vmul.f32 $2.500000000e-01, v0;
	[tilespmem:s25+$0x119E0] =	vst v13;
	v13 =	vld [tilespmem:s25+$0x2A70]  }
0x189: {  	[tilespmem:s25+$0x11580] =	vst v39;
	v1 =	vmul.f32 $2.500000000e-01, v1;
	v19 =	vadd.f32 v62, v8;
	v8 =	vld [tilespmem:s25+$0x7A70]  }
0x18a: {  	[tilespmem:s25+$0x11630] =	vst v0;
	v60 =	vmul.f32 $2.500000000e-01, v22;
	v12 =	vld [tilespmem:s25+$0x11A50]  }
0x18b: {  	[tilespmem:s25+$0x11610] =	vst v1;
	v21 =	vmul.f32 $2.500000000e-01, v4;
	v20 =	vadd.f32 v20, v59;
	v17 =	vadd.f32 v61, v10;
	v10 =	vld [tilespmem:s25+$0x11A70]  }
0x18c: {  	s29 =	simm.s32 $0x200;
	s28 =	simm.s32 $0x100;
	s26 =	simm.s32 $0x0;
	[tilespmem:s25+$0x11640] =	vst v60;
	v22 =	vmul.f32 $2.500000000e-01, v3;
	v9 =	vld [tilespmem:s25+$0x7A60];
	v15 =	vadd.f32 v63, v15;
	v18 =	vadd.f32 v5, v2  }
.LBB2_3:
0x18d: {  	_ =	sdelay $0x1  }
0x18e: {  	s31 =	sand.u32 $0x3800, s29;
	s1 =	sand.u32 $0x300, s28;
	v0 =	vmul.f32 $2.500000000e-01, v11;
	v5 =	vld [tilespmem:s25+$0xCA60];
	[tilespmem:s25+$0x11650] =	vst v22;
	v1 =	vadd.f32 v6, v19;
	v2 =	vadd.f32 v24, v12  }
0x18f: {  	s1 =	sor.u32 s1, s31;
	[tilespmem:s25+$0x11660] =	vst v21;
	v11 =	vmul.f32 $2.500000000e-01, v18;
	v7 =	vadd.f32 v7, v20;
	v12 =	vadd.f32 v16, v14;
	v14 =	vld [tilespmem:s25+$0xCA70]  }
0x190: {  	v37 =	vmul.f32 $2.500000000e-01, v17;
	v36 =	vld [tilespmem:s1+$0xC580];
	[tilespmem:s25+$0x11670] =	vst v0;
	v6 =	vadd.f32 v13, v10;
	v2 =	vadd.f32 v26, v2  }
0x191: {  	v40 =	vld [tilespmem:s1+$0xC590];
	[tilespmem:s25+$0x11A00] =	vst v11;
	v10 =	vmul.f32 $2.500000000e-01, v15;
	v4 =	vadd.f32 v25, v7;
	v7 =	vadd.f32 v9, v12  }
0x192: {  	v41 =	vld [tilespmem:s1+$0xC5A0];
	[tilespmem:s25+$0x11A10] =	vst v37;
	v38 =	vmul.f32 $2.500000000e-01, v1;
	v45 =	vadd.f32 v8, v6;
	v39 =	vadd.f32 v23, v2  }
0x193: {  	v43 =	vld [tilespmem:s1+$0xC5B0];
	[tilespmem:s25+$0x11A20] =	vst v10;
	v3 =	vmul.f32 $2.500000000e-01, v4;
	v4 =	vadd.f32 v5, v7  }
0x194: {  	v35 =	vld [tilespmem:s1+$0xC5C0];
	[tilespmem:s25+$0x11A30] =	vst v38;
	v47 =	vadd.f32 v14, v45;
	v46 =	vmul.f32 $2.500000000e-01, v39  }
0x195: {  	v37 =	vld [tilespmem:s1+$0xC5D0];
	[tilespmem:s25+$0x11A40] =	vst v3;
	v48 =	vmul.f32 $2.500000000e-01, v4  }
0x196: {  	v38 =	vld [tilespmem:s1+$0xC5E0];
	v49 =	vmul.f32 $2.500000000e-01, v47;
	[tilespmem:s25+$0x11A50] =	vst v46  }
0x197: {  	v39 =	vld [tilespmem:s1+$0xC5F0];
	[tilespmem:s25+$0x11A60] =	vst v48  }
0x198: {  	v33 =	vld [tilespmem:s1+$0xC980];
	[tilespmem:s25+$0x11A70] =	vst v49;
	s25 =	smov.u32 s1  }
0x199: {  	v34 =	vld [tilespmem:s25+$0xC990]  }
0x19a: {  	v31 =	vld [tilespmem:s25+$0xC9A0]  }
0x19b: {  	v30 =	vld [tilespmem:s25+$0xC9B0]  }
0x19c: {  	v20 =	vld [tilespmem:s25+$0xC9C0]  }
0x19d: {  	v22 =	vld [tilespmem:s25+$0xC9D0]  }
0x19e: {  	v24 =	vld [tilespmem:s25+$0xC9E0]  }
0x19f: {  	v0 =	vld [tilespmem:s25+$0xC9F0]  }
0x1a0: {  	v50 =	vld [tilespmem:s25+$0xC600]  }
0x1a1: {  	v51 =	vld [tilespmem:s25+$0xC610]  }
0x1a2: {  	v52 =	vld [tilespmem:s25+$0xC620]  }
0x1a3: {  	v53 =	vld [tilespmem:s25+$0xC630]  }
0x1a4: {  	v54 =	vld [tilespmem:s25+$0xC640]  }
0x1a5: {  	v55 =	vld [tilespmem:s25+$0xC650]  }
0x1a6: {  	v56 =	vld [tilespmem:s25+$0xC660]  }
0x1a7: {  	v57 =	vld [tilespmem:s25+$0xC670]  }
0x1a8: {  	v58 =	vld [tilespmem:s25+$0xCA00]  }
0x1a9: {  	v59 =	vld [tilespmem:s25+$0xCA10]  }
0x1aa: {  	v60 =	vld [tilespmem:s25+$0xCA20]  }
0x1ab: {  	v61 =	vld [tilespmem:s25+$0xCA30]  }
0x1ac: {  	v19 =	vld [tilespmem:s25+$0xCA40]  }
0x1ad: {  	v62 =	vld [tilespmem:s25+$0xCA50]  }
0x1ae: {  	v13 =	vld [tilespmem:s25+$0x7580]  }
0x1af: {  	v14 =	vld [tilespmem:s25+$0x7590]  }
0x1b0: {  	v15 =	vld [tilespmem:s25+$0x75A0]  }
0x1b1: {  	v49 =	vld [tilespmem:s25+$0x79D0]  }
0x1b2: {  	v48 =	vld [tilespmem:s25+$0x79E0]  }
0x1b3: {  	v47 =	vld [tilespmem:s25+$0x79F0]  }
0x1b4: {  	v46 =	vld [tilespmem:s25+$0x7600]  }
0x1b5: {  	v45 =	vld [tilespmem:s25+$0x7610]  }
0x1b6: {  	v44 =	vld [tilespmem:s25+$0x7620]  }
0x1b7: {  	v42 =	vld [tilespmem:s25+$0x7630]  }
0x1b8: {  	v32 =	vld [tilespmem:s25+$0x7640]  }
0x1b9: {  	v29 =	vld [tilespmem:s25+$0x7650]  }
0x1ba: {  	v28 =	vld [tilespmem:s25+$0x7660]  }
0x1bb: {  	v27 =	vld [tilespmem:s25+$0x7670]  }
0x1bc: {  	v63 =	vld [tilespmem:s25+$0x7A00]  }
0x1bd: {  	v21 =	vld [tilespmem:s25+$0x7A50]  }
0x1be: {  	v4 =	vld [tilespmem:s25+$0x25C0]  }
0x1bf: {  	v5 =	vld [tilespmem:s25+$0x25D0]  }
0x1c0: {  	v6 =	vld [tilespmem:s25+$0x25E0]  }
0x1c1: {  	v7 =	vld [tilespmem:s25+$0x25F0]  }
0x1c2: {  	v23 =	vld [tilespmem:s25+$0x2980]  }
0x1c3: {  	v8 =	vld [tilespmem:s25+$0x2990]  }
0x1c4: {  	v25 =	vld [tilespmem:s25+$0x29A0]  }
0x1c5: {  	v26 =	vld [tilespmem:s25+$0x29B0]  }
0x1c6: {  	v9 =	vld [tilespmem:s25+$0x29C0]  }
0x1c7: {  	v10 =	vld [tilespmem:s25+$0x29D0]  }
0x1c8: {  	v11 =	vld [tilespmem:s25+$0x29E0]  }
0x1c9: {  	v12 =	vld [tilespmem:s25+$0x29F0]  }
0x1ca: {  	v16 =	vld [tilespmem:s25+$0x2600]  }
0x1cb: {  	v18 =	vld [tilespmem:s25+$0x2610]  }
0x1cc: {  	v1 =	vld [tilespmem:s25+$0x11590]  }
0x1cd: {  	v2 =	vld [tilespmem:s25+$0x115A0]  }
0x1ce: {  	v3 =	vld [tilespmem:s25+$0x115B0]  }
0x1cf: {  	v17 =	vld [tilespmem:s25+$0x2620]  }
0x1d0: {  	[tilespmem:$0x1FE00] =	vst v58;
	v58 =	vld [tilespmem:s25+$0x75B0]  }
0x1d1: {  	[tilespmem:$0x1FE30] =	vst v59;
	v59 =	vld [tilespmem:s25+$0x75C0]  }
0x1d2: {  	[tilespmem:$0x1FDD0] =	vst v57;
	v57 =	vld [tilespmem:s25+$0x75D0]  }
0x1d3: {  	[tilespmem:$0x1FDC0] =	vst v56;
	v56 =	vld [tilespmem:s25+$0x75E0]  }
0x1d4: {  	[tilespmem:$0x1FDB0] =	vst v55;
	v55 =	vld [tilespmem:s25+$0x75F0]  }
0x1d5: {  	[tilespmem:$0x1FDA0] =	vst v54;
	v54 =	vld [tilespmem:s25+$0x7980]  }
0x1d6: {  	[tilespmem:$0x1FD80] =	vst v53;
	v53 =	vld [tilespmem:s25+$0x7990]  }
0x1d7: {  	[tilespmem:$0x1FD70] =	vst v52;
	v52 =	vld [tilespmem:s25+$0x79A0]  }
0x1d8: {  	[tilespmem:$0x1FD60] =	vst v51;
	v51 =	vld [tilespmem:s25+$0x79B0]  }
0x1d9: {  	[tilespmem:$0x1FE50] =	vst v60;
	v60 =	vld [tilespmem:s25+$0x7A10]  }
0x1da: {  	[tilespmem:$0x1FE10] =	vst v61;
	v61 =	vld [tilespmem:s25+$0x7A20]  }
0x1db: {  	[tilespmem:$0x1FD90] =	vst v62;
	v62 =	vld [tilespmem:s25+$0x7A30]  }
0x1dc: {  	[tilespmem:$0x1FDE0] =	vst v63;
	v63 =	vld [tilespmem:s25+$0x7A40]  }
0x1dd: {  	[tilespmem:$0x1FD40] =	vst v0;
	v0 =	vld [tilespmem:s25+$0x11580]  }
0x1de: {  	[tilespmem:$0x1FDF0] =	vst v60;
	v60 =	vld [tilespmem:s25+$0x2580]  }
0x1df: {  	[tilespmem:$0x1FE20] =	vst v61;
	v61 =	vld [tilespmem:s25+$0x2590]  }
0x1e0: {  	[tilespmem:$0x1FE40] =	vst v62;
	v62 =	vld [tilespmem:s25+$0x25A0]  }
0x1e1: {  	[tilespmem:$0x1FE60] =	vst v63;
	v63 =	vld [tilespmem:s25+$0x25B0]  }
0x1e2: {  	[tilespmem:$0x1FD50] =	vst v50;
	v50 =	vld [tilespmem:s25+$0x79C0]  }
0x1e3: {  	v0 =	vadd.f32 v60, v0;
	v60 =	vld [tilespmem:s25+$0x2630]  }
0x1e4: {  	v1 =	vadd.f32 v61, v1;
	v61 =	vld [tilespmem:s25+$0x115C0]  }
0x1e5: {  	v2 =	vadd.f32 v62, v2;
	v0 =	vadd.f32 v13, v0;
	v13 =	vld [tilespmem:s25+$0x115D0]  }
0x1e6: {  	v3 =	vadd.f32 v63, v3;
	v1 =	vadd.f32 v14, v1;
	v14 =	vld [tilespmem:s25+$0x115E0]  }
0x1e7: {  	v2 =	vadd.f32 v15, v2;
	v15 =	vld [tilespmem:s25+$0x115F0]  }
0x1e8: {  	v3 =	vadd.f32 v58, v3;
	v58 =	vld [tilespmem:s25+$0x11610]  }
0x1e9: {  	v0 =	vadd.f32 v36, v0;
	v36 =	vld [tilespmem:s25+$0x2640]  }
0x1ea: {  	v1 =	vadd.f32 v40, v1;
	v40 =	vld [tilespmem:s25+$0x2650]  }
0x1eb: {  	v3 =	vadd.f32 v43, v3;
	v43 =	vld [tilespmem:s25+$0x119B0]  }
0x1ec: {  	v2 =	vadd.f32 v41, v2;
	v5 =	vadd.f32 v5, v13;
	v13 =	vld [tilespmem:s25+$0x11980]  }
0x1ed: {  	v4 =	vadd.f32 v4, v61;
	v6 =	vadd.f32 v6, v14;
	v14 =	vld [tilespmem:s25+$0x11990]  }
0x1ee: {  	v61 =	vmul.f32 $2.500000000e-01, v2;
	v7 =	vadd.f32 v7, v15;
	v15 =	vld [tilespmem:s25+$0x119A0]  }
0x1ef: {  	v63 =	vmul.f32 $2.500000000e-01, v3;
	v4 =	vadd.f32 v59, v4;
	v59 =	vld [tilespmem:s25+$0x11620]  }
0x1f0: {  	[tilespmem:s25+$0x115A0] =	vst v61;
	v61 =	vld [tilespmem:$0x1FE30]  }
0x1f1: {  	[tilespmem:s25+$0x115B0] =	vst v63;
	v63 =	vld [tilespmem:$0x1FE50]  }
0x1f2: {  	v7 =	vadd.f32 v55, v7;
	v55 =	vld [tilespmem:s25+$0x119E0]  }
0x1f3: {  	v6 =	vadd.f32 v56, v6;
	v56 =	vld [tilespmem:s25+$0x119F0]  }
0x1f4: {  	v8 =	vadd.f32 v8, v14;
	v14 =	vld [tilespmem:s25+$0x119C0]  }
0x1f5: {  	v5 =	vadd.f32 v57, v5;
	v15 =	vadd.f32 v25, v15;
	v25 =	vld [tilespmem:s25+$0x119D0]  }
0x1f6: {  	v57 =	vld [tilespmem:s25+$0x2A00];
	v13 =	vadd.f32 v23, v13  }
0x1f7: {  	v4 =	vadd.f32 v35, v4;
	v5 =	vadd.f32 v37, v5;
	v37 =	vld [tilespmem:s25+$0x2660]  }
0x1f8: {  	v26 =	vadd.f32 v26, v43;
	v23 =	vld [tilespmem:s25+$0x2670];
	v13 =	vadd.f32 v54, v13  }
0x1f9: {  	v6 =	vadd.f32 v38, v6;
	v38 =	vmul.f32 $2.500000000e-01, v5;
	v5 =	vld [tilespmem:$0x1FD40];
	v9 =	vadd.f32 v9, v14  }
0x1fa: {  	v13 =	vadd.f32 v33, v13;
	v14 =	vld [tilespmem:s25+$0x2A10];
	v10 =	vadd.f32 v10, v25  }
0x1fb: {  	v11 =	vadd.f32 v11, v55;
	v25 =	vld [tilespmem:s25+$0x11600];
	v9 =	vadd.f32 v50, v9  }
0x1fc: {  	v12 =	vadd.f32 v12, v56;
	v43 =	vmul.f32 $2.500000000e-01, v13;
	v13 =	vld [tilespmem:$0x1FD50];
	v10 =	vadd.f32 v49, v10  }
0x1fd: {  	v62 =	vadd.f32 v20, v9;
	v9 =	vadd.f32 v48, v11;
	v11 =	vld [tilespmem:s25+$0x11630]  }
0x1fe: {  	v33 =	vadd.f32 v22, v10;
	v10 =	vadd.f32 v47, v12;
	v12 =	vld [tilespmem:s25+$0x2A20]  }
0x1ff: {  	v20 =	vld [tilespmem:s25+$0x2A40]  }
0x200: {  	v35 =	vmul.f32 $2.500000000e-01, v4;
	v4 =	vadd.f32 v24, v9;
	v9 =	vadd.f32 v16, v25;
	v25 =	vmovc v19;
	v19 =	vld [tilespmem:s25+$0x2A30]  }
0x201: {  	v7 =	vadd.f32 v39, v7;
	v16 =	vld [tilespmem:s25+$0x11640]  }
0x202: {  	v8 =	vadd.f32 v53, v8;
	v15 =	vadd.f32 v52, v15;
	v24 =	vld [tilespmem:s25+$0x2A50]  }
0x203: {  	v5 =	vadd.f32 v5, v10;
	v10 =	vadd.f32 v18, v58;
	v18 =	vld [tilespmem:s25+$0x11A10]  }
0x204: {  	v8 =	vadd.f32 v34, v8;
	v15 =	vadd.f32 v31, v15;
	v48 =	vmul.f32 $2.500000000e-01, v62;
	v62 =	vld [tilespmem:$0x1FE40]  }
0x205: {  	v39 =	vmul.f32 $2.500000000e-01, v6;
	v6 =	vadd.f32 v46, v9;
	v9 =	vadd.f32 v17, v59;
	v17 =	vld [tilespmem:s25+$0x11650]  }
0x206: {  	v41 =	vmul.f32 $2.500000000e-01, v7;
	v7 =	vadd.f32 v45, v10;
	v45 =	vmul.f32 $2.500000000e-01, v8;
	v8 =	vld [tilespmem:$0x1FD60]  }
0x207: {  	v46 =	vmul.f32 $2.500000000e-01, v15;
	v15 =	vld [tilespmem:$0x1FD80]  }
0x208: {  	v52 =	vmul.f32 $2.500000000e-01, v4;
	v4 =	vld [tilespmem:$0x1FDA0]  }
0x209: {  	v53 =	vmul.f32 $2.500000000e-01, v5;
	v5 =	vld [tilespmem:$0x1FDB0]  }
0x20a: {  	v59 =	vld [tilespmem:$0x1FE00];
	v10 =	vadd.f32 v60, v11  }
0x20b: {  	v11 =	vld [tilespmem:s25+$0x11660]  }
0x20c: {  	v0 =	vmul.f32 $2.500000000e-01, v0;
	v7 =	vadd.f32 v8, v7;
	v8 =	vadd.f32 v42, v10;
	v10 =	vld [tilespmem:$0x1FD70]  }
0x20d: {  	v1 =	vmul.f32 $2.500000000e-01, v1;
	v26 =	vadd.f32 v51, v26;
	v60 =	vld [tilespmem:$0x1FE20];
	v6 =	vadd.f32 v13, v6  }
0x20e: {  	[tilespmem:s25+$0x11580] =	vst v0;
	v13 =	vld [tilespmem:s25+$0x11670]  }
0x20f: {  	[tilespmem:s25+$0x11590] =	vst v1;
	v26 =	vadd.f32 v30, v26;
	v9 =	vadd.f32 v44, v9;
	v54 =	vmul.f32 $2.500000000e-01, v6;
	v6 =	vld [tilespmem:$0x1FDC0]  }
0x210: {  	[tilespmem:s25+$0x115C0] =	vst v35;
	v8 =	vadd.f32 v15, v8;
	v15 =	vadd.f32 v40, v17;
	v17 =	vld [tilespmem:s25+$0x11A00]  }
0x211: {  	[tilespmem:s25+$0x115D0] =	vst v38;
	v55 =	vmul.f32 $2.500000000e-01, v7;
	v7 =	vld [tilespmem:$0x1FDD0];
	v9 =	vadd.f32 v10, v9;
	v10 =	vadd.f32 v36, v16  }
0x212: {  	[tilespmem:s25+$0x115E0] =	vst v39;
	v51 =	vadd.f32 v29, v15;
	v15 =	vld [tilespmem:s25+$0x11A20]  }
0x213: {  	[tilespmem:s25+$0x115F0] =	vst v41;
	v47 =	vmul.f32 $2.500000000e-01, v26;
	v16 =	vld [tilespmem:s25+$0x2A60];
	v49 =	vadd.f32 v32, v10;
	v10 =	vadd.f32 v37, v11  }
0x214: {  	[tilespmem:s25+$0x11980] =	vst v43;
	v50 =	vmul.f32 $2.500000000e-01, v33;
	v11 =	vadd.f32 v23, v13;
	v23 =	vld [tilespmem:$0x1FD90]  }
0x215: {  	[tilespmem:s25+$0x119B0] =	vst v47;
	v56 =	vmul.f32 $2.500000000e-01, v9;
	v9 =	vld [tilespmem:$0x1FDE0];
	v2 =	vadd.f32 v4, v49;
	v4 =	vadd.f32 v28, v10  }
0x216: {  	[tilespmem:s25+$0x119C0] =	vst v48;
	v3 =	vadd.f32 v5, v51;
	v13 =	vld [tilespmem:s25+$0x2A70];
	v5 =	vadd.f32 v27, v11  }
0x217: {  	[tilespmem:s25+$0x119D0] =	vst v50;
	v10 =	vld [tilespmem:s25+$0x11A30];
	v4 =	vadd.f32 v6, v4  }
0x218: {  	[tilespmem:s25+$0x11990] =	vst v45;
	v6 =	vadd.f32 v57, v17;
	v11 =	vadd.f32 v7, v5;
	v7 =	vld [tilespmem:s25+$0x11A40]  }
0x219: {  	[tilespmem:s25+$0x119A0] =	vst v46;
	v57 =	vmul.f32 $2.500000000e-01, v8;
	v8 =	vld [tilespmem:$0x1FDF0]  }
0x21a: {  	s26 =	sadd.s32 $0x2, s26;
	[tilespmem:s25+$0x119E0] =	vst v52;
	v5 =	vadd.f32 v14, v18;
	v14 =	vld [tilespmem:s25+$0x11A60];
	v6 =	vadd.f32 v9, v6  }
0x21b: {  	p1 =	slt.u32 s26, $0x26;
	[tilespmem:s25+$0x119F0] =	vst v53;
	v9 =	vadd.f32 v12, v15;
	v12 =	vld [tilespmem:s25+$0x11A50]  }
.Ltmp0:
0x21c: {  	[tilespmem:s25+$0x11600] =	vst v54;
	v18 =	vadd.f32 v59, v6;
	v6 =	vld [tilespmem:$0x1FE10];
	(pc) =	sbr.rel @p1 .LBB2_3-.Ltmp0, $4  }
0x21d: {  	[tilespmem:s25+$0x11610] =	vst v55;
	v58 =	vmul.f32 $2.500000000e-01, v2;
	v2 =	vadd.f32 v60, v9;
	v9 =	vld [tilespmem:s25+$0x7A60]  }
0x21e: {  	[tilespmem:s25+$0x11620] =	vst v56;
	v5 =	vadd.f32 v8, v5;
	v8 =	vadd.f32 v19, v10;
	v10 =	vld [tilespmem:s25+$0x11A70]  }
0x21f: {  	v22 =	vmul.f32 $2.500000000e-01, v3;
	[tilespmem:s25+$0x11630] =	vst v57;
	v20 =	vadd.f32 v20, v7;
	v7 =	vld [tilespmem:$0x1FE60];
	v15 =	vadd.f32 v63, v2  }
0x220: {  	s28 =	sadd.s32 $0x100, s28;
	s29 =	sadd.s32 $0x200, s29;
	v26 =	vmovc v21;
	[tilespmem:s25+$0x11640] =	vst v58;
	v21 =	vmul.f32 $2.500000000e-01, v4;
	v17 =	vadd.f32 v61, v5;
	v19 =	vadd.f32 v62, v8;
	v8 =	vld [tilespmem:s25+$0x7A70]  }
0x221: {  	_ = 	snop  }
0x222: {  	v3 =	vadd.f32 v24, v12  }
0x223: {  	[tilespmem:s25+$0x11650] =	vst v22;
	v0 =	vld [tilespmem:s25+$0xCA60];
	v1 =	vmul.f32 $2.500000000e-01, v11;
	v2 =	vadd.f32 v6, v19;
	v6 =	vadd.f32 v16, v14  }
0x224: {  	v4 =	vmul.f32 $2.500000000e-01, v18;
	[tilespmem:s25+$0x11660] =	vst v21;
	v3 =	vadd.f32 v26, v3;
	v5 =	vadd.f32 v7, v20;
	v7 =	vld [tilespmem:s25+$0xCA70]  }
0x225: {  	v41 =	vmul.f32 $2.500000000e-01, v17;
	[tilespmem:s25+$0x11670] =	vst v1;
	v10 =	vadd.f32 v13, v10  }
0x226: {  	[tilespmem:s25+$0x11A00] =	vst v4;
	v4 =	vmul.f32 $2.500000000e-01, v15;
	v6 =	vadd.f32 v9, v6;
	v43 =	vadd.f32 v23, v3  }
0x227: {  	[tilespmem:s25+$0x11A10] =	vst v41;
	v42 =	vmul.f32 $2.500000000e-01, v2;
	v44 =	vadd.f32 v8, v10;
	v5 =	vadd.f32 v25, v5  }
0x228: {  	[tilespmem:s25+$0x11A20] =	vst v4;
	v0 =	vadd.f32 v0, v6;
	v45 =	vmul.f32 $2.500000000e-01, v43  }
0x229: {  	[tilespmem:s25+$0x11A30] =	vst v42;
	v4 =	vmul.f32 $2.500000000e-01, v5;
	v46 =	vadd.f32 v7, v44  }
0x22a: {  	v0 =	vmul.f32 $2.500000000e-01, v0;
	[tilespmem:s25+$0x11A50] =	vst v45  }
0x22b: {  	[tilespmem:s25+$0x11A40] =	vst v4;
	v47 =	vmul.f32 $2.500000000e-01, v46  }
0x22c: {  	[tilespmem:s25+$0x11A60] =	vst v0  }
0x22d: {  	s1 =	sadd.s32 s2, s24;
	s29 =	simm.s32 $0x0;
	[tilespmem:s25+$0x11A70] =	vst v47  }
0x22e: {  	[hbm4b:s1+s29] =	stream.linear.scatter [tilespmem:s13], [sflag:$0x3], $0x2800, $0x38;
	[tilespmem:$0x16580] =	vst v63  }
0x22f: {  	_ =	swait.ge [sflag:s20], $0x2800  }
0x230: {  	[sflag:s20] =	ssyncset.done $0x0  }
0x231: {  	[sflag:s20] =	ssyncadd.s32 $0xFFFFD800  }
0x232: {  	_ =	swait.ge [sflag:s20], $0x1800  }
0x233: {  	[sflag:s20] =	ssyncset.done $0x0  }
0x234: {  	[sflag:s20] =	ssyncadd.s32 $0xFFFFE800  }
0x235: {  	_ =	swait.ge [sflag:s20], $0x1000  }
0x236: {  	[sflag:s20] =	ssyncset.done $0x0  }
0x237: {  	[sflag:s20] =	ssyncadd.s32 $0xFFFFF000  }
0x238: {  	_ =	swait.ge [sflag:s20], $0x1800  }
0x239: {  	[sflag:s20] =	ssyncset.done $0x0  }
0x23a: {  	[sflag:s20] =	ssyncadd.s32 $0xFFFFE800  }
0x23b: {  	_ =	swait.ge [sflag:s20], $0x1000  }
0x23c: {  	[sflag:s20] =	ssyncset.done $0x0  }
0x23d: {  	[sflag:s20] =	ssyncadd.s32 $0xFFFFF000  }
0x23e: {  	_ =	swait.ge [sflag:s20], $0x1800  }
0x23f: {  	[sflag:s20] =	ssyncset.done $0x0  }
0x240: {  	[sflag:s20] =	ssyncadd.s32 $0xFFFFE800  }
0x241: {  	_ =	swait.ge [sflag:s20], $0x1000  }
0x242: {  	s31 =	sand.u32 $0x3800, s29;
	s24 =	sand.u32 $0x300, s29;
	[sflag:s20] =	ssyncset.done $0x0  }
0x243: {  	s24 =	sor.u32 s24, s31;
	[sflag:s20] =	ssyncadd.s32 $0xFFFFF000  }
0x244: {  	v4 =	vld [tilespmem:s24+$0xED80]  }
0x245: {  	v24 =	vld [tilespmem:s24+$0xED90]  }
0x246: {  	v28 =	vld [tilespmem:s24+$0xEDA0]  }
0x247: {  	v39 =	vld [tilespmem:s24+$0xEDB0]  }
0x248: {  	v40 =	vld [tilespmem:s24+$0xEDC0]  }
0x249: {  	v41 =	vld [tilespmem:s24+$0xEDD0]  }
0x24a: {  	v42 =	vld [tilespmem:s24+$0xEDE0]  }
0x24b: {  	v43 =	vld [tilespmem:s24+$0xEDF0]  }
0x24c: {  	v37 =	vld [tilespmem:s24+$0xF180]  }
0x24d: {  	v38 =	vld [tilespmem:s24+$0xF190]  }
0x24e: {  	v36 =	vld [tilespmem:s24+$0xF1A0]  }
0x24f: {  	v32 =	vld [tilespmem:s24+$0xF1B0]  }
0x250: {  	v48 =	vld [tilespmem:s24+$0xF1C0]  }
0x251: {  	v30 =	vld [tilespmem:s24+$0xF1D0]  }
0x252: {  	v49 =	vld [tilespmem:s24+$0xF1E0]  }
0x253: {  	v50 =	vld [tilespmem:s24+$0xF1F0]  }
0x254: {  	v51 =	vld [tilespmem:s24+$0xEE00]  }
0x255: {  	v52 =	vld [tilespmem:s24+$0xEE10]  }
0x256: {  	v53 =	vld [tilespmem:s24+$0xEE20]  }
0x257: {  	v54 =	vld [tilespmem:s24+$0xEE30]  }
0x258: {  	v55 =	vld [tilespmem:s24+$0xEE40]  }
0x259: {  	v56 =	vld [tilespmem:s24+$0xEE50]  }
0x25a: {  	v57 =	vld [tilespmem:s24+$0xEE60]  }
0x25b: {  	v58 =	vld [tilespmem:s24+$0xEE70]  }
0x25c: {  	v59 =	vld [tilespmem:s24+$0xF200]  }
0x25d: {  	v60 =	vld [tilespmem:s24+$0xF210]  }
0x25e: {  	v61 =	vld [tilespmem:s24+$0xF220]  }
0x25f: {  	v6 =	vld [tilespmem:s24+$0xF230]  }
0x260: {  	v25 =	vld [tilespmem:s24+$0xF240]  }
0x261: {  	v23 =	vld [tilespmem:s24+$0xF250]  }
0x262: {  	v44 =	vld [tilespmem:s24+$0x9D80]  }
0x263: {  	v45 =	vld [tilespmem:s24+$0x9D90]  }
0x264: {  	v46 =	vld [tilespmem:s24+$0x9DA0]  }
0x265: {  	v47 =	vld [tilespmem:s24+$0x9DB0]  }
0x266: {  	v34 =	vld [tilespmem:s24+$0x9E00]  }
0x267: {  	v35 =	vld [tilespmem:s24+$0x9E10]  }
0x268: {  	v33 =	vld [tilespmem:s24+$0x9E20]  }
0x269: {  	v31 =	vld [tilespmem:s24+$0x9E30]  }
0x26a: {  	v62 =	vld [tilespmem:s24+$0x9E40]  }
0x26b: {  	v63 =	vld [tilespmem:s24+$0x9E50]  }
0x26c: {  	v29 =	vld [tilespmem:s24+$0x9E60]  }
0x26d: {  	v7 =	vld [tilespmem:s24+$0xA240]  }
0x26e: {  	v26 =	vld [tilespmem:s24+$0xA250]  }
0x26f: {  	v11 =	vld [tilespmem:s24+$0x4DC0]  }
0x270: {  	v12 =	vld [tilespmem:s24+$0x4DD0]  }
0x271: {  	v13 =	vld [tilespmem:s24+$0x4DE0]  }
0x272: {  	v14 =	vld [tilespmem:s24+$0x4DF0]  }
0x273: {  	v15 =	vld [tilespmem:s24+$0x5180]  }
0x274: {  	v16 =	vld [tilespmem:s24+$0x5190]  }
0x275: {  	v17 =	vld [tilespmem:s24+$0x51A0]  }
0x276: {  	v18 =	vld [tilespmem:s24+$0x51B0]  }
0x277: {  	v19 =	vld [tilespmem:s24+$0x51C0]  }
0x278: {  	v20 =	vld [tilespmem:s24+$0x51D0]  }
0x279: {  	v21 =	vld [tilespmem:s24+$0x51E0]  }
0x27a: {  	v22 =	vld [tilespmem:s24+$0x51F0]  }
0x27b: {  	v27 =	vld [tilespmem:s24+$0x4E00]  }
0x27c: {  	v5 =	vld [tilespmem:s24+$0x4E10]  }
0x27d: {  	v0 =	vld [tilespmem:s24+$0x13D80]  }
0x27e: {  	v1 =	vld [tilespmem:s24+$0x13D90]  }
0x27f: {  	v2 =	vld [tilespmem:s24+$0x13DA0]  }
0x280: {  	v8 =	vld [tilespmem:s24+$0x13DB0]  }
0x281: {  	v3 =	vld [tilespmem:s24+$0x4E20]  }
0x282: {  	v9 =	vld [tilespmem:s24+$0x13DC0]  }
0x283: {  	v10 =	vld [tilespmem:s24+$0x13DD0]  }
0x284: {  	[tilespmem:$0x1FBE0] =	vst v48;
	v48 =	vld [tilespmem:s24+$0x9DC0]  }
0x285: {  	[tilespmem:$0x1FBF0] =	vst v49;
	v49 =	vld [tilespmem:s24+$0x9DD0]  }
0x286: {  	[tilespmem:$0x1FC00] =	vst v50;
	v50 =	vld [tilespmem:s24+$0x9DE0]  }
0x287: {  	[tilespmem:$0x1FC10] =	vst v51;
	v51 =	vld [tilespmem:s24+$0x9DF0]  }
0x288: {  	[tilespmem:$0x1FC20] =	vst v52;
	v52 =	vld [tilespmem:s24+$0xA180]  }
0x289: {  	[tilespmem:$0x1FC30] =	vst v53;
	v53 =	vld [tilespmem:s24+$0xA190]  }
0x28a: {  	[tilespmem:$0x1FC40] =	vst v54;
	v54 =	vld [tilespmem:s24+$0xA1A0]  }
0x28b: {  	[tilespmem:$0x1FC80] =	vst v55;
	v55 =	vld [tilespmem:s24+$0xA1B0]  }
0x28c: {  	[tilespmem:$0x1FC90] =	vst v56;
	v56 =	vld [tilespmem:s24+$0xA1C0]  }
0x28d: {  	[tilespmem:$0x1FCB0] =	vst v57;
	v57 =	vld [tilespmem:s24+$0xA1D0]  }
0x28e: {  	[tilespmem:$0x1FCC0] =	vst v58;
	v58 =	vld [tilespmem:s24+$0xA1E0]  }
0x28f: {  	[tilespmem:$0x1FD00] =	vst v59;
	v59 =	vld [tilespmem:s24+$0xA1F0]  }
0x290: {  	[tilespmem:$0x1FD10] =	vst v60;
	v60 =	vld [tilespmem:s24+$0x9E70]  }
0x291: {  	[tilespmem:$0x1FD30] =	vst v61;
	v61 =	vld [tilespmem:s24+$0xA200]  }
0x292: {  	[tilespmem:$0x1FC50] =	vst v62;
	v62 =	vld [tilespmem:s24+$0xA210]  }
0x293: {  	[tilespmem:$0x1FC60] =	vst v63;
	v63 =	vld [tilespmem:s24+$0xA220]  }
0x294: {  	[tilespmem:$0x1FC70] =	vst v29;
	v29 =	vld [tilespmem:s24+$0xA230]  }
0x295: {  	v9 =	vadd.f32 v11, v9;
	v11 =	vld [tilespmem:s24+$0x141A0]  }
0x296: {  	[tilespmem:$0x1FCA0] =	vst v60;
	v60 =	vld [tilespmem:s24+$0x4D80]  }
0x297: {  	[tilespmem:$0x1FCD0] =	vst v61;
	v61 =	vld [tilespmem:s24+$0x4D90]  }
0x298: {  	[tilespmem:$0x1FCE0] =	vst v62;
	v62 =	vld [tilespmem:s24+$0x4DA0]  }
0x299: {  	[tilespmem:$0x1FCF0] =	vst v63;
	v63 =	vld [tilespmem:s24+$0x4DB0]  }
0x29a: {  	[tilespmem:$0x1FD20] =	vst v29;
	v29 =	vld [tilespmem:s24+$0x4E30]  }
0x29b: {  	v10 =	vadd.f32 v12, v10;
	v11 =	vadd.f32 v17, v11;
	v17 =	vld [tilespmem:s24+$0x5210]  }
0x29c: {  	v9 =	vadd.f32 v48, v9;
	v48 =	vld [tilespmem:$0x1FC20]  }
0x29d: {  	v10 =	vadd.f32 v49, v10;
	v49 =	vld [tilespmem:$0x1FC30]  }
0x29e: {  	v9 =	vadd.f32 v40, v9;
	v11 =	vadd.f32 v54, v11;
	v54 =	vld [tilespmem:s24+$0x14230]  }
0x29f: {  	v10 =	vadd.f32 v41, v10;
	v0 =	vadd.f32 v60, v0;
	v60 =	vld [tilespmem:s24+$0x13DE0]  }
0x2a0: {  	v9 =	vmul.f32 $2.500000000e-01, v9;
	v1 =	vadd.f32 v61, v1;
	v61 =	vld [tilespmem:s24+$0x13DF0]  }
0x2a1: {  	v10 =	vmul.f32 $2.500000000e-01, v10;
	v8 =	vadd.f32 v63, v8;
	v63 =	vld [tilespmem:s24+$0x141F0]  }
0x2a2: {  	[tilespmem:s24+$0x13DC0] =	vst v9;
	v9 =	vld [tilespmem:s24+$0x13E20]  }
0x2a3: {  	v11 =	vadd.f32 v36, v11;
	[tilespmem:s24+$0x13DD0] =	vst v10;
	v10 =	vld [tilespmem:s24+$0x13E30]  }
0x2a4: {  	v2 =	vadd.f32 v62, v2;
	v0 =	vadd.f32 v44, v0;
	v44 =	vld [tilespmem:s24+$0x4E40]  }
0x2a5: {  	v1 =	vadd.f32 v45, v1;
	v45 =	vld [tilespmem:s24+$0x4E50]  }
0x2a6: {  	v11 =	vmul.f32 $2.500000000e-01, v11;
	v2 =	vadd.f32 v46, v2;
	v46 =	vld [tilespmem:s24+$0x13E10]  }
0x2a7: {  	v8 =	vadd.f32 v47, v8;
	v47 =	vld [tilespmem:$0x1FC10]  }
0x2a8: {  	[tilespmem:s24+$0x141A0] =	vst v11;
	v11 =	vld [tilespmem:s24+$0x13E70]  }
0x2a9: {  	v1 =	vadd.f32 v24, v1;
	v24 =	vld [tilespmem:s24+$0x14180]  }
0x2aa: {  	v0 =	vadd.f32 v4, v0;
	v4 =	vld [tilespmem:s24+$0x14190]  }
0x2ab: {  	v2 =	vadd.f32 v28, v2;
	v28 =	vld [tilespmem:s24+$0x4E60]  }
0x2ac: {  	v8 =	vadd.f32 v39, v8;
	v39 =	vld [tilespmem:s24+$0x4E70];
	v12 =	vadd.f32 v13, v60  }
0x2ad: {  	v14 =	vadd.f32 v14, v61;
	v61 =	vld [tilespmem:s24+$0x141E0]  }
0x2ae: {  	v12 =	vadd.f32 v50, v12;
	v50 =	vld [tilespmem:s24+$0x141C0]  }
0x2af: {  	v13 =	vld [tilespmem:s24+$0x141B0]  }
0x2b0: {  	v60 =	vld [tilespmem:s24+$0x141D0];
	v0 =	vmul.f32 $2.500000000e-01, v0  }
0x2b1: {  	v62 =	vmul.f32 $2.500000000e-01, v2;
	v2 =	vadd.f32 v22, v63;
	v63 =	vld [tilespmem:$0x1FD30];
	v16 =	vadd.f32 v16, v4  }
0x2b2: {  	v1 =	vmul.f32 $2.500000000e-01, v1;
	v14 =	vadd.f32 v51, v14;
	[tilespmem:s24+$0x13D80] =	vst v0;
	v0 =	vadd.f32 v21, v61;
	v21 =	vld [tilespmem:$0x1FBE0]  }
0x2b3: {  	v51 =	vld [tilespmem:$0x1FC50];
	v16 =	vadd.f32 v53, v16;
	v19 =	vadd.f32 v19, v50  }
0x2b4: {  	[tilespmem:s24+$0x13D90] =	vst v1;
	v1 =	vadd.f32 v5, v46;
	v5 =	vld [tilespmem:s24+$0x5240]  }
0x2b5: {  	[tilespmem:s24+$0x13DA0] =	vst v62;
	v62 =	vld [tilespmem:$0x1FD20];
	v16 =	vadd.f32 v38, v16;
	v19 =	vadd.f32 v56, v19  }
0x2b6: {  	v12 =	vadd.f32 v42, v12;
	v4 =	vld [tilespmem:s24+$0x5200]  }
0x2b7: {  	v42 =	vmul.f32 $2.500000000e-01, v8;
	v8 =	vld [tilespmem:s24+$0x13E00];
	v16 =	vmul.f32 $2.500000000e-01, v16;
	v19 =	vadd.f32 v21, v19  }
0x2b8: {  	v14 =	vadd.f32 v43, v14;
	v43 =	vld [tilespmem:s24+$0x5230]  }
0x2b9: {  	[tilespmem:s24+$0x14190] =	vst v16;
	v16 =	vmul.f32 $2.500000000e-01, v19;
	v19 =	vld [tilespmem:s24+$0x14200]  }
0x2ba: {  	v15 =	vadd.f32 v15, v24;
	v20 =	vadd.f32 v20, v60;
	v21 =	vld [tilespmem:$0x1FBF0]  }
0x2bb: {  	v2 =	vadd.f32 v59, v2;
	v24 =	vld [tilespmem:s24+$0x5250]  }
0x2bc: {  	v15 =	vadd.f32 v52, v15;
	v20 =	vadd.f32 v57, v20;
	v57 =	vld [tilespmem:$0x1FCA0]  }
0x2bd: {  	v13 =	vadd.f32 v18, v13;
	v52 =	vld [tilespmem:$0x1FC60];
	v0 =	vadd.f32 v58, v0  }
0x2be: {  	v12 =	vmul.f32 $2.500000000e-01, v12;
	v15 =	vadd.f32 v37, v15;
	v59 =	vadd.f32 v4, v19;
	v4 =	vld [tilespmem:$0x1FCC0]  }
0x2bf: {  	v11 =	vadd.f32 v39, v11;
	v14 =	vmul.f32 $2.500000000e-01, v14;
	v0 =	vadd.f32 v21, v0;
	v21 =	vld [tilespmem:$0x1FC00]  }
0x2c0: {  	v13 =	vadd.f32 v55, v13;
	[tilespmem:s24+$0x13DE0] =	vst v12;
	v12 =	vld [tilespmem:s24+$0x13E40];
	v15 =	vmul.f32 $2.500000000e-01, v15  }
0x2c1: {  	[tilespmem:s24+$0x13DF0] =	vst v14;
	v14 =	vld [tilespmem:s24+$0x13E50];
	v11 =	vadd.f32 v57, v11  }
0x2c2: {  	v13 =	vadd.f32 v32, v13;
	[tilespmem:s24+$0x14180] =	vst v15;
	v15 =	vld [tilespmem:s24+$0x13E60]  }
0x2c3: {  	v10 =	vadd.f32 v29, v10;
	v11 =	vadd.f32 v4, v11;
	v4 =	vld [tilespmem:$0x1FCD0]  }
0x2c4: {  	v53 =	vld [tilespmem:$0x1FC70];
	v20 =	vadd.f32 v30, v20;
	v13 =	vmul.f32 $2.500000000e-01, v13;
	v2 =	vadd.f32 v21, v2  }
0x2c5: {  	v9 =	vadd.f32 v3, v9;
	v10 =	vadd.f32 v31, v10;
	v55 =	vld [tilespmem:$0x1FC80]  }
0x2c6: {  	v8 =	vadd.f32 v27, v8;
	[tilespmem:s24+$0x141B0] =	vst v13;
	v13 =	vmul.f32 $2.500000000e-01, v20;
	v20 =	vld [tilespmem:s24+$0x14210];
	v2 =	vmul.f32 $2.500000000e-01, v2  }
0x2c7: {  	v50 =	vld [tilespmem:$0x1FC40];
	v12 =	vadd.f32 v44, v12;
	v14 =	vadd.f32 v45, v14  }
0x2c8: {  	v15 =	vadd.f32 v28, v15;
	[tilespmem:s24+$0x141F0] =	vst v2;
	v2 =	vadd.f32 v4, v59;
	v4 =	vld [tilespmem:$0x1FCE0]  }
0x2c9: {  	v18 =	vld [tilespmem:s24+$0x5220];
	v8 =	vadd.f32 v34, v8;
	v12 =	vadd.f32 v51, v12  }
0x2ca: {  	v60 =	vld [tilespmem:s24+$0x14240];
	[tilespmem:s24+$0x141D0] =	vst v13;
	v13 =	vadd.f32 v52, v14;
	v14 =	vadd.f32 v53, v15  }
0x2cb: {  	v15 =	vadd.f32 v55, v12;
	v12 =	vadd.f32 v17, v20;
	v21 =	vld [tilespmem:s24+$0x14220]  }
0x2cc: {  	v9 =	vadd.f32 v33, v9;
	v56 =	vld [tilespmem:$0x1FC90];
	v8 =	vadd.f32 v47, v8  }
0x2cd: {  	v10 =	vadd.f32 v50, v10;
	v17 =	vadd.f32 v4, v12;
	v4 =	vld [tilespmem:$0x1FCF0]  }
0x2ce: {  	v9 =	vadd.f32 v49, v9;
	v58 =	vld [tilespmem:$0x1FCB0];
	v8 =	vmul.f32 $2.500000000e-01, v8  }
0x2cf: {  	v61 =	vld [tilespmem:$0x1FD10];
	v10 =	vmul.f32 $2.500000000e-01, v10;
	[tilespmem:s24+$0x141C0] =	vst v16  }
0x2d0: {  	v16 =	vld [tilespmem:s24+$0x5260];
	[tilespmem:s24+$0x13E00] =	vst v8;
	v8 =	vmul.f32 $2.500000000e-01, v9;
	v9 =	vadd.f32 v18, v21  }
0x2d1: {  	v1 =	vadd.f32 v35, v1;
	[tilespmem:s24+$0x13E30] =	vst v10;
	v22 =	vadd.f32 v56, v13;
	v13 =	vld [tilespmem:s24+$0x5270];
	v0 =	vmul.f32 $2.500000000e-01, v0  }
0x2d2: {  	[tilespmem:s24+$0x13E20] =	vst v8;
	v10 =	vmul.f32 $2.500000000e-01, v15;
	v8 =	vadd.f32 v4, v9;
	v4 =	vld [tilespmem:$0x1FD00]  }
0x2d3: {  	v1 =	vadd.f32 v48, v1;
	[tilespmem:s24+$0x141E0] =	vst v0;
	v3 =	vadd.f32 v58, v14;
	v14 =	vld [tilespmem:s24+$0x14260]  }
0x2d4: {  	v0 =	vadd.f32 v43, v54;
	[tilespmem:s24+$0x13E40] =	vst v10;
	v10 =	vld [tilespmem:s24+$0x14270]  }
0x2d5: {  	v1 =	vmul.f32 $2.500000000e-01, v1;
	v20 =	vadd.f32 v5, v60;
	v12 =	vld [tilespmem:s24+$0x14250]  }
0x2d6: {  	[tilespmem:s24+$0x13DB0] =	vst v42;
	v22 =	vmul.f32 $2.500000000e-01, v22;
	v19 =	vadd.f32 v62, v0;
	v17 =	vadd.f32 v61, v17;
	v9 =	vld [tilespmem:s24+$0xA260]  }
0x2d7: {  	s26 =	simm.s32 $0x100;
	s28 =	simm.s32 $0x200;
	s25 =	simm.s32 $0x0;
	[tilespmem:s24+$0x13E10] =	vst v1;
	v21 =	vmul.f32 $2.500000000e-01, v3;
	v15 =	vadd.f32 v63, v8;
	v8 =	vld [tilespmem:s24+$0xA270];
	v18 =	vadd.f32 v4, v2  }
.LBB2_5:
0x2d8: {  	_ =	sdelay $0x1  }
0x2d9: {  	s1 =	sand.u32 $0x3800, s28;
	s29 =	sand.u32 $0x300, s26;
	v0 =	vmul.f32 $2.500000000e-01, v11;
	v5 =	vld [tilespmem:s24+$0xF260];
	[tilespmem:s24+$0x13E50] =	vst v22;
	v1 =	vadd.f32 v6, v19;
	v2 =	vadd.f32 v24, v12  }
0x2da: {  	s1 =	sor.u32 s29, s1;
	[tilespmem:s24+$0x13E60] =	vst v21;
	v11 =	vmul.f32 $2.500000000e-01, v18;
	v7 =	vadd.f32 v7, v20;
	v12 =	vadd.f32 v16, v14;
	v14 =	vld [tilespmem:s24+$0xF270]  }
0x2db: {  	v37 =	vmul.f32 $2.500000000e-01, v17;
	v36 =	vld [tilespmem:s1+$0xED80];
	[tilespmem:s24+$0x13E70] =	vst v0;
	v6 =	vadd.f32 v13, v10;
	v2 =	vadd.f32 v26, v2  }
0x2dc: {  	v40 =	vld [tilespmem:s1+$0xED90];
	[tilespmem:s24+$0x14200] =	vst v11;
	v10 =	vmul.f32 $2.500000000e-01, v15;
	v4 =	vadd.f32 v25, v7;
	v7 =	vadd.f32 v9, v12  }
0x2dd: {  	v41 =	vld [tilespmem:s1+$0xEDA0];
	[tilespmem:s24+$0x14210] =	vst v37;
	v38 =	vmul.f32 $2.500000000e-01, v1;
	v45 =	vadd.f32 v8, v6;
	v39 =	vadd.f32 v23, v2  }
0x2de: {  	v43 =	vld [tilespmem:s1+$0xEDB0];
	[tilespmem:s24+$0x14220] =	vst v10;
	v3 =	vmul.f32 $2.500000000e-01, v4;
	v4 =	vadd.f32 v5, v7  }
0x2df: {  	v35 =	vld [tilespmem:s1+$0xEDC0];
	[tilespmem:s24+$0x14230] =	vst v38;
	v47 =	vadd.f32 v14, v45;
	v46 =	vmul.f32 $2.500000000e-01, v39  }
0x2e0: {  	v37 =	vld [tilespmem:s1+$0xEDD0];
	[tilespmem:s24+$0x14240] =	vst v3;
	v48 =	vmul.f32 $2.500000000e-01, v4  }
0x2e1: {  	v38 =	vld [tilespmem:s1+$0xEDE0];
	v49 =	vmul.f32 $2.500000000e-01, v47;
	[tilespmem:s24+$0x14250] =	vst v46  }
0x2e2: {  	v39 =	vld [tilespmem:s1+$0xEDF0];
	[tilespmem:s24+$0x14260] =	vst v48  }
0x2e3: {  	v33 =	vld [tilespmem:s1+$0xF180];
	[tilespmem:s24+$0x14270] =	vst v49;
	s24 =	smov.u32 s1  }
0x2e4: {  	v34 =	vld [tilespmem:s24+$0xF190]  }
0x2e5: {  	v31 =	vld [tilespmem:s24+$0xF1A0]  }
0x2e6: {  	v30 =	vld [tilespmem:s24+$0xF1B0]  }
0x2e7: {  	v20 =	vld [tilespmem:s24+$0xF1C0]  }
0x2e8: {  	v22 =	vld [tilespmem:s24+$0xF1D0]  }
0x2e9: {  	v24 =	vld [tilespmem:s24+$0xF1E0]  }
0x2ea: {  	v0 =	vld [tilespmem:s24+$0xF1F0]  }
0x2eb: {  	v50 =	vld [tilespmem:s24+$0xEE00]  }
0x2ec: {  	v51 =	vld [tilespmem:s24+$0xEE10]  }
0x2ed: {  	v52 =	vld [tilespmem:s24+$0xEE20]  }
0x2ee: {  	v53 =	vld [tilespmem:s24+$0xEE30]  }
0x2ef: {  	v54 =	vld [tilespmem:s24+$0xEE40]  }
0x2f0: {  	v55 =	vld [tilespmem:s24+$0xEE50]  }
0x2f1: {  	v56 =	vld [tilespmem:s24+$0xEE60]  }
0x2f2: {  	v57 =	vld [tilespmem:s24+$0xEE70]  }
0x2f3: {  	v58 =	vld [tilespmem:s24+$0xF200]  }
0x2f4: {  	v59 =	vld [tilespmem:s24+$0xF210]  }
0x2f5: {  	v60 =	vld [tilespmem:s24+$0xF220]  }
0x2f6: {  	v61 =	vld [tilespmem:s24+$0xF230]  }
0x2f7: {  	v19 =	vld [tilespmem:s24+$0xF240]  }
0x2f8: {  	v62 =	vld [tilespmem:s24+$0xF250]  }
0x2f9: {  	v13 =	vld [tilespmem:s24+$0x9D80]  }
0x2fa: {  	v14 =	vld [tilespmem:s24+$0x9D90]  }
0x2fb: {  	v15 =	vld [tilespmem:s24+$0x9DA0]  }
0x2fc: {  	v49 =	vld [tilespmem:s24+$0xA1D0]  }
0x2fd: {  	v48 =	vld [tilespmem:s24+$0xA1E0]  }
0x2fe: {  	v47 =	vld [tilespmem:s24+$0xA1F0]  }
0x2ff: {  	v46 =	vld [tilespmem:s24+$0x9E00]  }
0x300: {  	v45 =	vld [tilespmem:s24+$0x9E10]  }
0x301: {  	v44 =	vld [tilespmem:s24+$0x9E20]  }
0x302: {  	v42 =	vld [tilespmem:s24+$0x9E30]  }
0x303: {  	v32 =	vld [tilespmem:s24+$0x9E40]  }
0x304: {  	v29 =	vld [tilespmem:s24+$0x9E50]  }
0x305: {  	v28 =	vld [tilespmem:s24+$0x9E60]  }
0x306: {  	v27 =	vld [tilespmem:s24+$0x9E70]  }
0x307: {  	v63 =	vld [tilespmem:s24+$0xA200]  }
0x308: {  	v21 =	vld [tilespmem:s24+$0xA250]  }
0x309: {  	v4 =	vld [tilespmem:s24+$0x4DC0]  }
0x30a: {  	v5 =	vld [tilespmem:s24+$0x4DD0]  }
0x30b: {  	v6 =	vld [tilespmem:s24+$0x4DE0]  }
0x30c: {  	v7 =	vld [tilespmem:s24+$0x4DF0]  }
0x30d: {  	v23 =	vld [tilespmem:s24+$0x5180]  }
0x30e: {  	v8 =	vld [tilespmem:s24+$0x5190]  }
0x30f: {  	v25 =	vld [tilespmem:s24+$0x51A0]  }
0x310: {  	v26 =	vld [tilespmem:s24+$0x51B0]  }
0x311: {  	v9 =	vld [tilespmem:s24+$0x51C0]  }
0x312: {  	v10 =	vld [tilespmem:s24+$0x51D0]  }
0x313: {  	v11 =	vld [tilespmem:s24+$0x51E0]  }
0x314: {  	v12 =	vld [tilespmem:s24+$0x51F0]  }
0x315: {  	v16 =	vld [tilespmem:s24+$0x4E00]  }
0x316: {  	v18 =	vld [tilespmem:s24+$0x4E10]  }
0x317: {  	v1 =	vld [tilespmem:s24+$0x13D90]  }
0x318: {  	v2 =	vld [tilespmem:s24+$0x13DA0]  }
0x319: {  	v3 =	vld [tilespmem:s24+$0x13DB0]  }
0x31a: {  	v17 =	vld [tilespmem:s24+$0x4E20]  }
0x31b: {  	[tilespmem:$0x1FB70] =	vst v58;
	v58 =	vld [tilespmem:s24+$0x9DB0]  }
0x31c: {  	[tilespmem:$0x1FBA0] =	vst v59;
	v59 =	vld [tilespmem:s24+$0x9DC0]  }
0x31d: {  	[tilespmem:$0x1FB40] =	vst v57;
	v57 =	vld [tilespmem:s24+$0x9DD0]  }
0x31e: {  	[tilespmem:$0x1FB30] =	vst v56;
	v56 =	vld [tilespmem:s24+$0x9DE0]  }
0x31f: {  	[tilespmem:$0x1FB20] =	vst v55;
	v55 =	vld [tilespmem:s24+$0x9DF0]  }
0x320: {  	[tilespmem:$0x1FB10] =	vst v54;
	v54 =	vld [tilespmem:s24+$0xA180]  }
0x321: {  	[tilespmem:$0x1FAF0] =	vst v53;
	v53 =	vld [tilespmem:s24+$0xA190]  }
0x322: {  	[tilespmem:$0x1FAE0] =	vst v52;
	v52 =	vld [tilespmem:s24+$0xA1A0]  }
0x323: {  	[tilespmem:$0x1FAD0] =	vst v51;
	v51 =	vld [tilespmem:s24+$0xA1B0]  }
0x324: {  	[tilespmem:$0x1FBC0] =	vst v60;
	v60 =	vld [tilespmem:s24+$0xA210]  }
0x325: {  	[tilespmem:$0x1FB80] =	vst v61;
	v61 =	vld [tilespmem:s24+$0xA220]  }
0x326: {  	[tilespmem:$0x1FB00] =	vst v62;
	v62 =	vld [tilespmem:s24+$0xA230]  }
0x327: {  	[tilespmem:$0x1FB50] =	vst v63;
	v63 =	vld [tilespmem:s24+$0xA240]  }
0x328: {  	[tilespmem:$0x1FAB0] =	vst v0;
	v0 =	vld [tilespmem:s24+$0x13D80]  }
0x329: {  	[tilespmem:$0x1FB60] =	vst v60;
	v60 =	vld [tilespmem:s24+$0x4D80]  }
0x32a: {  	[tilespmem:$0x1FB90] =	vst v61;
	v61 =	vld [tilespmem:s24+$0x4D90]  }
0x32b: {  	[tilespmem:$0x1FBB0] =	vst v62;
	v62 =	vld [tilespmem:s24+$0x4DA0]  }
0x32c: {  	[tilespmem:$0x1FBD0] =	vst v63;
	v63 =	vld [tilespmem:s24+$0x4DB0]  }
0x32d: {  	[tilespmem:$0x1FAC0] =	vst v50;
	v50 =	vld [tilespmem:s24+$0xA1C0]  }
0x32e: {  	v0 =	vadd.f32 v60, v0;
	v60 =	vld [tilespmem:s24+$0x4E30]  }
0x32f: {  	v1 =	vadd.f32 v61, v1;
	v61 =	vld [tilespmem:s24+$0x13DC0]  }
0x330: {  	v2 =	vadd.f32 v62, v2;
	v0 =	vadd.f32 v13, v0;
	v13 =	vld [tilespmem:s24+$0x13DD0]  }
0x331: {  	v3 =	vadd.f32 v63, v3;
	v1 =	vadd.f32 v14, v1;
	v14 =	vld [tilespmem:s24+$0x13DE0]  }
0x332: {  	v2 =	vadd.f32 v15, v2;
	v15 =	vld [tilespmem:s24+$0x13DF0]  }
0x333: {  	v3 =	vadd.f32 v58, v3;
	v58 =	vld [tilespmem:s24+$0x13E10]  }
0x334: {  	v0 =	vadd.f32 v36, v0;
	v36 =	vld [tilespmem:s24+$0x4E40]  }
0x335: {  	v1 =	vadd.f32 v40, v1;
	v40 =	vld [tilespmem:s24+$0x4E50]  }
0x336: {  	v3 =	vadd.f32 v43, v3;
	v43 =	vld [tilespmem:s24+$0x141B0]  }
0x337: {  	v2 =	vadd.f32 v41, v2;
	v5 =	vadd.f32 v5, v13;
	v13 =	vld [tilespmem:s24+$0x14180]  }
0x338: {  	v4 =	vadd.f32 v4, v61;
	v6 =	vadd.f32 v6, v14;
	v14 =	vld [tilespmem:s24+$0x14190]  }
0x339: {  	v61 =	vmul.f32 $2.500000000e-01, v2;
	v7 =	vadd.f32 v7, v15;
	v15 =	vld [tilespmem:s24+$0x141A0]  }
0x33a: {  	v63 =	vmul.f32 $2.500000000e-01, v3;
	v4 =	vadd.f32 v59, v4;
	v59 =	vld [tilespmem:s24+$0x13E20]  }
0x33b: {  	[tilespmem:s24+$0x13DA0] =	vst v61;
	v61 =	vld [tilespmem:$0x1FBA0]  }
0x33c: {  	[tilespmem:s24+$0x13DB0] =	vst v63;
	v63 =	vld [tilespmem:$0x1FBC0]  }
0x33d: {  	v7 =	vadd.f32 v55, v7;
	v55 =	vld [tilespmem:s24+$0x141E0]  }
0x33e: {  	v6 =	vadd.f32 v56, v6;
	v56 =	vld [tilespmem:s24+$0x141F0]  }
0x33f: {  	v8 =	vadd.f32 v8, v14;
	v14 =	vld [tilespmem:s24+$0x141C0]  }
0x340: {  	v5 =	vadd.f32 v57, v5;
	v15 =	vadd.f32 v25, v15;
	v25 =	vld [tilespmem:s24+$0x141D0]  }
0x341: {  	v57 =	vld [tilespmem:s24+$0x5200];
	v13 =	vadd.f32 v23, v13  }
0x342: {  	v4 =	vadd.f32 v35, v4;
	v5 =	vadd.f32 v37, v5;
	v37 =	vld [tilespmem:s24+$0x4E60]  }
0x343: {  	v26 =	vadd.f32 v26, v43;
	v23 =	vld [tilespmem:s24+$0x4E70];
	v13 =	vadd.f32 v54, v13  }
0x344: {  	v6 =	vadd.f32 v38, v6;
	v38 =	vmul.f32 $2.500000000e-01, v5;
	v5 =	vld [tilespmem:$0x1FAB0];
	v9 =	vadd.f32 v9, v14  }
0x345: {  	v13 =	vadd.f32 v33, v13;
	v14 =	vld [tilespmem:s24+$0x5210];
	v10 =	vadd.f32 v10, v25  }
0x346: {  	v11 =	vadd.f32 v11, v55;
	v25 =	vld [tilespmem:s24+$0x13E00];
	v9 =	vadd.f32 v50, v9  }
0x347: {  	v12 =	vadd.f32 v12, v56;
	v43 =	vmul.f32 $2.500000000e-01, v13;
	v13 =	vld [tilespmem:$0x1FAC0];
	v10 =	vadd.f32 v49, v10  }
0x348: {  	v62 =	vadd.f32 v20, v9;
	v9 =	vadd.f32 v48, v11;
	v11 =	vld [tilespmem:s24+$0x13E30]  }
0x349: {  	v33 =	vadd.f32 v22, v10;
	v10 =	vadd.f32 v47, v12;
	v12 =	vld [tilespmem:s24+$0x5220]  }
0x34a: {  	v20 =	vld [tilespmem:s24+$0x5240]  }
0x34b: {  	v35 =	vmul.f32 $2.500000000e-01, v4;
	v4 =	vadd.f32 v24, v9;
	v9 =	vadd.f32 v16, v25;
	v25 =	vmovc v19;
	v19 =	vld [tilespmem:s24+$0x5230]  }
0x34c: {  	v7 =	vadd.f32 v39, v7;
	v16 =	vld [tilespmem:s24+$0x13E40]  }
0x34d: {  	v8 =	vadd.f32 v53, v8;
	v15 =	vadd.f32 v52, v15;
	v24 =	vld [tilespmem:s24+$0x5250]  }
0x34e: {  	v5 =	vadd.f32 v5, v10;
	v10 =	vadd.f32 v18, v58;
	v18 =	vld [tilespmem:s24+$0x14210]  }
0x34f: {  	v8 =	vadd.f32 v34, v8;
	v15 =	vadd.f32 v31, v15;
	v48 =	vmul.f32 $2.500000000e-01, v62;
	v62 =	vld [tilespmem:$0x1FBB0]  }
0x350: {  	v39 =	vmul.f32 $2.500000000e-01, v6;
	v6 =	vadd.f32 v46, v9;
	v9 =	vadd.f32 v17, v59;
	v17 =	vld [tilespmem:s24+$0x13E50]  }
0x351: {  	v41 =	vmul.f32 $2.500000000e-01, v7;
	v7 =	vadd.f32 v45, v10;
	v45 =	vmul.f32 $2.500000000e-01, v8;
	v8 =	vld [tilespmem:$0x1FAD0]  }
0x352: {  	v46 =	vmul.f32 $2.500000000e-01, v15;
	v15 =	vld [tilespmem:$0x1FAF0]  }
0x353: {  	v52 =	vmul.f32 $2.500000000e-01, v4;
	v4 =	vld [tilespmem:$0x1FB10]  }
0x354: {  	v53 =	vmul.f32 $2.500000000e-01, v5;
	v5 =	vld [tilespmem:$0x1FB20]  }
0x355: {  	v59 =	vld [tilespmem:$0x1FB70];
	v10 =	vadd.f32 v60, v11  }
0x356: {  	v11 =	vld [tilespmem:s24+$0x13E60]  }
0x357: {  	v0 =	vmul.f32 $2.500000000e-01, v0;
	v7 =	vadd.f32 v8, v7;
	v8 =	vadd.f32 v42, v10;
	v10 =	vld [tilespmem:$0x1FAE0]  }
0x358: {  	v1 =	vmul.f32 $2.500000000e-01, v1;
	v26 =	vadd.f32 v51, v26;
	v60 =	vld [tilespmem:$0x1FB90];
	v6 =	vadd.f32 v13, v6  }
0x359: {  	[tilespmem:s24+$0x13D80] =	vst v0;
	v13 =	vld [tilespmem:s24+$0x13E70]  }
0x35a: {  	[tilespmem:s24+$0x13D90] =	vst v1;
	v26 =	vadd.f32 v30, v26;
	v9 =	vadd.f32 v44, v9;
	v54 =	vmul.f32 $2.500000000e-01, v6;
	v6 =	vld [tilespmem:$0x1FB30]  }
0x35b: {  	[tilespmem:s24+$0x13DC0] =	vst v35;
	v8 =	vadd.f32 v15, v8;
	v15 =	vadd.f32 v40, v17;
	v17 =	vld [tilespmem:s24+$0x14200]  }
0x35c: {  	[tilespmem:s24+$0x13DD0] =	vst v38;
	v55 =	vmul.f32 $2.500000000e-01, v7;
	v7 =	vld [tilespmem:$0x1FB40];
	v9 =	vadd.f32 v10, v9;
	v10 =	vadd.f32 v36, v16  }
0x35d: {  	[tilespmem:s24+$0x13DE0] =	vst v39;
	v51 =	vadd.f32 v29, v15;
	v15 =	vld [tilespmem:s24+$0x14220]  }
0x35e: {  	[tilespmem:s24+$0x13DF0] =	vst v41;
	v47 =	vmul.f32 $2.500000000e-01, v26;
	v16 =	vld [tilespmem:s24+$0x5260];
	v49 =	vadd.f32 v32, v10;
	v10 =	vadd.f32 v37, v11  }
0x35f: {  	[tilespmem:s24+$0x14180] =	vst v43;
	v50 =	vmul.f32 $2.500000000e-01, v33;
	v11 =	vadd.f32 v23, v13;
	v23 =	vld [tilespmem:$0x1FB00]  }
0x360: {  	[tilespmem:s24+$0x141B0] =	vst v47;
	v56 =	vmul.f32 $2.500000000e-01, v9;
	v9 =	vld [tilespmem:$0x1FB50];
	v2 =	vadd.f32 v4, v49;
	v4 =	vadd.f32 v28, v10  }
0x361: {  	[tilespmem:s24+$0x141C0] =	vst v48;
	v3 =	vadd.f32 v5, v51;
	v13 =	vld [tilespmem:s24+$0x5270];
	v5 =	vadd.f32 v27, v11  }
0x362: {  	[tilespmem:s24+$0x141D0] =	vst v50;
	v10 =	vld [tilespmem:s24+$0x14230];
	v4 =	vadd.f32 v6, v4  }
0x363: {  	[tilespmem:s24+$0x14190] =	vst v45;
	v6 =	vadd.f32 v57, v17;
	v11 =	vadd.f32 v7, v5;
	v7 =	vld [tilespmem:s24+$0x14240]  }
0x364: {  	[tilespmem:s24+$0x141A0] =	vst v46;
	v57 =	vmul.f32 $2.500000000e-01, v8;
	v8 =	vld [tilespmem:$0x1FB60]  }
0x365: {  	s25 =	sadd.s32 $0x2, s25;
	[tilespmem:s24+$0x141E0] =	vst v52;
	v5 =	vadd.f32 v14, v18;
	v14 =	vld [tilespmem:s24+$0x14260];
	v6 =	vadd.f32 v9, v6  }
0x366: {  	p1 =	slt.u32 s25, $0x26;
	[tilespmem:s24+$0x141F0] =	vst v53;
	v9 =	vadd.f32 v12, v15;
	v12 =	vld [tilespmem:s24+$0x14250]  }
.Ltmp1:
0x367: {  	[tilespmem:s24+$0x13E00] =	vst v54;
	v18 =	vadd.f32 v59, v6;
	v6 =	vld [tilespmem:$0x1FB80];
	(pc) =	sbr.rel @p1 .LBB2_5-.Ltmp1, $4  }
0x368: {  	[tilespmem:s24+$0x13E10] =	vst v55;
	v58 =	vmul.f32 $2.500000000e-01, v2;
	v2 =	vadd.f32 v60, v9;
	v9 =	vld [tilespmem:s24+$0xA260]  }
0x369: {  	[tilespmem:s24+$0x13E20] =	vst v56;
	v5 =	vadd.f32 v8, v5;
	v8 =	vadd.f32 v19, v10;
	v10 =	vld [tilespmem:s24+$0x14270]  }
0x36a: {  	v22 =	vmul.f32 $2.500000000e-01, v3;
	[tilespmem:s24+$0x13E30] =	vst v57;
	v20 =	vadd.f32 v20, v7;
	v7 =	vld [tilespmem:$0x1FBD0];
	v15 =	vadd.f32 v63, v2  }
0x36b: {  	s26 =	sadd.s32 $0x100, s26;
	s28 =	sadd.s32 $0x200, s28;
	v26 =	vmovc v21;
	[tilespmem:s24+$0x13E40] =	vst v58;
	v21 =	vmul.f32 $2.500000000e-01, v4;
	v17 =	vadd.f32 v61, v5;
	v19 =	vadd.f32 v62, v8;
	v8 =	vld [tilespmem:s24+$0xA270]  }
0x36c: {  	v3 =	vadd.f32 v24, v12  }
0x36d: {  	[tilespmem:s24+$0x13E50] =	vst v22;
	v0 =	vld [tilespmem:s24+$0xF260];
	v1 =	vmul.f32 $2.500000000e-01, v11;
	v53 =	vadd.f32 v16, v14  }
0x36e: {  	v4 =	vmul.f32 $2.500000000e-01, v18;
	v54 =	vld [tilespmem:s24+$0xF270];
	v2 =	vadd.f32 v6, v19;
	[tilespmem:s24+$0x13E60] =	vst v21;
	v3 =	vadd.f32 v26, v3  }
0x36f: {  	v56 =	vmul.f32 $2.500000000e-01, v15;
	[tilespmem:s24+$0x13E70] =	vst v1;
	v10 =	vadd.f32 v13, v10;
	v5 =	vadd.f32 v7, v20  }
0x370: {  	v55 =	vmul.f32 $2.500000000e-01, v17;
	[tilespmem:s24+$0x14200] =	vst v4;
	v6 =	vadd.f32 v9, v53;
	v58 =	vadd.f32 v23, v3  }
0x371: {  	[tilespmem:s24+$0x14220] =	vst v56;
	v57 =	vmul.f32 $2.500000000e-01, v2;
	v59 =	vadd.f32 v8, v10;
	v5 =	vadd.f32 v25, v5  }
0x372: {  	s22 =	sadd.s32 $0x1, s22;
	[tilespmem:s24+$0x14210] =	vst v55;
	v0 =	vadd.f32 v0, v6;
	v61 =	vmul.f32 $2.500000000e-01, v58  }
0x373: {  	p1 =	sne.s32 s22, s21;
	[tilespmem:s24+$0x14230] =	vst v57;
	v62 =	vadd.f32 v54, v59;
	v60 =	vmul.f32 $2.500000000e-01, v5  }
.Ltmp2:
0x374: {  	v0 =	vmul.f32 $2.500000000e-01, v0;
	[tilespmem:s24+$0x14250] =	vst v61;
	(pc) =	sbr.rel @p1 .LBB2_2-.Ltmp2, $4  }
0x375: {  	v63 =	vmul.f32 $2.500000000e-01, v62;
	[tilespmem:s24+$0x14240] =	vst v60  }
0x376: {  	[tilespmem:s24+$0x14260] =	vst v0  }
0x377: {  	s1 =	sadd.s32 s2, s23;
	[tilespmem:s24+$0x14270] =	vst v63  }
0x378: {  	[hbm4b:s1+s3] =	stream.linear.scatter [tilespmem:s30], [sflag:$0x4], $0x2800, $0x38;
	[tilespmem:$0x16580] =	vst v63  }
0x379: {  	s1 =	simm.s32 $0x3  }
0x37a: {  	_ =	swait.ge [sflag:s1], $0x2800  }
0x37b: {  	[sflag:s1] =	ssyncset.done $0x0  }
0x37c: {  	s21 =	simm.s32 $0x4;
	[sflag:s1] =	ssyncadd.s32 $0xFFFFD800  }
0x37d: {  	_ =	swait.ge [sflag:s21], $0x2800  }
0x37e: {  	s22 =	rddreg [dreg:$0xa]  }
0x37f: {  	s31 =	rddreg [dreg:$0x9];
	s22 =	sadd.s32 $0x1, s22  }
0x380: {  	p1 =	sne.s32 s22, s31  }
.Ltmp3:
0x381: {  	_ = 	snop;
	(pc) =	sbr.rel @p1 .LBB2_1-.Ltmp3, $3  }
0x382: {  	_ =	sdelay $0x1  }
0x383: {  	[sflag:s21] =	ssyncset.done $0x0  }
0x384: {  	[sflag:s21] =	ssyncadd.s32 $0xFFFFD800  }
0x385: {  	_ =	sfence.sel $0x180000  }
0x386: {  	[bflag:$0x0] =	sbarrier.arrive $0xFFFF  }
0x387: {  	_ =	strace $0x90000047  }
0x388: {  	s0 =	stileid.u32;
	[bflag:$0x2] =	sbarrier.arrive $0xFFFF  }
0x389: {  	p0 =	sne.s32 s0, $0x0;
	s0 =	rddreg [dreg:$0x2]  }
0x38a: {  	s0 =	sadd.s32 @!p0 $0x100000, s0  }
0x38b: {  	[sflag:s0] =	ssyncadd.tile.s32 @!p0 $0x1;
	_ =	shalt  }
.Lfunc_end2:
_tile_overlayer_lowered:
.L_overlay_start_2:
0x38c: {  	(tag) =	ssettag $0x2  }
0x38d: {  	s0 =	rddreg [dreg:$0x0];
	s2 =	stileid.u32  }
0x38e: {  	s1 =	rddreg [dreg:$0x1];
	p0 =	sne.s32 s2, $0x0  }
0x38f: {  	s3 =	rddreg [dreg:$0x2];
	[bflag:$0x3] =	sbarrier.arrive $0xFFFF;
	s2 =	simm.s32 @!p0 $0x1C05  }
0x390: {  	[timem:s3], [sflag:s2] =	dma.local @!p0 [hbm:s0], s1  }
0x391: {  	s0 =	simm.s32 @!p0 $0x5  }
0x392: {  	_ =	swait.ge @!p0 [sflag:s0], s1  }
0x393: {  	s1 =	ssub.s32 @!p0 $0x0, s1;
	[sflag:s0] =	ssyncset.done @!p0 $0x0  }
0x394: {  	[sflag:s0] =	ssyncadd.s32 @!p0 s1  }
0x395: {  	[bflag:$0x3] =	sbarrier.arrive $0xFFFF  }
0x396: {  	_ =	shalt  }

</sc_bundles>
